<compile_context>
chip_gen: v7x
topology: tpu7x:2x2x1
jax: 0.10.2.dev20260603
libtpu: 0.0.44.dev20260713+nightly
codegen_flags: <defaults>
</compile_context>

<pallas_src>
import functools

import jax
import jax.numpy as jnp
from jax import lax
from jax.experimental import pallas as pl
from jax.experimental.pallas import tpu as pltpu
from jax.experimental.pallas import tpu_sc as plsc

N = 10000
D = 128
NW = 32
CHUNK = 128
CPW = 80
EP = NW * CPW * CHUNK
JUNK = N
ACC_ROWS = 10240
RPS = ACC_ROWS // 16

_MESH = plsc.VectorSubcoreMesh(core_axis_name="c", subcore_axis_name="s")

CACC = 2 * ACC_ROWS
CPS = CACC // 16


@functools.partial(
    pl.kernel,
    mesh=_MESH,
    out_type=jax.ShapeDtypeStruct((2 * CACC,), jnp.float32),
    scratch_types=[
        pltpu.VMEM((CPW, CHUNK), jnp.int32),
        pltpu.VMEM((CHUNK,), jnp.float32),
        pltpu.VMEM((CPS,), jnp.float32),
        pltpu.VMEM_SHARED((CACC,), jnp.float32),
        pltpu.SemaphoreType.DMA,
    ],
)
def _count_sc(rcomb_hbm, out_hbm, ridxs, vbuf, zbuf, acc, sem):
  c = lax.axis_index("c")
  s = lax.axis_index("s")
  wid = c * 16 + s
  base = s * CPS
  z16 = jnp.zeros((16,), jnp.float32)

  def zb(i, _):
    zbuf[pl.ds(i * 16, 16)] = z16
    return 0

  lax.fori_loop(0, CPS // 16, zb, 0)
  pltpu.sync_copy(zbuf, acc.at[pl.ds(base, CPS)])
  ones16 = jnp.full((16,), 1.0, jnp.float32)
  for g in range(CHUNK // 16):
    vbuf[pl.ds(g * 16, 16)] = ones16
  pltpu.sync_copy(rcomb_hbm.at[pl.ds(wid * CPW, CPW)], ridxs)
  plsc.subcore_barrier()

  def body(j, _):
    pltpu.async_copy(vbuf, acc.at[ridxs.at[j]], sem, add=True)

    @pl.when(j >= 4)
    def _():
      pltpu.make_async_copy(vbuf, acc.at[ridxs.at[j]], sem).wait()

    return 0

  lax.fori_loop(0, CPW, body, 0)
  for _ in range(4):
    pltpu.make_async_copy(vbuf, acc.at[ridxs.at[0]], sem).wait()
  plsc.subcore_barrier()
  pltpu.sync_copy(acc.at[pl.ds(base, CPS)],
                  out_hbm.at[pl.ds(c * CACC + base, CPS)])


GCH = 64
CA = 256
CB = 64
NCH = 16 * (CA + CB)


K = 16
NB = 4


@functools.partial(
    pl.kernel,
    mesh=_MESH,
    out_type=jax.ShapeDtypeStruct((2, ACC_ROWS, D), jnp.float32),
    scratch_types=[
        pltpu.VMEM((2, K, GCH), jnp.int32),
        pltpu.VMEM((2, K, GCH), jnp.int32),
        pltpu.VMEM((NB, GCH, D), jnp.float32),
        pltpu.VMEM_SHARED((ACC_ROWS, D), jnp.float32),
        pltpu.SemaphoreType.DMA((NB,)),
        pltpu.SemaphoreType.DMA((NB,)),
        pltpu.SemaphoreType.DMA,
    ],
)
def _spmm_sc(cols_hbm, rows_hbm, hp_hbm, out_hbm, cidxb, ridxb, gbufs, acc,
             semg, sems, semi):
  c = lax.axis_index("c")
  s = lax.axis_index("s")
  base = s * RPS
  cbase = s * (CA + CB) + c * CA
  nc = jnp.where(c == 0, CA, CB)
  z16 = jnp.zeros((16,), jnp.float32)

  def zb(i, _):
    for g in range(D // 16):
      gbufs[0, i, pl.ds(g * 16, 16)] = z16
    return 0

  lax.fori_loop(0, GCH, zb, 0)
  for k in range(RPS // GCH):
    pltpu.sync_copy(gbufs.at[0], acc.at[pl.ds(base + k * GCH, GCH)])
  plsc.subcore_barrier()

  pltpu.sync_copy(cols_hbm.at[pl.ds(cbase, K)], cidxb.at[0])
  pltpu.sync_copy(rows_hbm.at[pl.ds(cbase, K)], ridxb.at[0])
  pltpu.async_copy(cols_hbm.at[pl.ds(cbase + K, K)], cidxb.at[1], semi)
  pltpu.async_copy(rows_hbm.at[pl.ds(cbase + K, K)], ridxb.at[1], semi)

  pltpu.async_copy(hp_hbm.at[cidxb.at[0, 0]], gbufs.at[0], semg.at[0])
  pltpu.async_copy(hp_hbm.at[cidxb.at[0, 1]], gbufs.at[1], semg.at[1])

  def body(j, _):
    cur = lax.rem(j, NB)
    b = j // K
    off = j - b * K
    slot = lax.rem(b, 2)
    j2 = j + 2
    b2 = j2 // K
    off2 = j2 - b2 * K
    slot2 = lax.rem(b2, 2)

    pltpu.make_async_copy(hp_hbm.at[cidxb.at[slot, off]], gbufs.at[cur],
                          semg.at[cur]).wait()
    pltpu.async_copy(gbufs.at[cur], acc.at[ridxb.at[slot, off]],
                     sems.at[cur], add=True)

    @pl.when(j2 < nc)
    def _():
      @pl.when(off2 == 0)
      def _():
        pltpu.make_async_copy(cols_hbm.at[pl.ds(cbase, K)], cidxb.at[slot2],
                              semi).wait()
        pltpu.make_async_copy(rows_hbm.at[pl.ds(cbase, K)], ridxb.at[slot2],
                              semi).wait()

      @pl.when((off2 == 4) & ((b2 + 1) * K < nc))
      def _():
        nslot = lax.rem(b2 + 1, 2)
        pltpu.async_copy(cols_hbm.at[pl.ds(cbase + (b2 + 1) * K, K)],
                         cidxb.at[nslot], semi)
        pltpu.async_copy(rows_hbm.at[pl.ds(cbase + (b2 + 1) * K, K)],
                         ridxb.at[nslot], semi)

      r2 = lax.rem(j2, NB)

      @pl.when(j >= 2)
      def _():
        pltpu.make_async_copy(gbufs.at[r2], acc.at[ridxb.at[slot, off]],
                              sems.at[r2]).wait()

      pltpu.async_copy(hp_hbm.at[cidxb.at[slot2, off2]],
                       gbufs.at[r2], semg.at[r2])

    return 0

  lax.fori_loop(0, nc, body, 0)
  for r in range(NB):
    pltpu.make_async_copy(gbufs.at[r], acc.at[ridxb.at[0, 0]],
                          sems.at[r]).wait()
  plsc.subcore_barrier()
  pltpu.sync_copy(acc.at[pl.ds(base, RPS)], out_hbm.at[c, pl.ds(base, RPS)])


ROWS_BLK = 2000


def _prep_body(x_ref, cr_ref, hp_ref):
  dis = lax.rsqrt(cr_ref[...] + 1.0)
  hp_ref[...] = dis * x_ref[...]


def _prep_tc(x, cnt_row):
  return pl.pallas_call(
      _prep_body,
      grid=(N // ROWS_BLK,),
      in_specs=[
          pl.BlockSpec((ROWS_BLK, D), lambda i: (i, 0)),
          pl.BlockSpec((ROWS_BLK, 1), lambda i: (i, 0)),
      ],
      out_specs=pl.BlockSpec((ROWS_BLK, D), lambda i: (i, 0)),
      out_shape=jax.ShapeDtypeStruct((N, D), jnp.float32),
  )(x, cnt_row)


def _layer_body(h_ref, p_ref, cr_ref, cs_ref, aw_ref, ab_ref, w_ref, b_ref,
                o_ref, hp_ref, *, act):
  h = h_ref[...]
  p = p_ref[...]
  g = p[0] + p[1]
  deg = cr_ref[...] + 1.0
  dinv = 1.0 / deg
  dis = lax.rsqrt(deg)
  sc = cs_ref[...] + 1.0
  logit = jnp.sum(h * aw_ref[...], axis=1, keepdims=True) + ab_ref[0]
  alpha = jax.nn.sigmoid(logit)
  z_lp = dis * g + dinv * h
  z_mix = (2.0 * alpha - 1.0) * z_lp + (1.0 - alpha) * (sc * h)
  o = lax.dot_general(z_mix, w_ref[...], (((1,), (1,)), ((), ()))) + b_ref[...]
  if act:
    o = jnp.maximum(o, 0.0)
  o_ref[...] = o
  hp_ref[...] = dis * o


def _layer_tc(h, partials, cnt_row, cnt_self, aw, ab, w, b, act):
  dout = w.shape[0]
  body = functools.partial(_layer_body, act=act)
  return pl.pallas_call(
      body,
      grid=(N // ROWS_BLK,),
      in_specs=[
          pl.BlockSpec((ROWS_BLK, D), lambda i: (i, 0)),
          pl.BlockSpec((2, ROWS_BLK, D), lambda i: (0, i, 0)),
          pl.BlockSpec((ROWS_BLK, 1), lambda i: (i, 0)),
          pl.BlockSpec((ROWS_BLK, 1), lambda i: (i, 0)),
          pl.BlockSpec((1, D), lambda i: (0, 0)),
          pl.BlockSpec(memory_space=pltpu.SMEM),
          pl.BlockSpec((dout, D), lambda i: (0, 0)),
          pl.BlockSpec((1, dout), lambda i: (0, 0)),
      ],
      out_specs=[
          pl.BlockSpec((ROWS_BLK, dout), lambda i: (i, 0)),
          pl.BlockSpec((ROWS_BLK, dout), lambda i: (i, 0)),
      ],
      out_shape=[
          jax.ShapeDtypeStruct((N, dout), jnp.float32),
          jax.ShapeDtypeStruct((N, dout), jnp.float32),
      ],
  )(h, partials, cnt_row, cnt_self, aw, ab, w, b)


def kernel(x, edge_index, aw0, ab0, W0, b0, aw1, ab1, W1, b1):
  ei = edge_index.astype(jnp.int32)
  rows, cols = ei[0], ei[1]
  rcomb = jnp.where(rows == cols, rows + ACC_ROWS, rows)
  pad = EP - rows.shape[0]
  rows2 = jnp.concatenate(
      [rows, jnp.full((pad,), JUNK, jnp.int32)]).reshape(NCH, GCH)
  cols2 = jnp.concatenate(
      [cols, jnp.zeros((pad,), jnp.int32)]).reshape(NCH, GCH)
  rc2 = jnp.concatenate(
      [rcomb, jnp.full((pad,), JUNK, jnp.int32)]).reshape(NW * CPW, CHUNK)

  craw = _count_sc(rc2)
  cnt = craw[:CACC] + craw[CACC:]
  cnt_self_col = cnt[ACC_ROWS:ACC_ROWS + N]
  cnt_row = (cnt[:N] + cnt_self_col)[:, None]
  cnt_self = cnt_self_col[:, None]

  b0_2 = b0.reshape(1, -1)
  b1_2 = b1.reshape(1, -1)

  hp0 = _prep_tc(x, cnt_row)
  part0 = _spmm_sc(cols2, rows2, hp0)
  h1, hp1 = _layer_tc(x, part0, cnt_row, cnt_self, aw0, ab0, W0, b0_2, True)
  part1 = _spmm_sc(cols2, rows2, hp1)
  h2, _ = _layer_tc(h1, part1, cnt_row, cnt_self, aw1, ab1, W1, b1_2, False)
  return h2

# --- scband reference (transcript-rebuilt; emitter-appended) ---
"""Pipeline reference for scband-adaptive-mix-gnn-10213432229977 (READ-ONLY COPY).

The authoritative reference and input builder live on the scoring server;
editing this copy changes nothing except your own understanding.
"""

import jax, jax.numpy as jnp
import numpy as np

N_NODES = 10000
N_EDGES = 320000
D_FEAT = 128
HIDDEN = 128
N_CLASSES = 64


def _gso_edges(edge_index, num_nodes):
    # add self loops
    loops = jnp.arange(num_nodes, dtype=edge_index.dtype)
    ei = jnp.concatenate([edge_index, jnp.stack([loops, loops])], axis=1)
    row, col = ei[0], ei[1]
    deg = jax.ops.segment_sum(jnp.ones(row.shape[0], dtype=jnp.float32), row, num_segments=num_nodes)
    deg_inv_sqrt = jnp.where(deg > 0, deg ** -0.5, 0.0)
    w_lp = deg_inv_sqrt[row] * deg_inv_sqrt[col]
    w_hp = jnp.where(row == col, 1.0 - w_lp, -w_lp)
    return row, col, w_lp, w_hp


def _spmm(row, col, vals, x, num_nodes):
    # sparse (COO) matrix @ dense x via gather + segment-sum (equivalent to coalesced torch.sparse.mm)
    return jax.ops.segment_sum(vals[:, None] * x[col], row, num_segments=num_nodes)


def setup_inputs(seed: int = 0) -> dict:
    key = jax.random.key(seed)
    ks = jax.random.split(key, 10)
    x = jax.random.normal(ks[0], (N_NODES, D_FEAT), dtype=jnp.float32)
    edge_index = jax.random.randint(ks[1], (2, N_EDGES), 0, N_NODES, dtype=jnp.int64)
    # layer 0: in=D_FEAT, out=HIDDEN
    aw0 = jax.random.normal(ks[2], (1, D_FEAT), dtype=jnp.float32) * 0.02
    ab0 = jnp.zeros((1,), dtype=jnp.float32)
    W0 = jax.random.normal(ks[3], (HIDDEN, D_FEAT), dtype=jnp.float32) * (1.0 / np.sqrt(D_FEAT))
    b0 = jnp.zeros((HIDDEN,), dtype=jnp.float32)
    # layer 1: in=HIDDEN, out=N_CLASSES (no activation)
    aw1 = jax.random.normal(ks[4], (1, HIDDEN), dtype=jnp.float32) * 0.02
    ab1 = jnp.zeros((1,), dtype=jnp.float32)
    W1 = jax.random.normal(ks[5], (N_CLASSES, HIDDEN), dtype=jnp.float32) * (1.0 / np.sqrt(HIDDEN))
    b1 = jnp.zeros((N_CLASSES,), dtype=jnp.float32)
    return {"x": x, "edge_index": edge_index, "aw0": aw0, "ab0": ab0, "W0": W0, "b0": b0,
            "aw1": aw1, "ab1": ab1, "W1": W1, "b1": b1}


def reference(x, edge_index, aw0, ab0, W0, b0, aw1, ab1, W1, b1):
    n = x.shape[0]
    row, col, w_lp, w_hp = _gso_edges(edge_index, n)

    def layer(h, aw, ab, W, b, act):
        alpha = jax.nn.sigmoid(h @ aw.T + ab)          # [n, 1]
        z_lp = _spmm(row, col, w_lp, h, n)
        z_hp = _spmm(row, col, w_hp, h, n)
        z_mix = alpha * z_lp + (1.0 - alpha) * z_hp
        out = z_mix @ W.T + b
        if act:
            out = jax.nn.relu(out)
        return out

    h = layer(x, aw0, ab0, W0, b0, True)
    # dropout p=0.0 / eval mode -> identity
    h = layer(h, aw1, ab1, W1, b1, False)
    return h

if __name__ == "__main__":
    import jax
    _d = setup_inputs()
    print(jax.jit(kernel)(*tuple(_d.values())))

</pallas_src>

<mosaic_0001>
#map = affine_map<(d0, d1) -> (0, 0)>
#map1 = affine_map<(d0, d1) -> (0, 0, 0)>
module attributes {stable_mosaic.version = 14 : i64} {
  func.func @_spmm_sc(%arg0: i32, %arg1: i32, %arg2: memref<5120x64xi32, #tpu.memory_space<hbm>>, %arg3: memref<5120x64xi32, #tpu.memory_space<hbm>>, %arg4: memref<10000x128xf32, #tpu.memory_space<hbm>>, %arg5: memref<2x10240x128xf32, #tpu.memory_space<hbm>>, %arg6: memref<2x16x64xi32, #tpu.memory_space<vmem>>, %arg7: memref<2x16x64xi32, #tpu.memory_space<vmem>>, %arg8: memref<4x64x128xf32, #tpu.memory_space<vmem>>, %arg9: memref<10240x128xf32, #tpu.memory_space<vmem_shared>>, %arg10: memref<4x!tpu.dma_semaphore, #tpu.memory_space<semaphore_mem>>, %arg11: memref<4x!tpu.dma_semaphore, #tpu.memory_space<semaphore_mem>>, %arg12: memref<!tpu.dma_semaphore, #tpu.memory_space<semaphore_mem>>) attributes {dimension_semantics = [#tpu.dimension_semantics<core_parallel>, #tpu.dimension_semantics<subcore_parallel>], iteration_bounds = array<i64: 2, 16>, scalar_prefetch = 0 : i64, scratch_operands = 7 : i64, tpu.core_type = #tpu.core_type<sc_vector_subcore>, window_params = [{transform_indices = #map}, {transform_indices = #map}, {transform_indices = #map}, {transform_indices = #map1}]} {
    %mul3A = arith.constant 640 : i32
    %mul3A_0 = arith.muli %arg1, %mul3A : i32
    %mul3A_1 = arith.constant 320 : i32
    %mul3A_2 = arith.muli %arg1, %mul3A_1 : i32
    %mul3A_3 = arith.constant 256 : i32
    %mul3A_4 = arith.muli %arg0, %mul3A_3 : i32
    %add3A = arith.addi %mul3A_2, %mul3A_4 : i32
    %eq3A = arith.constant 0 : i32
    %eq3A_5 = arith.cmpi eq, %arg0, %eq3A : i32
    %jit3A = arith.constant 256 : i32
    %jit3A_6 = arith.constant 64 : i32
    %select_n3A = arith.select %eq3A_5, %jit3A, %jit3A_6 : i32
    %broadcast_in_dim3A = arith.constant 0.000000e+00 : f32
    %broadcast_in_dim3A_7 = vector.broadcast %broadcast_in_dim3A : f32 to vector<16xf32>
    %scan3A = arith.constant 0 : i32
    %scan3A_8 = arith.constant 0 : i32
    %scan3A_9 = arith.constant 64 : i32
    %scan3A_10 = arith.addi %scan3A_8, %scan3A_9 : i32
    %scan3A_11 = arith.constant 1 : i32
    %scan3A_12 = scf.for %scan3A_181 = %scan3A_8 to %scan3A_10 step %scan3A_11 iter_args(%scan3A_182 = %scan3A) -> (i32)  : i32 {
      %swap3A = arith.constant 0 : i32
      %swap3A_183 = arith.index_cast %swap3A : i32 to index
      %swap3A_184 = arith.index_cast %scan3A_181 : i32 to index
      %swap3A_185 = arith.constant 0 : index
      %swap3A_186 = tpu.vector_load %arg8[%swap3A_183, %swap3A_184, %swap3A_185] {strides = array<i32>} : memref<4x64x128xf32, #tpu.memory_space<vmem>>, vector<1x1x16xf32>,
      %swap3A_187 = vector.shape_cast %swap3A_186 : vector<1x1x16xf32> to vector<16xf32>
      %swap3A_188 = vector.shape_cast %broadcast_in_dim3A_7 : vector<16xf32> to vector<1x1x16xf32>
      tpu.vector_store %arg8[%swap3A_183, %swap3A_184, %swap3A_185], %swap3A_188 {strides = array<i32>} : memref<4x64x128xf32, #tpu.memory_space<vmem>>, vector<1x1x16xf32>,
      %swap3A_189 = arith.constant 0 : i32
      %swap3A_190 = arith.index_cast %swap3A_189 : i32 to index
      %swap3A_191 = arith.index_cast %scan3A_181 : i32 to index
      %swap3A_192 = arith.constant 16 : index
      %swap3A_193 = tpu.vector_load %arg8[%swap3A_190, %swap3A_191, %swap3A_192] {strides = array<i32>} : memref<4x64x128xf32, #tpu.memory_space<vmem>>, vector<1x1x16xf32>,
      %swap3A_194 = vector.shape_cast %swap3A_193 : vector<1x1x16xf32> to vector<16xf32>
      %swap3A_195 = vector.shape_cast %broadcast_in_dim3A_7 : vector<16xf32> to vector<1x1x16xf32>
      tpu.vector_store %arg8[%swap3A_190, %swap3A_191, %swap3A_192], %swap3A_195 {strides = array<i32>} : memref<4x64x128xf32, #tpu.memory_space<vmem>>, vector<1x1x16xf32>,
      %swap3A_196 = arith.constant 0 : i32
      %swap3A_197 = arith.index_cast %swap3A_196 : i32 to index
      %swap3A_198 = arith.index_cast %scan3A_181 : i32 to index
      %swap3A_199 = arith.constant 32 : index
      %swap3A_200 = tpu.vector_load %arg8[%swap3A_197, %swap3A_198, %swap3A_199] {strides = array<i32>} : memref<4x64x128xf32, #tpu.memory_space<vmem>>, vector<1x1x16xf32>,
      %swap3A_201 = vector.shape_cast %swap3A_200 : vector<1x1x16xf32> to vector<16xf32>
      %swap3A_202 = vector.shape_cast %broadcast_in_dim3A_7 : vector<16xf32> to vector<1x1x16xf32>
      tpu.vector_store %arg8[%swap3A_197, %swap3A_198, %swap3A_199], %swap3A_202 {strides = array<i32>} : memref<4x64x128xf32, #tpu.memory_space<vmem>>, vector<1x1x16xf32>,
      %swap3A_203 = arith.constant 0 : i32
      %swap3A_204 = arith.index_cast %swap3A_203 : i32 to index
      %swap3A_205 = arith.index_cast %scan3A_181 : i32 to index
      %swap3A_206 = arith.constant 48 : index
      %swap3A_207 = tpu.vector_load %arg8[%swap3A_204, %swap3A_205, %swap3A_206] {strides = array<i32>} : memref<4x64x128xf32, #tpu.memory_space<vmem>>, vector<1x1x16xf32>,
      %swap3A_208 = vector.shape_cast %swap3A_207 : vector<1x1x16xf32> to vector<16xf32>
      %swap3A_209 = vector.shape_cast %broadcast_in_dim3A_7 : vector<16xf32> to vector<1x1x16xf32>
      tpu.vector_store %arg8[%swap3A_204, %swap3A_205, %swap3A_206], %swap3A_209 {strides = array<i32>} : memref<4x64x128xf32, #tpu.memory_space<vmem>>, vector<1x1x16xf32>,
      %swap3A_210 = arith.constant 0 : i32
      %swap3A_211 = arith.index_cast %swap3A_210 : i32 to index
      %swap3A_212 = arith.index_cast %scan3A_181 : i32 to index
      %swap3A_213 = arith.constant 64 : index
      %swap3A_214 = tpu.vector_load %arg8[%swap3A_211, %swap3A_212, %swap3A_213] {strides = array<i32>} : memref<4x64x128xf32, #tpu.memory_space<vmem>>, vector<1x1x16xf32>,
      %swap3A_215 = vector.shape_cast %swap3A_214 : vector<1x1x16xf32> to vector<16xf32>
      %swap3A_216 = vector.shape_cast %broadcast_in_dim3A_7 : vector<16xf32> to vector<1x1x16xf32>
      tpu.vector_store %arg8[%swap3A_211, %swap3A_212, %swap3A_213], %swap3A_216 {strides = array<i32>} : memref<4x64x128xf32, #tpu.memory_space<vmem>>, vector<1x1x16xf32>,
      %swap3A_217 = arith.constant 0 : i32
      %swap3A_218 = arith.index_cast %swap3A_217 : i32 to index
      %swap3A_219 = arith.index_cast %scan3A_181 : i32 to index
      %swap3A_220 = arith.constant 80 : index
      %swap3A_221 = tpu.vector_load %arg8[%swap3A_218, %swap3A_219, %swap3A_220] {strides = array<i32>} : memref<4x64x128xf32, #tpu.memory_space<vmem>>, vector<1x1x16xf32>,
      %swap3A_222 = vector.shape_cast %swap3A_221 : vector<1x1x16xf32> to vector<16xf32>
      %swap3A_223 = vector.shape_cast %broadcast_in_dim3A_7 : vector<16xf32> to vector<1x1x16xf32>
      tpu.vector_store %arg8[%swap3A_218, %swap3A_219, %swap3A_220], %swap3A_223 {strides = array<i32>} : memref<4x64x128xf32, #tpu.memory_space<vmem>>, vector<1x1x16xf32>,
      %swap3A_224 = arith.constant 0 : i32
      %swap3A_225 = arith.index_cast %swap3A_224 : i32 to index
      %swap3A_226 = arith.index_cast %scan3A_181 : i32 to index
      %swap3A_227 = arith.constant 96 : index
      %swap3A_228 = tpu.vector_load %arg8[%swap3A_225, %swap3A_226, %swap3A_227] {strides = array<i32>} : memref<4x64x128xf32, #tpu.memory_space<vmem>>, vector<1x1x16xf32>,
      %swap3A_229 = vector.shape_cast %swap3A_228 : vector<1x1x16xf32> to vector<16xf32>
      %swap3A_230 = vector.shape_cast %broadcast_in_dim3A_7 : vector<16xf32> to vector<1x1x16xf32>
      tpu.vector_store %arg8[%swap3A_225, %swap3A_226, %swap3A_227], %swap3A_230 {strides = array<i32>} : memref<4x64x128xf32, #tpu.memory_space<vmem>>, vector<1x1x16xf32>,
      %swap3A_231 = arith.constant 0 : i32
      %swap3A_232 = arith.index_cast %swap3A_231 : i32 to index
      %swap3A_233 = arith.index_cast %scan3A_181 : i32 to index
      %swap3A_234 = arith.constant 112 : index
      %swap3A_235 = tpu.vector_load %arg8[%swap3A_232, %swap3A_233, %swap3A_234] {strides = array<i32>} : memref<4x64x128xf32, #tpu.memory_space<vmem>>, vector<1x1x16xf32>,
      %swap3A_236 = vector.shape_cast %swap3A_235 : vector<1x1x16xf32> to vector<16xf32>
      %swap3A_237 = vector.shape_cast %broadcast_in_dim3A_7 : vector<16xf32> to vector<1x1x16xf32>
      tpu.vector_store %arg8[%swap3A_232, %swap3A_233, %swap3A_234], %swap3A_237 {strides = array<i32>} : memref<4x64x128xf32, #tpu.memory_space<vmem>>, vector<1x1x16xf32>,
      %scan3A_238 = arith.constant 0 : i32
      scf.yield %scan3A_238 : i32
    }
    %scan3A_13 = arith.constant 64 : i32
    %add3A_14 = arith.constant 0 : i32
    %add3A_15 = arith.addi %mul3A_0, %add3A_14 : i32
    %run_scoped3A = arith.constant 0 : i32
    "tpu.region"() ({
      %run_scoped3A_181 = tpu.sem_alloc : memref<!tpu.dma_semaphore, #tpu.memory_space<semaphore_mem>>
      %dma_start3A_182 = arith.constant 0 : i32
      %dma_start3A_183 = arith.constant 0 : i32
      %dma_start3A_184 = tpu.memref_slice %arg8[%run_scoped3A, %dma_start3A_182, %dma_start3A_183] : memref<4x64x128xf32, #tpu.memory_space<vmem>> -> memref<1x64x128xf32, #tpu.memory_space<vmem>>
      %dma_start3A_185 = tpu.memref_squeeze %dma_start3A_184 : memref<1x64x128xf32, #tpu.memory_space<vmem>> -> memref<64x128xf32, #tpu.memory_space<vmem>>
      %dma_start3A_186 = arith.constant 0 : i32
      %dma_start3A_187 = tpu.memref_slice %arg9[%add3A_15, %dma_start3A_186] : memref<10240x128xf32, #tpu.memory_space<vmem_shared>> -> memref<64x128xf32, #tpu.memory_space<vmem_shared>>
      %dma_start3A_188 = arith.constant 0 : i32
      %dma_start3A_189 = tpu.memref_slice %arg9[%add3A_15, %dma_start3A_188] : memref<10240x128xf32, #tpu.memory_space<vmem_shared>> -> memref<64x128xf32, #tpu.memory_space<vmem_shared>>
      %dma_start3A_190 = arith.constant 0 : i32
      %dma_start3A_191 = arith.constant 0 : i32
      %dma_start3A_192 = tpu.memref_slice %arg8[%run_scoped3A, %dma_start3A_190, %dma_start3A_191] : memref<4x64x128xf32, #tpu.memory_space<vmem>> -> memref<1x64x128xf32, #tpu.memory_space<vmem>>
      %dma_start3A_193 = tpu.memref_squeeze %dma_start3A_192 : memref<1x64x128xf32, #tpu.memory_space<vmem>> -> memref<64x128xf32, #tpu.memory_space<vmem>>
      tpu.enqueue_dma source(%dma_start3A_193 : memref<64x128xf32, #tpu.memory_space<vmem>>) target(%dma_start3A_189 : memref<64x128xf32, #tpu.memory_space<vmem_shared>>) target_semaphore(%run_scoped3A_181 : memref<!tpu.dma_semaphore, #tpu.memory_space<semaphore_mem>>)
      %dma_wait3A_194 = arith.constant 0 : i32
      %dma_wait3A_195 = arith.constant 0 : i32
      %dma_wait3A_196 = tpu.memref_slice %arg8[%run_scoped3A, %dma_wait3A_194, %dma_wait3A_195] : memref<4x64x128xf32, #tpu.memory_space<vmem>> -> memref<1x64x128xf32, #tpu.memory_space<vmem>>
      %dma_wait3A_197 = tpu.memref_squeeze %dma_wait3A_196 : memref<1x64x128xf32, #tpu.memory_space<vmem>> -> memref<64x128xf32, #tpu.memory_space<vmem>>
      %dma_wait3A_198 = arith.constant 0 : i32
      %dma_wait3A_199 = tpu.memref_slice %arg9[%add3A_15, %dma_wait3A_198] : memref<10240x128xf32, #tpu.memory_space<vmem_shared>> -> memref<64x128xf32, #tpu.memory_space<vmem_shared>>
      %dma_wait3A_200 = arith.constant 0 : i32
      %dma_wait3A_201 = tpu.memref_slice %arg9[%add3A_15, %dma_wait3A_200] : memref<10240x128xf32, #tpu.memory_space<vmem_shared>> -> memref<64x128xf32, #tpu.memory_space<vmem_shared>>
      %dma_wait3A_202 = arith.constant 0 : i32
      %dma_wait3A_203 = arith.constant 0 : i32
      %dma_wait3A_204 = tpu.memref_slice %arg8[%run_scoped3A, %dma_wait3A_202, %dma_wait3A_203] : memref<4x64x128xf32, #tpu.memory_space<vmem>> -> memref<1x64x128xf32, #tpu.memory_space<vmem>>
      %dma_wait3A_205 = tpu.memref_squeeze %dma_wait3A_204 : memref<1x64x128xf32, #tpu.memory_space<vmem>> -> memref<64x128xf32, #tpu.memory_space<vmem>>
      tpu.wait_dma2 semaphore(%run_scoped3A_181 : memref<!tpu.dma_semaphore, #tpu.memory_space<semaphore_mem>>) src(%dma_wait3A_205 : memref<64x128xf32, #tpu.memory_space<vmem>>) dst(%dma_wait3A_201 : memref<64x128xf32, #tpu.memory_space<vmem_shared>>)
      tpu.yield
    }) : () -> ()
    %add3A_16 = arith.constant 64 : i32
    %add3A_17 = arith.addi %mul3A_0, %add3A_16 : i32
    %run_scoped3A_18 = arith.constant 0 : i32
    "tpu.region"() ({
      %run_scoped3A_181 = tpu.sem_alloc : memref<!tpu.dma_semaphore, #tpu.memory_space<semaphore_mem>>
      %dma_start3A_182 = arith.constant 0 : i32
      %dma_start3A_183 = arith.constant 0 : i32
      %dma_start3A_184 = tpu.memref_slice %arg8[%run_scoped3A_18, %dma_start3A_182, %dma_start3A_183] : memref<4x64x128xf32, #tpu.memory_space<vmem>> -> memref<1x64x128xf32, #tpu.memory_space<vmem>>
      %dma_start3A_185 = tpu.memref_squeeze %dma_start3A_184 : memref<1x64x128xf32, #tpu.memory_space<vmem>> -> memref<64x128xf32, #tpu.memory_space<vmem>>
      %dma_start3A_186 = arith.constant 0 : i32
      %dma_start3A_187 = tpu.memref_slice %arg9[%add3A_17, %dma_start3A_186] : memref<10240x128xf32, #tpu.memory_space<vmem_shared>> -> memref<64x128xf32, #tpu.memory_space<vmem_shared>>
      %dma_start3A_188 = arith.constant 0 : i32
      %dma_start3A_189 = tpu.memref_slice %arg9[%add3A_17, %dma_start3A_188] : memref<10240x128xf32, #tpu.memory_space<vmem_shared>> -> memref<64x128xf32, #tpu.memory_space<vmem_shared>>
      %dma_start3A_190 = arith.constant 0 : i32
      %dma_start3A_191 = arith.constant 0 : i32
      %dma_start3A_192 = tpu.memref_slice %arg8[%run_scoped3A_18, %dma_start3A_190, %dma_start3A_191] : memref<4x64x128xf32, #tpu.memory_space<vmem>> -> memref<1x64x128xf32, #tpu.memory_space<vmem>>
      %dma_start3A_193 = tpu.memref_squeeze %dma_start3A_192 : memref<1x64x128xf32, #tpu.memory_space<vmem>> -> memref<64x128xf32, #tpu.memory_space<vmem>>
      tpu.enqueue_dma source(%dma_start3A_193 : memref<64x128xf32, #tpu.memory_space<vmem>>) target(%dma_start3A_189 : memref<64x128xf32, #tpu.memory_space<vmem_shared>>) target_semaphore(%run_scoped3A_181 : memref<!tpu.dma_semaphore, #tpu.memory_space<semaphore_mem>>)
      %dma_wait3A_194 = arith.constant 0 : i32
      %dma_wait3A_195 = arith.constant 0 : i32
      %dma_wait3A_196 = tpu.memref_slice %arg8[%run_scoped3A_18, %dma_wait3A_194, %dma_wait3A_195] : memref<4x64x128xf32, #tpu.memory_space<vmem>> -> memref<1x64x128xf32, #tpu.memory_space<vmem>>
      %dma_wait3A_197 = tpu.memref_squeeze %dma_wait3A_196 : memref<1x64x128xf32, #tpu.memory_space<vmem>> -> memref<64x128xf32, #tpu.memory_space<vmem>>
      %dma_wait3A_198 = arith.constant 0 : i32
      %dma_wait3A_199 = tpu.memref_slice %arg9[%add3A_17, %dma_wait3A_198] : memref<10240x128xf32, #tpu.memory_space<vmem_shared>> -> memref<64x128xf32, #tpu.memory_space<vmem_shared>>
      %dma_wait3A_200 = arith.constant 0 : i32
      %dma_wait3A_201 = tpu.memref_slice %arg9[%add3A_17, %dma_wait3A_200] : memref<10240x128xf32, #tpu.memory_space<vmem_shared>> -> memref<64x128xf32, #tpu.memory_space<vmem_shared>>
      %dma_wait3A_202 = arith.constant 0 : i32
      %dma_wait3A_203 = arith.constant 0 : i32
      %dma_wait3A_204 = tpu.memref_slice %arg8[%run_scoped3A_18, %dma_wait3A_202, %dma_wait3A_203] : memref<4x64x128xf32, #tpu.memory_space<vmem>> -> memref<1x64x128xf32, #tpu.memory_space<vmem>>
      %dma_wait3A_205 = tpu.memref_squeeze %dma_wait3A_204 : memref<1x64x128xf32, #tpu.memory_space<vmem>> -> memref<64x128xf32, #tpu.memory_space<vmem>>
      tpu.wait_dma2 semaphore(%run_scoped3A_181 : memref<!tpu.dma_semaphore, #tpu.memory_space<semaphore_mem>>) src(%dma_wait3A_205 : memref<64x128xf32, #tpu.memory_space<vmem>>) dst(%dma_wait3A_201 : memref<64x128xf32, #tpu.memory_space<vmem_shared>>)
      tpu.yield
    }) : () -> ()
    %add3A_19 = arith.constant 128 : i32
    %add3A_20 = arith.addi %mul3A_0, %add3A_19 : i32
    %run_scoped3A_21 = arith.constant 0 : i32
    "tpu.region"() ({
      %run_scoped3A_181 = tpu.sem_alloc : memref<!tpu.dma_semaphore, #tpu.memory_space<semaphore_mem>>
      %dma_start3A_182 = arith.constant 0 : i32
      %dma_start3A_183 = arith.constant 0 : i32
      %dma_start3A_184 = tpu.memref_slice %arg8[%run_scoped3A_21, %dma_start3A_182, %dma_start3A_183] : memref<4x64x128xf32, #tpu.memory_space<vmem>> -> memref<1x64x128xf32, #tpu.memory_space<vmem>>
      %dma_start3A_185 = tpu.memref_squeeze %dma_start3A_184 : memref<1x64x128xf32, #tpu.memory_space<vmem>> -> memref<64x128xf32, #tpu.memory_space<vmem>>
      %dma_start3A_186 = arith.constant 0 : i32
      %dma_start3A_187 = tpu.memref_slice %arg9[%add3A_20, %dma_start3A_186] : memref<10240x128xf32, #tpu.memory_space<vmem_shared>> -> memref<64x128xf32, #tpu.memory_space<vmem_shared>>
      %dma_start3A_188 = arith.constant 0 : i32
      %dma_start3A_189 = tpu.memref_slice %arg9[%add3A_20, %dma_start3A_188] : memref<10240x128xf32, #tpu.memory_space<vmem_shared>> -> memref<64x128xf32, #tpu.memory_space<vmem_shared>>
      %dma_start3A_190 = arith.constant 0 : i32
      %dma_start3A_191 = arith.constant 0 : i32
      %dma_start3A_192 = tpu.memref_slice %arg8[%run_scoped3A_21, %dma_start3A_190, %dma_start3A_191] : memref<4x64x128xf32, #tpu.memory_space<vmem>> -> memref<1x64x128xf32, #tpu.memory_space<vmem>>
      %dma_start3A_193 = tpu.memref_squeeze %dma_start3A_192 : memref<1x64x128xf32, #tpu.memory_space<vmem>> -> memref<64x128xf32, #tpu.memory_space<vmem>>
      tpu.enqueue_dma source(%dma_start3A_193 : memref<64x128xf32, #tpu.memory_space<vmem>>) target(%dma_start3A_189 : memref<64x128xf32, #tpu.memory_space<vmem_shared>>) target_semaphore(%run_scoped3A_181 : memref<!tpu.dma_semaphore, #tpu.memory_space<semaphore_mem>>)
      %dma_wait3A_194 = arith.constant 0 : i32
      %dma_wait3A_195 = arith.constant 0 : i32
      %dma_wait3A_196 = tpu.memref_slice %arg8[%run_scoped3A_21, %dma_wait3A_194, %dma_wait3A_195] : memref<4x64x128xf32, #tpu.memory_space<vmem>> -> memref<1x64x128xf32, #tpu.memory_space<vmem>>
      %dma_wait3A_197 = tpu.memref_squeeze %dma_wait3A_196 : memref<1x64x128xf32, #tpu.memory_space<vmem>> -> memref<64x128xf32, #tpu.memory_space<vmem>>
      %dma_wait3A_198 = arith.constant 0 : i32
      %dma_wait3A_199 = tpu.memref_slice %arg9[%add3A_20, %dma_wait3A_198] : memref<10240x128xf32, #tpu.memory_space<vmem_shared>> -> memref<64x128xf32, #tpu.memory_space<vmem_shared>>
      %dma_wait3A_200 = arith.constant 0 : i32
      %dma_wait3A_201 = tpu.memref_slice %arg9[%add3A_20, %dma_wait3A_200] : memref<10240x128xf32, #tpu.memory_space<vmem_shared>> -> memref<64x128xf32, #tpu.memory_space<vmem_shared>>
      %dma_wait3A_202 = arith.constant 0 : i32
      %dma_wait3A_203 = arith.constant 0 : i32
      %dma_wait3A_204 = tpu.memref_slice %arg8[%run_scoped3A_21, %dma_wait3A_202, %dma_wait3A_203] : memref<4x64x128xf32, #tpu.memory_space<vmem>> -> memref<1x64x128xf32, #tpu.memory_space<vmem>>
      %dma_wait3A_205 = tpu.memref_squeeze %dma_wait3A_204 : memref<1x64x128xf32, #tpu.memory_space<vmem>> -> memref<64x128xf32, #tpu.memory_space<vmem>>
      tpu.wait_dma2 semaphore(%run_scoped3A_181 : memref<!tpu.dma_semaphore, #tpu.memory_space<semaphore_mem>>) src(%dma_wait3A_205 : memref<64x128xf32, #tpu.memory_space<vmem>>) dst(%dma_wait3A_201 : memref<64x128xf32, #tpu.memory_space<vmem_shared>>)
      tpu.yield
    }) : () -> ()
    %add3A_22 = arith.constant 192 : i32
    %add3A_23 = arith.addi %mul3A_0, %add3A_22 : i32
    %run_scoped3A_24 = arith.constant 0 : i32
    "tpu.region"() ({
      %run_scoped3A_181 = tpu.sem_alloc : memref<!tpu.dma_semaphore, #tpu.memory_space<semaphore_mem>>
      %dma_start3A_182 = arith.constant 0 : i32
      %dma_start3A_183 = arith.constant 0 : i32
      %dma_start3A_184 = tpu.memref_slice %arg8[%run_scoped3A_24, %dma_start3A_182, %dma_start3A_183] : memref<4x64x128xf32, #tpu.memory_space<vmem>> -> memref<1x64x128xf32, #tpu.memory_space<vmem>>
      %dma_start3A_185 = tpu.memref_squeeze %dma_start3A_184 : memref<1x64x128xf32, #tpu.memory_space<vmem>> -> memref<64x128xf32, #tpu.memory_space<vmem>>
      %dma_start3A_186 = arith.constant 0 : i32
      %dma_start3A_187 = tpu.memref_slice %arg9[%add3A_23, %dma_start3A_186] : memref<10240x128xf32, #tpu.memory_space<vmem_shared>> -> memref<64x128xf32, #tpu.memory_space<vmem_shared>>
      %dma_start3A_188 = arith.constant 0 : i32
      %dma_start3A_189 = tpu.memref_slice %arg9[%add3A_23, %dma_start3A_188] : memref<10240x128xf32, #tpu.memory_space<vmem_shared>> -> memref<64x128xf32, #tpu.memory_space<vmem_shared>>
      %dma_start3A_190 = arith.constant 0 : i32
      %dma_start3A_191 = arith.constant 0 : i32
      %dma_start3A_192 = tpu.memref_slice %arg8[%run_scoped3A_24, %dma_start3A_190, %dma_start3A_191] : memref<4x64x128xf32, #tpu.memory_space<vmem>> -> memref<1x64x128xf32, #tpu.memory_space<vmem>>
      %dma_start3A_193 = tpu.memref_squeeze %dma_start3A_192 : memref<1x64x128xf32, #tpu.memory_space<vmem>> -> memref<64x128xf32, #tpu.memory_space<vmem>>
      tpu.enqueue_dma source(%dma_start3A_193 : memref<64x128xf32, #tpu.memory_space<vmem>>) target(%dma_start3A_189 : memref<64x128xf32, #tpu.memory_space<vmem_shared>>) target_semaphore(%run_scoped3A_181 : memref<!tpu.dma_semaphore, #tpu.memory_space<semaphore_mem>>)
      %dma_wait3A_194 = arith.constant 0 : i32
      %dma_wait3A_195 = arith.constant 0 : i32
      %dma_wait3A_196 = tpu.memref_slice %arg8[%run_scoped3A_24, %dma_wait3A_194, %dma_wait3A_195] : memref<4x64x128xf32, #tpu.memory_space<vmem>> -> memref<1x64x128xf32, #tpu.memory_space<vmem>>
      %dma_wait3A_197 = tpu.memref_squeeze %dma_wait3A_196 : memref<1x64x128xf32, #tpu.memory_space<vmem>> -> memref<64x128xf32, #tpu.memory_space<vmem>>
      %dma_wait3A_198 = arith.constant 0 : i32
      %dma_wait3A_199 = tpu.memref_slice %arg9[%add3A_23, %dma_wait3A_198] : memref<10240x128xf32, #tpu.memory_space<vmem_shared>> -> memref<64x128xf32, #tpu.memory_space<vmem_shared>>
      %dma_wait3A_200 = arith.constant 0 : i32
      %dma_wait3A_201 = tpu.memref_slice %arg9[%add3A_23, %dma_wait3A_200] : memref<10240x128xf32, #tpu.memory_space<vmem_shared>> -> memref<64x128xf32, #tpu.memory_space<vmem_shared>>
      %dma_wait3A_202 = arith.constant 0 : i32
      %dma_wait3A_203 = arith.constant 0 : i32
      %dma_wait3A_204 = tpu.memref_slice %arg8[%run_scoped3A_24, %dma_wait3A_202, %dma_wait3A_203] : memref<4x64x128xf32, #tpu.memory_space<vmem>> -> memref<1x64x128xf32, #tpu.memory_space<vmem>>
      %dma_wait3A_205 = tpu.memref_squeeze %dma_wait3A_204 : memref<1x64x128xf32, #tpu.memory_space<vmem>> -> memref<64x128xf32, #tpu.memory_space<vmem>>
      tpu.wait_dma2 semaphore(%run_scoped3A_181 : memref<!tpu.dma_semaphore, #tpu.memory_space<semaphore_mem>>) src(%dma_wait3A_205 : memref<64x128xf32, #tpu.memory_space<vmem>>) dst(%dma_wait3A_201 : memref<64x128xf32, #tpu.memory_space<vmem_shared>>)
      tpu.yield
    }) : () -> ()
    %add3A_25 = arith.constant 256 : i32
    %add3A_26 = arith.addi %mul3A_0, %add3A_25 : i32
    %run_scoped3A_27 = arith.constant 0 : i32
    "tpu.region"() ({
      %run_scoped3A_181 = tpu.sem_alloc : memref<!tpu.dma_semaphore, #tpu.memory_space<semaphore_mem>>
      %dma_start3A_182 = arith.constant 0 : i32
      %dma_start3A_183 = arith.constant 0 : i32
      %dma_start3A_184 = tpu.memref_slice %arg8[%run_scoped3A_27, %dma_start3A_182, %dma_start3A_183] : memref<4x64x128xf32, #tpu.memory_space<vmem>> -> memref<1x64x128xf32, #tpu.memory_space<vmem>>
      %dma_start3A_185 = tpu.memref_squeeze %dma_start3A_184 : memref<1x64x128xf32, #tpu.memory_space<vmem>> -> memref<64x128xf32, #tpu.memory_space<vmem>>
      %dma_start3A_186 = arith.constant 0 : i32
      %dma_start3A_187 = tpu.memref_slice %arg9[%add3A_26, %dma_start3A_186] : memref<10240x128xf32, #tpu.memory_space<vmem_shared>> -> memref<64x128xf32, #tpu.memory_space<vmem_shared>>
      %dma_start3A_188 = arith.constant 0 : i32
      %dma_start3A_189 = tpu.memref_slice %arg9[%add3A_26, %dma_start3A_188] : memref<10240x128xf32, #tpu.memory_space<vmem_shared>> -> memref<64x128xf32, #tpu.memory_space<vmem_shared>>
      %dma_start3A_190 = arith.constant 0 : i32
      %dma_start3A_191 = arith.constant 0 : i32
      %dma_start3A_192 = tpu.memref_slice %arg8[%run_scoped3A_27, %dma_start3A_190, %dma_start3A_191] : memref<4x64x128xf32, #tpu.memory_space<vmem>> -> memref<1x64x128xf32, #tpu.memory_space<vmem>>
      %dma_start3A_193 = tpu.memref_squeeze %dma_start3A_192 : memref<1x64x128xf32, #tpu.memory_space<vmem>> -> memref<64x128xf32, #tpu.memory_space<vmem>>
      tpu.enqueue_dma source(%dma_start3A_193 : memref<64x128xf32, #tpu.memory_space<vmem>>) target(%dma_start3A_189 : memref<64x128xf32, #tpu.memory_space<vmem_shared>>) target_semaphore(%run_scoped3A_181 : memref<!tpu.dma_semaphore, #tpu.memory_space<semaphore_mem>>)
      %dma_wait3A_194 = arith.constant 0 : i32
      %dma_wait3A_195 = arith.constant 0 : i32
      %dma_wait3A_196 = tpu.memref_slice %arg8[%run_scoped3A_27, %dma_wait3A_194, %dma_wait3A_195] : memref<4x64x128xf32, #tpu.memory_space<vmem>> -> memref<1x64x128xf32, #tpu.memory_space<vmem>>
      %dma_wait3A_197 = tpu.memref_squeeze %dma_wait3A_196 : memref<1x64x128xf32, #tpu.memory_space<vmem>> -> memref<64x128xf32, #tpu.memory_space<vmem>>
      %dma_wait3A_198 = arith.constant 0 : i32
      %dma_wait3A_199 = tpu.memref_slice %arg9[%add3A_26, %dma_wait3A_198] : memref<10240x128xf32, #tpu.memory_space<vmem_shared>> -> memref<64x128xf32, #tpu.memory_space<vmem_shared>>
      %dma_wait3A_200 = arith.constant 0 : i32
      %dma_wait3A_201 = tpu.memref_slice %arg9[%add3A_26, %dma_wait3A_200] : memref<10240x128xf32, #tpu.memory_space<vmem_shared>> -> memref<64x128xf32, #tpu.memory_space<vmem_shared>>
      %dma_wait3A_202 = arith.constant 0 : i32
      %dma_wait3A_203 = arith.constant 0 : i32
      %dma_wait3A_204 = tpu.memref_slice %arg8[%run_scoped3A_27, %dma_wait3A_202, %dma_wait3A_203] : memref<4x64x128xf32, #tpu.memory_space<vmem>> -> memref<1x64x128xf32, #tpu.memory_space<vmem>>
      %dma_wait3A_205 = tpu.memref_squeeze %dma_wait3A_204 : memref<1x64x128xf32, #tpu.memory_space<vmem>> -> memref<64x128xf32, #tpu.memory_space<vmem>>
      tpu.wait_dma2 semaphore(%run_scoped3A_181 : memref<!tpu.dma_semaphore, #tpu.memory_space<semaphore_mem>>) src(%dma_wait3A_205 : memref<64x128xf32, #tpu.memory_space<vmem>>) dst(%dma_wait3A_201 : memref<64x128xf32, #tpu.memory_space<vmem_shared>>)
      tpu.yield
    }) : () -> ()
    %add3A_28 = arith.constant 320 : i32
    %add3A_29 = arith.addi %mul3A_0, %add3A_28 : i32
    %run_scoped3A_30 = arith.constant 0 : i32
    "tpu.region"() ({
      %run_scoped3A_181 = tpu.sem_alloc : memref<!tpu.dma_semaphore, #tpu.memory_space<semaphore_mem>>
      %dma_start3A_182 = arith.constant 0 : i32
      %dma_start3A_183 = arith.constant 0 : i32
      %dma_start3A_184 = tpu.memref_slice %arg8[%run_scoped3A_30, %dma_start3A_182, %dma_start3A_183] : memref<4x64x128xf32, #tpu.memory_space<vmem>> -> memref<1x64x128xf32, #tpu.memory_space<vmem>>
      %dma_start3A_185 = tpu.memref_squeeze %dma_start3A_184 : memref<1x64x128xf32, #tpu.memory_space<vmem>> -> memref<64x128xf32, #tpu.memory_space<vmem>>
      %dma_start3A_186 = arith.constant 0 : i32
      %dma_start3A_187 = tpu.memref_slice %arg9[%add3A_29, %dma_start3A_186] : memref<10240x128xf32, #tpu.memory_space<vmem_shared>> -> memref<64x128xf32, #tpu.memory_space<vmem_shared>>
      %dma_start3A_188 = arith.constant 0 : i32
      %dma_start3A_189 = tpu.memref_slice %arg9[%add3A_29, %dma_start3A_188] : memref<10240x128xf32, #tpu.memory_space<vmem_shared>> -> memref<64x128xf32, #tpu.memory_space<vmem_shared>>
      %dma_start3A_190 = arith.constant 0 : i32
      %dma_start3A_191 = arith.constant 0 : i32
      %dma_start3A_192 = tpu.memref_slice %arg8[%run_scoped3A_30, %dma_start3A_190, %dma_start3A_191] : memref<4x64x128xf32, #tpu.memory_space<vmem>> -> memref<1x64x128xf32, #tpu.memory_space<vmem>>
      %dma_start3A_193 = tpu.memref_squeeze %dma_start3A_192 : memref<1x64x128xf32, #tpu.memory_space<vmem>> -> memref<64x128xf32, #tpu.memory_space<vmem>>
      tpu.enqueue_dma source(%dma_start3A_193 : memref<64x128xf32, #tpu.memory_space<vmem>>) target(%dma_start3A_189 : memref<64x128xf32, #tpu.memory_space<vmem_shared>>) target_semaphore(%run_scoped3A_181 : memref<!tpu.dma_semaphore, #tpu.memory_space<semaphore_mem>>)
      %dma_wait3A_194 = arith.constant 0 : i32
      %dma_wait3A_195 = arith.constant 0 : i32
      %dma_wait3A_196 = tpu.memref_slice %arg8[%run_scoped3A_30, %dma_wait3A_194, %dma_wait3A_195] : memref<4x64x128xf32, #tpu.memory_space<vmem>> -> memref<1x64x128xf32, #tpu.memory_space<vmem>>
      %dma_wait3A_197 = tpu.memref_squeeze %dma_wait3A_196 : memref<1x64x128xf32, #tpu.memory_space<vmem>> -> memref<64x128xf32, #tpu.memory_space<vmem>>
      %dma_wait3A_198 = arith.constant 0 : i32
      %dma_wait3A_199 = tpu.memref_slice %arg9[%add3A_29, %dma_wait3A_198] : memref<10240x128xf32, #tpu.memory_space<vmem_shared>> -> memref<64x128xf32, #tpu.memory_space<vmem_shared>>
      %dma_wait3A_200 = arith.constant 0 : i32
      %dma_wait3A_201 = tpu.memref_slice %arg9[%add3A_29, %dma_wait3A_200] : memref<10240x128xf32, #tpu.memory_space<vmem_shared>> -> memref<64x128xf32, #tpu.memory_space<vmem_shared>>
      %dma_wait3A_202 = arith.constant 0 : i32
      %dma_wait3A_203 = arith.constant 0 : i32
      %dma_wait3A_204 = tpu.memref_slice %arg8[%run_scoped3A_30, %dma_wait3A_202, %dma_wait3A_203] : memref<4x64x128xf32, #tpu.memory_space<vmem>> -> memref<1x64x128xf32, #tpu.memory_space<vmem>>
      %dma_wait3A_205 = tpu.memref_squeeze %dma_wait3A_204 : memref<1x64x128xf32, #tpu.memory_space<vmem>> -> memref<64x128xf32, #tpu.memory_space<vmem>>
      tpu.wait_dma2 semaphore(%run_scoped3A_181 : memref<!tpu.dma_semaphore, #tpu.memory_space<semaphore_mem>>) src(%dma_wait3A_205 : memref<64x128xf32, #tpu.memory_space<vmem>>) dst(%dma_wait3A_201 : memref<64x128xf32, #tpu.memory_space<vmem_shared>>)
      tpu.yield
    }) : () -> ()
    %add3A_31 = arith.constant 384 : i32
    %add3A_32 = arith.addi %mul3A_0, %add3A_31 : i32
    %run_scoped3A_33 = arith.constant 0 : i32
    "tpu.region"() ({
      %run_scoped3A_181 = tpu.sem_alloc : memref<!tpu.dma_semaphore, #tpu.memory_space<semaphore_mem>>
      %dma_start3A_182 = arith.constant 0 : i32
      %dma_start3A_183 = arith.constant 0 : i32
      %dma_start3A_184 = tpu.memref_slice %arg8[%run_scoped3A_33, %dma_start3A_182, %dma_start3A_183] : memref<4x64x128xf32, #tpu.memory_space<vmem>> -> memref<1x64x128xf32, #tpu.memory_space<vmem>>
      %dma_start3A_185 = tpu.memref_squeeze %dma_start3A_184 : memref<1x64x128xf32, #tpu.memory_space<vmem>> -> memref<64x128xf32, #tpu.memory_space<vmem>>
      %dma_start3A_186 = arith.constant 0 : i32
      %dma_start3A_187 = tpu.memref_slice %arg9[%add3A_32, %dma_start3A_186] : memref<10240x128xf32, #tpu.memory_space<vmem_shared>> -> memref<64x128xf32, #tpu.memory_space<vmem_shared>>
      %dma_start3A_188 = arith.constant 0 : i32
      %dma_start3A_189 = tpu.memref_slice %arg9[%add3A_32, %dma_start3A_188] : memref<10240x128xf32, #tpu.memory_space<vmem_shared>> -> memref<64x128xf32, #tpu.memory_space<vmem_shared>>
      %dma_start3A_190 = arith.constant 0 : i32
      %dma_start3A_191 = arith.constant 0 : i32
      %dma_start3A_192 = tpu.memref_slice %arg8[%run_scoped3A_33, %dma_start3A_190, %dma_start3A_191] : memref<4x64x128xf32, #tpu.memory_space<vmem>> -> memref<1x64x128xf32, #tpu.memory_space<vmem>>
      %dma_start3A_193 = tpu.memref_squeeze %dma_start3A_192 : memref<1x64x128xf32, #tpu.memory_space<vmem>> -> memref<64x128xf32, #tpu.memory_space<vmem>>
      tpu.enqueue_dma source(%dma_start3A_193 : memref<64x128xf32, #tpu.memory_space<vmem>>) target(%dma_start3A_189 : memref<64x128xf32, #tpu.memory_space<vmem_shared>>) target_semaphore(%run_scoped3A_181 : memref<!tpu.dma_semaphore, #tpu.memory_space<semaphore_mem>>)
      %dma_wait3A_194 = arith.constant 0 : i32
      %dma_wait3A_195 = arith.constant 0 : i32
      %dma_wait3A_196 = tpu.memref_slice %arg8[%run_scoped3A_33, %dma_wait3A_194, %dma_wait3A_195] : memref<4x64x128xf32, #tpu.memory_space<vmem>> -> memref<1x64x128xf32, #tpu.memory_space<vmem>>
      %dma_wait3A_197 = tpu.memref_squeeze %dma_wait3A_196 : memref<1x64x128xf32, #tpu.memory_space<vmem>> -> memref<64x128xf32, #tpu.memory_space<vmem>>
      %dma_wait3A_198 = arith.constant 0 : i32
      %dma_wait3A_199 = tpu.memref_slice %arg9[%add3A_32, %dma_wait3A_198] : memref<10240x128xf32, #tpu.memory_space<vmem_shared>> -> memref<64x128xf32, #tpu.memory_space<vmem_shared>>
      %dma_wait3A_200 = arith.constant 0 : i32
      %dma_wait3A_201 = tpu.memref_slice %arg9[%add3A_32, %dma_wait3A_200] : memref<10240x128xf32, #tpu.memory_space<vmem_shared>> -> memref<64x128xf32, #tpu.memory_space<vmem_shared>>
      %dma_wait3A_202 = arith.constant 0 : i32
      %dma_wait3A_203 = arith.constant 0 : i32
      %dma_wait3A_204 = tpu.memref_slice %arg8[%run_scoped3A_33, %dma_wait3A_202, %dma_wait3A_203] : memref<4x64x128xf32, #tpu.memory_space<vmem>> -> memref<1x64x128xf32, #tpu.memory_space<vmem>>
      %dma_wait3A_205 = tpu.memref_squeeze %dma_wait3A_204 : memref<1x64x128xf32, #tpu.memory_space<vmem>> -> memref<64x128xf32, #tpu.memory_space<vmem>>
      tpu.wait_dma2 semaphore(%run_scoped3A_181 : memref<!tpu.dma_semaphore, #tpu.memory_space<semaphore_mem>>) src(%dma_wait3A_205 : memref<64x128xf32, #tpu.memory_space<vmem>>) dst(%dma_wait3A_201 : memref<64x128xf32, #tpu.memory_space<vmem_shared>>)
      tpu.yield
    }) : () -> ()
    %add3A_34 = arith.constant 448 : i32
    %add3A_35 = arith.addi %mul3A_0, %add3A_34 : i32
    %run_scoped3A_36 = arith.constant 0 : i32
    "tpu.region"() ({
      %run_scoped3A_181 = tpu.sem_alloc : memref<!tpu.dma_semaphore, #tpu.memory_space<semaphore_mem>>
      %dma_start3A_182 = arith.constant 0 : i32
      %dma_start3A_183 = arith.constant 0 : i32
      %dma_start3A_184 = tpu.memref_slice %arg8[%run_scoped3A_36, %dma_start3A_182, %dma_start3A_183] : memref<4x64x128xf32, #tpu.memory_space<vmem>> -> memref<1x64x128xf32, #tpu.memory_space<vmem>>
      %dma_start3A_185 = tpu.memref_squeeze %dma_start3A_184 : memref<1x64x128xf32, #tpu.memory_space<vmem>> -> memref<64x128xf32, #tpu.memory_space<vmem>>
      %dma_start3A_186 = arith.constant 0 : i32
      %dma_start3A_187 = tpu.memref_slice %arg9[%add3A_35, %dma_start3A_186] : memref<10240x128xf32, #tpu.memory_space<vmem_shared>> -> memref<64x128xf32, #tpu.memory_space<vmem_shared>>
      %dma_start3A_188 = arith.constant 0 : i32
      %dma_start3A_189 = tpu.memref_slice %arg9[%add3A_35, %dma_start3A_188] : memref<10240x128xf32, #tpu.memory_space<vmem_shared>> -> memref<64x128xf32, #tpu.memory_space<vmem_shared>>
      %dma_start3A_190 = arith.constant 0 : i32
      %dma_start3A_191 = arith.constant 0 : i32
      %dma_start3A_192 = tpu.memref_slice %arg8[%run_scoped3A_36, %dma_start3A_190, %dma_start3A_191] : memref<4x64x128xf32, #tpu.memory_space<vmem>> -> memref<1x64x128xf32, #tpu.memory_space<vmem>>
      %dma_start3A_193 = tpu.memref_squeeze %dma_start3A_192 : memref<1x64x128xf32, #tpu.memory_space<vmem>> -> memref<64x128xf32, #tpu.memory_space<vmem>>
      tpu.enqueue_dma source(%dma_start3A_193 : memref<64x128xf32, #tpu.memory_space<vmem>>) target(%dma_start3A_189 : memref<64x128xf32, #tpu.memory_space<vmem_shared>>) target_semaphore(%run_scoped3A_181 : memref<!tpu.dma_semaphore, #tpu.memory_space<semaphore_mem>>)
      %dma_wait3A_194 = arith.constant 0 : i32
      %dma_wait3A_195 = arith.constant 0 : i32
      %dma_wait3A_196 = tpu.memref_slice %arg8[%run_scoped3A_36, %dma_wait3A_194, %dma_wait3A_195] : memref<4x64x128xf32, #tpu.memory_space<vmem>> -> memref<1x64x128xf32, #tpu.memory_space<vmem>>
      %dma_wait3A_197 = tpu.memref_squeeze %dma_wait3A_196 : memref<1x64x128xf32, #tpu.memory_space<vmem>> -> memref<64x128xf32, #tpu.memory_space<vmem>>
      %dma_wait3A_198 = arith.constant 0 : i32
      %dma_wait3A_199 = tpu.memref_slice %arg9[%add3A_35, %dma_wait3A_198] : memref<10240x128xf32, #tpu.memory_space<vmem_shared>> -> memref<64x128xf32, #tpu.memory_space<vmem_shared>>
      %dma_wait3A_200 = arith.constant 0 : i32
      %dma_wait3A_201 = tpu.memref_slice %arg9[%add3A_35, %dma_wait3A_200] : memref<10240x128xf32, #tpu.memory_space<vmem_shared>> -> memref<64x128xf32, #tpu.memory_space<vmem_shared>>
      %dma_wait3A_202 = arith.constant 0 : i32
      %dma_wait3A_203 = arith.constant 0 : i32
      %dma_wait3A_204 = tpu.memref_slice %arg8[%run_scoped3A_36, %dma_wait3A_202, %dma_wait3A_203] : memref<4x64x128xf32, #tpu.memory_space<vmem>> -> memref<1x64x128xf32, #tpu.memory_space<vmem>>
      %dma_wait3A_205 = tpu.memref_squeeze %dma_wait3A_204 : memref<1x64x128xf32, #tpu.memory_space<vmem>> -> memref<64x128xf32, #tpu.memory_space<vmem>>
      tpu.wait_dma2 semaphore(%run_scoped3A_181 : memref<!tpu.dma_semaphore, #tpu.memory_space<semaphore_mem>>) src(%dma_wait3A_205 : memref<64x128xf32, #tpu.memory_space<vmem>>) dst(%dma_wait3A_201 : memref<64x128xf32, #tpu.memory_space<vmem_shared>>)
      tpu.yield
    }) : () -> ()
    %add3A_37 = arith.constant 512 : i32
    %add3A_38 = arith.addi %mul3A_0, %add3A_37 : i32
    %run_scoped3A_39 = arith.constant 0 : i32
    "tpu.region"() ({
      %run_scoped3A_181 = tpu.sem_alloc : memref<!tpu.dma_semaphore, #tpu.memory_space<semaphore_mem>>
      %dma_start3A_182 = arith.constant 0 : i32
      %dma_start3A_183 = arith.constant 0 : i32
      %dma_start3A_184 = tpu.memref_slice %arg8[%run_scoped3A_39, %dma_start3A_182, %dma_start3A_183] : memref<4x64x128xf32, #tpu.memory_space<vmem>> -> memref<1x64x128xf32, #tpu.memory_space<vmem>>
      %dma_start3A_185 = tpu.memref_squeeze %dma_start3A_184 : memref<1x64x128xf32, #tpu.memory_space<vmem>> -> memref<64x128xf32, #tpu.memory_space<vmem>>
      %dma_start3A_186 = arith.constant 0 : i32
      %dma_start3A_187 = tpu.memref_slice %arg9[%add3A_38, %dma_start3A_186] : memref<10240x128xf32, #tpu.memory_space<vmem_shared>> -> memref<64x128xf32, #tpu.memory_space<vmem_shared>>
      %dma_start3A_188 = arith.constant 0 : i32
      %dma_start3A_189 = tpu.memref_slice %arg9[%add3A_38, %dma_start3A_188] : memref<10240x128xf32, #tpu.memory_space<vmem_shared>> -> memref<64x128xf32, #tpu.memory_space<vmem_shared>>
      %dma_start3A_190 = arith.constant 0 : i32
      %dma_start3A_191 = arith.constant 0 : i32
      %dma_start3A_192 = tpu.memref_slice %arg8[%run_scoped3A_39, %dma_start3A_190, %dma_start3A_191] : memref<4x64x128xf32, #tpu.memory_space<vmem>> -> memref<1x64x128xf32, #tpu.memory_space<vmem>>
      %dma_start3A_193 = tpu.memref_squeeze %dma_start3A_192 : memref<1x64x128xf32, #tpu.memory_space<vmem>> -> memref<64x128xf32, #tpu.memory_space<vmem>>
      tpu.enqueue_dma source(%dma_start3A_193 : memref<64x128xf32, #tpu.memory_space<vmem>>) target(%dma_start3A_189 : memref<64x128xf32, #tpu.memory_space<vmem_shared>>) target_semaphore(%run_scoped3A_181 : memref<!tpu.dma_semaphore, #tpu.memory_space<semaphore_mem>>)
      %dma_wait3A_194 = arith.constant 0 : i32
      %dma_wait3A_195 = arith.constant 0 : i32
      %dma_wait3A_196 = tpu.memref_slice %arg8[%run_scoped3A_39, %dma_wait3A_194, %dma_wait3A_195] : memref<4x64x128xf32, #tpu.memory_space<vmem>> -> memref<1x64x128xf32, #tpu.memory_space<vmem>>
      %dma_wait3A_197 = tpu.memref_squeeze %dma_wait3A_196 : memref<1x64x128xf32, #tpu.memory_space<vmem>> -> memref<64x128xf32, #tpu.memory_space<vmem>>
      %dma_wait3A_198 = arith.constant 0 : i32
      %dma_wait3A_199 = tpu.memref_slice %arg9[%add3A_38, %dma_wait3A_198] : memref<10240x128xf32, #tpu.memory_space<vmem_shared>> -> memref<64x128xf32, #tpu.memory_space<vmem_shared>>
      %dma_wait3A_200 = arith.constant 0 : i32
      %dma_wait3A_201 = tpu.memref_slice %arg9[%add3A_38, %dma_wait3A_200] : memref<10240x128xf32, #tpu.memory_space<vmem_shared>> -> memref<64x128xf32, #tpu.memory_space<vmem_shared>>
      %dma_wait3A_202 = arith.constant 0 : i32
      %dma_wait3A_203 = arith.constant 0 : i32
      %dma_wait3A_204 = tpu.memref_slice %arg8[%run_scoped3A_39, %dma_wait3A_202, %dma_wait3A_203] : memref<4x64x128xf32, #tpu.memory_space<vmem>> -> memref<1x64x128xf32, #tpu.memory_space<vmem>>
      %dma_wait3A_205 = tpu.memref_squeeze %dma_wait3A_204 : memref<1x64x128xf32, #tpu.memory_space<vmem>> -> memref<64x128xf32, #tpu.memory_space<vmem>>
      tpu.wait_dma2 semaphore(%run_scoped3A_181 : memref<!tpu.dma_semaphore, #tpu.memory_space<semaphore_mem>>) src(%dma_wait3A_205 : memref<64x128xf32, #tpu.memory_space<vmem>>) dst(%dma_wait3A_201 : memref<64x128xf32, #tpu.memory_space<vmem_shared>>)
      tpu.yield
    }) : () -> ()
    %add3A_40 = arith.constant 576 : i32
    %add3A_41 = arith.addi %mul3A_0, %add3A_40 : i32
    %run_scoped3A_42 = arith.constant 0 : i32
    "tpu.region"() ({
      %run_scoped3A_181 = tpu.sem_alloc : memref<!tpu.dma_semaphore, #tpu.memory_space<semaphore_mem>>
      %dma_start3A_182 = arith.constant 0 : i32
      %dma_start3A_183 = arith.constant 0 : i32
      %dma_start3A_184 = tpu.memref_slice %arg8[%run_scoped3A_42, %dma_start3A_182, %dma_start3A_183] : memref<4x64x128xf32, #tpu.memory_space<vmem>> -> memref<1x64x128xf32, #tpu.memory_space<vmem>>
      %dma_start3A_185 = tpu.memref_squeeze %dma_start3A_184 : memref<1x64x128xf32, #tpu.memory_space<vmem>> -> memref<64x128xf32, #tpu.memory_space<vmem>>
      %dma_start3A_186 = arith.constant 0 : i32
      %dma_start3A_187 = tpu.memref_slice %arg9[%add3A_41, %dma_start3A_186] : memref<10240x128xf32, #tpu.memory_space<vmem_shared>> -> memref<64x128xf32, #tpu.memory_space<vmem_shared>>
      %dma_start3A_188 = arith.constant 0 : i32
      %dma_start3A_189 = tpu.memref_slice %arg9[%add3A_41, %dma_start3A_188] : memref<10240x128xf32, #tpu.memory_space<vmem_shared>> -> memref<64x128xf32, #tpu.memory_space<vmem_shared>>
      %dma_start3A_190 = arith.constant 0 : i32
      %dma_start3A_191 = arith.constant 0 : i32
      %dma_start3A_192 = tpu.memref_slice %arg8[%run_scoped3A_42, %dma_start3A_190, %dma_start3A_191] : memref<4x64x128xf32, #tpu.memory_space<vmem>> -> memref<1x64x128xf32, #tpu.memory_space<vmem>>
      %dma_start3A_193 = tpu.memref_squeeze %dma_start3A_192 : memref<1x64x128xf32, #tpu.memory_space<vmem>> -> memref<64x128xf32, #tpu.memory_space<vmem>>
      tpu.enqueue_dma source(%dma_start3A_193 : memref<64x128xf32, #tpu.memory_space<vmem>>) target(%dma_start3A_189 : memref<64x128xf32, #tpu.memory_space<vmem_shared>>) target_semaphore(%run_scoped3A_181 : memref<!tpu.dma_semaphore, #tpu.memory_space<semaphore_mem>>)
      %dma_wait3A_194 = arith.constant 0 : i32
      %dma_wait3A_195 = arith.constant 0 : i32
      %dma_wait3A_196 = tpu.memref_slice %arg8[%run_scoped3A_42, %dma_wait3A_194, %dma_wait3A_195] : memref<4x64x128xf32, #tpu.memory_space<vmem>> -> memref<1x64x128xf32, #tpu.memory_space<vmem>>
      %dma_wait3A_197 = tpu.memref_squeeze %dma_wait3A_196 : memref<1x64x128xf32, #tpu.memory_space<vmem>> -> memref<64x128xf32, #tpu.memory_space<vmem>>
      %dma_wait3A_198 = arith.constant 0 : i32
      %dma_wait3A_199 = tpu.memref_slice %arg9[%add3A_41, %dma_wait3A_198] : memref<10240x128xf32, #tpu.memory_space<vmem_shared>> -> memref<64x128xf32, #tpu.memory_space<vmem_shared>>
      %dma_wait3A_200 = arith.constant 0 : i32
      %dma_wait3A_201 = tpu.memref_slice %arg9[%add3A_41, %dma_wait3A_200] : memref<10240x128xf32, #tpu.memory_space<vmem_shared>> -> memref<64x128xf32, #tpu.memory_space<vmem_shared>>
      %dma_wait3A_202 = arith.constant 0 : i32
      %dma_wait3A_203 = arith.constant 0 : i32
      %dma_wait3A_204 = tpu.memref_slice %arg8[%run_scoped3A_42, %dma_wait3A_202, %dma_wait3A_203] : memref<4x64x128xf32, #tpu.memory_space<vmem>> -> memref<1x64x128xf32, #tpu.memory_space<vmem>>
      %dma_wait3A_205 = tpu.memref_squeeze %dma_wait3A_204 : memref<1x64x128xf32, #tpu.memory_space<vmem>> -> memref<64x128xf32, #tpu.memory_space<vmem>>
      tpu.wait_dma2 semaphore(%run_scoped3A_181 : memref<!tpu.dma_semaphore, #tpu.memory_space<semaphore_mem>>) src(%dma_wait3A_205 : memref<64x128xf32, #tpu.memory_space<vmem>>) dst(%dma_wait3A_201 : memref<64x128xf32, #tpu.memory_space<vmem_shared>>)
      tpu.yield
    }) : () -> ()
    %barrier3A = arith.constant 0 : index
    tpu.barrier barrier_id(%barrier3A)
    %run_scoped3A_43 = arith.constant 0 : i32
    "tpu.region"() ({
      %run_scoped3A_181 = tpu.sem_alloc : memref<!tpu.dma_semaphore, #tpu.memory_space<semaphore_mem>>
      %dma_start3A_182 = arith.constant 0 : i32
      %dma_start3A_183 = arith.constant 0 : i32
      %dma_start3A_184 = tpu.memref_slice %arg6[%run_scoped3A_43, %dma_start3A_182, %dma_start3A_183] : memref<2x16x64xi32, #tpu.memory_space<vmem>> -> memref<1x16x64xi32, #tpu.memory_space<vmem>>
      %dma_start3A_185 = tpu.memref_squeeze %dma_start3A_184 : memref<1x16x64xi32, #tpu.memory_space<vmem>> -> memref<16x64xi32, #tpu.memory_space<vmem>>
      %dma_start3A_186 = arith.constant 0 : i32
      %dma_start3A_187 = tpu.memref_slice %arg2[%add3A, %dma_start3A_186] : memref<5120x64xi32, #tpu.memory_space<hbm>> -> memref<16x64xi32, #tpu.memory_space<hbm>>
      %dma_start3A_188 = arith.constant 0 : i32
      %dma_start3A_189 = arith.constant 0 : i32
      %dma_start3A_190 = tpu.memref_slice %arg6[%run_scoped3A_43, %dma_start3A_188, %dma_start3A_189] : memref<2x16x64xi32, #tpu.memory_space<vmem>> -> memref<1x16x64xi32, #tpu.memory_space<vmem>>
      %dma_start3A_191 = tpu.memref_squeeze %dma_start3A_190 : memref<1x16x64xi32, #tpu.memory_space<vmem>> -> memref<16x64xi32, #tpu.memory_space<vmem>>
      %dma_start3A_192 = arith.constant 0 : i32
      %dma_start3A_193 = tpu.memref_slice %arg2[%add3A, %dma_start3A_192] : memref<5120x64xi32, #tpu.memory_space<hbm>> -> memref<16x64xi32, #tpu.memory_space<hbm>>
      tpu.enqueue_dma source(%dma_start3A_193 : memref<16x64xi32, #tpu.memory_space<hbm>>) target(%dma_start3A_191 : memref<16x64xi32, #tpu.memory_space<vmem>>) target_semaphore(%run_scoped3A_181 : memref<!tpu.dma_semaphore, #tpu.memory_space<semaphore_mem>>)
      %dma_wait3A_194 = arith.constant 0 : i32
      %dma_wait3A_195 = arith.constant 0 : i32
      %dma_wait3A_196 = tpu.memref_slice %arg6[%run_scoped3A_43, %dma_wait3A_194, %dma_wait3A_195] : memref<2x16x64xi32, #tpu.memory_space<vmem>> -> memref<1x16x64xi32, #tpu.memory_space<vmem>>
      %dma_wait3A_197 = tpu.memref_squeeze %dma_wait3A_196 : memref<1x16x64xi32, #tpu.memory_space<vmem>> -> memref<16x64xi32, #tpu.memory_space<vmem>>
      %dma_wait3A_198 = arith.constant 0 : i32
      %dma_wait3A_199 = tpu.memref_slice %arg2[%add3A, %dma_wait3A_198] : memref<5120x64xi32, #tpu.memory_space<hbm>> -> memref<16x64xi32, #tpu.memory_space<hbm>>
      %dma_wait3A_200 = arith.constant 0 : i32
      %dma_wait3A_201 = arith.constant 0 : i32
      %dma_wait3A_202 = tpu.memref_slice %arg6[%run_scoped3A_43, %dma_wait3A_200, %dma_wait3A_201] : memref<2x16x64xi32, #tpu.memory_space<vmem>> -> memref<1x16x64xi32, #tpu.memory_space<vmem>>
      %dma_wait3A_203 = tpu.memref_squeeze %dma_wait3A_202 : memref<1x16x64xi32, #tpu.memory_space<vmem>> -> memref<16x64xi32, #tpu.memory_space<vmem>>
      %dma_wait3A_204 = arith.constant 0 : i32
      %dma_wait3A_205 = tpu.memref_slice %arg2[%add3A, %dma_wait3A_204] : memref<5120x64xi32, #tpu.memory_space<hbm>> -> memref<16x64xi32, #tpu.memory_space<hbm>>
      tpu.wait_dma2 semaphore(%run_scoped3A_181 : memref<!tpu.dma_semaphore, #tpu.memory_space<semaphore_mem>>) src(%dma_wait3A_205 : memref<16x64xi32, #tpu.memory_space<hbm>>) dst(%dma_wait3A_203 : memref<16x64xi32, #tpu.memory_space<vmem>>)
      tpu.yield
    }) : () -> ()
    %run_scoped3A_44 = arith.constant 0 : i32
    "tpu.region"() ({
      %run_scoped3A_181 = tpu.sem_alloc : memref<!tpu.dma_semaphore, #tpu.memory_space<semaphore_mem>>
      %dma_start3A_182 = arith.constant 0 : i32
      %dma_start3A_183 = arith.constant 0 : i32
      %dma_start3A_184 = tpu.memref_slice %arg7[%run_scoped3A_44, %dma_start3A_182, %dma_start3A_183] : memref<2x16x64xi32, #tpu.memory_space<vmem>> -> memref<1x16x64xi32, #tpu.memory_space<vmem>>
      %dma_start3A_185 = tpu.memref_squeeze %dma_start3A_184 : memref<1x16x64xi32, #tpu.memory_space<vmem>> -> memref<16x64xi32, #tpu.memory_space<vmem>>
      %dma_start3A_186 = arith.constant 0 : i32
      %dma_start3A_187 = tpu.memref_slice %arg3[%add3A, %dma_start3A_186] : memref<5120x64xi32, #tpu.memory_space<hbm>> -> memref<16x64xi32, #tpu.memory_space<hbm>>
      %dma_start3A_188 = arith.constant 0 : i32
      %dma_start3A_189 = arith.constant 0 : i32
      %dma_start3A_190 = tpu.memref_slice %arg7[%run_scoped3A_44, %dma_start3A_188, %dma_start3A_189] : memref<2x16x64xi32, #tpu.memory_space<vmem>> -> memref<1x16x64xi32, #tpu.memory_space<vmem>>
      %dma_start3A_191 = tpu.memref_squeeze %dma_start3A_190 : memref<1x16x64xi32, #tpu.memory_space<vmem>> -> memref<16x64xi32, #tpu.memory_space<vmem>>
      %dma_start3A_192 = arith.constant 0 : i32
      %dma_start3A_193 = tpu.memref_slice %arg3[%add3A, %dma_start3A_192] : memref<5120x64xi32, #tpu.memory_space<hbm>> -> memref<16x64xi32, #tpu.memory_space<hbm>>
      tpu.enqueue_dma source(%dma_start3A_193 : memref<16x64xi32, #tpu.memory_space<hbm>>) target(%dma_start3A_191 : memref<16x64xi32, #tpu.memory_space<vmem>>) target_semaphore(%run_scoped3A_181 : memref<!tpu.dma_semaphore, #tpu.memory_space<semaphore_mem>>)
      %dma_wait3A_194 = arith.constant 0 : i32
      %dma_wait3A_195 = arith.constant 0 : i32
      %dma_wait3A_196 = tpu.memref_slice %arg7[%run_scoped3A_44, %dma_wait3A_194, %dma_wait3A_195] : memref<2x16x64xi32, #tpu.memory_space<vmem>> -> memref<1x16x64xi32, #tpu.memory_space<vmem>>
      %dma_wait3A_197 = tpu.memref_squeeze %dma_wait3A_196 : memref<1x16x64xi32, #tpu.memory_space<vmem>> -> memref<16x64xi32, #tpu.memory_space<vmem>>
      %dma_wait3A_198 = arith.constant 0 : i32
      %dma_wait3A_199 = tpu.memref_slice %arg3[%add3A, %dma_wait3A_198] : memref<5120x64xi32, #tpu.memory_space<hbm>> -> memref<16x64xi32, #tpu.memory_space<hbm>>
      %dma_wait3A_200 = arith.constant 0 : i32
      %dma_wait3A_201 = arith.constant 0 : i32
      %dma_wait3A_202 = tpu.memref_slice %arg7[%run_scoped3A_44, %dma_wait3A_200, %dma_wait3A_201] : memref<2x16x64xi32, #tpu.memory_space<vmem>> -> memref<1x16x64xi32, #tpu.memory_space<vmem>>
      %dma_wait3A_203 = tpu.memref_squeeze %dma_wait3A_202 : memref<1x16x64xi32, #tpu.memory_space<vmem>> -> memref<16x64xi32, #tpu.memory_space<vmem>>
      %dma_wait3A_204 = arith.constant 0 : i32
      %dma_wait3A_205 = tpu.memref_slice %arg3[%add3A, %dma_wait3A_204] : memref<5120x64xi32, #tpu.memory_space<hbm>> -> memref<16x64xi32, #tpu.memory_space<hbm>>
      tpu.wait_dma2 semaphore(%run_scoped3A_181 : memref<!tpu.dma_semaphore, #tpu.memory_space<semaphore_mem>>) src(%dma_wait3A_205 : memref<16x64xi32, #tpu.memory_space<hbm>>) dst(%dma_wait3A_203 : memref<16x64xi32, #tpu.memory_space<vmem>>)
      tpu.yield
    }) : () -> ()
    %add3A_45 = arith.constant 16 : i32
    %add3A_46 = arith.addi %add3A, %add3A_45 : i32
    %dma_start3A = arith.constant 1 : i32
    %dma_start3A_47 = arith.constant 0 : i32
    %dma_start3A_48 = arith.constant 0 : i32
    %dma_start3A_49 = tpu.memref_slice %arg6[%dma_start3A, %dma_start3A_47, %dma_start3A_48] : memref<2x16x64xi32, #tpu.memory_space<vmem>> -> memref<1x16x64xi32, #tpu.memory_space<vmem>>
    %dma_start3A_50 = tpu.memref_squeeze %dma_start3A_49 : memref<1x16x64xi32, #tpu.memory_space<vmem>> -> memref<16x64xi32, #tpu.memory_space<vmem>>
    %dma_start3A_51 = arith.constant 0 : i32
    %dma_start3A_52 = tpu.memref_slice %arg2[%add3A_46, %dma_start3A_51] : memref<5120x64xi32, #tpu.memory_space<hbm>> -> memref<16x64xi32, #tpu.memory_space<hbm>>
    %dma_start3A_53 = arith.constant 0 : i32
    %dma_start3A_54 = arith.constant 0 : i32
    %dma_start3A_55 = tpu.memref_slice %arg6[%dma_start3A, %dma_start3A_53, %dma_start3A_54] : memref<2x16x64xi32, #tpu.memory_space<vmem>> -> memref<1x16x64xi32, #tpu.memory_space<vmem>>
    %dma_start3A_56 = tpu.memref_squeeze %dma_start3A_55 : memref<1x16x64xi32, #tpu.memory_space<vmem>> -> memref<16x64xi32, #tpu.memory_space<vmem>>
    %dma_start3A_57 = arith.constant 0 : i32
    %dma_start3A_58 = tpu.memref_slice %arg2[%add3A_46, %dma_start3A_57] : memref<5120x64xi32, #tpu.memory_space<hbm>> -> memref<16x64xi32, #tpu.memory_space<hbm>>
    tpu.enqueue_dma source(%dma_start3A_58 : memref<16x64xi32, #tpu.memory_space<hbm>>) target(%dma_start3A_56 : memref<16x64xi32, #tpu.memory_space<vmem>>) target_semaphore(%arg12 : memref<!tpu.dma_semaphore, #tpu.memory_space<semaphore_mem>>)
    %add3A_59 = arith.constant 16 : i32
    %add3A_60 = arith.addi %add3A, %add3A_59 : i32
    %dma_start3A_61 = arith.constant 1 : i32
    %dma_start3A_62 = arith.constant 0 : i32
    %dma_start3A_63 = arith.constant 0 : i32
    %dma_start3A_64 = tpu.memref_slice %arg7[%dma_start3A_61, %dma_start3A_62, %dma_start3A_63] : memref<2x16x64xi32, #tpu.memory_space<vmem>> -> memref<1x16x64xi32, #tpu.memory_space<vmem>>
    %dma_start3A_65 = tpu.memref_squeeze %dma_start3A_64 : memref<1x16x64xi32, #tpu.memory_space<vmem>> -> memref<16x64xi32, #tpu.memory_space<vmem>>
    %dma_start3A_66 = arith.constant 0 : i32
    %dma_start3A_67 = tpu.memref_slice %arg3[%add3A_60, %dma_start3A_66] : memref<5120x64xi32, #tpu.memory_space<hbm>> -> memref<16x64xi32, #tpu.memory_space<hbm>>
    %dma_start3A_68 = arith.constant 0 : i32
    %dma_start3A_69 = arith.constant 0 : i32
    %dma_start3A_70 = tpu.memref_slice %arg7[%dma_start3A_61, %dma_start3A_68, %dma_start3A_69] : memref<2x16x64xi32, #tpu.memory_space<vmem>> -> memref<1x16x64xi32, #tpu.memory_space<vmem>>
    %dma_start3A_71 = tpu.memref_squeeze %dma_start3A_70 : memref<1x16x64xi32, #tpu.memory_space<vmem>> -> memref<16x64xi32, #tpu.memory_space<vmem>>
    %dma_start3A_72 = arith.constant 0 : i32
    %dma_start3A_73 = tpu.memref_slice %arg3[%add3A_60, %dma_start3A_72] : memref<5120x64xi32, #tpu.memory_space<hbm>> -> memref<16x64xi32, #tpu.memory_space<hbm>>
    tpu.enqueue_dma source(%dma_start3A_73 : memref<16x64xi32, #tpu.memory_space<hbm>>) target(%dma_start3A_71 : memref<16x64xi32, #tpu.memory_space<vmem>>) target_semaphore(%arg12 : memref<!tpu.dma_semaphore, #tpu.memory_space<semaphore_mem>>)
    %dma_start3A_74 = arith.constant 0 : i32
    %dma_start3A_75 = arith.constant 0 : i32
    %dma_start3A_76 = arith.constant 0 : i32
    %dma_start3A_77 = arith.constant 0 : i32
    %dma_start3A_78 = arith.constant 0 : i32
    %dma_start3A_79 = arith.constant 0 : i32
    %dma_start3A_80 = tpu.memref_slice %arg8[%dma_start3A_76, %dma_start3A_78, %dma_start3A_79] : memref<4x64x128xf32, #tpu.memory_space<vmem>> -> memref<1x64x128xf32, #tpu.memory_space<vmem>>
    %dma_start3A_81 = tpu.memref_squeeze %dma_start3A_80 : memref<1x64x128xf32, #tpu.memory_space<vmem>> -> memref<64x128xf32, #tpu.memory_space<vmem>>
    %dma_start3A_82 = arith.constant 0 : i32
    %dma_start3A_83 = tpu.memref_slice %arg6[%dma_start3A_74, %dma_start3A_75, %dma_start3A_82] : memref<2x16x64xi32, #tpu.memory_space<vmem>> -> memref<1x1x64xi32, #tpu.memory_space<vmem>>
    %dma_start3A_84 = tpu.memref_squeeze %dma_start3A_83 : memref<1x1x64xi32, #tpu.memory_space<vmem>> -> memref<64xi32, #tpu.memory_space<vmem>>
    %dma_start3A_85 = arith.constant 0 : i32
    %dma_start3A_86 = arith.constant 0 : i32
    %dma_start3A_87 = tpu.memref_slice %arg4[%dma_start3A_85, %dma_start3A_86] : memref<10000x128xf32, #tpu.memory_space<hbm>> -> memref<10000x128xf32, #tpu.memory_space<hbm>>
    %dma_start3A_88 = tpu.memref_slice %arg10[%dma_start3A_77] : memref<4x!tpu.dma_semaphore, #tpu.memory_space<semaphore_mem>> -> memref<1x!tpu.dma_semaphore, #tpu.memory_space<semaphore_mem>>
    %dma_start3A_89 = tpu.memref_squeeze %dma_start3A_88 : memref<1x!tpu.dma_semaphore, #tpu.memory_space<semaphore_mem>> -> memref<!tpu.dma_semaphore, #tpu.memory_space<semaphore_mem>>
    tpu.enqueue_indirect_dma source(%dma_start3A_87 : memref<10000x128xf32, #tpu.memory_space<hbm>>) target(%dma_start3A_81 : memref<64x128xf32, #tpu.memory_space<vmem>>) offsets(%dma_start3A_84 : memref<64xi32, #tpu.memory_space<vmem>>) semaphore(%dma_start3A_89 : memref<!tpu.dma_semaphore, #tpu.memory_space<semaphore_mem>>)
    %dma_start3A_90 = arith.constant 0 : i32
    %dma_start3A_91 = arith.constant 1 : i32
    %dma_start3A_92 = arith.constant 1 : i32
    %dma_start3A_93 = arith.constant 1 : i32
    %dma_start3A_94 = arith.constant 0 : i32
    %dma_start3A_95 = arith.constant 0 : i32
    %dma_start3A_96 = tpu.memref_slice %arg8[%dma_start3A_92, %dma_start3A_94, %dma_start3A_95] : memref<4x64x128xf32, #tpu.memory_space<vmem>> -> memref<1x64x128xf32, #tpu.memory_space<vmem>>
    %dma_start3A_97 = tpu.memref_squeeze %dma_start3A_96 : memref<1x64x128xf32, #tpu.memory_space<vmem>> -> memref<64x128xf32, #tpu.memory_space<vmem>>
    %dma_start3A_98 = arith.constant 0 : i32
    %dma_start3A_99 = tpu.memref_slice %arg6[%dma_start3A_90, %dma_start3A_91, %dma_start3A_98] : memref<2x16x64xi32, #tpu.memory_space<vmem>> -> memref<1x1x64xi32, #tpu.memory_space<vmem>>
    %dma_start3A_100 = tpu.memref_squeeze %dma_start3A_99 : memref<1x1x64xi32, #tpu.memory_space<vmem>> -> memref<64xi32, #tpu.memory_space<vmem>>
    %dma_start3A_101 = arith.constant 0 : i32
    %dma_start3A_102 = arith.constant 0 : i32
    %dma_start3A_103 = tpu.memref_slice %arg4[%dma_start3A_101, %dma_start3A_102] : memref<10000x128xf32, #tpu.memory_space<hbm>> -> memref<10000x128xf32, #tpu.memory_space<hbm>>
    %dma_start3A_104 = tpu.memref_slice %arg10[%dma_start3A_93] : memref<4x!tpu.dma_semaphore, #tpu.memory_space<semaphore_mem>> -> memref<1x!tpu.dma_semaphore, #tpu.memory_space<semaphore_mem>>
    %dma_start3A_105 = tpu.memref_squeeze %dma_start3A_104 : memref<1x!tpu.dma_semaphore, #tpu.memory_space<semaphore_mem>> -> memref<!tpu.dma_semaphore, #tpu.memory_space<semaphore_mem>>
    tpu.enqueue_indirect_dma source(%dma_start3A_103 : memref<10000x128xf32, #tpu.memory_space<hbm>>) target(%dma_start3A_97 : memref<64x128xf32, #tpu.memory_space<vmem>>) offsets(%dma_start3A_100 : memref<64xi32, #tpu.memory_space<vmem>>) semaphore(%dma_start3A_105 : memref<!tpu.dma_semaphore, #tpu.memory_space<semaphore_mem>>)
    %while3A = arith.constant 0 : i32
    %while3A_106 = arith.constant 0 : i32
    %while3A_107 = arith.subi %select_n3A, %while3A : i32
    %while3A_108 = arith.addi %while3A, %while3A_107 : i32
    %while3A_109 = arith.constant 1 : i32
    %while3A_110 = arith.divsi %while3A_107, %while3A_109 : i32
    %while3A_111 = arith.muli %while3A_110, %while3A_109 : i32
    %while3A_112 = arith.addi %while3A, %while3A_111 : i32
    %while3A_113 = arith.constant 1 : i32
    %while3A_114 = scf.for %while3A_181 = %while3A to %while3A_112 step %while3A_113 iter_args(%while3A_182 = %while3A_106) -> (i32)  : i32 {
      %rem3A = arith.constant 4 : i32
      %rem3A_183 = arith.remsi %while3A_181, %rem3A : i32
      %jit3A_184 = arith.constant 16 : i32
      %div3A = arith.divsi %while3A_181, %jit3A_184 : i32
      %sign3A = arith.constant 0 : i32
      %sign3A_185 = arith.cmpi sgt, %while3A_181, %sign3A : i32
      %sign3A_186 = arith.extui %sign3A_185 : i1 to i32
      %sign3A_187 = arith.constant 0 : i32
      %sign3A_188 = arith.cmpi slt, %while3A_181, %sign3A_187 : i32
      %sign3A_189 = arith.extui %sign3A_188 : i1 to i32
      %sign3A_190 = arith.subi %sign3A_186, %sign3A_189 : i32
      %sign3A_191 = arith.constant 0 : i32
      %sign3A_192 = arith.cmpi sgt, %jit3A_184, %sign3A_191 : i32
      %sign3A_193 = arith.extui %sign3A_192 : i1 to i32
      %sign3A_194 = arith.constant 0 : i32
      %sign3A_195 = arith.cmpi slt, %jit3A_184, %sign3A_194 : i32
      %sign3A_196 = arith.extui %sign3A_195 : i1 to i32
      %sign3A_197 = arith.subi %sign3A_193, %sign3A_196 : i32
      %ne3A = arith.cmpi ne, %sign3A_190, %sign3A_197 : i32
      %rem3A_198 = arith.remsi %while3A_181, %jit3A_184 : i32
      %ne3A_199 = arith.constant 0 : i32
      %ne3A_200 = arith.cmpi ne, %rem3A_198, %ne3A_199 : i32
      %and3A = arith.andi %ne3A, %ne3A_200 : i1
      %sub3A = arith.constant 1 : i32
      %sub3A_201 = arith.subi %div3A, %sub3A : i32
      %select_n3A_202 = arith.select %and3A, %sub3A_201, %div3A : i32
      %mul3A_203 = arith.constant 16 : i32
      %mul3A_204 = arith.muli %select_n3A_202, %mul3A_203 : i32
      %sub3A_205 = arith.subi %while3A_181, %mul3A_204 : i32
      %rem3A_206 = arith.constant 2 : i32
      %rem3A_207 = arith.remsi %select_n3A_202, %rem3A_206 : i32
      %add3A_208 = arith.constant 2 : i32
      %add3A_209 = arith.addi %while3A_181, %add3A_208 : i32
      %jit3A_210 = arith.constant 16 : i32
      %div3A_211 = arith.divsi %add3A_209, %jit3A_210 : i32
      %sign3A_212 = arith.constant 0 : i32
      %sign3A_213 = arith.cmpi sgt, %add3A_209, %sign3A_212 : i32
      %sign3A_214 = arith.extui %sign3A_213 : i1 to i32
      %sign3A_215 = arith.constant 0 : i32
      %sign3A_216 = arith.cmpi slt, %add3A_209, %sign3A_215 : i32
      %sign3A_217 = arith.extui %sign3A_216 : i1 to i32
      %sign3A_218 = arith.subi %sign3A_214, %sign3A_217 : i32
      %sign3A_219 = arith.constant 0 : i32
      %sign3A_220 = arith.cmpi sgt, %jit3A_210, %sign3A_219 : i32
      %sign3A_221 = arith.extui %sign3A_220 : i1 to i32
      %sign3A_222 = arith.constant 0 : i32
      %sign3A_223 = arith.cmpi slt, %jit3A_210, %sign3A_222 : i32
      %sign3A_224 = arith.extui %sign3A_223 : i1 to i32
      %sign3A_225 = arith.subi %sign3A_221, %sign3A_224 : i32
      %ne3A_226 = arith.cmpi ne, %sign3A_218, %sign3A_225 : i32
      %rem3A_227 = arith.remsi %add3A_209, %jit3A_210 : i32
      %ne3A_228 = arith.constant 0 : i32
      %ne3A_229 = arith.cmpi ne, %rem3A_227, %ne3A_228 : i32
      %and3A_230 = arith.andi %ne3A_226, %ne3A_229 : i1
      %sub3A_231 = arith.constant 1 : i32
      %sub3A_232 = arith.subi %div3A_211, %sub3A_231 : i32
      %select_n3A_233 = arith.select %and3A_230, %sub3A_232, %div3A_211 : i32
      %mul3A_234 = arith.constant 16 : i32
      %mul3A_235 = arith.muli %select_n3A_233, %mul3A_234 : i32
      %sub3A_236 = arith.subi %add3A_209, %mul3A_235 : i32
      %rem3A_237 = arith.constant 2 : i32
      %rem3A_238 = arith.remsi %select_n3A_233, %rem3A_237 : i32
      %dma_wait3A_239 = arith.constant 0 : i32
      %dma_wait3A_240 = arith.constant 0 : i32
      %dma_wait3A_241 = tpu.memref_slice %arg8[%rem3A_183, %dma_wait3A_239, %dma_wait3A_240] : memref<4x64x128xf32, #tpu.memory_space<vmem>> -> memref<1x64x128xf32, #tpu.memory_space<vmem>>
      %dma_wait3A_242 = tpu.memref_squeeze %dma_wait3A_241 : memref<1x64x128xf32, #tpu.memory_space<vmem>> -> memref<64x128xf32, #tpu.memory_space<vmem>>
      %dma_wait3A_243 = arith.constant 0 : i32
      %dma_wait3A_244 = tpu.memref_slice %arg6[%rem3A_207, %sub3A_205, %dma_wait3A_243] : memref<2x16x64xi32, #tpu.memory_space<vmem>> -> memref<1x1x64xi32, #tpu.memory_space<vmem>>
      %dma_wait3A_245 = tpu.memref_squeeze %dma_wait3A_244 : memref<1x1x64xi32, #tpu.memory_space<vmem>> -> memref<64xi32, #tpu.memory_space<vmem>>
      %dma_wait3A_246 = arith.constant 0 : i32
      %dma_wait3A_247 = arith.constant 0 : i32
      %dma_wait3A_248 = tpu.memref_slice %arg4[%dma_wait3A_246, %dma_wait3A_247] : memref<10000x128xf32, #tpu.memory_space<hbm>> -> memref<10000x128xf32, #tpu.memory_space<hbm>>
      %dma_wait3A_249 = tpu.memref_slice %arg10[%rem3A_183] : memref<4x!tpu.dma_semaphore, #tpu.memory_space<semaphore_mem>> -> memref<1x!tpu.dma_semaphore, #tpu.memory_space<semaphore_mem>>
      %dma_wait3A_250 = tpu.memref_squeeze %dma_wait3A_249 : memref<1x!tpu.dma_semaphore, #tpu.memory_space<semaphore_mem>> -> memref<!tpu.dma_semaphore, #tpu.memory_space<semaphore_mem>>
      tpu.wait_indirect_dma semaphore(%dma_wait3A_250 : memref<!tpu.dma_semaphore, #tpu.memory_space<semaphore_mem>>) src(%dma_wait3A_248 : memref<10000x128xf32, #tpu.memory_space<hbm>>) dst(%dma_wait3A_242 : memref<64x128xf32, #tpu.memory_space<vmem>>)
      %dma_start3A_251 = arith.constant 0 : i32
      %dma_start3A_252 = arith.constant 0 : i32
      %dma_start3A_253 = tpu.memref_slice %arg8[%rem3A_183, %dma_start3A_251, %dma_start3A_252] : memref<4x64x128xf32, #tpu.memory_space<vmem>> -> memref<1x64x128xf32, #tpu.memory_space<vmem>>
      %dma_start3A_254 = tpu.memref_squeeze %dma_start3A_253 : memref<1x64x128xf32, #tpu.memory_space<vmem>> -> memref<64x128xf32, #tpu.memory_space<vmem>>
      %dma_start3A_255 = arith.constant 0 : i32
      %dma_start3A_256 = tpu.memref_slice %arg7[%rem3A_207, %sub3A_205, %dma_start3A_255] : memref<2x16x64xi32, #tpu.memory_space<vmem>> -> memref<1x1x64xi32, #tpu.memory_space<vmem>>
      %dma_start3A_257 = tpu.memref_squeeze %dma_start3A_256 : memref<1x1x64xi32, #tpu.memory_space<vmem>> -> memref<64xi32, #tpu.memory_space<vmem>>
      %dma_start3A_258 = arith.constant 0 : i32
      %dma_start3A_259 = arith.constant 0 : i32
      %dma_start3A_260 = tpu.memref_slice %arg9[%dma_start3A_258, %dma_start3A_259] : memref<10240x128xf32, #tpu.memory_space<vmem_shared>> -> memref<10240x128xf32, #tpu.memory_space<vmem_shared>>
      %dma_start3A_261 = tpu.memref_slice %arg11[%rem3A_183] : memref<4x!tpu.dma_semaphore, #tpu.memory_space<semaphore_mem>> -> memref<1x!tpu.dma_semaphore, #tpu.memory_space<semaphore_mem>>
      %dma_start3A_262 = tpu.memref_squeeze %dma_start3A_261 : memref<1x!tpu.dma_semaphore, #tpu.memory_space<semaphore_mem>> -> memref<!tpu.dma_semaphore, #tpu.memory_space<semaphore_mem>>
      tpu.enqueue_indirect_dma source(%dma_start3A_254 : memref<64x128xf32, #tpu.memory_space<vmem>>) target(%dma_start3A_260 : memref<10240x128xf32, #tpu.memory_space<vmem_shared>>) offsets(%dma_start3A_257 : memref<64xi32, #tpu.memory_space<vmem>>) semaphore(%dma_start3A_262 : memref<!tpu.dma_semaphore, #tpu.memory_space<semaphore_mem>>) {add = true}
      %lt3A = arith.cmpi slt, %add3A_209, %select_n3A : i32
      %convert_element_type3A = arith.extui %lt3A : i1 to i32
      %cond3A = arith.constant 0 : i32
      %cond3A_263 = arith.cmpi ne, %convert_element_type3A, %cond3A : i32
      scf.if %cond3A_263 {
        %eq3A_265 = arith.constant 0 : i32
        %eq3A_266 = arith.cmpi eq, %sub3A_236, %eq3A_265 : i32
        %convert_element_type3A_267 = arith.extui %eq3A_266 : i1 to i32
        %cond3A_268 = arith.constant 0 : i32
        %cond3A_269 = arith.cmpi ne, %convert_element_type3A_267, %cond3A_268 : i32
        scf.if %cond3A_269 {
          %dma_wait3A_299 = arith.constant 0 : i32
          %dma_wait3A_300 = arith.constant 0 : i32
          %dma_wait3A_301 = tpu.memref_slice %arg6[%rem3A_238, %dma_wait3A_299, %dma_wait3A_300] : memref<2x16x64xi32, #tpu.memory_space<vmem>> -> memref<1x16x64xi32, #tpu.memory_space<vmem>>
          %dma_wait3A_302 = tpu.memref_squeeze %dma_wait3A_301 : memref<1x16x64xi32, #tpu.memory_space<vmem>> -> memref<16x64xi32, #tpu.memory_space<vmem>>
          %dma_wait3A_303 = arith.constant 0 : i32
          %dma_wait3A_304 = tpu.memref_slice %arg2[%add3A, %dma_wait3A_303] : memref<5120x64xi32, #tpu.memory_space<hbm>> -> memref<16x64xi32, #tpu.memory_space<hbm>>
          %dma_wait3A_305 = arith.constant 0 : i32
          %dma_wait3A_306 = arith.constant 0 : i32
          %dma_wait3A_307 = tpu.memref_slice %arg6[%rem3A_238, %dma_wait3A_305, %dma_wait3A_306] : memref<2x16x64xi32, #tpu.memory_space<vmem>> -> memref<1x16x64xi32, #tpu.memory_space<vmem>>
          %dma_wait3A_308 = tpu.memref_squeeze %dma_wait3A_307 : memref<1x16x64xi32, #tpu.memory_space<vmem>> -> memref<16x64xi32, #tpu.memory_space<vmem>>
          %dma_wait3A_309 = arith.constant 0 : i32
          %dma_wait3A_310 = tpu.memref_slice %arg2[%add3A, %dma_wait3A_309] : memref<5120x64xi32, #tpu.memory_space<hbm>> -> memref<16x64xi32, #tpu.memory_space<hbm>>
          tpu.wait_dma2 semaphore(%arg12 : memref<!tpu.dma_semaphore, #tpu.memory_space<semaphore_mem>>) src(%dma_wait3A_310 : memref<16x64xi32, #tpu.memory_space<hbm>>) dst(%dma_wait3A_308 : memref<16x64xi32, #tpu.memory_space<vmem>>)
          %dma_wait3A_311 = arith.constant 0 : i32
          %dma_wait3A_312 = arith.constant 0 : i32
          %dma_wait3A_313 = tpu.memref_slice %arg7[%rem3A_238, %dma_wait3A_311, %dma_wait3A_312] : memref<2x16x64xi32, #tpu.memory_space<vmem>> -> memref<1x16x64xi32, #tpu.memory_space<vmem>>
          %dma_wait3A_314 = tpu.memref_squeeze %dma_wait3A_313 : memref<1x16x64xi32, #tpu.memory_space<vmem>> -> memref<16x64xi32, #tpu.memory_space<vmem>>
          %dma_wait3A_315 = arith.constant 0 : i32
          %dma_wait3A_316 = tpu.memref_slice %arg3[%add3A, %dma_wait3A_315] : memref<5120x64xi32, #tpu.memory_space<hbm>> -> memref<16x64xi32, #tpu.memory_space<hbm>>
          %dma_wait3A_317 = arith.constant 0 : i32
          %dma_wait3A_318 = arith.constant 0 : i32
          %dma_wait3A_319 = tpu.memref_slice %arg7[%rem3A_238, %dma_wait3A_317, %dma_wait3A_318] : memref<2x16x64xi32, #tpu.memory_space<vmem>> -> memref<1x16x64xi32, #tpu.memory_space<vmem>>
          %dma_wait3A_320 = tpu.memref_squeeze %dma_wait3A_319 : memref<1x16x64xi32, #tpu.memory_space<vmem>> -> memref<16x64xi32, #tpu.memory_space<vmem>>
          %dma_wait3A_321 = arith.constant 0 : i32
          %dma_wait3A_322 = tpu.memref_slice %arg3[%add3A, %dma_wait3A_321] : memref<5120x64xi32, #tpu.memory_space<hbm>> -> memref<16x64xi32, #tpu.memory_space<hbm>>
          tpu.wait_dma2 semaphore(%arg12 : memref<!tpu.dma_semaphore, #tpu.memory_space<semaphore_mem>>) src(%dma_wait3A_322 : memref<16x64xi32, #tpu.memory_space<hbm>>) dst(%dma_wait3A_320 : memref<16x64xi32, #tpu.memory_space<vmem>>)
        } else {
        }
        %eq3A_270 = arith.constant 4 : i32
        %eq3A_271 = arith.cmpi eq, %sub3A_236, %eq3A_270 : i32
        %add3A_272 = arith.constant 1 : i32
        %add3A_273 = arith.addi %select_n3A_233, %add3A_272 : i32
        %mul3A_274 = arith.constant 16 : i32
        %mul3A_275 = arith.muli %add3A_273, %mul3A_274 : i32
        %lt3A_276 = arith.cmpi slt, %mul3A_275, %select_n3A : i32
        %and3A_277 = arith.andi %eq3A_271, %lt3A_276 : i1
        %convert_element_type3A_278 = arith.extui %and3A_277 : i1 to i32
        %cond3A_279 = arith.constant 0 : i32
        %cond3A_280 = arith.cmpi ne, %convert_element_type3A_278, %cond3A_279 : i32
        scf.if %cond3A_280 {
          %add3A_299 = arith.constant 1 : i32
          %add3A_300 = arith.addi %select_n3A_233, %add3A_299 : i32
          %rem3A_301 = arith.constant 2 : i32
          %rem3A_302 = arith.remsi %add3A_300, %rem3A_301 : i32
          %add3A_303 = arith.constant 1 : i32
          %add3A_304 = arith.addi %select_n3A_233, %add3A_303 : i32
          %mul3A_305 = arith.constant 16 : i32
          %mul3A_306 = arith.muli %add3A_304, %mul3A_305 : i32
          %add3A_307 = arith.addi %add3A, %mul3A_306 : i32
          %dma_start3A_308 = arith.constant 0 : i32
          %dma_start3A_309 = arith.constant 0 : i32
          %dma_start3A_310 = tpu.memref_slice %arg6[%rem3A_302, %dma_start3A_308, %dma_start3A_309] : memref<2x16x64xi32, #tpu.memory_space<vmem>> -> memref<1x16x64xi32, #tpu.memory_space<vmem>>
          %dma_start3A_311 = tpu.memref_squeeze %dma_start3A_310 : memref<1x16x64xi32, #tpu.memory_space<vmem>> -> memref<16x64xi32, #tpu.memory_space<vmem>>
          %dma_start3A_312 = arith.constant 0 : i32
          %dma_start3A_313 = tpu.memref_slice %arg2[%add3A_307, %dma_start3A_312] : memref<5120x64xi32, #tpu.memory_space<hbm>> -> memref<16x64xi32, #tpu.memory_space<hbm>>
          %dma_start3A_314 = arith.constant 0 : i32
          %dma_start3A_315 = arith.constant 0 : i32
          %dma_start3A_316 = tpu.memref_slice %arg6[%rem3A_302, %dma_start3A_314, %dma_start3A_315] : memref<2x16x64xi32, #tpu.memory_space<vmem>> -> memref<1x16x64xi32, #tpu.memory_space<vmem>>
          %dma_start3A_317 = tpu.memref_squeeze %dma_start3A_316 : memref<1x16x64xi32, #tpu.memory_space<vmem>> -> memref<16x64xi32, #tpu.memory_space<vmem>>
          %dma_start3A_318 = arith.constant 0 : i32
          %dma_start3A_319 = tpu.memref_slice %arg2[%add3A_307, %dma_start3A_318] : memref<5120x64xi32, #tpu.memory_space<hbm>> -> memref<16x64xi32, #tpu.memory_space<hbm>>
          tpu.enqueue_dma source(%dma_start3A_319 : memref<16x64xi32, #tpu.memory_space<hbm>>) target(%dma_start3A_317 : memref<16x64xi32, #tpu.memory_space<vmem>>) target_semaphore(%arg12 : memref<!tpu.dma_semaphore, #tpu.memory_space<semaphore_mem>>)
          %add3A_320 = arith.constant 1 : i32
          %add3A_321 = arith.addi %select_n3A_233, %add3A_320 : i32
          %mul3A_322 = arith.constant 16 : i32
          %mul3A_323 = arith.muli %add3A_321, %mul3A_322 : i32
          %add3A_324 = arith.addi %add3A, %mul3A_323 : i32
          %dma_start3A_325 = arith.constant 0 : i32
          %dma_start3A_326 = arith.constant 0 : i32
          %dma_start3A_327 = tpu.memref_slice %arg7[%rem3A_302, %dma_start3A_325, %dma_start3A_326] : memref<2x16x64xi32, #tpu.memory_space<vmem>> -> memref<1x16x64xi32, #tpu.memory_space<vmem>>
          %dma_start3A_328 = tpu.memref_squeeze %dma_start3A_327 : memref<1x16x64xi32, #tpu.memory_space<vmem>> -> memref<16x64xi32, #tpu.memory_space<vmem>>
          %dma_start3A_329 = arith.constant 0 : i32
          %dma_start3A_330 = tpu.memref_slice %arg3[%add3A_324, %dma_start3A_329] : memref<5120x64xi32, #tpu.memory_space<hbm>> -> memref<16x64xi32, #tpu.memory_space<hbm>>
          %dma_start3A_331 = arith.constant 0 : i32
          %dma_start3A_332 = arith.constant 0 : i32
          %dma_start3A_333 = tpu.memref_slice %arg7[%rem3A_302, %dma_start3A_331, %dma_start3A_332] : memref<2x16x64xi32, #tpu.memory_space<vmem>> -> memref<1x16x64xi32, #tpu.memory_space<vmem>>
          %dma_start3A_334 = tpu.memref_squeeze %dma_start3A_333 : memref<1x16x64xi32, #tpu.memory_space<vmem>> -> memref<16x64xi32, #tpu.memory_space<vmem>>
          %dma_start3A_335 = arith.constant 0 : i32
          %dma_start3A_336 = tpu.memref_slice %arg3[%add3A_324, %dma_start3A_335] : memref<5120x64xi32, #tpu.memory_space<hbm>> -> memref<16x64xi32, #tpu.memory_space<hbm>>
          tpu.enqueue_dma source(%dma_start3A_336 : memref<16x64xi32, #tpu.memory_space<hbm>>) target(%dma_start3A_334 : memref<16x64xi32, #tpu.memory_space<vmem>>) target_semaphore(%arg12 : memref<!tpu.dma_semaphore, #tpu.memory_space<semaphore_mem>>)
        } else {
        }
        %rem3A_281 = arith.constant 4 : i32
        %rem3A_282 = arith.remsi %add3A_209, %rem3A_281 : i32
        %ge3A = arith.constant 2 : i32
        %ge3A_283 = arith.cmpi sge, %while3A_181, %ge3A : i32
        %convert_element_type3A_284 = arith.extui %ge3A_283 : i1 to i32
        %cond3A_285 = arith.constant 0 : i32
        %cond3A_286 = arith.cmpi ne, %convert_element_type3A_284, %cond3A_285 : i32
        scf.if %cond3A_286 {
          %dma_wait3A_299 = arith.constant 0 : i32
          %dma_wait3A_300 = arith.constant 0 : i32
          %dma_wait3A_301 = tpu.memref_slice %arg8[%rem3A_282, %dma_wait3A_299, %dma_wait3A_300] : memref<4x64x128xf32, #tpu.memory_space<vmem>> -> memref<1x64x128xf32, #tpu.memory_space<vmem>>
          %dma_wait3A_302 = tpu.memref_squeeze %dma_wait3A_301 : memref<1x64x128xf32, #tpu.memory_space<vmem>> -> memref<64x128xf32, #tpu.memory_space<vmem>>
          %dma_wait3A_303 = arith.constant 0 : i32
          %dma_wait3A_304 = tpu.memref_slice %arg7[%rem3A_207, %sub3A_205, %dma_wait3A_303] : memref<2x16x64xi32, #tpu.memory_space<vmem>> -> memref<1x1x64xi32, #tpu.memory_space<vmem>>
          %dma_wait3A_305 = tpu.memref_squeeze %dma_wait3A_304 : memref<1x1x64xi32, #tpu.memory_space<vmem>> -> memref<64xi32, #tpu.memory_space<vmem>>
          %dma_wait3A_306 = arith.constant 0 : i32
          %dma_wait3A_307 = arith.constant 0 : i32
          %dma_wait3A_308 = tpu.memref_slice %arg9[%dma_wait3A_306, %dma_wait3A_307] : memref<10240x128xf32, #tpu.memory_space<vmem_shared>> -> memref<10240x128xf32, #tpu.memory_space<vmem_shared>>
          %dma_wait3A_309 = tpu.memref_slice %arg11[%rem3A_282] : memref<4x!tpu.dma_semaphore, #tpu.memory_space<semaphore_mem>> -> memref<1x!tpu.dma_semaphore, #tpu.memory_space<semaphore_mem>>
          %dma_wait3A_310 = tpu.memref_squeeze %dma_wait3A_309 : memref<1x!tpu.dma_semaphore, #tpu.memory_space<semaphore_mem>> -> memref<!tpu.dma_semaphore, #tpu.memory_space<semaphore_mem>>
          tpu.wait_indirect_dma semaphore(%dma_wait3A_310 : memref<!tpu.dma_semaphore, #tpu.memory_space<semaphore_mem>>) src(%dma_wait3A_302 : memref<64x128xf32, #tpu.memory_space<vmem>>) dst(%dma_wait3A_308 : memref<10240x128xf32, #tpu.memory_space<vmem_shared>>)
        } else {
        }
        %dma_start3A_287 = arith.constant 0 : i32
        %dma_start3A_288 = arith.constant 0 : i32
        %dma_start3A_289 = tpu.memref_slice %arg8[%rem3A_282, %dma_start3A_287, %dma_start3A_288] : memref<4x64x128xf32, #tpu.memory_space<vmem>> -> memref<1x64x128xf32, #tpu.memory_space<vmem>>
        %dma_start3A_290 = tpu.memref_squeeze %dma_start3A_289 : memref<1x64x128xf32, #tpu.memory_space<vmem>> -> memref<64x128xf32, #tpu.memory_space<vmem>>
        %dma_start3A_291 = arith.constant 0 : i32
        %dma_start3A_292 = tpu.memref_slice %arg6[%rem3A_238, %sub3A_236, %dma_start3A_291] : memref<2x16x64xi32, #tpu.memory_space<vmem>> -> memref<1x1x64xi32, #tpu.memory_space<vmem>>
        %dma_start3A_293 = tpu.memref_squeeze %dma_start3A_292 : memref<1x1x64xi32, #tpu.memory_space<vmem>> -> memref<64xi32, #tpu.memory_space<vmem>>
        %dma_start3A_294 = arith.constant 0 : i32
        %dma_start3A_295 = arith.constant 0 : i32
        %dma_start3A_296 = tpu.memref_slice %arg4[%dma_start3A_294, %dma_start3A_295] : memref<10000x128xf32, #tpu.memory_space<hbm>> -> memref<10000x128xf32, #tpu.memory_space<hbm>>
        %dma_start3A_297 = tpu.memref_slice %arg10[%rem3A_282] : memref<4x!tpu.dma_semaphore, #tpu.memory_space<semaphore_mem>> -> memref<1x!tpu.dma_semaphore, #tpu.memory_space<semaphore_mem>>
        %dma_start3A_298 = tpu.memref_squeeze %dma_start3A_297 : memref<1x!tpu.dma_semaphore, #tpu.memory_space<semaphore_mem>> -> memref<!tpu.dma_semaphore, #tpu.memory_space<semaphore_mem>>
        tpu.enqueue_indirect_dma source(%dma_start3A_296 : memref<10000x128xf32, #tpu.memory_space<hbm>>) target(%dma_start3A_290 : memref<64x128xf32, #tpu.memory_space<vmem>>) offsets(%dma_start3A_293 : memref<64xi32, #tpu.memory_space<vmem>>) semaphore(%dma_start3A_298 : memref<!tpu.dma_semaphore, #tpu.memory_space<semaphore_mem>>)
      } else {
      }
      %while3A_264 = arith.constant 0 : i32
      scf.yield %while3A_264 : i32
    }
    %while3A_115 = arith.constant 1 : i32
    %while3A_116 = scf.for %while3A_181 = %while3A_112 to %while3A_108 step %while3A_115 iter_args(%while3A_182 = %while3A_114) -> (i32)  : i32 {
      %rem3A = arith.constant 4 : i32
      %rem3A_183 = arith.remsi %while3A_181, %rem3A : i32
      %jit3A_184 = arith.constant 16 : i32
      %div3A = arith.divsi %while3A_181, %jit3A_184 : i32
      %sign3A = arith.constant 0 : i32
      %sign3A_185 = arith.cmpi sgt, %while3A_181, %sign3A : i32
      %sign3A_186 = arith.extui %sign3A_185 : i1 to i32
      %sign3A_187 = arith.constant 0 : i32
      %sign3A_188 = arith.cmpi slt, %while3A_181, %sign3A_187 : i32
      %sign3A_189 = arith.extui %sign3A_188 : i1 to i32
      %sign3A_190 = arith.subi %sign3A_186, %sign3A_189 : i32
      %sign3A_191 = arith.constant 0 : i32
      %sign3A_192 = arith.cmpi sgt, %jit3A_184, %sign3A_191 : i32
      %sign3A_193 = arith.extui %sign3A_192 : i1 to i32
      %sign3A_194 = arith.constant 0 : i32
      %sign3A_195 = arith.cmpi slt, %jit3A_184, %sign3A_194 : i32
      %sign3A_196 = arith.extui %sign3A_195 : i1 to i32
      %sign3A_197 = arith.subi %sign3A_193, %sign3A_196 : i32
      %ne3A = arith.cmpi ne, %sign3A_190, %sign3A_197 : i32
      %rem3A_198 = arith.remsi %while3A_181, %jit3A_184 : i32
      %ne3A_199 = arith.constant 0 : i32
      %ne3A_200 = arith.cmpi ne, %rem3A_198, %ne3A_199 : i32
      %and3A = arith.andi %ne3A, %ne3A_200 : i1
      %sub3A = arith.constant 1 : i32
      %sub3A_201 = arith.subi %div3A, %sub3A : i32
      %select_n3A_202 = arith.select %and3A, %sub3A_201, %div3A : i32
      %mul3A_203 = arith.constant 16 : i32
      %mul3A_204 = arith.muli %select_n3A_202, %mul3A_203 : i32
      %sub3A_205 = arith.subi %while3A_181, %mul3A_204 : i32
      %rem3A_206 = arith.constant 2 : i32
      %rem3A_207 = arith.remsi %select_n3A_202, %rem3A_206 : i32
      %add3A_208 = arith.constant 2 : i32
      %add3A_209 = arith.addi %while3A_181, %add3A_208 : i32
      %jit3A_210 = arith.constant 16 : i32
      %div3A_211 = arith.divsi %add3A_209, %jit3A_210 : i32
      %sign3A_212 = arith.constant 0 : i32
      %sign3A_213 = arith.cmpi sgt, %add3A_209, %sign3A_212 : i32
      %sign3A_214 = arith.extui %sign3A_213 : i1 to i32
      %sign3A_215 = arith.constant 0 : i32
      %sign3A_216 = arith.cmpi slt, %add3A_209, %sign3A_215 : i32
      %sign3A_217 = arith.extui %sign3A_216 : i1 to i32
      %sign3A_218 = arith.subi %sign3A_214, %sign3A_217 : i32
      %sign3A_219 = arith.constant 0 : i32
      %sign3A_220 = arith.cmpi sgt, %jit3A_210, %sign3A_219 : i32
      %sign3A_221 = arith.extui %sign3A_220 : i1 to i32
      %sign3A_222 = arith.constant 0 : i32
      %sign3A_223 = arith.cmpi slt, %jit3A_210, %sign3A_222 : i32
      %sign3A_224 = arith.extui %sign3A_223 : i1 to i32
      %sign3A_225 = arith.subi %sign3A_221, %sign3A_224 : i32
      %ne3A_226 = arith.cmpi ne, %sign3A_218, %sign3A_225 : i32
      %rem3A_227 = arith.remsi %add3A_209, %jit3A_210 : i32
      %ne3A_228 = arith.constant 0 : i32
      %ne3A_229 = arith.cmpi ne, %rem3A_227, %ne3A_228 : i32
      %and3A_230 = arith.andi %ne3A_226, %ne3A_229 : i1
      %sub3A_231 = arith.constant 1 : i32
      %sub3A_232 = arith.subi %div3A_211, %sub3A_231 : i32
      %select_n3A_233 = arith.select %and3A_230, %sub3A_232, %div3A_211 : i32
      %mul3A_234 = arith.constant 16 : i32
      %mul3A_235 = arith.muli %select_n3A_233, %mul3A_234 : i32
      %sub3A_236 = arith.subi %add3A_209, %mul3A_235 : i32
      %rem3A_237 = arith.constant 2 : i32
      %rem3A_238 = arith.remsi %select_n3A_233, %rem3A_237 : i32
      %dma_wait3A_239 = arith.constant 0 : i32
      %dma_wait3A_240 = arith.constant 0 : i32
      %dma_wait3A_241 = tpu.memref_slice %arg8[%rem3A_183, %dma_wait3A_239, %dma_wait3A_240] : memref<4x64x128xf32, #tpu.memory_space<vmem>> -> memref<1x64x128xf32, #tpu.memory_space<vmem>>
      %dma_wait3A_242 = tpu.memref_squeeze %dma_wait3A_241 : memref<1x64x128xf32, #tpu.memory_space<vmem>> -> memref<64x128xf32, #tpu.memory_space<vmem>>
      %dma_wait3A_243 = arith.constant 0 : i32
      %dma_wait3A_244 = tpu.memref_slice %arg6[%rem3A_207, %sub3A_205, %dma_wait3A_243] : memref<2x16x64xi32, #tpu.memory_space<vmem>> -> memref<1x1x64xi32, #tpu.memory_space<vmem>>
      %dma_wait3A_245 = tpu.memref_squeeze %dma_wait3A_244 : memref<1x1x64xi32, #tpu.memory_space<vmem>> -> memref<64xi32, #tpu.memory_space<vmem>>
      %dma_wait3A_246 = arith.constant 0 : i32
      %dma_wait3A_247 = arith.constant 0 : i32
      %dma_wait3A_248 = tpu.memref_slice %arg4[%dma_wait3A_246, %dma_wait3A_247] : memref<10000x128xf32, #tpu.memory_space<hbm>> -> memref<10000x128xf32, #tpu.memory_space<hbm>>
      %dma_wait3A_249 = tpu.memref_slice %arg10[%rem3A_183] : memref<4x!tpu.dma_semaphore, #tpu.memory_space<semaphore_mem>> -> memref<1x!tpu.dma_semaphore, #tpu.memory_space<semaphore_mem>>
      %dma_wait3A_250 = tpu.memref_squeeze %dma_wait3A_249 : memref<1x!tpu.dma_semaphore, #tpu.memory_space<semaphore_mem>> -> memref<!tpu.dma_semaphore, #tpu.memory_space<semaphore_mem>>
      tpu.wait_indirect_dma semaphore(%dma_wait3A_250 : memref<!tpu.dma_semaphore, #tpu.memory_space<semaphore_mem>>) src(%dma_wait3A_248 : memref<10000x128xf32, #tpu.memory_space<hbm>>) dst(%dma_wait3A_242 : memref<64x128xf32, #tpu.memory_space<vmem>>)
      %dma_start3A_251 = arith.constant 0 : i32
      %dma_start3A_252 = arith.constant 0 : i32
      %dma_start3A_253 = tpu.memref_slice %arg8[%rem3A_183, %dma_start3A_251, %dma_start3A_252] : memref<4x64x128xf32, #tpu.memory_space<vmem>> -> memref<1x64x128xf32, #tpu.memory_space<vmem>>
      %dma_start3A_254 = tpu.memref_squeeze %dma_start3A_253 : memref<1x64x128xf32, #tpu.memory_space<vmem>> -> memref<64x128xf32, #tpu.memory_space<vmem>>
      %dma_start3A_255 = arith.constant 0 : i32
      %dma_start3A_256 = tpu.memref_slice %arg7[%rem3A_207, %sub3A_205, %dma_start3A_255] : memref<2x16x64xi32, #tpu.memory_space<vmem>> -> memref<1x1x64xi32, #tpu.memory_space<vmem>>
      %dma_start3A_257 = tpu.memref_squeeze %dma_start3A_256 : memref<1x1x64xi32, #tpu.memory_space<vmem>> -> memref<64xi32, #tpu.memory_space<vmem>>
      %dma_start3A_258 = arith.constant 0 : i32
      %dma_start3A_259 = arith.constant 0 : i32
      %dma_start3A_260 = tpu.memref_slice %arg9[%dma_start3A_258, %dma_start3A_259] : memref<10240x128xf32, #tpu.memory_space<vmem_shared>> -> memref<10240x128xf32, #tpu.memory_space<vmem_shared>>
      %dma_start3A_261 = tpu.memref_slice %arg11[%rem3A_183] : memref<4x!tpu.dma_semaphore, #tpu.memory_space<semaphore_mem>> -> memref<1x!tpu.dma_semaphore, #tpu.memory_space<semaphore_mem>>
      %dma_start3A_262 = tpu.memref_squeeze %dma_start3A_261 : memref<1x!tpu.dma_semaphore, #tpu.memory_space<semaphore_mem>> -> memref<!tpu.dma_semaphore, #tpu.memory_space<semaphore_mem>>
      tpu.enqueue_indirect_dma source(%dma_start3A_254 : memref<64x128xf32, #tpu.memory_space<vmem>>) target(%dma_start3A_260 : memref<10240x128xf32, #tpu.memory_space<vmem_shared>>) offsets(%dma_start3A_257 : memref<64xi32, #tpu.memory_space<vmem>>) semaphore(%dma_start3A_262 : memref<!tpu.dma_semaphore, #tpu.memory_space<semaphore_mem>>) {add = true}
      %lt3A = arith.cmpi slt, %add3A_209, %select_n3A : i32
      %convert_element_type3A = arith.extui %lt3A : i1 to i32
      %cond3A = arith.constant 0 : i32
      %cond3A_263 = arith.cmpi ne, %convert_element_type3A, %cond3A : i32
      scf.if %cond3A_263 {
        %eq3A_265 = arith.constant 0 : i32
        %eq3A_266 = arith.cmpi eq, %sub3A_236, %eq3A_265 : i32
        %convert_element_type3A_267 = arith.extui %eq3A_266 : i1 to i32
        %cond3A_268 = arith.constant 0 : i32
        %cond3A_269 = arith.cmpi ne, %convert_element_type3A_267, %cond3A_268 : i32
        scf.if %cond3A_269 {
          %dma_wait3A_299 = arith.constant 0 : i32
          %dma_wait3A_300 = arith.constant 0 : i32
          %dma_wait3A_301 = tpu.memref_slice %arg6[%rem3A_238, %dma_wait3A_299, %dma_wait3A_300] : memref<2x16x64xi32, #tpu.memory_space<vmem>> -> memref<1x16x64xi32, #tpu.memory_space<vmem>>
          %dma_wait3A_302 = tpu.memref_squeeze %dma_wait3A_301 : memref<1x16x64xi32, #tpu.memory_space<vmem>> -> memref<16x64xi32, #tpu.memory_space<vmem>>
          %dma_wait3A_303 = arith.constant 0 : i32
          %dma_wait3A_304 = tpu.memref_slice %arg2[%add3A, %dma_wait3A_303] : memref<5120x64xi32, #tpu.memory_space<hbm>> -> memref<16x64xi32, #tpu.memory_space<hbm>>
          %dma_wait3A_305 = arith.constant 0 : i32
          %dma_wait3A_306 = arith.constant 0 : i32
          %dma_wait3A_307 = tpu.memref_slice %arg6[%rem3A_238, %dma_wait3A_305, %dma_wait3A_306] : memref<2x16x64xi32, #tpu.memory_space<vmem>> -> memref<1x16x64xi32, #tpu.memory_space<vmem>>
          %dma_wait3A_308 = tpu.memref_squeeze %dma_wait3A_307 : memref<1x16x64xi32, #tpu.memory_space<vmem>> -> memref<16x64xi32, #tpu.memory_space<vmem>>
          %dma_wait3A_309 = arith.constant 0 : i32
          %dma_wait3A_310 = tpu.memref_slice %arg2[%add3A, %dma_wait3A_309] : memref<5120x64xi32, #tpu.memory_space<hbm>> -> memref<16x64xi32, #tpu.memory_space<hbm>>
          tpu.wait_dma2 semaphore(%arg12 : memref<!tpu.dma_semaphore, #tpu.memory_space<semaphore_mem>>) src(%dma_wait3A_310 : memref<16x64xi32, #tpu.memory_space<hbm>>) dst(%dma_wait3A_308 : memref<16x64xi32, #tpu.memory_space<vmem>>)
          %dma_wait3A_311 = arith.constant 0 : i32
          %dma_wait3A_312 = arith.constant 0 : i32
          %dma_wait3A_313 = tpu.memref_slice %arg7[%rem3A_238, %dma_wait3A_311, %dma_wait3A_312] : memref<2x16x64xi32, #tpu.memory_space<vmem>> -> memref<1x16x64xi32, #tpu.memory_space<vmem>>
          %dma_wait3A_314 = tpu.memref_squeeze %dma_wait3A_313 : memref<1x16x64xi32, #tpu.memory_space<vmem>> -> memref<16x64xi32, #tpu.memory_space<vmem>>
          %dma_wait3A_315 = arith.constant 0 : i32
          %dma_wait3A_316 = tpu.memref_slice %arg3[%add3A, %dma_wait3A_315] : memref<5120x64xi32, #tpu.memory_space<hbm>> -> memref<16x64xi32, #tpu.memory_space<hbm>>
          %dma_wait3A_317 = arith.constant 0 : i32
          %dma_wait3A_318 = arith.constant 0 : i32
          %dma_wait3A_319 = tpu.memref_slice %arg7[%rem3A_238, %dma_wait3A_317, %dma_wait3A_318] : memref<2x16x64xi32, #tpu.memory_space<vmem>> -> memref<1x16x64xi32, #tpu.memory_space<vmem>>
          %dma_wait3A_320 = tpu.memref_squeeze %dma_wait3A_319 : memref<1x16x64xi32, #tpu.memory_space<vmem>> -> memref<16x64xi32, #tpu.memory_space<vmem>>
          %dma_wait3A_321 = arith.constant 0 : i32
          %dma_wait3A_322 = tpu.memref_slice %arg3[%add3A, %dma_wait3A_321] : memref<5120x64xi32, #tpu.memory_space<hbm>> -> memref<16x64xi32, #tpu.memory_space<hbm>>
          tpu.wait_dma2 semaphore(%arg12 : memref<!tpu.dma_semaphore, #tpu.memory_space<semaphore_mem>>) src(%dma_wait3A_322 : memref<16x64xi32, #tpu.memory_space<hbm>>) dst(%dma_wait3A_320 : memref<16x64xi32, #tpu.memory_space<vmem>>)
        } else {
        }
        %eq3A_270 = arith.constant 4 : i32
        %eq3A_271 = arith.cmpi eq, %sub3A_236, %eq3A_270 : i32
        %add3A_272 = arith.constant 1 : i32
        %add3A_273 = arith.addi %select_n3A_233, %add3A_272 : i32
        %mul3A_274 = arith.constant 16 : i32
        %mul3A_275 = arith.muli %add3A_273, %mul3A_274 : i32
        %lt3A_276 = arith.cmpi slt, %mul3A_275, %select_n3A : i32
        %and3A_277 = arith.andi %eq3A_271, %lt3A_276 : i1
        %convert_element_type3A_278 = arith.extui %and3A_277 : i1 to i32
        %cond3A_279 = arith.constant 0 : i32
        %cond3A_280 = arith.cmpi ne, %convert_element_type3A_278, %cond3A_279 : i32
        scf.if %cond3A_280 {
          %add3A_299 = arith.constant 1 : i32
          %add3A_300 = arith.addi %select_n3A_233, %add3A_299 : i32
          %rem3A_301 = arith.constant 2 : i32
          %rem3A_302 = arith.remsi %add3A_300, %rem3A_301 : i32
          %add3A_303 = arith.constant 1 : i32
          %add3A_304 = arith.addi %select_n3A_233, %add3A_303 : i32
          %mul3A_305 = arith.constant 16 : i32
          %mul3A_306 = arith.muli %add3A_304, %mul3A_305 : i32
          %add3A_307 = arith.addi %add3A, %mul3A_306 : i32
          %dma_start3A_308 = arith.constant 0 : i32
          %dma_start3A_309 = arith.constant 0 : i32
          %dma_start3A_310 = tpu.memref_slice %arg6[%rem3A_302, %dma_start3A_308, %dma_start3A_309] : memref<2x16x64xi32, #tpu.memory_space<vmem>> -> memref<1x16x64xi32, #tpu.memory_space<vmem>>
          %dma_start3A_311 = tpu.memref_squeeze %dma_start3A_310 : memref<1x16x64xi32, #tpu.memory_space<vmem>> -> memref<16x64xi32, #tpu.memory_space<vmem>>
          %dma_start3A_312 = arith.constant 0 : i32
          %dma_start3A_313 = tpu.memref_slice %arg2[%add3A_307, %dma_start3A_312] : memref<5120x64xi32, #tpu.memory_space<hbm>> -> memref<16x64xi32, #tpu.memory_space<hbm>>
          %dma_start3A_314 = arith.constant 0 : i32
          %dma_start3A_315 = arith.constant 0 : i32
          %dma_start3A_316 = tpu.memref_slice %arg6[%rem3A_302, %dma_start3A_314, %dma_start3A_315] : memref<2x16x64xi32, #tpu.memory_space<vmem>> -> memref<1x16x64xi32, #tpu.memory_space<vmem>>
          %dma_start3A_317 = tpu.memref_squeeze %dma_start3A_316 : memref<1x16x64xi32, #tpu.memory_space<vmem>> -> memref<16x64xi32, #tpu.memory_space<vmem>>
          %dma_start3A_318 = arith.constant 0 : i32
          %dma_start3A_319 = tpu.memref_slice %arg2[%add3A_307, %dma_start3A_318] : memref<5120x64xi32, #tpu.memory_space<hbm>> -> memref<16x64xi32, #tpu.memory_space<hbm>>
          tpu.enqueue_dma source(%dma_start3A_319 : memref<16x64xi32, #tpu.memory_space<hbm>>) target(%dma_start3A_317 : memref<16x64xi32, #tpu.memory_space<vmem>>) target_semaphore(%arg12 : memref<!tpu.dma_semaphore, #tpu.memory_space<semaphore_mem>>)
          %add3A_320 = arith.constant 1 : i32
          %add3A_321 = arith.addi %select_n3A_233, %add3A_320 : i32
          %mul3A_322 = arith.constant 16 : i32
          %mul3A_323 = arith.muli %add3A_321, %mul3A_322 : i32
          %add3A_324 = arith.addi %add3A, %mul3A_323 : i32
          %dma_start3A_325 = arith.constant 0 : i32
          %dma_start3A_326 = arith.constant 0 : i32
          %dma_start3A_327 = tpu.memref_slice %arg7[%rem3A_302, %dma_start3A_325, %dma_start3A_326] : memref<2x16x64xi32, #tpu.memory_space<vmem>> -> memref<1x16x64xi32, #tpu.memory_space<vmem>>
          %dma_start3A_328 = tpu.memref_squeeze %dma_start3A_327 : memref<1x16x64xi32, #tpu.memory_space<vmem>> -> memref<16x64xi32, #tpu.memory_space<vmem>>
          %dma_start3A_329 = arith.constant 0 : i32
          %dma_start3A_330 = tpu.memref_slice %arg3[%add3A_324, %dma_start3A_329] : memref<5120x64xi32, #tpu.memory_space<hbm>> -> memref<16x64xi32, #tpu.memory_space<hbm>>
          %dma_start3A_331 = arith.constant 0 : i32
          %dma_start3A_332 = arith.constant 0 : i32
          %dma_start3A_333 = tpu.memref_slice %arg7[%rem3A_302, %dma_start3A_331, %dma_start3A_332] : memref<2x16x64xi32, #tpu.memory_space<vmem>> -> memref<1x16x64xi32, #tpu.memory_space<vmem>>
          %dma_start3A_334 = tpu.memref_squeeze %dma_start3A_333 : memref<1x16x64xi32, #tpu.memory_space<vmem>> -> memref<16x64xi32, #tpu.memory_space<vmem>>
          %dma_start3A_335 = arith.constant 0 : i32
          %dma_start3A_336 = tpu.memref_slice %arg3[%add3A_324, %dma_start3A_335] : memref<5120x64xi32, #tpu.memory_space<hbm>> -> memref<16x64xi32, #tpu.memory_space<hbm>>
          tpu.enqueue_dma source(%dma_start3A_336 : memref<16x64xi32, #tpu.memory_space<hbm>>) target(%dma_start3A_334 : memref<16x64xi32, #tpu.memory_space<vmem>>) target_semaphore(%arg12 : memref<!tpu.dma_semaphore, #tpu.memory_space<semaphore_mem>>)
        } else {
        }
        %rem3A_281 = arith.constant 4 : i32
        %rem3A_282 = arith.remsi %add3A_209, %rem3A_281 : i32
        %ge3A = arith.constant 2 : i32
        %ge3A_283 = arith.cmpi sge, %while3A_181, %ge3A : i32
        %convert_element_type3A_284 = arith.extui %ge3A_283 : i1 to i32
        %cond3A_285 = arith.constant 0 : i32
        %cond3A_286 = arith.cmpi ne, %convert_element_type3A_284, %cond3A_285 : i32
        scf.if %cond3A_286 {
          %dma_wait3A_299 = arith.constant 0 : i32
          %dma_wait3A_300 = arith.constant 0 : i32
          %dma_wait3A_301 = tpu.memref_slice %arg8[%rem3A_282, %dma_wait3A_299, %dma_wait3A_300] : memref<4x64x128xf32, #tpu.memory_space<vmem>> -> memref<1x64x128xf32, #tpu.memory_space<vmem>>
          %dma_wait3A_302 = tpu.memref_squeeze %dma_wait3A_301 : memref<1x64x128xf32, #tpu.memory_space<vmem>> -> memref<64x128xf32, #tpu.memory_space<vmem>>
          %dma_wait3A_303 = arith.constant 0 : i32
          %dma_wait3A_304 = tpu.memref_slice %arg7[%rem3A_207, %sub3A_205, %dma_wait3A_303] : memref<2x16x64xi32, #tpu.memory_space<vmem>> -> memref<1x1x64xi32, #tpu.memory_space<vmem>>
          %dma_wait3A_305 = tpu.memref_squeeze %dma_wait3A_304 : memref<1x1x64xi32, #tpu.memory_space<vmem>> -> memref<64xi32, #tpu.memory_space<vmem>>
          %dma_wait3A_306 = arith.constant 0 : i32
          %dma_wait3A_307 = arith.constant 0 : i32
          %dma_wait3A_308 = tpu.memref_slice %arg9[%dma_wait3A_306, %dma_wait3A_307] : memref<10240x128xf32, #tpu.memory_space<vmem_shared>> -> memref<10240x128xf32, #tpu.memory_space<vmem_shared>>
          %dma_wait3A_309 = tpu.memref_slice %arg11[%rem3A_282] : memref<4x!tpu.dma_semaphore, #tpu.memory_space<semaphore_mem>> -> memref<1x!tpu.dma_semaphore, #tpu.memory_space<semaphore_mem>>
          %dma_wait3A_310 = tpu.memref_squeeze %dma_wait3A_309 : memref<1x!tpu.dma_semaphore, #tpu.memory_space<semaphore_mem>> -> memref<!tpu.dma_semaphore, #tpu.memory_space<semaphore_mem>>
          tpu.wait_indirect_dma semaphore(%dma_wait3A_310 : memref<!tpu.dma_semaphore, #tpu.memory_space<semaphore_mem>>) src(%dma_wait3A_302 : memref<64x128xf32, #tpu.memory_space<vmem>>) dst(%dma_wait3A_308 : memref<10240x128xf32, #tpu.memory_space<vmem_shared>>)
        } else {
        }
        %dma_start3A_287 = arith.constant 0 : i32
        %dma_start3A_288 = arith.constant 0 : i32
        %dma_start3A_289 = tpu.memref_slice %arg8[%rem3A_282, %dma_start3A_287, %dma_start3A_288] : memref<4x64x128xf32, #tpu.memory_space<vmem>> -> memref<1x64x128xf32, #tpu.memory_space<vmem>>
        %dma_start3A_290 = tpu.memref_squeeze %dma_start3A_289 : memref<1x64x128xf32, #tpu.memory_space<vmem>> -> memref<64x128xf32, #tpu.memory_space<vmem>>
        %dma_start3A_291 = arith.constant 0 : i32
        %dma_start3A_292 = tpu.memref_slice %arg6[%rem3A_238, %sub3A_236, %dma_start3A_291] : memref<2x16x64xi32, #tpu.memory_space<vmem>> -> memref<1x1x64xi32, #tpu.memory_space<vmem>>
        %dma_start3A_293 = tpu.memref_squeeze %dma_start3A_292 : memref<1x1x64xi32, #tpu.memory_space<vmem>> -> memref<64xi32, #tpu.memory_space<vmem>>
        %dma_start3A_294 = arith.constant 0 : i32
        %dma_start3A_295 = arith.constant 0 : i32
        %dma_start3A_296 = tpu.memref_slice %arg4[%dma_start3A_294, %dma_start3A_295] : memref<10000x128xf32, #tpu.memory_space<hbm>> -> memref<10000x128xf32, #tpu.memory_space<hbm>>
        %dma_start3A_297 = tpu.memref_slice %arg10[%rem3A_282] : memref<4x!tpu.dma_semaphore, #tpu.memory_space<semaphore_mem>> -> memref<1x!tpu.dma_semaphore, #tpu.memory_space<semaphore_mem>>
        %dma_start3A_298 = tpu.memref_squeeze %dma_start3A_297 : memref<1x!tpu.dma_semaphore, #tpu.memory_space<semaphore_mem>> -> memref<!tpu.dma_semaphore, #tpu.memory_space<semaphore_mem>>
        tpu.enqueue_indirect_dma source(%dma_start3A_296 : memref<10000x128xf32, #tpu.memory_space<hbm>>) target(%dma_start3A_290 : memref<64x128xf32, #tpu.memory_space<vmem>>) offsets(%dma_start3A_293 : memref<64xi32, #tpu.memory_space<vmem>>) semaphore(%dma_start3A_298 : memref<!tpu.dma_semaphore, #tpu.memory_space<semaphore_mem>>)
      } else {
      }
      %while3A_264 = arith.constant 0 : i32
      scf.yield %while3A_264 : i32
    }
    %dma_wait3A = arith.constant 0 : i32
    %dma_wait3A_117 = arith.constant 0 : i32
    %dma_wait3A_118 = arith.constant 0 : i32
    %dma_wait3A_119 = arith.constant 0 : i32
    %dma_wait3A_120 = arith.constant 0 : i32
    %dma_wait3A_121 = arith.constant 0 : i32
    %dma_wait3A_122 = tpu.memref_slice %arg8[%dma_wait3A, %dma_wait3A_120, %dma_wait3A_121] : memref<4x64x128xf32, #tpu.memory_space<vmem>> -> memref<1x64x128xf32, #tpu.memory_space<vmem>>
    %dma_wait3A_123 = tpu.memref_squeeze %dma_wait3A_122 : memref<1x64x128xf32, #tpu.memory_space<vmem>> -> memref<64x128xf32, #tpu.memory_space<vmem>>
    %dma_wait3A_124 = arith.constant 0 : i32
    %dma_wait3A_125 = tpu.memref_slice %arg7[%dma_wait3A_117, %dma_wait3A_118, %dma_wait3A_124] : memref<2x16x64xi32, #tpu.memory_space<vmem>> -> memref<1x1x64xi32, #tpu.memory_space<vmem>>
    %dma_wait3A_126 = tpu.memref_squeeze %dma_wait3A_125 : memref<1x1x64xi32, #tpu.memory_space<vmem>> -> memref<64xi32, #tpu.memory_space<vmem>>
    %dma_wait3A_127 = arith.constant 0 : i32
    %dma_wait3A_128 = arith.constant 0 : i32
    %dma_wait3A_129 = tpu.memref_slice %arg9[%dma_wait3A_127, %dma_wait3A_128] : memref<10240x128xf32, #tpu.memory_space<vmem_shared>> -> memref<10240x128xf32, #tpu.memory_space<vmem_shared>>
    %dma_wait3A_130 = tpu.memref_slice %arg11[%dma_wait3A_119] : memref<4x!tpu.dma_semaphore, #tpu.memory_space<semaphore_mem>> -> memref<1x!tpu.dma_semaphore, #tpu.memory_space<semaphore_mem>>
    %dma_wait3A_131 = tpu.memref_squeeze %dma_wait3A_130 : memref<1x!tpu.dma_semaphore, #tpu.memory_space<semaphore_mem>> -> memref<!tpu.dma_semaphore, #tpu.memory_space<semaphore_mem>>
    tpu.wait_indirect_dma semaphore(%dma_wait3A_131 : memref<!tpu.dma_semaphore, #tpu.memory_space<semaphore_mem>>) src(%dma_wait3A_123 : memref<64x128xf32, #tpu.memory_space<vmem>>) dst(%dma_wait3A_129 : memref<10240x128xf32, #tpu.memory_space<vmem_shared>>)
    %dma_wait3A_132 = arith.constant 1 : i32
    %dma_wait3A_133 = arith.constant 0 : i32
    %dma_wait3A_134 = arith.constant 0 : i32
    %dma_wait3A_135 = arith.constant 1 : i32
    %dma_wait3A_136 = arith.constant 0 : i32
    %dma_wait3A_137 = arith.constant 0 : i32
    %dma_wait3A_138 = tpu.memref_slice %arg8[%dma_wait3A_132, %dma_wait3A_136, %dma_wait3A_137] : memref<4x64x128xf32, #tpu.memory_space<vmem>> -> memref<1x64x128xf32, #tpu.memory_space<vmem>>
    %dma_wait3A_139 = tpu.memref_squeeze %dma_wait3A_138 : memref<1x64x128xf32, #tpu.memory_space<vmem>> -> memref<64x128xf32, #tpu.memory_space<vmem>>
    %dma_wait3A_140 = arith.constant 0 : i32
    %dma_wait3A_141 = tpu.memref_slice %arg7[%dma_wait3A_133, %dma_wait3A_134, %dma_wait3A_140] : memref<2x16x64xi32, #tpu.memory_space<vmem>> -> memref<1x1x64xi32, #tpu.memory_space<vmem>>
    %dma_wait3A_142 = tpu.memref_squeeze %dma_wait3A_141 : memref<1x1x64xi32, #tpu.memory_space<vmem>> -> memref<64xi32, #tpu.memory_space<vmem>>
    %dma_wait3A_143 = arith.constant 0 : i32
    %dma_wait3A_144 = arith.constant 0 : i32
    %dma_wait3A_145 = tpu.memref_slice %arg9[%dma_wait3A_143, %dma_wait3A_144] : memref<10240x128xf32, #tpu.memory_space<vmem_shared>> -> memref<10240x128xf32, #tpu.memory_space<vmem_shared>>
    %dma_wait3A_146 = tpu.memref_slice %arg11[%dma_wait3A_135] : memref<4x!tpu.dma_semaphore, #tpu.memory_space<semaphore_mem>> -> memref<1x!tpu.dma_semaphore, #tpu.memory_space<semaphore_mem>>
    %dma_wait3A_147 = tpu.memref_squeeze %dma_wait3A_146 : memref<1x!tpu.dma_semaphore, #tpu.memory_space<semaphore_mem>> -> memref<!tpu.dma_semaphore, #tpu.memory_space<semaphore_mem>>
    tpu.wait_indirect_dma semaphore(%dma_wait3A_147 : memref<!tpu.dma_semaphore, #tpu.memory_space<semaphore_mem>>) src(%dma_wait3A_139 : memref<64x128xf32, #tpu.memory_space<vmem>>) dst(%dma_wait3A_145 : memref<10240x128xf32, #tpu.memory_space<vmem_shared>>)
    %dma_wait3A_148 = arith.constant 2 : i32
    %dma_wait3A_149 = arith.constant 0 : i32
    %dma_wait3A_150 = arith.constant 0 : i32
    %dma_wait3A_151 = arith.constant 2 : i32
    %dma_wait3A_152 = arith.constant 0 : i32
    %dma_wait3A_153 = arith.constant 0 : i32
    %dma_wait3A_154 = tpu.memref_slice %arg8[%dma_wait3A_148, %dma_wait3A_152, %dma_wait3A_153] : memref<4x64x128xf32, #tpu.memory_space<vmem>> -> memref<1x64x128xf32, #tpu.memory_space<vmem>>
    %dma_wait3A_155 = tpu.memref_squeeze %dma_wait3A_154 : memref<1x64x128xf32, #tpu.memory_space<vmem>> -> memref<64x128xf32, #tpu.memory_space<vmem>>
    %dma_wait3A_156 = arith.constant 0 : i32
    %dma_wait3A_157 = tpu.memref_slice %arg7[%dma_wait3A_149, %dma_wait3A_150, %dma_wait3A_156] : memref<2x16x64xi32, #tpu.memory_space<vmem>> -> memref<1x1x64xi32, #tpu.memory_space<vmem>>
    %dma_wait3A_158 = tpu.memref_squeeze %dma_wait3A_157 : memref<1x1x64xi32, #tpu.memory_space<vmem>> -> memref<64xi32, #tpu.memory_space<vmem>>
    %dma_wait3A_159 = arith.constant 0 : i32
    %dma_wait3A_160 = arith.constant 0 : i32
    %dma_wait3A_161 = tpu.memref_slice %arg9[%dma_wait3A_159, %dma_wait3A_160] : memref<10240x128xf32, #tpu.memory_space<vmem_shared>> -> memref<10240x128xf32, #tpu.memory_space<vmem_shared>>
    %dma_wait3A_162 = tpu.memref_slice %arg11[%dma_wait3A_151] : memref<4x!tpu.dma_semaphore, #tpu.memory_space<semaphore_mem>> -> memref<1x!tpu.dma_semaphore, #tpu.memory_space<semaphore_mem>>
    %dma_wait3A_163 = tpu.memref_squeeze %dma_wait3A_162 : memref<1x!tpu.dma_semaphore, #tpu.memory_space<semaphore_mem>> -> memref<!tpu.dma_semaphore, #tpu.memory_space<semaphore_mem>>
    tpu.wait_indirect_dma semaphore(%dma_wait3A_163 : memref<!tpu.dma_semaphore, #tpu.memory_space<semaphore_mem>>) src(%dma_wait3A_155 : memref<64x128xf32, #tpu.memory_space<vmem>>) dst(%dma_wait3A_161 : memref<10240x128xf32, #tpu.memory_space<vmem_shared>>)
    %dma_wait3A_164 = arith.constant 3 : i32
    %dma_wait3A_165 = arith.constant 0 : i32
    %dma_wait3A_166 = arith.constant 0 : i32
    %dma_wait3A_167 = arith.constant 3 : i32
    %dma_wait3A_168 = arith.constant 0 : i32
    %dma_wait3A_169 = arith.constant 0 : i32
    %dma_wait3A_170 = tpu.memref_slice %arg8[%dma_wait3A_164, %dma_wait3A_168, %dma_wait3A_169] : memref<4x64x128xf32, #tpu.memory_space<vmem>> -> memref<1x64x128xf32, #tpu.memory_space<vmem>>
    %dma_wait3A_171 = tpu.memref_squeeze %dma_wait3A_170 : memref<1x64x128xf32, #tpu.memory_space<vmem>> -> memref<64x128xf32, #tpu.memory_space<vmem>>
    %dma_wait3A_172 = arith.constant 0 : i32
    %dma_wait3A_173 = tpu.memref_slice %arg7[%dma_wait3A_165, %dma_wait3A_166, %dma_wait3A_172] : memref<2x16x64xi32, #tpu.memory_space<vmem>> -> memref<1x1x64xi32, #tpu.memory_space<vmem>>
    %dma_wait3A_174 = tpu.memref_squeeze %dma_wait3A_173 : memref<1x1x64xi32, #tpu.memory_space<vmem>> -> memref<64xi32, #tpu.memory_space<vmem>>
    %dma_wait3A_175 = arith.constant 0 : i32
    %dma_wait3A_176 = arith.constant 0 : i32
    %dma_wait3A_177 = tpu.memref_slice %arg9[%dma_wait3A_175, %dma_wait3A_176] : memref<10240x128xf32, #tpu.memory_space<vmem_shared>> -> memref<10240x128xf32, #tpu.memory_space<vmem_shared>>
    %dma_wait3A_178 = tpu.memref_slice %arg11[%dma_wait3A_167] : memref<4x!tpu.dma_semaphore, #tpu.memory_space<semaphore_mem>> -> memref<1x!tpu.dma_semaphore, #tpu.memory_space<semaphore_mem>>
    %dma_wait3A_179 = tpu.memref_squeeze %dma_wait3A_178 : memref<1x!tpu.dma_semaphore, #tpu.memory_space<semaphore_mem>> -> memref<!tpu.dma_semaphore, #tpu.memory_space<semaphore_mem>>
    tpu.wait_indirect_dma semaphore(%dma_wait3A_179 : memref<!tpu.dma_semaphore, #tpu.memory_space<semaphore_mem>>) src(%dma_wait3A_171 : memref<64x128xf32, #tpu.memory_space<vmem>>) dst(%dma_wait3A_177 : memref<10240x128xf32, #tpu.memory_space<vmem_shared>>)
    %barrier3A_180 = arith.constant 0 : index
    tpu.barrier barrier_id(%barrier3A_180)
    "tpu.region"() ({
      %run_scoped3A_181 = tpu.sem_alloc : memref<!tpu.dma_semaphore, #tpu.memory_space<semaphore_mem>>
      %dma_start3A_182 = arith.constant 0 : i32
      %dma_start3A_183 = tpu.memref_slice %arg5[%arg0, %mul3A_0, %dma_start3A_182] : memref<2x10240x128xf32, #tpu.memory_space<hbm>> -> memref<1x640x128xf32, #tpu.memory_space<hbm>>
      %dma_start3A_184 = tpu.memref_squeeze %dma_start3A_183 : memref<1x640x128xf32, #tpu.memory_space<hbm>> -> memref<640x128xf32, #tpu.memory_space<hbm>>
      %dma_start3A_185 = arith.constant 0 : i32
      %dma_start3A_186 = tpu.memref_slice %arg9[%mul3A_0, %dma_start3A_185] : memref<10240x128xf32, #tpu.memory_space<vmem_shared>> -> memref<640x128xf32, #tpu.memory_space<vmem_shared>>
      tpu.enqueue_dma source(%dma_start3A_186 : memref<640x128xf32, #tpu.memory_space<vmem_shared>>) target(%dma_start3A_184 : memref<640x128xf32, #tpu.memory_space<hbm>>) target_semaphore(%run_scoped3A_181 : memref<!tpu.dma_semaphore, #tpu.memory_space<semaphore_mem>>)
      %dma_wait3A_187 = arith.constant 0 : i32
      %dma_wait3A_188 = tpu.memref_slice %arg5[%arg0, %mul3A_0, %dma_wait3A_187] : memref<2x10240x128xf32, #tpu.memory_space<hbm>> -> memref<1x640x128xf32, #tpu.memory_space<hbm>>
      %dma_wait3A_189 = tpu.memref_squeeze %dma_wait3A_188 : memref<1x640x128xf32, #tpu.memory_space<hbm>> -> memref<640x128xf32, #tpu.memory_space<hbm>>
      %dma_wait3A_190 = arith.constant 0 : i32
      %dma_wait3A_191 = tpu.memref_slice %arg9[%mul3A_0, %dma_wait3A_190] : memref<10240x128xf32, #tpu.memory_space<vmem_shared>> -> memref<640x128xf32, #tpu.memory_space<vmem_shared>>
      tpu.wait_dma2 semaphore(%run_scoped3A_181 : memref<!tpu.dma_semaphore, #tpu.memory_space<semaphore_mem>>) src(%dma_wait3A_191 : memref<640x128xf32, #tpu.memory_space<vmem_shared>>) dst(%dma_wait3A_189 : memref<640x128xf32, #tpu.memory_space<hbm>>)
      tpu.yield
    }) : () -> ()
    return
  }
}

#map = affine_map<(d0, d1) -> (0, 0)>
#map1 = affine_map<(d0, d1) -> (0)>
module attributes {stable_mosaic.version = 14 : i64} {
  func.func @_count_sc(%arg0: i32, %arg1: i32, %arg2: memref<2560x128xi32, #tpu.memory_space<hbm>>, %arg3: memref<40960xf32, #tpu.memory_space<hbm>>, %arg4: memref<80x128xi32, #tpu.memory_space<vmem>>, %arg5: memref<128xf32, #tpu.memory_space<vmem>>, %arg6: memref<1280xf32, #tpu.memory_space<vmem>>, %arg7: memref<20480xf32, #tpu.memory_space<vmem_shared>>, %arg8: memref<!tpu.dma_semaphore, #tpu.memory_space<semaphore_mem>>) attributes {dimension_semantics = [#tpu.dimension_semantics<core_parallel>, #tpu.dimension_semantics<subcore_parallel>], iteration_bounds = array<i64: 2, 16>, scalar_prefetch = 0 : i64, scratch_operands = 5 : i64, tpu.core_type = #tpu.core_type<sc_vector_subcore>, window_params = [{transform_indices = #map}, {transform_indices = #map1}]} {
    %mul3A = arith.constant 16 : i32
    %mul3A_0 = arith.muli %arg0, %mul3A : i32
    %add3A = arith.addi %mul3A_0, %arg1 : i32
    %mul3A_1 = arith.constant 1280 : i32
    %mul3A_2 = arith.muli %arg1, %mul3A_1 : i32
    %broadcast_in_dim3A = arith.constant 0.000000e+00 : f32
    %broadcast_in_dim3A_3 = vector.broadcast %broadcast_in_dim3A : f32 to vector<16xf32>
    %scan3A = arith.constant 0 : i32
    %scan3A_4 = arith.constant 0 : i32
    %scan3A_5 = arith.constant 80 : i32
    %scan3A_6 = arith.addi %scan3A_4, %scan3A_5 : i32
    %scan3A_7 = arith.constant 1 : i32
    %scan3A_8 = scf.for %scan3A_79 = %scan3A_4 to %scan3A_6 step %scan3A_7 iter_args(%scan3A_80 = %scan3A) -> (i32)  : i32 {
      %mul3A_81 = arith.constant 16 : i32
      %mul3A_82 = arith.muli %scan3A_79, %mul3A_81 : i32
      %swap3A_83 = arith.index_cast %mul3A_82 : i32 to index
      %swap3A_84 = tpu.vector_load %arg6[%swap3A_83] {strides = array<i32>} : memref<1280xf32, #tpu.memory_space<vmem>>, vector<16xf32>,
      %swap3A_85 = vector.shape_cast %swap3A_84 : vector<16xf32> to vector<16xf32>
      %swap3A_86 = vector.shape_cast %broadcast_in_dim3A_3 : vector<16xf32> to vector<16xf32>
      tpu.vector_store %arg6[%swap3A_83], %swap3A_86 {strides = array<i32>} : memref<1280xf32, #tpu.memory_space<vmem>>, vector<16xf32>,
      %scan3A_87 = arith.constant 0 : i32
      scf.yield %scan3A_87 : i32
    }
    %scan3A_9 = arith.constant 80 : i32
    "tpu.region"() ({
      %run_scoped3A = tpu.sem_alloc : memref<!tpu.dma_semaphore, #tpu.memory_space<semaphore_mem>>
      %dma_start3A = tpu.memref_slice %arg7[%mul3A_2] : memref<20480xf32, #tpu.memory_space<vmem_shared>> -> memref<1280xf32, #tpu.memory_space<vmem_shared>>
      %dma_start3A_79 = tpu.memref_slice %arg7[%mul3A_2] : memref<20480xf32, #tpu.memory_space<vmem_shared>> -> memref<1280xf32, #tpu.memory_space<vmem_shared>>
      tpu.enqueue_dma source(%arg6 : memref<1280xf32, #tpu.memory_space<vmem>>) target(%dma_start3A_79 : memref<1280xf32, #tpu.memory_space<vmem_shared>>) target_semaphore(%run_scoped3A : memref<!tpu.dma_semaphore, #tpu.memory_space<semaphore_mem>>)
      %dma_wait3A_80 = tpu.memref_slice %arg7[%mul3A_2] : memref<20480xf32, #tpu.memory_space<vmem_shared>> -> memref<1280xf32, #tpu.memory_space<vmem_shared>>
      %dma_wait3A_81 = tpu.memref_slice %arg7[%mul3A_2] : memref<20480xf32, #tpu.memory_space<vmem_shared>> -> memref<1280xf32, #tpu.memory_space<vmem_shared>>
      tpu.wait_dma2 semaphore(%run_scoped3A : memref<!tpu.dma_semaphore, #tpu.memory_space<semaphore_mem>>) src(%arg6 : memref<1280xf32, #tpu.memory_space<vmem>>) dst(%dma_wait3A_81 : memref<1280xf32, #tpu.memory_space<vmem_shared>>)
      tpu.yield
    }) : () -> ()
    %broadcast_in_dim3A_10 = arith.constant 1.000000e+00 : f32
    %broadcast_in_dim3A_11 = vector.broadcast %broadcast_in_dim3A_10 : f32 to vector<16xf32>
    %swap3A = arith.constant 0 : index
    %swap3A_12 = tpu.vector_load %arg5[%swap3A] {strides = array<i32>} : memref<128xf32, #tpu.memory_space<vmem>>, vector<16xf32>,
    %swap3A_13 = vector.shape_cast %swap3A_12 : vector<16xf32> to vector<16xf32>
    %swap3A_14 = vector.shape_cast %broadcast_in_dim3A_11 : vector<16xf32> to vector<16xf32>
    tpu.vector_store %arg5[%swap3A], %swap3A_14 {strides = array<i32>} : memref<128xf32, #tpu.memory_space<vmem>>, vector<16xf32>,
    %swap3A_15 = arith.constant 16 : index
    %swap3A_16 = tpu.vector_load %arg5[%swap3A_15] {strides = array<i32>} : memref<128xf32, #tpu.memory_space<vmem>>, vector<16xf32>,
    %swap3A_17 = vector.shape_cast %swap3A_16 : vector<16xf32> to vector<16xf32>
    %swap3A_18 = vector.shape_cast %broadcast_in_dim3A_11 : vector<16xf32> to vector<16xf32>
    tpu.vector_store %arg5[%swap3A_15], %swap3A_18 {strides = array<i32>} : memref<128xf32, #tpu.memory_space<vmem>>, vector<16xf32>,
    %swap3A_19 = arith.constant 32 : index
    %swap3A_20 = tpu.vector_load %arg5[%swap3A_19] {strides = array<i32>} : memref<128xf32, #tpu.memory_space<vmem>>, vector<16xf32>,
    %swap3A_21 = vector.shape_cast %swap3A_20 : vector<16xf32> to vector<16xf32>
    %swap3A_22 = vector.shape_cast %broadcast_in_dim3A_11 : vector<16xf32> to vector<16xf32>
    tpu.vector_store %arg5[%swap3A_19], %swap3A_22 {strides = array<i32>} : memref<128xf32, #tpu.memory_space<vmem>>, vector<16xf32>,
    %swap3A_23 = arith.constant 48 : index
    %swap3A_24 = tpu.vector_load %arg5[%swap3A_23] {strides = array<i32>} : memref<128xf32, #tpu.memory_space<vmem>>, vector<16xf32>,
    %swap3A_25 = vector.shape_cast %swap3A_24 : vector<16xf32> to vector<16xf32>
    %swap3A_26 = vector.shape_cast %broadcast_in_dim3A_11 : vector<16xf32> to vector<16xf32>
    tpu.vector_store %arg5[%swap3A_23], %swap3A_26 {strides = array<i32>} : memref<128xf32, #tpu.memory_space<vmem>>, vector<16xf32>,
    %swap3A_27 = arith.constant 64 : index
    %swap3A_28 = tpu.vector_load %arg5[%swap3A_27] {strides = array<i32>} : memref<128xf32, #tpu.memory_space<vmem>>, vector<16xf32>,
    %swap3A_29 = vector.shape_cast %swap3A_28 : vector<16xf32> to vector<16xf32>
    %swap3A_30 = vector.shape_cast %broadcast_in_dim3A_11 : vector<16xf32> to vector<16xf32>
    tpu.vector_store %arg5[%swap3A_27], %swap3A_30 {strides = array<i32>} : memref<128xf32, #tpu.memory_space<vmem>>, vector<16xf32>,
    %swap3A_31 = arith.constant 80 : index
    %swap3A_32 = tpu.vector_load %arg5[%swap3A_31] {strides = array<i32>} : memref<128xf32, #tpu.memory_space<vmem>>, vector<16xf32>,
    %swap3A_33 = vector.shape_cast %swap3A_32 : vector<16xf32> to vector<16xf32>
    %swap3A_34 = vector.shape_cast %broadcast_in_dim3A_11 : vector<16xf32> to vector<16xf32>
    tpu.vector_store %arg5[%swap3A_31], %swap3A_34 {strides = array<i32>} : memref<128xf32, #tpu.memory_space<vmem>>, vector<16xf32>,
    %swap3A_35 = arith.constant 96 : index
    %swap3A_36 = tpu.vector_load %arg5[%swap3A_35] {strides = array<i32>} : memref<128xf32, #tpu.memory_space<vmem>>, vector<16xf32>,
    %swap3A_37 = vector.shape_cast %swap3A_36 : vector<16xf32> to vector<16xf32>
    %swap3A_38 = vector.shape_cast %broadcast_in_dim3A_11 : vector<16xf32> to vector<16xf32>
    tpu.vector_store %arg5[%swap3A_35], %swap3A_38 {strides = array<i32>} : memref<128xf32, #tpu.memory_space<vmem>>, vector<16xf32>,
    %swap3A_39 = arith.constant 112 : index
    %swap3A_40 = tpu.vector_load %arg5[%swap3A_39] {strides = array<i32>} : memref<128xf32, #tpu.memory_space<vmem>>, vector<16xf32>,
    %swap3A_41 = vector.shape_cast %swap3A_40 : vector<16xf32> to vector<16xf32>
    %swap3A_42 = vector.shape_cast %broadcast_in_dim3A_11 : vector<16xf32> to vector<16xf32>
    tpu.vector_store %arg5[%swap3A_39], %swap3A_42 {strides = array<i32>} : memref<128xf32, #tpu.memory_space<vmem>>, vector<16xf32>,
    %mul3A_43 = arith.constant 80 : i32
    %mul3A_44 = arith.muli %add3A, %mul3A_43 : i32
    "tpu.region"() ({
      %run_scoped3A = tpu.sem_alloc : memref<!tpu.dma_semaphore, #tpu.memory_space<semaphore_mem>>
      %dma_start3A = arith.constant 0 : i32
      %dma_start3A_79 = tpu.memref_slice %arg2[%mul3A_44, %dma_start3A] : memref<2560x128xi32, #tpu.memory_space<hbm>> -> memref<80x128xi32, #tpu.memory_space<hbm>>
      %dma_start3A_80 = arith.constant 0 : i32
      %dma_start3A_81 = tpu.memref_slice %arg2[%mul3A_44, %dma_start3A_80] : memref<2560x128xi32, #tpu.memory_space<hbm>> -> memref<80x128xi32, #tpu.memory_space<hbm>>
      tpu.enqueue_dma source(%dma_start3A_81 : memref<80x128xi32, #tpu.memory_space<hbm>>) target(%arg4 : memref<80x128xi32, #tpu.memory_space<vmem>>) target_semaphore(%run_scoped3A : memref<!tpu.dma_semaphore, #tpu.memory_space<semaphore_mem>>)
      %dma_wait3A_82 = arith.constant 0 : i32
      %dma_wait3A_83 = tpu.memref_slice %arg2[%mul3A_44, %dma_wait3A_82] : memref<2560x128xi32, #tpu.memory_space<hbm>> -> memref<80x128xi32, #tpu.memory_space<hbm>>
      %dma_wait3A_84 = arith.constant 0 : i32
      %dma_wait3A_85 = tpu.memref_slice %arg2[%mul3A_44, %dma_wait3A_84] : memref<2560x128xi32, #tpu.memory_space<hbm>> -> memref<80x128xi32, #tpu.memory_space<hbm>>
      tpu.wait_dma2 semaphore(%run_scoped3A : memref<!tpu.dma_semaphore, #tpu.memory_space<semaphore_mem>>) src(%dma_wait3A_85 : memref<80x128xi32, #tpu.memory_space<hbm>>) dst(%arg4 : memref<80x128xi32, #tpu.memory_space<vmem>>)
      tpu.yield
    }) : () -> ()
    %barrier3A = arith.constant 0 : index
    tpu.barrier barrier_id(%barrier3A)
    %scan3A_45 = arith.constant 0 : i32
    %scan3A_46 = arith.constant 0 : i32
    %scan3A_47 = arith.constant 80 : i32
    %scan3A_48 = arith.addi %scan3A_46, %scan3A_47 : i32
    %scan3A_49 = arith.constant 1 : i32
    %scan3A_50 = scf.for %scan3A_79 = %scan3A_46 to %scan3A_48 step %scan3A_49 iter_args(%scan3A_80 = %scan3A_45) -> (i32)  : i32 {
      %dma_start3A = arith.constant 0 : i32
      %dma_start3A_81 = tpu.memref_slice %arg4[%scan3A_79, %dma_start3A] : memref<80x128xi32, #tpu.memory_space<vmem>> -> memref<1x128xi32, #tpu.memory_space<vmem>>
      %dma_start3A_82 = tpu.memref_squeeze %dma_start3A_81 : memref<1x128xi32, #tpu.memory_space<vmem>> -> memref<128xi32, #tpu.memory_space<vmem>>
      %dma_start3A_83 = arith.constant 0 : i32
      %dma_start3A_84 = tpu.memref_slice %arg7[%dma_start3A_83] : memref<20480xf32, #tpu.memory_space<vmem_shared>> -> memref<20480xf32, #tpu.memory_space<vmem_shared>>
      tpu.enqueue_indirect_dma source(%arg5 : memref<128xf32, #tpu.memory_space<vmem>>) target(%dma_start3A_84 : memref<20480xf32, #tpu.memory_space<vmem_shared>>) offsets(%dma_start3A_82 : memref<128xi32, #tpu.memory_space<vmem>>) semaphore(%arg8 : memref<!tpu.dma_semaphore, #tpu.memory_space<semaphore_mem>>) {add = true}
      %ge3A = arith.constant 4 : i32
      %ge3A_85 = arith.cmpi sge, %scan3A_79, %ge3A : i32
      %convert_element_type3A = arith.extui %ge3A_85 : i1 to i32
      %cond3A = arith.constant 0 : i32
      %cond3A_86 = arith.cmpi ne, %convert_element_type3A, %cond3A : i32
      scf.if %cond3A_86 {
        %dma_wait3A_88 = arith.constant 0 : i32
        %dma_wait3A_89 = tpu.memref_slice %arg4[%scan3A_79, %dma_wait3A_88] : memref<80x128xi32, #tpu.memory_space<vmem>> -> memref<1x128xi32, #tpu.memory_space<vmem>>
        %dma_wait3A_90 = tpu.memref_squeeze %dma_wait3A_89 : memref<1x128xi32, #tpu.memory_space<vmem>> -> memref<128xi32, #tpu.memory_space<vmem>>
        %dma_wait3A_91 = arith.constant 0 : i32
        %dma_wait3A_92 = tpu.memref_slice %arg7[%dma_wait3A_91] : memref<20480xf32, #tpu.memory_space<vmem_shared>> -> memref<20480xf32, #tpu.memory_space<vmem_shared>>
        tpu.wait_indirect_dma semaphore(%arg8 : memref<!tpu.dma_semaphore, #tpu.memory_space<semaphore_mem>>) src(%arg5 : memref<128xf32, #tpu.memory_space<vmem>>) dst(%dma_wait3A_92 : memref<20480xf32, #tpu.memory_space<vmem_shared>>)
      } else {
      }
      %scan3A_87 = arith.constant 0 : i32
      scf.yield %scan3A_87 : i32
    }
    %scan3A_51 = arith.constant 80 : i32
    %dma_wait3A = arith.constant 0 : i32
    %dma_wait3A_52 = arith.constant 0 : i32
    %dma_wait3A_53 = tpu.memref_slice %arg4[%dma_wait3A, %dma_wait3A_52] : memref<80x128xi32, #tpu.memory_space<vmem>> -> memref<1x128xi32, #tpu.memory_space<vmem>>
    %dma_wait3A_54 = tpu.memref_squeeze %dma_wait3A_53 : memref<1x128xi32, #tpu.memory_space<vmem>> -> memref<128xi32, #tpu.memory_space<vmem>>
    %dma_wait3A_55 = arith.constant 0 : i32
    %dma_wait3A_56 = tpu.memref_slice %arg7[%dma_wait3A_55] : memref<20480xf32, #tpu.memory_space<vmem_shared>> -> memref<20480xf32, #tpu.memory_space<vmem_shared>>
    tpu.wait_indirect_dma semaphore(%arg8 : memref<!tpu.dma_semaphore, #tpu.memory_space<semaphore_mem>>) src(%arg5 : memref<128xf32, #tpu.memory_space<vmem>>) dst(%dma_wait3A_56 : memref<20480xf32, #tpu.memory_space<vmem_shared>>)
    %dma_wait3A_57 = arith.constant 0 : i32
    %dma_wait3A_58 = arith.constant 0 : i32
    %dma_wait3A_59 = tpu.memref_slice %arg4[%dma_wait3A_57, %dma_wait3A_58] : memref<80x128xi32, #tpu.memory_space<vmem>> -> memref<1x128xi32, #tpu.memory_space<vmem>>
    %dma_wait3A_60 = tpu.memref_squeeze %dma_wait3A_59 : memref<1x128xi32, #tpu.memory_space<vmem>> -> memref<128xi32, #tpu.memory_space<vmem>>
    %dma_wait3A_61 = arith.constant 0 : i32
    %dma_wait3A_62 = tpu.memref_slice %arg7[%dma_wait3A_61] : memref<20480xf32, #tpu.memory_space<vmem_shared>> -> memref<20480xf32, #tpu.memory_space<vmem_shared>>
    tpu.wait_indirect_dma semaphore(%arg8 : memref<!tpu.dma_semaphore, #tpu.memory_space<semaphore_mem>>) src(%arg5 : memref<128xf32, #tpu.memory_space<vmem>>) dst(%dma_wait3A_62 : memref<20480xf32, #tpu.memory_space<vmem_shared>>)
    %dma_wait3A_63 = arith.constant 0 : i32
    %dma_wait3A_64 = arith.constant 0 : i32
    %dma_wait3A_65 = tpu.memref_slice %arg4[%dma_wait3A_63, %dma_wait3A_64] : memref<80x128xi32, #tpu.memory_space<vmem>> -> memref<1x128xi32, #tpu.memory_space<vmem>>
    %dma_wait3A_66 = tpu.memref_squeeze %dma_wait3A_65 : memref<1x128xi32, #tpu.memory_space<vmem>> -> memref<128xi32, #tpu.memory_space<vmem>>
    %dma_wait3A_67 = arith.constant 0 : i32
    %dma_wait3A_68 = tpu.memref_slice %arg7[%dma_wait3A_67] : memref<20480xf32, #tpu.memory_space<vmem_shared>> -> memref<20480xf32, #tpu.memory_space<vmem_shared>>
    tpu.wait_indirect_dma semaphore(%arg8 : memref<!tpu.dma_semaphore, #tpu.memory_space<semaphore_mem>>) src(%arg5 : memref<128xf32, #tpu.memory_space<vmem>>) dst(%dma_wait3A_68 : memref<20480xf32, #tpu.memory_space<vmem_shared>>)
    %dma_wait3A_69 = arith.constant 0 : i32
    %dma_wait3A_70 = arith.constant 0 : i32
    %dma_wait3A_71 = tpu.memref_slice %arg4[%dma_wait3A_69, %dma_wait3A_70] : memref<80x128xi32, #tpu.memory_space<vmem>> -> memref<1x128xi32, #tpu.memory_space<vmem>>
    %dma_wait3A_72 = tpu.memref_squeeze %dma_wait3A_71 : memref<1x128xi32, #tpu.memory_space<vmem>> -> memref<128xi32, #tpu.memory_space<vmem>>
    %dma_wait3A_73 = arith.constant 0 : i32
    %dma_wait3A_74 = tpu.memref_slice %arg7[%dma_wait3A_73] : memref<20480xf32, #tpu.memory_space<vmem_shared>> -> memref<20480xf32, #tpu.memory_space<vmem_shared>>
    tpu.wait_indirect_dma semaphore(%arg8 : memref<!tpu.dma_semaphore, #tpu.memory_space<semaphore_mem>>) src(%arg5 : memref<128xf32, #tpu.memory_space<vmem>>) dst(%dma_wait3A_74 : memref<20480xf32, #tpu.memory_space<vmem_shared>>)
    %barrier3A_75 = arith.constant 0 : index
    tpu.barrier barrier_id(%barrier3A_75)
    %mul3A_76 = arith.constant 20480 : i32
    %mul3A_77 = arith.muli %arg0, %mul3A_76 : i32
    %add3A_78 = arith.addi %mul3A_77, %mul3A_2 : i32
    "tpu.region"() ({
      %run_scoped3A = tpu.sem_alloc : memref<!tpu.dma_semaphore, #tpu.memory_space<semaphore_mem>>
      %dma_start3A = tpu.memref_slice %arg3[%add3A_78] : memref<40960xf32, #tpu.memory_space<hbm>> -> memref<1280xf32, #tpu.memory_space<hbm>>
      %dma_start3A_79 = tpu.memref_slice %arg7[%mul3A_2] : memref<20480xf32, #tpu.memory_space<vmem_shared>> -> memref<1280xf32, #tpu.memory_space<vmem_shared>>
      tpu.enqueue_dma source(%dma_start3A_79 : memref<1280xf32, #tpu.memory_space<vmem_shared>>) target(%dma_start3A : memref<1280xf32, #tpu.memory_space<hbm>>) target_semaphore(%run_scoped3A : memref<!tpu.dma_semaphore, #tpu.memory_space<semaphore_mem>>)
      %dma_wait3A_80 = tpu.memref_slice %arg3[%add3A_78] : memref<40960xf32, #tpu.memory_space<hbm>> -> memref<1280xf32, #tpu.memory_space<hbm>>
      %dma_wait3A_81 = tpu.memref_slice %arg7[%mul3A_2] : memref<20480xf32, #tpu.memory_space<vmem_shared>> -> memref<1280xf32, #tpu.memory_space<vmem_shared>>
      tpu.wait_dma2 semaphore(%run_scoped3A : memref<!tpu.dma_semaphore, #tpu.memory_space<semaphore_mem>>) src(%dma_wait3A_81 : memref<1280xf32, #tpu.memory_space<vmem_shared>>) dst(%dma_wait3A_80 : memref<1280xf32, #tpu.memory_space<hbm>>)
      tpu.yield
    }) : () -> ()
    return
  }
}

#map = affine_map<(d0, d1) -> (0, 0)>
#map1 = affine_map<(d0, d1) -> (0, 0, 0)>
module attributes {stable_mosaic.version = 14 : i64} {
  func.func @_spmm_sc(%arg0: i32, %arg1: i32, %arg2: memref<5120x64xi32, #tpu.memory_space<hbm>>, %arg3: memref<5120x64xi32, #tpu.memory_space<hbm>>, %arg4: memref<10000x128xf32, #tpu.memory_space<hbm>>, %arg5: memref<2x10240x128xf32, #tpu.memory_space<hbm>>, %arg6: memref<2x16x64xi32, #tpu.memory_space<vmem>>, %arg7: memref<2x16x64xi32, #tpu.memory_space<vmem>>, %arg8: memref<4x64x128xf32, #tpu.memory_space<vmem>>, %arg9: memref<10240x128xf32, #tpu.memory_space<vmem_shared>>, %arg10: memref<4x!tpu.dma_semaphore, #tpu.memory_space<semaphore_mem>>, %arg11: memref<4x!tpu.dma_semaphore, #tpu.memory_space<semaphore_mem>>, %arg12: memref<!tpu.dma_semaphore, #tpu.memory_space<semaphore_mem>>) attributes {dimension_semantics = [#tpu.dimension_semantics<core_parallel>, #tpu.dimension_semantics<subcore_parallel>], iteration_bounds = array<i64: 2, 16>, scalar_prefetch = 0 : i64, scratch_operands = 7 : i64, tpu.core_type = #tpu.core_type<sc_vector_subcore>, window_params = [{transform_indices = #map}, {transform_indices = #map}, {transform_indices = #map}, {transform_indices = #map1}]} {
    %mul3A = arith.constant 640 : i32
    %mul3A_0 = arith.muli %arg1, %mul3A : i32
    %mul3A_1 = arith.constant 320 : i32
    %mul3A_2 = arith.muli %arg1, %mul3A_1 : i32
    %mul3A_3 = arith.constant 256 : i32
    %mul3A_4 = arith.muli %arg0, %mul3A_3 : i32
    %add3A = arith.addi %mul3A_2, %mul3A_4 : i32
    %eq3A = arith.constant 0 : i32
    %eq3A_5 = arith.cmpi eq, %arg0, %eq3A : i32
    %jit3A = arith.constant 256 : i32
    %jit3A_6 = arith.constant 64 : i32
    %select_n3A = arith.select %eq3A_5, %jit3A, %jit3A_6 : i32
    %broadcast_in_dim3A = arith.constant 0.000000e+00 : f32
    %broadcast_in_dim3A_7 = vector.broadcast %broadcast_in_dim3A : f32 to vector<16xf32>
    %scan3A = arith.constant 0 : i32
    %scan3A_8 = arith.constant 0 : i32
    %scan3A_9 = arith.constant 64 : i32
    %scan3A_10 = arith.addi %scan3A_8, %scan3A_9 : i32
    %scan3A_11 = arith.constant 1 : i32
    %scan3A_12 = scf.for %scan3A_181 = %scan3A_8 to %scan3A_10 step %scan3A_11 iter_args(%scan3A_182 = %scan3A) -> (i32)  : i32 {
      %swap3A = arith.constant 0 : i32
      %swap3A_183 = arith.index_cast %swap3A : i32 to index
      %swap3A_184 = arith.index_cast %scan3A_181 : i32 to index
      %swap3A_185 = arith.constant 0 : index
      %swap3A_186 = tpu.vector_load %arg8[%swap3A_183, %swap3A_184, %swap3A_185] {strides = array<i32>} : memref<4x64x128xf32, #tpu.memory_space<vmem>>, vector<1x1x16xf32>,
      %swap3A_187 = vector.shape_cast %swap3A_186 : vector<1x1x16xf32> to vector<16xf32>
      %swap3A_188 = vector.shape_cast %broadcast_in_dim3A_7 : vector<16xf32> to vector<1x1x16xf32>
      tpu.vector_store %arg8[%swap3A_183, %swap3A_184, %swap3A_185], %swap3A_188 {strides = array<i32>} : memref<4x64x128xf32, #tpu.memory_space<vmem>>, vector<1x1x16xf32>,
      %swap3A_189 = arith.constant 0 : i32
      %swap3A_190 = arith.index_cast %swap3A_189 : i32 to index
      %swap3A_191 = arith.index_cast %scan3A_181 : i32 to index
      %swap3A_192 = arith.constant 16 : index
      %swap3A_193 = tpu.vector_load %arg8[%swap3A_190, %swap3A_191, %swap3A_192] {strides = array<i32>} : memref<4x64x128xf32, #tpu.memory_space<vmem>>, vector<1x1x16xf32>,
      %swap3A_194 = vector.shape_cast %swap3A_193 : vector<1x1x16xf32> to vector<16xf32>
      %swap3A_195 = vector.shape_cast %broadcast_in_dim3A_7 : vector<16xf32> to vector<1x1x16xf32>
      tpu.vector_store %arg8[%swap3A_190, %swap3A_191, %swap3A_192], %swap3A_195 {strides = array<i32>} : memref<4x64x128xf32, #tpu.memory_space<vmem>>, vector<1x1x16xf32>,
      %swap3A_196 = arith.constant 0 : i32
      %swap3A_197 = arith.index_cast %swap3A_196 : i32 to index
      %swap3A_198 = arith.index_cast %scan3A_181 : i32 to index
      %swap3A_199 = arith.constant 32 : index
      %swap3A_200 = tpu.vector_load %arg8[%swap3A_197, %swap3A_198, %swap3A_199] {strides = array<i32>} : memref<4x64x128xf32, #tpu.memory_space<vmem>>, vector<1x1x16xf32>,
      %swap3A_201 = vector.shape_cast %swap3A_200 : vector<1x1x16xf32> to vector<16xf32>
      %swap3A_202 = vector.shape_cast %broadcast_in_dim3A_7 : vector<16xf32> to vector<1x1x16xf32>
      tpu.vector_store %arg8[%swap3A_197, %swap3A_198, %swap3A_199], %swap3A_202 {strides = array<i32>} : memref<4x64x128xf32, #tpu.memory_space<vmem>>, vector<1x1x16xf32>,
      %swap3A_203 = arith.constant 0 : i32
      %swap3A_204 = arith.index_cast %swap3A_203 : i32 to index
      %swap3A_205 = arith.index_cast %scan3A_181 : i32 to index
      %swap3A_206 = arith.constant 48 : index
      %swap3A_207 = tpu.vector_load %arg8[%swap3A_204, %swap3A_205, %swap3A_206] {strides = array<i32>} : memref<4x64x128xf32, #tpu.memory_space<vmem>>, vector<1x1x16xf32>,
      %swap3A_208 = vector.shape_cast %swap3A_207 : vector<1x1x16xf32> to vector<16xf32>
      %swap3A_209 = vector.shape_cast %broadcast_in_dim3A_7 : vector<16xf32> to vector<1x1x16xf32>
      tpu.vector_store %arg8[%swap3A_204, %swap3A_205, %swap3A_206], %swap3A_209 {strides = array<i32>} : memref<4x64x128xf32, #tpu.memory_space<vmem>>, vector<1x1x16xf32>,
      %swap3A_210 = arith.constant 0 : i32
      %swap3A_211 = arith.index_cast %swap3A_210 : i32 to index
      %swap3A_212 = arith.index_cast %scan3A_181 : i32 to index
      %swap3A_213 = arith.constant 64 : index
      %swap3A_214 = tpu.vector_load %arg8[%swap3A_211, %swap3A_212, %swap3A_213] {strides = array<i32>} : memref<4x64x128xf32, #tpu.memory_space<vmem>>, vector<1x1x16xf32>,
      %swap3A_215 = vector.shape_cast %swap3A_214 : vector<1x1x16xf32> to vector<16xf32>
      %swap3A_216 = vector.shape_cast %broadcast_in_dim3A_7 : vector<16xf32> to vector<1x1x16xf32>
      tpu.vector_store %arg8[%swap3A_211, %swap3A_212, %swap3A_213], %swap3A_216 {strides = array<i32>} : memref<4x64x128xf32, #tpu.memory_space<vmem>>, vector<1x1x16xf32>,
      %swap3A_217 = arith.constant 0 : i32
      %swap3A_218 = arith.index_cast %swap3A_217 : i32 to index
      %swap3A_219 = arith.index_cast %scan3A_181 : i32 to index
      %swap3A_220 = arith.constant 80 : index
      %swap3A_221 = tpu.vector_load %arg8[%swap3A_218, %swap3A_219, %swap3A_220] {strides = array<i32>} : memref<4x64x128xf32, #tpu.memory_space<vmem>>, vector<1x1x16xf32>,
      %swap3A_222 = vector.shape_cast %swap3A_221 : vector<1x1x16xf32> to vector<16xf32>
      %swap3A_223 = vector.shape_cast %broadcast_in_dim3A_7 : vector<16xf32> to vector<1x1x16xf32>
      tpu.vector_store %arg8[%swap3A_218, %swap3A_219, %swap3A_220], %swap3A_223 {strides = array<i32>} : memref<4x64x128xf32, #tpu.memory_space<vmem>>, vector<1x1x16xf32>,
      %swap3A_224 = arith.constant 0 : i32
      %swap3A_225 = arith.index_cast %swap3A_224 : i32 to index
      %swap3A_226 = arith.index_cast %scan3A_181 : i32 to index
      %swap3A_227 = arith.constant 96 : index
      %swap3A_228 = tpu.vector_load %arg8[%swap3A_225, %swap3A_226, %swap3A_227] {strides = array<i32>} : memref<4x64x128xf32, #tpu.memory_space<vmem>>, vector<1x1x16xf32>,
      %swap3A_229 = vector.shape_cast %swap3A_228 : vector<1x1x16xf32> to vector<16xf32>
      %swap3A_230 = vector.shape_cast %broadcast_in_dim3A_7 : vector<16xf32> to vector<1x1x16xf32>
      tpu.vector_store %arg8[%swap3A_225, %swap3A_226, %swap3A_227], %swap3A_230 {strides = array<i32>} : memref<4x64x128xf32, #tpu.memory_space<vmem>>, vector<1x1x16xf32>,
      %swap3A_231 = arith.constant 0 : i32
      %swap3A_232 = arith.index_cast %swap3A_231 : i32 to index
      %swap3A_233 = arith.index_cast %scan3A_181 : i32 to index
      %swap3A_234 = arith.constant 112 : index
      %swap3A_235 = tpu.vector_load %arg8[%swap3A_232, %swap3A_233, %swap3A_234] {strides = array<i32>} : memref<4x64x128xf32, #tpu.memory_space<vmem>>, vector<1x1x16xf32>,
      %swap3A_236 = vector.shape_cast %swap3A_235 : vector<1x1x16xf32> to vector<16xf32>
      %swap3A_237 = vector.shape_cast %broadcast_in_dim3A_7 : vector<16xf32> to vector<1x1x16xf32>
      tpu.vector_store %arg8[%swap3A_232, %swap3A_233, %swap3A_234], %swap3A_237 {strides = array<i32>} : memref<4x64x128xf32, #tpu.memory_space<vmem>>, vector<1x1x16xf32>,
      %scan3A_238 = arith.constant 0 : i32
      scf.yield %scan3A_238 : i32
    }
    %scan3A_13 = arith.constant 64 : i32
    %add3A_14 = arith.constant 0 : i32
    %add3A_15 = arith.addi %mul3A_0, %add3A_14 : i32
    %run_scoped3A = arith.constant 0 : i32
    "tpu.region"() ({
      %run_scoped3A_181 = tpu.sem_alloc : memref<!tpu.dma_semaphore, #tpu.memory_space<semaphore_mem>>
      %dma_start3A_182 = arith.constant 0 : i32
      %dma_start3A_183 = arith.constant 0 : i32
      %dma_start3A_184 = tpu.memref_slice %arg8[%run_scoped3A, %dma_start3A_182, %dma_start3A_183] : memref<4x64x128xf32, #tpu.memory_space<vmem>> -> memref<1x64x128xf32, #tpu.memory_space<vmem>>
      %dma_start3A_185 = tpu.memref_squeeze %dma_start3A_184 : memref<1x64x128xf32, #tpu.memory_space<vmem>> -> memref<64x128xf32, #tpu.memory_space<vmem>>
      %dma_start3A_186 = arith.constant 0 : i32
      %dma_start3A_187 = tpu.memref_slice %arg9[%add3A_15, %dma_start3A_186] : memref<10240x128xf32, #tpu.memory_space<vmem_shared>> -> memref<64x128xf32, #tpu.memory_space<vmem_shared>>
      %dma_start3A_188 = arith.constant 0 : i32
      %dma_start3A_189 = tpu.memref_slice %arg9[%add3A_15, %dma_start3A_188] : memref<10240x128xf32, #tpu.memory_space<vmem_shared>> -> memref<64x128xf32, #tpu.memory_space<vmem_shared>>
      %dma_start3A_190 = arith.constant 0 : i32
      %dma_start3A_191 = arith.constant 0 : i32
      %dma_start3A_192 = tpu.memref_slice %arg8[%run_scoped3A, %dma_start3A_190, %dma_start3A_191] : memref<4x64x128xf32, #tpu.memory_space<vmem>> -> memref<1x64x128xf32, #tpu.memory_space<vmem>>
      %dma_start3A_193 = tpu.memref_squeeze %dma_start3A_192 : memref<1x64x128xf32, #tpu.memory_space<vmem>> -> memref<64x128xf32, #tpu.memory_space<vmem>>
      tpu.enqueue_dma source(%dma_start3A_193 : memref<64x128xf32, #tpu.memory_space<vmem>>) target(%dma_start3A_189 : memref<64x128xf32, #tpu.memory_space<vmem_shared>>) target_semaphore(%run_scoped3A_181 : memref<!tpu.dma_semaphore, #tpu.memory_space<semaphore_mem>>)
      %dma_wait3A_194 = arith.constant 0 : i32
      %dma_wait3A_195 = arith.constant 0 : i32
      %dma_wait3A_196 = tpu.memref_slice %arg8[%run_scoped3A, %dma_wait3A_194, %dma_wait3A_195] : memref<4x64x128xf32, #tpu.memory_space<vmem>> -> memref<1x64x128xf32, #tpu.memory_space<vmem>>
      %dma_wait3A_197 = tpu.memref_squeeze %dma_wait3A_196 : memref<1x64x128xf32, #tpu.memory_space<vmem>> -> memref<64x128xf32, #tpu.memory_space<vmem>>
      %dma_wait3A_198 = arith.constant 0 : i32
      %dma_wait3A_199 = tpu.memref_slice %arg9[%add3A_15, %dma_wait3A_198] : memref<10240x128xf32, #tpu.memory_space<vmem_shared>> -> memref<64x128xf32, #tpu.memory_space<vmem_shared>>
      %dma_wait3A_200 = arith.constant 0 : i32
      %dma_wait3A_201 = tpu.memref_slice %arg9[%add3A_15, %dma_wait3A_200] : memref<10240x128xf32, #tpu.memory_space<vmem_shared>> -> memref<64x128xf32, #tpu.memory_space<vmem_shared>>
      %dma_wait3A_202 = arith.constant 0 : i32
      %dma_wait3A_203 = arith.constant 0 : i32
      %dma_wait3A_204 = tpu.memref_slice %arg8[%run_scoped3A, %dma_wait3A_202, %dma_wait3A_203] : memref<4x64x128xf32, #tpu.memory_space<vmem>> -> memref<1x64x128xf32, #tpu.memory_space<vmem>>
      %dma_wait3A_205 = tpu.memref_squeeze %dma_wait3A_204 : memref<1x64x128xf32, #tpu.memory_space<vmem>> -> memref<64x128xf32, #tpu.memory_space<vmem>>
      tpu.wait_dma2 semaphore(%run_scoped3A_181 : memref<!tpu.dma_semaphore, #tpu.memory_space<semaphore_mem>>) src(%dma_wait3A_205 : memref<64x128xf32, #tpu.memory_space<vmem>>) dst(%dma_wait3A_201 : memref<64x128xf32, #tpu.memory_space<vmem_shared>>)
      tpu.yield
    }) : () -> ()
    %add3A_16 = arith.constant 64 : i32
    %add3A_17 = arith.addi %mul3A_0, %add3A_16 : i32
    %run_scoped3A_18 = arith.constant 0 : i32
    "tpu.region"() ({
      %run_scoped3A_181 = tpu.sem_alloc : memref<!tpu.dma_semaphore, #tpu.memory_space<semaphore_mem>>
      %dma_start3A_182 = arith.constant 0 : i32
      %dma_start3A_183 = arith.constant 0 : i32
      %dma_start3A_184 = tpu.memref_slice %arg8[%run_scoped3A_18, %dma_start3A_182, %dma_start3A_183] : memref<4x64x128xf32, #tpu.memory_space<vmem>> -> memref<1x64x128xf32, #tpu.memory_space<vmem>>
      %dma_start3A_185 = tpu.memref_squeeze %dma_start3A_184 : memref<1x64x128xf32, #tpu.memory_space<vmem>> -> memref<64x128xf32, #tpu.memory_space<vmem>>
      %dma_start3A_186 = arith.constant 0 : i32
      %dma_start3A_187 = tpu.memref_slice %arg9[%add3A_17, %dma_start3A_186] : memref<10240x128xf32, #tpu.memory_space<vmem_shared>> -> memref<64x128xf32, #tpu.memory_space<vmem_shared>>
      %dma_start3A_188 = arith.constant 0 : i32
      %dma_start3A_189 = tpu.memref_slice %arg9[%add3A_17, %dma_start3A_188] : memref<10240x128xf32, #tpu.memory_space<vmem_shared>> -> memref<64x128xf32, #tpu.memory_space<vmem_shared>>
      %dma_start3A_190 = arith.constant 0 : i32
      %dma_start3A_191 = arith.constant 0 : i32
      %dma_start3A_192 = tpu.memref_slice %arg8[%run_scoped3A_18, %dma_start3A_190, %dma_start3A_191] : memref<4x64x128xf32, #tpu.memory_space<vmem>> -> memref<1x64x128xf32, #tpu.memory_space<vmem>>
      %dma_start3A_193 = tpu.memref_squeeze %dma_start3A_192 : memref<1x64x128xf32, #tpu.memory_space<vmem>> -> memref<64x128xf32, #tpu.memory_space<vmem>>
      tpu.enqueue_dma source(%dma_start3A_193 : memref<64x128xf32, #tpu.memory_space<vmem>>) target(%dma_start3A_189 : memref<64x128xf32, #tpu.memory_space<vmem_shared>>) target_semaphore(%run_scoped3A_181 : memref<!tpu.dma_semaphore, #tpu.memory_space<semaphore_mem>>)
      %dma_wait3A_194 = arith.constant 0 : i32
      %dma_wait3A_195 = arith.constant 0 : i32
      %dma_wait3A_196 = tpu.memref_slice %arg8[%run_scoped3A_18, %dma_wait3A_194, %dma_wait3A_195] : memref<4x64x128xf32, #tpu.memory_space<vmem>> -> memref<1x64x128xf32, #tpu.memory_space<vmem>>
      %dma_wait3A_197 = tpu.memref_squeeze %dma_wait3A_196 : memref<1x64x128xf32, #tpu.memory_space<vmem>> -> memref<64x128xf32, #tpu.memory_space<vmem>>
      %dma_wait3A_198 = arith.constant 0 : i32
      %dma_wait3A_199 = tpu.memref_slice %arg9[%add3A_17, %dma_wait3A_198] : memref<10240x128xf32, #tpu.memory_space<vmem_shared>> -> memref<64x128xf32, #tpu.memory_space<vmem_shared>>
      %dma_wait3A_200 = arith.constant 0 : i32
      %dma_wait3A_201 = tpu.memref_slice %arg9[%add3A_17, %dma_wait3A_200] : memref<10240x128xf32, #tpu.memory_space<vmem_shared>> -> memref<64x128xf32, #tpu.memory_space<vmem_shared>>
      %dma_wait3A_202 = arith.constant 0 : i32
      %dma_wait3A_203 = arith.constant 0 : i32
      %dma_wait3A_204 = tpu.memref_slice %arg8[%run_scoped3A_18, %dma_wait3A_202, %dma_wait3A_203] : memref<4x64x128xf32, #tpu.memory_space<vmem>> -> memref<1x64x128xf32, #tpu.memory_space<vmem>>
      %dma_wait3A_205 = tpu.memref_squeeze %dma_wait3A_204 : memref<1x64x128xf32, #tpu.memory_space<vmem>> -> memref<64x128xf32, #tpu.memory_space<vmem>>
      tpu.wait_dma2 semaphore(%run_scoped3A_181 : memref<!tpu.dma_semaphore, #tpu.memory_space<semaphore_mem>>) src(%dma_wait3A_205 : memref<64x128xf32, #tpu.memory_space<vmem>>) dst(%dma_wait3A_201 : memref<64x128xf32, #tpu.memory_space<vmem_shared>>)
      tpu.yield
    }) : () -> ()
    %add3A_19 = arith.constant 128 : i32
    %add3A_20 = arith.addi %mul3A_0, %add3A_19 : i32
    %run_scoped3A_21 = arith.constant 0 : i32
    "tpu.region"() ({
      %run_scoped3A_181 = tpu.sem_alloc : memref<!tpu.dma_semaphore, #tpu.memory_space<semaphore_mem>>
      %dma_start3A_182 = arith.constant 0 : i32
      %dma_start3A_183 = arith.constant 0 : i32
      %dma_start3A_184 = tpu.memref_slice %arg8[%run_scoped3A_21, %dma_start3A_182, %dma_start3A_183] : memref<4x64x128xf32, #tpu.memory_space<vmem>> -> memref<1x64x128xf32, #tpu.memory_space<vmem>>
      %dma_start3A_185 = tpu.memref_squeeze %dma_start3A_184 : memref<1x64x128xf32, #tpu.memory_space<vmem>> -> memref<64x128xf32, #tpu.memory_space<vmem>>
      %dma_start3A_186 = arith.constant 0 : i32
      %dma_start3A_187 = tpu.memref_slice %arg9[%add3A_20, %dma_start3A_186] : memref<10240x128xf32, #tpu.memory_space<vmem_shared>> -> memref<64x128xf32, #tpu.memory_space<vmem_shared>>
      %dma_start3A_188 = arith.constant 0 : i32
      %dma_start3A_189 = tpu.memref_slice %arg9[%add3A_20, %dma_start3A_188] : memref<10240x128xf32, #tpu.memory_space<vmem_shared>> -> memref<64x128xf32, #tpu.memory_space<vmem_shared>>
      %dma_start3A_190 = arith.constant 0 : i32
      %dma_start3A_191 = arith.constant 0 : i32
      %dma_start3A_192 = tpu.memref_slice %arg8[%run_scoped3A_21, %dma_start3A_190, %dma_start3A_191] : memref<4x64x128xf32, #tpu.memory_space<vmem>> -> memref<1x64x128xf32, #tpu.memory_space<vmem>>
      %dma_start3A_193 = tpu.memref_squeeze %dma_start3A_192 : memref<1x64x128xf32, #tpu.memory_space<vmem>> -> memref<64x128xf32, #tpu.memory_space<vmem>>
      tpu.enqueue_dma source(%dma_start3A_193 : memref<64x128xf32, #tpu.memory_space<vmem>>) target(%dma_start3A_189 : memref<64x128xf32, #tpu.memory_space<vmem_shared>>) target_semaphore(%run_scoped3A_181 : memref<!tpu.dma_semaphore, #tpu.memory_space<semaphore_mem>>)
      %dma_wait3A_194 = arith.constant 0 : i32
      %dma_wait3A_195 = arith.constant 0 : i32
      %dma_wait3A_196 = tpu.memref_slice %arg8[%run_scoped3A_21, %dma_wait3A_194, %dma_wait3A_195] : memref<4x64x128xf32, #tpu.memory_space<vmem>> -> memref<1x64x128xf32, #tpu.memory_space<vmem>>
      %dma_wait3A_197 = tpu.memref_squeeze %dma_wait3A_196 : memref<1x64x128xf32, #tpu.memory_space<vmem>> -> memref<64x128xf32, #tpu.memory_space<vmem>>
      %dma_wait3A_198 = arith.constant 0 : i32
      %dma_wait3A_199 = tpu.memref_slice %arg9[%add3A_20, %dma_wait3A_198] : memref<10240x128xf32, #tpu.memory_space<vmem_shared>> -> memref<64x128xf32, #tpu.memory_space<vmem_shared>>
      %dma_wait3A_200 = arith.constant 0 : i32
      %dma_wait3A_201 = tpu.memref_slice %arg9[%add3A_20, %dma_wait3A_200] : memref<10240x128xf32, #tpu.memory_space<vmem_shared>> -> memref<64x128xf32, #tpu.memory_space<vmem_shared>>
      %dma_wait3A_202 = arith.constant 0 : i32
      %dma_wait3A_203 = arith.constant 0 : i32
      %dma_wait3A_204 = tpu.memref_slice %arg8[%run_scoped3A_21, %dma_wait3A_202, %dma_wait3A_203] : memref<4x64x128xf32, #tpu.memory_space<vmem>> -> memref<1x64x128xf32, #tpu.memory_space<vmem>>
      %dma_wait3A_205 = tpu.memref_squeeze %dma_wait3A_204 : memref<1x64x128xf32, #tpu.memory_space<vmem>> -> memref<64x128xf32, #tpu.memory_space<vmem>>
      tpu.wait_dma2 semaphore(%run_scoped3A_181 : memref<!tpu.dma_semaphore, #tpu.memory_space<semaphore_mem>>) src(%dma_wait3A_205 : memref<64x128xf32, #tpu.memory_space<vmem>>) dst(%dma_wait3A_201 : memref<64x128xf32, #tpu.memory_space<vmem_shared>>)
      tpu.yield
    }) : () -> ()
    %add3A_22 = arith.constant 192 : i32
    %add3A_23 = arith.addi %mul3A_0, %add3A_22 : i32
    %run_scoped3A_24 = arith.constant 0 : i32
    "tpu.region"() ({
      %run_scoped3A_181 = tpu.sem_alloc : memref<!tpu.dma_semaphore, #tpu.memory_space<semaphore_mem>>
      %dma_start3A_182 = arith.constant 0 : i32
      %dma_start3A_183 = arith.constant 0 : i32
      %dma_start3A_184 = tpu.memref_slice %arg8[%run_scoped3A_24, %dma_start3A_182, %dma_start3A_183] : memref<4x64x128xf32, #tpu.memory_space<vmem>> -> memref<1x64x128xf32, #tpu.memory_space<vmem>>
      %dma_start3A_185 = tpu.memref_squeeze %dma_start3A_184 : memref<1x64x128xf32, #tpu.memory_space<vmem>> -> memref<64x128xf32, #tpu.memory_space<vmem>>
      %dma_start3A_186 = arith.constant 0 : i32
      %dma_start3A_187 = tpu.memref_slice %arg9[%add3A_23, %dma_start3A_186] : memref<10240x128xf32, #tpu.memory_space<vmem_shared>> -> memref<64x128xf32, #tpu.memory_space<vmem_shared>>
      %dma_start3A_188 = arith.constant 0 : i32
      %dma_start3A_189 = tpu.memref_slice %arg9[%add3A_23, %dma_start3A_188] : memref<10240x128xf32, #tpu.memory_space<vmem_shared>> -> memref<64x128xf32, #tpu.memory_space<vmem_shared>>
      %dma_start3A_190 = arith.constant 0 : i32
      %dma_start3A_191 = arith.constant 0 : i32
      %dma_start3A_192 = tpu.memref_slice %arg8[%run_scoped3A_24, %dma_start3A_190, %dma_start3A_191] : memref<4x64x128xf32, #tpu.memory_space<vmem>> -> memref<1x64x128xf32, #tpu.memory_space<vmem>>
      %dma_start3A_193 = tpu.memref_squeeze %dma_start3A_192 : memref<1x64x128xf32, #tpu.memory_space<vmem>> -> memref<64x128xf32, #tpu.memory_space<vmem>>
      tpu.enqueue_dma source(%dma_start3A_193 : memref<64x128xf32, #tpu.memory_space<vmem>>) target(%dma_start3A_189 : memref<64x128xf32, #tpu.memory_space<vmem_shared>>) target_semaphore(%run_scoped3A_181 : memref<!tpu.dma_semaphore, #tpu.memory_space<semaphore_mem>>)
      %dma_wait3A_194 = arith.constant 0 : i32
      %dma_wait3A_195 = arith.constant 0 : i32
      %dma_wait3A_196 = tpu.memref_slice %arg8[%run_scoped3A_24, %dma_wait3A_194, %dma_wait3A_195] : memref<4x64x128xf32, #tpu.memory_space<vmem>> -> memref<1x64x128xf32, #tpu.memory_space<vmem>>
      %dma_wait3A_197 = tpu.memref_squeeze %dma_wait3A_196 : memref<1x64x128xf32, #tpu.memory_space<vmem>> -> memref<64x128xf32, #tpu.memory_space<vmem>>
      %dma_wait3A_198 = arith.constant 0 : i32
      %dma_wait3A_199 = tpu.memref_slice %arg9[%add3A_23, %dma_wait3A_198] : memref<10240x128xf32, #tpu.memory_space<vmem_shared>> -> memref<64x128xf32, #tpu.memory_space<vmem_shared>>
      %dma_wait3A_200 = arith.constant 0 : i32
      %dma_wait3A_201 = tpu.memref_slice %arg9[%add3A_23, %dma_wait3A_200] : memref<10240x128xf32, #tpu.memory_space<vmem_shared>> -> memref<64x128xf32, #tpu.memory_space<vmem_shared>>
      %dma_wait3A_202 = arith.constant 0 : i32
      %dma_wait3A_203 = arith.constant 0 : i32
      %dma_wait3A_204 = tpu.memref_slice %arg8[%run_scoped3A_24, %dma_wait3A_202, %dma_wait3A_203] : memref<4x64x128xf32, #tpu.memory_space<vmem>> -> memref<1x64x128xf32, #tpu.memory_space<vmem>>
      %dma_wait3A_205 = tpu.memref_squeeze %dma_wait3A_204 : memref<1x64x128xf32, #tpu.memory_space<vmem>> -> memref<64x128xf32, #tpu.memory_space<vmem>>
      tpu.wait_dma2 semaphore(%run_scoped3A_181 : memref<!tpu.dma_semaphore, #tpu.memory_space<semaphore_mem>>) src(%dma_wait3A_205 : memref<64x128xf32, #tpu.memory_space<vmem>>) dst(%dma_wait3A_201 : memref<64x128xf32, #tpu.memory_space<vmem_shared>>)
      tpu.yield
    }) : () -> ()
    %add3A_25 = arith.constant 256 : i32
    %add3A_26 = arith.addi %mul3A_0, %add3A_25 : i32
    %run_scoped3A_27 = arith.constant 0 : i32
    "tpu.region"() ({
      %run_scoped3A_181 = tpu.sem_alloc : memref<!tpu.dma_semaphore, #tpu.memory_space<semaphore_mem>>
      %dma_start3A_182 = arith.constant 0 : i32
      %dma_start3A_183 = arith.constant 0 : i32
      %dma_start3A_184 = tpu.memref_slice %arg8[%run_scoped3A_27, %dma_start3A_182, %dma_start3A_183] : memref<4x64x128xf32, #tpu.memory_space<vmem>> -> memref<1x64x128xf32, #tpu.memory_space<vmem>>
      %dma_start3A_185 = tpu.memref_squeeze %dma_start3A_184 : memref<1x64x128xf32, #tpu.memory_space<vmem>> -> memref<64x128xf32, #tpu.memory_space<vmem>>
      %dma_start3A_186 = arith.constant 0 : i32
      %dma_start3A_187 = tpu.memref_slice %arg9[%add3A_26, %dma_start3A_186] : memref<10240x128xf32, #tpu.memory_space<vmem_shared>> -> memref<64x128xf32, #tpu.memory_space<vmem_shared>>
      %dma_start3A_188 = arith.constant 0 : i32
      %dma_start3A_189 = tpu.memref_slice %arg9[%add3A_26, %dma_start3A_188] : memref<10240x128xf32, #tpu.memory_space<vmem_shared>> -> memref<64x128xf32, #tpu.memory_space<vmem_shared>>
      %dma_start3A_190 = arith.constant 0 : i32
      %dma_start3A_191 = arith.constant 0 : i32
      %dma_start3A_192 = tpu.memref_slice %arg8[%run_scoped3A_27, %dma_start3A_190, %dma_start3A_191] : memref<4x64x128xf32, #tpu.memory_space<vmem>> -> memref<1x64x128xf32, #tpu.memory_space<vmem>>
      %dma_start3A_193 = tpu.memref_squeeze %dma_start3A_192 : memref<1x64x128xf32, #tpu.memory_space<vmem>> -> memref<64x128xf32, #tpu.memory_space<vmem>>
      tpu.enqueue_dma source(%dma_start3A_193 : memref<64x128xf32, #tpu.memory_space<vmem>>) target(%dma_start3A_189 : memref<64x128xf32, #tpu.memory_space<vmem_shared>>) target_semaphore(%run_scoped3A_181 : memref<!tpu.dma_semaphore, #tpu.memory_space<semaphore_mem>>)
      %dma_wait3A_194 = arith.constant 0 : i32
      %dma_wait3A_195 = arith.constant 0 : i32
      %dma_wait3A_196 = tpu.memref_slice %arg8[%run_scoped3A_27, %dma_wait3A_194, %dma_wait3A_195] : memref<4x64x128xf32, #tpu.memory_space<vmem>> -> memref<1x64x128xf32, #tpu.memory_space<vmem>>
      %dma_wait3A_197 = tpu.memref_squeeze %dma_wait3A_196 : memref<1x64x128xf32, #tpu.memory_space<vmem>> -> memref<64x128xf32, #tpu.memory_space<vmem>>
      %dma_wait3A_198 = arith.constant 0 : i32
      %dma_wait3A_199 = tpu.memref_slice %arg9[%add3A_26, %dma_wait3A_198] : memref<10240x128xf32, #tpu.memory_space<vmem_shared>> -> memref<64x128xf32, #tpu.memory_space<vmem_shared>>
      %dma_wait3A_200 = arith.constant 0 : i32
      %dma_wait3A_201 = tpu.memref_slice %arg9[%add3A_26, %dma_wait3A_200] : memref<10240x128xf32, #tpu.memory_space<vmem_shared>> -> memref<64x128xf32, #tpu.memory_space<vmem_shared>>
      %dma_wait3A_202 = arith.constant 0 : i32
      %dma_wait3A_203 = arith.constant 0 : i32
      %dma_wait3A_204 = tpu.memref_slice %arg8[%run_scoped3A_27, %dma_wait3A_202, %dma_wait3A_203] : memref<4x64x128xf32, #tpu.memory_space<vmem>> -> memref<1x64x128xf32, #tpu.memory_space<vmem>>
      %dma_wait3A_205 = tpu.memref_squeeze %dma_wait3A_204 : memref<1x64x128xf32, #tpu.memory_space<vmem>> -> memref<64x128xf32, #tpu.memory_space<vmem>>
      tpu.wait_dma2 semaphore(%run_scoped3A_181 : memref<!tpu.dma_semaphore, #tpu.memory_space<semaphore_mem>>) src(%dma_wait3A_205 : memref<64x128xf32, #tpu.memory_space<vmem>>) dst(%dma_wait3A_201 : memref<64x128xf32, #tpu.memory_space<vmem_shared>>)
      tpu.yield
    }) : () -> ()
    %add3A_28 = arith.constant 320 : i32
    %add3A_29 = arith.addi %mul3A_0, %add3A_28 : i32
    %run_scoped3A_30 = arith.constant 0 : i32
    "tpu.region"() ({
      %run_scoped3A_181 = tpu.sem_alloc : memref<!tpu.dma_semaphore, #tpu.memory_space<semaphore_mem>>
      %dma_start3A_182 = arith.constant 0 : i32
      %dma_start3A_183 = arith.constant 0 : i32
      %dma_start3A_184 = tpu.memref_slice %arg8[%run_scoped3A_30, %dma_start3A_182, %dma_start3A_183] : memref<4x64x128xf32, #tpu.memory_space<vmem>> -> memref<1x64x128xf32, #tpu.memory_space<vmem>>
      %dma_start3A_185 = tpu.memref_squeeze %dma_start3A_184 : memref<1x64x128xf32, #tpu.memory_space<vmem>> -> memref<64x128xf32, #tpu.memory_space<vmem>>
      %dma_start3A_186 = arith.constant 0 : i32
      %dma_start3A_187 = tpu.memref_slice %arg9[%add3A_29, %dma_start3A_186] : memref<10240x128xf32, #tpu.memory_space<vmem_shared>> -> memref<64x128xf32, #tpu.memory_space<vmem_shared>>
      %dma_start3A_188 = arith.constant 0 : i32
      %dma_start3A_189 = tpu.memref_slice %arg9[%add3A_29, %dma_start3A_188] : memref<10240x128xf32, #tpu.memory_space<vmem_shared>> -> memref<64x128xf32, #tpu.memory_space<vmem_shared>>
      %dma_start3A_190 = arith.constant 0 : i32
      %dma_start3A_191 = arith.constant 0 : i32
      %dma_start3A_192 = tpu.memref_slice %arg8[%run_scoped3A_30, %dma_start3A_190, %dma_start3A_191] : memref<4x64x128xf32, #tpu.memory_space<vmem>> -> memref<1x64x128xf32, #tpu.memory_space<vmem>>
      %dma_start3A_193 = tpu.memref_squeeze %dma_start3A_192 : memref<1x64x128xf32, #tpu.memory_space<vmem>> -> memref<64x128xf32, #tpu.memory_space<vmem>>
      tpu.enqueue_dma source(%dma_start3A_193 : memref<64x128xf32, #tpu.memory_space<vmem>>) target(%dma_start3A_189 : memref<64x128xf32, #tpu.memory_space<vmem_shared>>) target_semaphore(%run_scoped3A_181 : memref<!tpu.dma_semaphore, #tpu.memory_space<semaphore_mem>>)
      %dma_wait3A_194 = arith.constant 0 : i32
      %dma_wait3A_195 = arith.constant 0 : i32
      %dma_wait3A_196 = tpu.memref_slice %arg8[%run_scoped3A_30, %dma_wait3A_194, %dma_wait3A_195] : memref<4x64x128xf32, #tpu.memory_space<vmem>> -> memref<1x64x128xf32, #tpu.memory_space<vmem>>
      %dma_wait3A_197 = tpu.memref_squeeze %dma_wait3A_196 : memref<1x64x128xf32, #tpu.memory_space<vmem>> -> memref<64x128xf32, #tpu.memory_space<vmem>>
      %dma_wait3A_198 = arith.constant 0 : i32
      %dma_wait3A_199 = tpu.memref_slice %arg9[%add3A_29, %dma_wait3A_198] : memref<10240x128xf32, #tpu.memory_space<vmem_shared>> -> memref<64x128xf32, #tpu.memory_space<vmem_shared>>
      %dma_wait3A_200 = arith.constant 0 : i32
      %dma_wait3A_201 = tpu.memref_slice %arg9[%add3A_29, %dma_wait3A_200] : memref<10240x128xf32, #tpu.memory_space<vmem_shared>> -> memref<64x128xf32, #tpu.memory_space<vmem_shared>>
      %dma_wait3A_202 = arith.constant 0 : i32
      %dma_wait3A_203 = arith.constant 0 : i32
      %dma_wait3A_204 = tpu.memref_slice %arg8[%run_scoped3A_30, %dma_wait3A_202, %dma_wait3A_203] : memref<4x64x128xf32, #tpu.memory_space<vmem>> -> memref<1x64x128xf32, #tpu.memory_space<vmem>>
      %dma_wait3A_205 = tpu.memref_squeeze %dma_wait3A_204 : memref<1x64x128xf32, #tpu.memory_space<vmem>> -> memref<64x128xf32, #tpu.memory_space<vmem>>
      tpu.wait_dma2 semaphore(%run_scoped3A_181 : memref<!tpu.dma_semaphore, #tpu.memory_space<semaphore_mem>>) src(%dma_wait3A_205 : memref<64x128xf32, #tpu.memory_space<vmem>>) dst(%dma_wait3A_201 : memref<64x128xf32, #tpu.memory_space<vmem_shared>>)
      tpu.yield
    }) : () -> ()
    %add3A_31 = arith.constant 384 : i32
    %add3A_32 = arith.addi %mul3A_0, %add3A_31 : i32
    %run_scoped3A_33 = arith.constant 0 : i32
    "tpu.region"() ({
      %run_scoped3A_181 = tpu.sem_alloc : memref<!tpu.dma_semaphore, #tpu.memory_space<semaphore_mem>>
      %dma_start3A_182 = arith.constant 0 : i32
      %dma_start3A_183 = arith.constant 0 : i32
      %dma_start3A_184 = tpu.memref_slice %arg8[%run_scoped3A_33, %dma_start3A_182, %dma_start3A_183] : memref<4x64x128xf32, #tpu.memory_space<vmem>> -> memref<1x64x128xf32, #tpu.memory_space<vmem>>
      %dma_start3A_185 = tpu.memref_squeeze %dma_start3A_184 : memref<1x64x128xf32, #tpu.memory_space<vmem>> -> memref<64x128xf32, #tpu.memory_space<vmem>>
      %dma_start3A_186 = arith.constant 0 : i32
      %dma_start3A_187 = tpu.memref_slice %arg9[%add3A_32, %dma_start3A_186] : memref<10240x128xf32, #tpu.memory_space<vmem_shared>> -> memref<64x128xf32, #tpu.memory_space<vmem_shared>>
      %dma_start3A_188 = arith.constant 0 : i32
      %dma_start3A_189 = tpu.memref_slice %arg9[%add3A_32, %dma_start3A_188] : memref<10240x128xf32, #tpu.memory_space<vmem_shared>> -> memref<64x128xf32, #tpu.memory_space<vmem_shared>>
      %dma_start3A_190 = arith.constant 0 : i32
      %dma_start3A_191 = arith.constant 0 : i32
      %dma_start3A_192 = tpu.memref_slice %arg8[%run_scoped3A_33, %dma_start3A_190, %dma_start3A_191] : memref<4x64x128xf32, #tpu.memory_space<vmem>> -> memref<1x64x128xf32, #tpu.memory_space<vmem>>
      %dma_start3A_193 = tpu.memref_squeeze %dma_start3A_192 : memref<1x64x128xf32, #tpu.memory_space<vmem>> -> memref<64x128xf32, #tpu.memory_space<vmem>>
      tpu.enqueue_dma source(%dma_start3A_193 : memref<64x128xf32, #tpu.memory_space<vmem>>) target(%dma_start3A_189 : memref<64x128xf32, #tpu.memory_space<vmem_shared>>) target_semaphore(%run_scoped3A_181 : memref<!tpu.dma_semaphore, #tpu.memory_space<semaphore_mem>>)
      %dma_wait3A_194 = arith.constant 0 : i32
      %dma_wait3A_195 = arith.constant 0 : i32
      %dma_wait3A_196 = tpu.memref_slice %arg8[%run_scoped3A_33, %dma_wait3A_194, %dma_wait3A_195] : memref<4x64x128xf32, #tpu.memory_space<vmem>> -> memref<1x64x128xf32, #tpu.memory_space<vmem>>
      %dma_wait3A_197 = tpu.memref_squeeze %dma_wait3A_196 : memref<1x64x128xf32, #tpu.memory_space<vmem>> -> memref<64x128xf32, #tpu.memory_space<vmem>>
      %dma_wait3A_198 = arith.constant 0 : i32
      %dma_wait3A_199 = tpu.memref_slice %arg9[%add3A_32, %dma_wait3A_198] : memref<10240x128xf32, #tpu.memory_space<vmem_shared>> -> memref<64x128xf32, #tpu.memory_space<vmem_shared>>
      %dma_wait3A_200 = arith.constant 0 : i32
      %dma_wait3A_201 = tpu.memref_slice %arg9[%add3A_32, %dma_wait3A_200] : memref<10240x128xf32, #tpu.memory_space<vmem_shared>> -> memref<64x128xf32, #tpu.memory_space<vmem_shared>>
      %dma_wait3A_202 = arith.constant 0 : i32
      %dma_wait3A_203 = arith.constant 0 : i32
      %dma_wait3A_204 = tpu.memref_slice %arg8[%run_scoped3A_33, %dma_wait3A_202, %dma_wait3A_203] : memref<4x64x128xf32, #tpu.memory_space<vmem>> -> memref<1x64x128xf32, #tpu.memory_space<vmem>>
      %dma_wait3A_205 = tpu.memref_squeeze %dma_wait3A_204 : memref<1x64x128xf32, #tpu.memory_space<vmem>> -> memref<64x128xf32, #tpu.memory_space<vmem>>
      tpu.wait_dma2 semaphore(%run_scoped3A_181 : memref<!tpu.dma_semaphore, #tpu.memory_space<semaphore_mem>>) src(%dma_wait3A_205 : memref<64x128xf32, #tpu.memory_space<vmem>>) dst(%dma_wait3A_201 : memref<64x128xf32, #tpu.memory_space<vmem_shared>>)
      tpu.yield
    }) : () -> ()
    %add3A_34 = arith.constant 448 : i32
    %add3A_35 = arith.addi %mul3A_0, %add3A_34 : i32
    %run_scoped3A_36 = arith.constant 0 : i32
    "tpu.region"() ({
      %run_scoped3A_181 = tpu.sem_alloc : memref<!tpu.dma_semaphore, #tpu.memory_space<semaphore_mem>>
      %dma_start3A_182 = arith.constant 0 : i32
      %dma_start3A_183 = arith.constant 0 : i32
      %dma_start3A_184 = tpu.memref_slice %arg8[%run_scoped3A_36, %dma_start3A_182, %dma_start3A_183] : memref<4x64x128xf32, #tpu.memory_space<vmem>> -> memref<1x64x128xf32, #tpu.memory_space<vmem>>
      %dma_start3A_185 = tpu.memref_squeeze %dma_start3A_184 : memref<1x64x128xf32, #tpu.memory_space<vmem>> -> memref<64x128xf32, #tpu.memory_space<vmem>>
      %dma_start3A_186 = arith.constant 0 : i32
      %dma_start3A_187 = tpu.memref_slice %arg9[%add3A_35, %dma_start3A_186] : memref<10240x128xf32, #tpu.memory_space<vmem_shared>> -> memref<64x128xf32, #tpu.memory_space<vmem_shared>>
      %dma_start3A_188 = arith.constant 0 : i32
      %dma_start3A_189 = tpu.memref_slice %arg9[%add3A_35, %dma_start3A_188] : memref<10240x128xf32, #tpu.memory_space<vmem_shared>> -> memref<64x128xf32, #tpu.memory_space<vmem_shared>>
      %dma_start3A_190 = arith.constant 0 : i32
      %dma_start3A_191 = arith.constant 0 : i32
      %dma_start3A_192 = tpu.memref_slice %arg8[%run_scoped3A_36, %dma_start3A_190, %dma_start3A_191] : memref<4x64x128xf32, #tpu.memory_space<vmem>> -> memref<1x64x128xf32, #tpu.memory_space<vmem>>
      %dma_start3A_193 = tpu.memref_squeeze %dma_start3A_192 : memref<1x64x128xf32, #tpu.memory_space<vmem>> -> memref<64x128xf32, #tpu.memory_space<vmem>>
      tpu.enqueue_dma source(%dma_start3A_193 : memref<64x128xf32, #tpu.memory_space<vmem>>) target(%dma_start3A_189 : memref<64x128xf32, #tpu.memory_space<vmem_shared>>) target_semaphore(%run_scoped3A_181 : memref<!tpu.dma_semaphore, #tpu.memory_space<semaphore_mem>>)
      %dma_wait3A_194 = arith.constant 0 : i32
      %dma_wait3A_195 = arith.constant 0 : i32
      %dma_wait3A_196 = tpu.memref_slice %arg8[%run_scoped3A_36, %dma_wait3A_194, %dma_wait3A_195] : memref<4x64x128xf32, #tpu.memory_space<vmem>> -> memref<1x64x128xf32, #tpu.memory_space<vmem>>
      %dma_wait3A_197 = tpu.memref_squeeze %dma_wait3A_196 : memref<1x64x128xf32, #tpu.memory_space<vmem>> -> memref<64x128xf32, #tpu.memory_space<vmem>>
      %dma_wait3A_198 = arith.constant 0 : i32
      %dma_wait3A_199 = tpu.memref_slice %arg9[%add3A_35, %dma_wait3A_198] : memref<10240x128xf32, #tpu.memory_space<vmem_shared>> -> memref<64x128xf32, #tpu.memory_space<vmem_shared>>
      %dma_wait3A_200 = arith.constant 0 : i32
      %dma_wait3A_201 = tpu.memref_slice %arg9[%add3A_35, %dma_wait3A_200] : memref<10240x128xf32, #tpu.memory_space<vmem_shared>> -> memref<64x128xf32, #tpu.memory_space<vmem_shared>>
      %dma_wait3A_202 = arith.constant 0 : i32
      %dma_wait3A_203 = arith.constant 0 : i32
      %dma_wait3A_204 = tpu.memref_slice %arg8[%run_scoped3A_36, %dma_wait3A_202, %dma_wait3A_203] : memref<4x64x128xf32, #tpu.memory_space<vmem>> -> memref<1x64x128xf32, #tpu.memory_space<vmem>>
      %dma_wait3A_205 = tpu.memref_squeeze %dma_wait3A_204 : memref<1x64x128xf32, #tpu.memory_space<vmem>> -> memref<64x128xf32, #tpu.memory_space<vmem>>
      tpu.wait_dma2 semaphore(%run_scoped3A_181 : memref<!tpu.dma_semaphore, #tpu.memory_space<semaphore_mem>>) src(%dma_wait3A_205 : memref<64x128xf32, #tpu.memory_space<vmem>>) dst(%dma_wait3A_201 : memref<64x128xf32, #tpu.memory_space<vmem_shared>>)
      tpu.yield
    }) : () -> ()
    %add3A_37 = arith.constant 512 : i32
    %add3A_38 = arith.addi %mul3A_0, %add3A_37 : i32
    %run_scoped3A_39 = arith.constant 0 : i32
    "tpu.region"() ({
      %run_scoped3A_181 = tpu.sem_alloc : memref<!tpu.dma_semaphore, #tpu.memory_space<semaphore_mem>>
      %dma_start3A_182 = arith.constant 0 : i32
      %dma_start3A_183 = arith.constant 0 : i32
      %dma_start3A_184 = tpu.memref_slice %arg8[%run_scoped3A_39, %dma_start3A_182, %dma_start3A_183] : memref<4x64x128xf32, #tpu.memory_space<vmem>> -> memref<1x64x128xf32, #tpu.memory_space<vmem>>
      %dma_start3A_185 = tpu.memref_squeeze %dma_start3A_184 : memref<1x64x128xf32, #tpu.memory_space<vmem>> -> memref<64x128xf32, #tpu.memory_space<vmem>>
      %dma_start3A_186 = arith.constant 0 : i32
      %dma_start3A_187 = tpu.memref_slice %arg9[%add3A_38, %dma_start3A_186] : memref<10240x128xf32, #tpu.memory_space<vmem_shared>> -> memref<64x128xf32, #tpu.memory_space<vmem_shared>>
      %dma_start3A_188 = arith.constant 0 : i32
      %dma_start3A_189 = tpu.memref_slice %arg9[%add3A_38, %dma_start3A_188] : memref<10240x128xf32, #tpu.memory_space<vmem_shared>> -> memref<64x128xf32, #tpu.memory_space<vmem_shared>>
      %dma_start3A_190 = arith.constant 0 : i32
      %dma_start3A_191 = arith.constant 0 : i32
      %dma_start3A_192 = tpu.memref_slice %arg8[%run_scoped3A_39, %dma_start3A_190, %dma_start3A_191] : memref<4x64x128xf32, #tpu.memory_space<vmem>> -> memref<1x64x128xf32, #tpu.memory_space<vmem>>
      %dma_start3A_193 = tpu.memref_squeeze %dma_start3A_192 : memref<1x64x128xf32, #tpu.memory_space<vmem>> -> memref<64x128xf32, #tpu.memory_space<vmem>>
      tpu.enqueue_dma source(%dma_start3A_193 : memref<64x128xf32, #tpu.memory_space<vmem>>) target(%dma_start3A_189 : memref<64x128xf32, #tpu.memory_space<vmem_shared>>) target_semaphore(%run_scoped3A_181 : memref<!tpu.dma_semaphore, #tpu.memory_space<semaphore_mem>>)
      %dma_wait3A_194 = arith.constant 0 : i32
      %dma_wait3A_195 = arith.constant 0 : i32
      %dma_wait3A_196 = tpu.memref_slice %arg8[%run_scoped3A_39, %dma_wait3A_194, %dma_wait3A_195] : memref<4x64x128xf32, #tpu.memory_space<vmem>> -> memref<1x64x128xf32, #tpu.memory_space<vmem>>
      %dma_wait3A_197 = tpu.memref_squeeze %dma_wait3A_196 : memref<1x64x128xf32, #tpu.memory_space<vmem>> -> memref<64x128xf32, #tpu.memory_space<vmem>>
      %dma_wait3A_198 = arith.constant 0 : i32
      %dma_wait3A_199 = tpu.memref_slice %arg9[%add3A_38, %dma_wait3A_198] : memref<10240x128xf32, #tpu.memory_space<vmem_shared>> -> memref<64x128xf32, #tpu.memory_space<vmem_shared>>
      %dma_wait3A_200 = arith.constant 0 : i32
      %dma_wait3A_201 = tpu.memref_slice %arg9[%add3A_38, %dma_wait3A_200] : memref<10240x128xf32, #tpu.memory_space<vmem_shared>> -> memref<64x128xf32, #tpu.memory_space<vmem_shared>>
      %dma_wait3A_202 = arith.constant 0 : i32
      %dma_wait3A_203 = arith.constant 0 : i32
      %dma_wait3A_204 = tpu.memref_slice %arg8[%run_scoped3A_39, %dma_wait3A_202, %dma_wait3A_203] : memref<4x64x128xf32, #tpu.memory_space<vmem>> -> memref<1x64x128xf32, #tpu.memory_space<vmem>>
      %dma_wait3A_205 = tpu.memref_squeeze %dma_wait3A_204 : memref<1x64x128xf32, #tpu.memory_space<vmem>> -> memref<64x128xf32, #tpu.memory_space<vmem>>
      tpu.wait_dma2 semaphore(%run_scoped3A_181 : memref<!tpu.dma_semaphore, #tpu.memory_space<semaphore_mem>>) src(%dma_wait3A_205 : memref<64x128xf32, #tpu.memory_space<vmem>>) dst(%dma_wait3A_201 : memref<64x128xf32, #tpu.memory_space<vmem_shared>>)
      tpu.yield
    }) : () -> ()
    %add3A_40 = arith.constant 576 : i32
    %add3A_41 = arith.addi %mul3A_0, %add3A_40 : i32
    %run_scoped3A_42 = arith.constant 0 : i32
    "tpu.region"() ({
      %run_scoped3A_181 = tpu.sem_alloc : memref<!tpu.dma_semaphore, #tpu.memory_space<semaphore_mem>>
      %dma_start3A_182 = arith.constant 0 : i32
      %dma_start3A_183 = arith.constant 0 : i32
      %dma_start3A_184 = tpu.memref_slice %arg8[%run_scoped3A_42, %dma_start3A_182, %dma_start3A_183] : memref<4x64x128xf32, #tpu.memory_space<vmem>> -> memref<1x64x128xf32, #tpu.memory_space<vmem>>
      %dma_start3A_185 = tpu.memref_squeeze %dma_start3A_184 : memref<1x64x128xf32, #tpu.memory_space<vmem>> -> memref<64x128xf32, #tpu.memory_space<vmem>>
      %dma_start3A_186 = arith.constant 0 : i32
      %dma_start3A_187 = tpu.memref_slice %arg9[%add3A_41, %dma_start3A_186] : memref<10240x128xf32, #tpu.memory_space<vmem_shared>> -> memref<64x128xf32, #tpu.memory_space<vmem_shared>>
      %dma_start3A_188 = arith.constant 0 : i32
      %dma_start3A_189 = tpu.memref_slice %arg9[%add3A_41, %dma_start3A_188] : memref<10240x128xf32, #tpu.memory_space<vmem_shared>> -> memref<64x128xf32, #tpu.memory_space<vmem_shared>>
      %dma_start3A_190 = arith.constant 0 : i32
      %dma_start3A_191 = arith.constant 0 : i32
      %dma_start3A_192 = tpu.memref_slice %arg8[%run_scoped3A_42, %dma_start3A_190, %dma_start3A_191] : memref<4x64x128xf32, #tpu.memory_space<vmem>> -> memref<1x64x128xf32, #tpu.memory_space<vmem>>
      %dma_start3A_193 = tpu.memref_squeeze %dma_start3A_192 : memref<1x64x128xf32, #tpu.memory_space<vmem>> -> memref<64x128xf32, #tpu.memory_space<vmem>>
      tpu.enqueue_dma source(%dma_start3A_193 : memref<64x128xf32, #tpu.memory_space<vmem>>) target(%dma_start3A_189 : memref<64x128xf32, #tpu.memory_space<vmem_shared>>) target_semaphore(%run_scoped3A_181 : memref<!tpu.dma_semaphore, #tpu.memory_space<semaphore_mem>>)
      %dma_wait3A_194 = arith.constant 0 : i32
      %dma_wait3A_195 = arith.constant 0 : i32
      %dma_wait3A_196 = tpu.memref_slice %arg8[%run_scoped3A_42, %dma_wait3A_194, %dma_wait3A_195] : memref<4x64x128xf32, #tpu.memory_space<vmem>> -> memref<1x64x128xf32, #tpu.memory_space<vmem>>
      %dma_wait3A_197 = tpu.memref_squeeze %dma_wait3A_196 : memref<1x64x128xf32, #tpu.memory_space<vmem>> -> memref<64x128xf32, #tpu.memory_space<vmem>>
      %dma_wait3A_198 = arith.constant 0 : i32
      %dma_wait3A_199 = tpu.memref_slice %arg9[%add3A_41, %dma_wait3A_198] : memref<10240x128xf32, #tpu.memory_space<vmem_shared>> -> memref<64x128xf32, #tpu.memory_space<vmem_shared>>
      %dma_wait3A_200 = arith.constant 0 : i32
      %dma_wait3A_201 = tpu.memref_slice %arg9[%add3A_41, %dma_wait3A_200] : memref<10240x128xf32, #tpu.memory_space<vmem_shared>> -> memref<64x128xf32, #tpu.memory_space<vmem_shared>>
      %dma_wait3A_202 = arith.constant 0 : i32
      %dma_wait3A_203 = arith.constant 0 : i32
      %dma_wait3A_204 = tpu.memref_slice %arg8[%run_scoped3A_42, %dma_wait3A_202, %dma_wait3A_203] : memref<4x64x128xf32, #tpu.memory_space<vmem>> -> memref<1x64x128xf32, #tpu.memory_space<vmem>>
      %dma_wait3A_205 = tpu.memref_squeeze %dma_wait3A_204 : memref<1x64x128xf32, #tpu.memory_space<vmem>> -> memref<64x128xf32, #tpu.memory_space<vmem>>
      tpu.wait_dma2 semaphore(%run_scoped3A_181 : memref<!tpu.dma_semaphore, #tpu.memory_space<semaphore_mem>>) src(%dma_wait3A_205 : memref<64x128xf32, #tpu.memory_space<vmem>>) dst(%dma_wait3A_201 : memref<64x128xf32, #tpu.memory_space<vmem_shared>>)
      tpu.yield
    }) : () -> ()
    %barrier3A = arith.constant 0 : index
    tpu.barrier barrier_id(%barrier3A)
    %run_scoped3A_43 = arith.constant 0 : i32
    "tpu.region"() ({
      %run_scoped3A_181 = tpu.sem_alloc : memref<!tpu.dma_semaphore, #tpu.memory_space<semaphore_mem>>
      %dma_start3A_182 = arith.constant 0 : i32
      %dma_start3A_183 = arith.constant 0 : i32
      %dma_start3A_184 = tpu.memref_slice %arg6[%run_scoped3A_43, %dma_start3A_182, %dma_start3A_183] : memref<2x16x64xi32, #tpu.memory_space<vmem>> -> memref<1x16x64xi32, #tpu.memory_space<vmem>>
      %dma_start3A_185 = tpu.memref_squeeze %dma_start3A_184 : memref<1x16x64xi32, #tpu.memory_space<vmem>> -> memref<16x64xi32, #tpu.memory_space<vmem>>
      %dma_start3A_186 = arith.constant 0 : i32
      %dma_start3A_187 = tpu.memref_slice %arg2[%add3A, %dma_start3A_186] : memref<5120x64xi32, #tpu.memory_space<hbm>> -> memref<16x64xi32, #tpu.memory_space<hbm>>
      %dma_start3A_188 = arith.constant 0 : i32
      %dma_start3A_189 = arith.constant 0 : i32
      %dma_start3A_190 = tpu.memref_slice %arg6[%run_scoped3A_43, %dma_start3A_188, %dma_start3A_189] : memref<2x16x64xi32, #tpu.memory_space<vmem>> -> memref<1x16x64xi32, #tpu.memory_space<vmem>>
      %dma_start3A_191 = tpu.memref_squeeze %dma_start3A_190 : memref<1x16x64xi32, #tpu.memory_space<vmem>> -> memref<16x64xi32, #tpu.memory_space<vmem>>
      %dma_start3A_192 = arith.constant 0 : i32
      %dma_start3A_193 = tpu.memref_slice %arg2[%add3A, %dma_start3A_192] : memref<5120x64xi32, #tpu.memory_space<hbm>> -> memref<16x64xi32, #tpu.memory_space<hbm>>
      tpu.enqueue_dma source(%dma_start3A_193 : memref<16x64xi32, #tpu.memory_space<hbm>>) target(%dma_start3A_191 : memref<16x64xi32, #tpu.memory_space<vmem>>) target_semaphore(%run_scoped3A_181 : memref<!tpu.dma_semaphore, #tpu.memory_space<semaphore_mem>>)
      %dma_wait3A_194 = arith.constant 0 : i32
      %dma_wait3A_195 = arith.constant 0 : i32
      %dma_wait3A_196 = tpu.memref_slice %arg6[%run_scoped3A_43, %dma_wait3A_194, %dma_wait3A_195] : memref<2x16x64xi32, #tpu.memory_space<vmem>> -> memref<1x16x64xi32, #tpu.memory_space<vmem>>
      %dma_wait3A_197 = tpu.memref_squeeze %dma_wait3A_196 : memref<1x16x64xi32, #tpu.memory_space<vmem>> -> memref<16x64xi32, #tpu.memory_space<vmem>>
      %dma_wait3A_198 = arith.constant 0 : i32
      %dma_wait3A_199 = tpu.memref_slice %arg2[%add3A, %dma_wait3A_198] : memref<5120x64xi32, #tpu.memory_space<hbm>> -> memref<16x64xi32, #tpu.memory_space<hbm>>
      %dma_wait3A_200 = arith.constant 0 : i32
      %dma_wait3A_201 = arith.constant 0 : i32
      %dma_wait3A_202 = tpu.memref_slice %arg6[%run_scoped3A_43, %dma_wait3A_200, %dma_wait3A_201] : memref<2x16x64xi32, #tpu.memory_space<vmem>> -> memref<1x16x64xi32, #tpu.memory_space<vmem>>
      %dma_wait3A_203 = tpu.memref_squeeze %dma_wait3A_202 : memref<1x16x64xi32, #tpu.memory_space<vmem>> -> memref<16x64xi32, #tpu.memory_space<vmem>>
      %dma_wait3A_204 = arith.constant 0 : i32
      %dma_wait3A_205 = tpu.memref_slice %arg2[%add3A, %dma_wait3A_204] : memref<5120x64xi32, #tpu.memory_space<hbm>> -> memref<16x64xi32, #tpu.memory_space<hbm>>
      tpu.wait_dma2 semaphore(%run_scoped3A_181 : memref<!tpu.dma_semaphore, #tpu.memory_space<semaphore_mem>>) src(%dma_wait3A_205 : memref<16x64xi32, #tpu.memory_space<hbm>>) dst(%dma_wait3A_203 : memref<16x64xi32, #tpu.memory_space<vmem>>)
      tpu.yield
    }) : () -> ()
    %run_scoped3A_44 = arith.constant 0 : i32
    "tpu.region"() ({
      %run_scoped3A_181 = tpu.sem_alloc : memref<!tpu.dma_semaphore, #tpu.memory_space<semaphore_mem>>
      %dma_start3A_182 = arith.constant 0 : i32
      %dma_start3A_183 = arith.constant 0 : i32
      %dma_start3A_184 = tpu.memref_slice %arg7[%run_scoped3A_44, %dma_start3A_182, %dma_start3A_183] : memref<2x16x64xi32, #tpu.memory_space<vmem>> -> memref<1x16x64xi32, #tpu.memory_space<vmem>>
      %dma_start3A_185 = tpu.memref_squeeze %dma_start3A_184 : memref<1x16x64xi32, #tpu.memory_space<vmem>> -> memref<16x64xi32, #tpu.memory_space<vmem>>
      %dma_start3A_186 = arith.constant 0 : i32
      %dma_start3A_187 = tpu.memref_slice %arg3[%add3A, %dma_start3A_186] : memref<5120x64xi32, #tpu.memory_space<hbm>> -> memref<16x64xi32, #tpu.memory_space<hbm>>
      %dma_start3A_188 = arith.constant 0 : i32
      %dma_start3A_189 = arith.constant 0 : i32
      %dma_start3A_190 = tpu.memref_slice %arg7[%run_scoped3A_44, %dma_start3A_188, %dma_start3A_189] : memref<2x16x64xi32, #tpu.memory_space<vmem>> -> memref<1x16x64xi32, #tpu.memory_space<vmem>>
      %dma_start3A_191 = tpu.memref_squeeze %dma_start3A_190 : memref<1x16x64xi32, #tpu.memory_space<vmem>> -> memref<16x64xi32, #tpu.memory_space<vmem>>
      %dma_start3A_192 = arith.constant 0 : i32
      %dma_start3A_193 = tpu.memref_slice %arg3[%add3A, %dma_start3A_192] : memref<5120x64xi32, #tpu.memory_space<hbm>> -> memref<16x64xi32, #tpu.memory_space<hbm>>
      tpu.enqueue_dma source(%dma_start3A_193 : memref<16x64xi32, #tpu.memory_space<hbm>>) target(%dma_start3A_191 : memref<16x64xi32, #tpu.memory_space<vmem>>) target_semaphore(%run_scoped3A_181 : memref<!tpu.dma_semaphore, #tpu.memory_space<semaphore_mem>>)
      %dma_wait3A_194 = arith.constant 0 : i32
      %dma_wait3A_195 = arith.constant 0 : i32
      %dma_wait3A_196 = tpu.memref_slice %arg7[%run_scoped3A_44, %dma_wait3A_194, %dma_wait3A_195] : memref<2x16x64xi32, #tpu.memory_space<vmem>> -> memref<1x16x64xi32, #tpu.memory_space<vmem>>
      %dma_wait3A_197 = tpu.memref_squeeze %dma_wait3A_196 : memref<1x16x64xi32, #tpu.memory_space<vmem>> -> memref<16x64xi32, #tpu.memory_space<vmem>>
      %dma_wait3A_198 = arith.constant 0 : i32
      %dma_wait3A_199 = tpu.memref_slice %arg3[%add3A, %dma_wait3A_198] : memref<5120x64xi32, #tpu.memory_space<hbm>> -> memref<16x64xi32, #tpu.memory_space<hbm>>
      %dma_wait3A_200 = arith.constant 0 : i32
      %dma_wait3A_201 = arith.constant 0 : i32
      %dma_wait3A_202 = tpu.memref_slice %arg7[%run_scoped3A_44, %dma_wait3A_200, %dma_wait3A_201] : memref<2x16x64xi32, #tpu.memory_space<vmem>> -> memref<1x16x64xi32, #tpu.memory_space<vmem>>
      %dma_wait3A_203 = tpu.memref_squeeze %dma_wait3A_202 : memref<1x16x64xi32, #tpu.memory_space<vmem>> -> memref<16x64xi32, #tpu.memory_space<vmem>>
      %dma_wait3A_204 = arith.constant 0 : i32
      %dma_wait3A_205 = tpu.memref_slice %arg3[%add3A, %dma_wait3A_204] : memref<5120x64xi32, #tpu.memory_space<hbm>> -> memref<16x64xi32, #tpu.memory_space<hbm>>
      tpu.wait_dma2 semaphore(%run_scoped3A_181 : memref<!tpu.dma_semaphore, #tpu.memory_space<semaphore_mem>>) src(%dma_wait3A_205 : memref<16x64xi32, #tpu.memory_space<hbm>>) dst(%dma_wait3A_203 : memref<16x64xi32, #tpu.memory_space<vmem>>)
      tpu.yield
    }) : () -> ()
    %add3A_45 = arith.constant 16 : i32
    %add3A_46 = arith.addi %add3A, %add3A_45 : i32
    %dma_start3A = arith.constant 1 : i32
    %dma_start3A_47 = arith.constant 0 : i32
    %dma_start3A_48 = arith.constant 0 : i32
    %dma_start3A_49 = tpu.memref_slice %arg6[%dma_start3A, %dma_start3A_47, %dma_start3A_48] : memref<2x16x64xi32, #tpu.memory_space<vmem>> -> memref<1x16x64xi32, #tpu.memory_space<vmem>>
    %dma_start3A_50 = tpu.memref_squeeze %dma_start3A_49 : memref<1x16x64xi32, #tpu.memory_space<vmem>> -> memref<16x64xi32, #tpu.memory_space<vmem>>
    %dma_start3A_51 = arith.constant 0 : i32
    %dma_start3A_52 = tpu.memref_slice %arg2[%add3A_46, %dma_start3A_51] : memref<5120x64xi32, #tpu.memory_space<hbm>> -> memref<16x64xi32, #tpu.memory_space<hbm>>
    %dma_start3A_53 = arith.constant 0 : i32
    %dma_start3A_54 = arith.constant 0 : i32
    %dma_start3A_55 = tpu.memref_slice %arg6[%dma_start3A, %dma_start3A_53, %dma_start3A_54] : memref<2x16x64xi32, #tpu.memory_space<vmem>> -> memref<1x16x64xi32, #tpu.memory_space<vmem>>
    %dma_start3A_56 = tpu.memref_squeeze %dma_start3A_55 : memref<1x16x64xi32, #tpu.memory_space<vmem>> -> memref<16x64xi32, #tpu.memory_space<vmem>>
    %dma_start3A_57 = arith.constant 0 : i32
    %dma_start3A_58 = tpu.memref_slice %arg2[%add3A_46, %dma_start3A_57] : memref<5120x64xi32, #tpu.memory_space<hbm>> -> memref<16x64xi32, #tpu.memory_space<hbm>>
    tpu.enqueue_dma source(%dma_start3A_58 : memref<16x64xi32, #tpu.memory_space<hbm>>) target(%dma_start3A_56 : memref<16x64xi32, #tpu.memory_space<vmem>>) target_semaphore(%arg12 : memref<!tpu.dma_semaphore, #tpu.memory_space<semaphore_mem>>)
    %add3A_59 = arith.constant 16 : i32
    %add3A_60 = arith.addi %add3A, %add3A_59 : i32
    %dma_start3A_61 = arith.constant 1 : i32
    %dma_start3A_62 = arith.constant 0 : i32
    %dma_start3A_63 = arith.constant 0 : i32
    %dma_start3A_64 = tpu.memref_slice %arg7[%dma_start3A_61, %dma_start3A_62, %dma_start3A_63] : memref<2x16x64xi32, #tpu.memory_space<vmem>> -> memref<1x16x64xi32, #tpu.memory_space<vmem>>
    %dma_start3A_65 = tpu.memref_squeeze %dma_start3A_64 : memref<1x16x64xi32, #tpu.memory_space<vmem>> -> memref<16x64xi32, #tpu.memory_space<vmem>>
    %dma_start3A_66 = arith.constant 0 : i32
    %dma_start3A_67 = tpu.memref_slice %arg3[%add3A_60, %dma_start3A_66] : memref<5120x64xi32, #tpu.memory_space<hbm>> -> memref<16x64xi32, #tpu.memory_space<hbm>>
    %dma_start3A_68 = arith.constant 0 : i32
    %dma_start3A_69 = arith.constant 0 : i32
    %dma_start3A_70 = tpu.memref_slice %arg7[%dma_start3A_61, %dma_start3A_68, %dma_start3A_69] : memref<2x16x64xi32, #tpu.memory_space<vmem>> -> memref<1x16x64xi32, #tpu.memory_space<vmem>>
    %dma_start3A_71 = tpu.memref_squeeze %dma_start3A_70 : memref<1x16x64xi32, #tpu.memory_space<vmem>> -> memref<16x64xi32, #tpu.memory_space<vmem>>
    %dma_start3A_72 = arith.constant 0 : i32
    %dma_start3A_73 = tpu.memref_slice %arg3[%add3A_60, %dma_start3A_72] : memref<5120x64xi32, #tpu.memory_space<hbm>> -> memref<16x64xi32, #tpu.memory_space<hbm>>
    tpu.enqueue_dma source(%dma_start3A_73 : memref<16x64xi32, #tpu.memory_space<hbm>>) target(%dma_start3A_71 : memref<16x64xi32, #tpu.memory_space<vmem>>) target_semaphore(%arg12 : memref<!tpu.dma_semaphore, #tpu.memory_space<semaphore_mem>>)
    %dma_start3A_74 = arith.constant 0 : i32
    %dma_start3A_75 = arith.constant 0 : i32
    %dma_start3A_76 = arith.constant 0 : i32
    %dma_start3A_77 = arith.constant 0 : i32
    %dma_start3A_78 = arith.constant 0 : i32
    %dma_start3A_79 = arith.constant 0 : i32
    %dma_start3A_80 = tpu.memref_slice %arg8[%dma_start3A_76, %dma_start3A_78, %dma_start3A_79] : memref<4x64x128xf32, #tpu.memory_space<vmem>> -> memref<1x64x128xf32, #tpu.memory_space<vmem>>
    %dma_start3A_81 = tpu.memref_squeeze %dma_start3A_80 : memref<1x64x128xf32, #tpu.memory_space<vmem>> -> memref<64x128xf32, #tpu.memory_space<vmem>>
    %dma_start3A_82 = arith.constant 0 : i32
    %dma_start3A_83 = tpu.memref_slice %arg6[%dma_start3A_74, %dma_start3A_75, %dma_start3A_82] : memref<2x16x64xi32, #tpu.memory_space<vmem>> -> memref<1x1x64xi32, #tpu.memory_space<vmem>>
    %dma_start3A_84 = tpu.memref_squeeze %dma_start3A_83 : memref<1x1x64xi32, #tpu.memory_space<vmem>> -> memref<64xi32, #tpu.memory_space<vmem>>
    %dma_start3A_85 = arith.constant 0 : i32
    %dma_start3A_86 = arith.constant 0 : i32
    %dma_start3A_87 = tpu.memref_slice %arg4[%dma_start3A_85, %dma_start3A_86] : memref<10000x128xf32, #tpu.memory_space<hbm>> -> memref<10000x128xf32, #tpu.memory_space<hbm>>
    %dma_start3A_88 = tpu.memref_slice %arg10[%dma_start3A_77] : memref<4x!tpu.dma_semaphore, #tpu.memory_space<semaphore_mem>> -> memref<1x!tpu.dma_semaphore, #tpu.memory_space<semaphore_mem>>
    %dma_start3A_89 = tpu.memref_squeeze %dma_start3A_88 : memref<1x!tpu.dma_semaphore, #tpu.memory_space<semaphore_mem>> -> memref<!tpu.dma_semaphore, #tpu.memory_space<semaphore_mem>>
    tpu.enqueue_indirect_dma source(%dma_start3A_87 : memref<10000x128xf32, #tpu.memory_space<hbm>>) target(%dma_start3A_81 : memref<64x128xf32, #tpu.memory_space<vmem>>) offsets(%dma_start3A_84 : memref<64xi32, #tpu.memory_space<vmem>>) semaphore(%dma_start3A_89 : memref<!tpu.dma_semaphore, #tpu.memory_space<semaphore_mem>>)
    %dma_start3A_90 = arith.constant 0 : i32
    %dma_start3A_91 = arith.constant 1 : i32
    %dma_start3A_92 = arith.constant 1 : i32
    %dma_start3A_93 = arith.constant 1 : i32
    %dma_start3A_94 = arith.constant 0 : i32
    %dma_start3A_95 = arith.constant 0 : i32
    %dma_start3A_96 = tpu.memref_slice %arg8[%dma_start3A_92, %dma_start3A_94, %dma_start3A_95] : memref<4x64x128xf32, #tpu.memory_space<vmem>> -> memref<1x64x128xf32, #tpu.memory_space<vmem>>
    %dma_start3A_97 = tpu.memref_squeeze %dma_start3A_96 : memref<1x64x128xf32, #tpu.memory_space<vmem>> -> memref<64x128xf32, #tpu.memory_space<vmem>>
    %dma_start3A_98 = arith.constant 0 : i32
    %dma_start3A_99 = tpu.memref_slice %arg6[%dma_start3A_90, %dma_start3A_91, %dma_start3A_98] : memref<2x16x64xi32, #tpu.memory_space<vmem>> -> memref<1x1x64xi32, #tpu.memory_space<vmem>>
    %dma_start3A_100 = tpu.memref_squeeze %dma_start3A_99 : memref<1x1x64xi32, #tpu.memory_space<vmem>> -> memref<64xi32, #tpu.memory_space<vmem>>
    %dma_start3A_101 = arith.constant 0 : i32
    %dma_start3A_102 = arith.constant 0 : i32
    %dma_start3A_103 = tpu.memref_slice %arg4[%dma_start3A_101, %dma_start3A_102] : memref<10000x128xf32, #tpu.memory_space<hbm>> -> memref<10000x128xf32, #tpu.memory_space<hbm>>
    %dma_start3A_104 = tpu.memref_slice %arg10[%dma_start3A_93] : memref<4x!tpu.dma_semaphore, #tpu.memory_space<semaphore_mem>> -> memref<1x!tpu.dma_semaphore, #tpu.memory_space<semaphore_mem>>
    %dma_start3A_105 = tpu.memref_squeeze %dma_start3A_104 : memref<1x!tpu.dma_semaphore, #tpu.memory_space<semaphore_mem>> -> memref<!tpu.dma_semaphore, #tpu.memory_space<semaphore_mem>>
    tpu.enqueue_indirect_dma source(%dma_start3A_103 : memref<10000x128xf32, #tpu.memory_space<hbm>>) target(%dma_start3A_97 : memref<64x128xf32, #tpu.memory_space<vmem>>) offsets(%dma_start3A_100 : memref<64xi32, #tpu.memory_space<vmem>>) semaphore(%dma_start3A_105 : memref<!tpu.dma_semaphore, #tpu.memory_space<semaphore_mem>>)
    %while3A = arith.constant 0 : i32
    %while3A_106 = arith.constant 0 : i32
    %while3A_107 = arith.subi %select_n3A, %while3A : i32
    %while3A_108 = arith.addi %while3A, %while3A_107 : i32
    %while3A_109 = arith.constant 1 : i32
    %while3A_110 = arith.divsi %while3A_107, %while3A_109 : i32
    %while3A_111 = arith.muli %while3A_110, %while3A_109 : i32
    %while3A_112 = arith.addi %while3A, %while3A_111 : i32
    %while3A_113 = arith.constant 1 : i32
    %while3A_114 = scf.for %while3A_181 = %while3A to %while3A_112 step %while3A_113 iter_args(%while3A_182 = %while3A_106) -> (i32)  : i32 {
      %rem3A = arith.constant 4 : i32
      %rem3A_183 = arith.remsi %while3A_181, %rem3A : i32
      %jit3A_184 = arith.constant 16 : i32
      %div3A = arith.divsi %while3A_181, %jit3A_184 : i32
      %sign3A = arith.constant 0 : i32
      %sign3A_185 = arith.cmpi sgt, %while3A_181, %sign3A : i32
      %sign3A_186 = arith.extui %sign3A_185 : i1 to i32
      %sign3A_187 = arith.constant 0 : i32
      %sign3A_188 = arith.cmpi slt, %while3A_181, %sign3A_187 : i32
      %sign3A_189 = arith.extui %sign3A_188 : i1 to i32
      %sign3A_190 = arith.subi %sign3A_186, %sign3A_189 : i32
      %sign3A_191 = arith.constant 0 : i32
      %sign3A_192 = arith.cmpi sgt, %jit3A_184, %sign3A_191 : i32
      %sign3A_193 = arith.extui %sign3A_192 : i1 to i32
      %sign3A_194 = arith.constant 0 : i32
      %sign3A_195 = arith.cmpi slt, %jit3A_184, %sign3A_194 : i32
      %sign3A_196 = arith.extui %sign3A_195 : i1 to i32
      %sign3A_197 = arith.subi %sign3A_193, %sign3A_196 : i32
      %ne3A = arith.cmpi ne, %sign3A_190, %sign3A_197 : i32
      %rem3A_198 = arith.remsi %while3A_181, %jit3A_184 : i32
      %ne3A_199 = arith.constant 0 : i32
      %ne3A_200 = arith.cmpi ne, %rem3A_198, %ne3A_199 : i32
      %and3A = arith.andi %ne3A, %ne3A_200 : i1
      %sub3A = arith.constant 1 : i32
      %sub3A_201 = arith.subi %div3A, %sub3A : i32
      %select_n3A_202 = arith.select %and3A, %sub3A_201, %div3A : i32
      %mul3A_203 = arith.constant 16 : i32
      %mul3A_204 = arith.muli %select_n3A_202, %mul3A_203 : i32
      %sub3A_205 = arith.subi %while3A_181, %mul3A_204 : i32
      %rem3A_206 = arith.constant 2 : i32
      %rem3A_207 = arith.remsi %select_n3A_202, %rem3A_206 : i32
      %add3A_208 = arith.constant 2 : i32
      %add3A_209 = arith.addi %while3A_181, %add3A_208 : i32
      %jit3A_210 = arith.constant 16 : i32
      %div3A_211 = arith.divsi %add3A_209, %jit3A_210 : i32
      %sign3A_212 = arith.constant 0 : i32
      %sign3A_213 = arith.cmpi sgt, %add3A_209, %sign3A_212 : i32
      %sign3A_214 = arith.extui %sign3A_213 : i1 to i32
      %sign3A_215 = arith.constant 0 : i32
      %sign3A_216 = arith.cmpi slt, %add3A_209, %sign3A_215 : i32
      %sign3A_217 = arith.extui %sign3A_216 : i1 to i32
      %sign3A_218 = arith.subi %sign3A_214, %sign3A_217 : i32
      %sign3A_219 = arith.constant 0 : i32
      %sign3A_220 = arith.cmpi sgt, %jit3A_210, %sign3A_219 : i32
      %sign3A_221 = arith.extui %sign3A_220 : i1 to i32
      %sign3A_222 = arith.constant 0 : i32
      %sign3A_223 = arith.cmpi slt, %jit3A_210, %sign3A_222 : i32
      %sign3A_224 = arith.extui %sign3A_223 : i1 to i32
      %sign3A_225 = arith.subi %sign3A_221, %sign3A_224 : i32
      %ne3A_226 = arith.cmpi ne, %sign3A_218, %sign3A_225 : i32
      %rem3A_227 = arith.remsi %add3A_209, %jit3A_210 : i32
      %ne3A_228 = arith.constant 0 : i32
      %ne3A_229 = arith.cmpi ne, %rem3A_227, %ne3A_228 : i32
      %and3A_230 = arith.andi %ne3A_226, %ne3A_229 : i1
      %sub3A_231 = arith.constant 1 : i32
      %sub3A_232 = arith.subi %div3A_211, %sub3A_231 : i32
      %select_n3A_233 = arith.select %and3A_230, %sub3A_232, %div3A_211 : i32
      %mul3A_234 = arith.constant 16 : i32
      %mul3A_235 = arith.muli %select_n3A_233, %mul3A_234 : i32
      %sub3A_236 = arith.subi %add3A_209, %mul3A_235 : i32
      %rem3A_237 = arith.constant 2 : i32
      %rem3A_238 = arith.remsi %select_n3A_233, %rem3A_237 : i32
      %dma_wait3A_239 = arith.constant 0 : i32
      %dma_wait3A_240 = arith.constant 0 : i32
      %dma_wait3A_241 = tpu.memref_slice %arg8[%rem3A_183, %dma_wait3A_239, %dma_wait3A_240] : memref<4x64x128xf32, #tpu.memory_space<vmem>> -> memref<1x64x128xf32, #tpu.memory_space<vmem>>
      %dma_wait3A_242 = tpu.memref_squeeze %dma_wait3A_241 : memref<1x64x128xf32, #tpu.memory_space<vmem>> -> memref<64x128xf32, #tpu.memory_space<vmem>>
      %dma_wait3A_243 = arith.constant 0 : i32
      %dma_wait3A_244 = tpu.memref_slice %arg6[%rem3A_207, %sub3A_205, %dma_wait3A_243] : memref<2x16x64xi32, #tpu.memory_space<vmem>> -> memref<1x1x64xi32, #tpu.memory_space<vmem>>
      %dma_wait3A_245 = tpu.memref_squeeze %dma_wait3A_244 : memref<1x1x64xi32, #tpu.memory_space<vmem>> -> memref<64xi32, #tpu.memory_space<vmem>>
      %dma_wait3A_246 = arith.constant 0 : i32
      %dma_wait3A_247 = arith.constant 0 : i32
      %dma_wait3A_248 = tpu.memref_slice %arg4[%dma_wait3A_246, %dma_wait3A_247] : memref<10000x128xf32, #tpu.memory_space<hbm>> -> memref<10000x128xf32, #tpu.memory_space<hbm>>
      %dma_wait3A_249 = tpu.memref_slice %arg10[%rem3A_183] : memref<4x!tpu.dma_semaphore, #tpu.memory_space<semaphore_mem>> -> memref<1x!tpu.dma_semaphore, #tpu.memory_space<semaphore_mem>>
      %dma_wait3A_250 = tpu.memref_squeeze %dma_wait3A_249 : memref<1x!tpu.dma_semaphore, #tpu.memory_space<semaphore_mem>> -> memref<!tpu.dma_semaphore, #tpu.memory_space<semaphore_mem>>
      tpu.wait_indirect_dma semaphore(%dma_wait3A_250 : memref<!tpu.dma_semaphore, #tpu.memory_space<semaphore_mem>>) src(%dma_wait3A_248 : memref<10000x128xf32, #tpu.memory_space<hbm>>) dst(%dma_wait3A_242 : memref<64x128xf32, #tpu.memory_space<vmem>>)
      %dma_start3A_251 = arith.constant 0 : i32
      %dma_start3A_252 = arith.constant 0 : i32
      %dma_start3A_253 = tpu.memref_slice %arg8[%rem3A_183, %dma_start3A_251, %dma_start3A_252] : memref<4x64x128xf32, #tpu.memory_space<vmem>> -> memref<1x64x128xf32, #tpu.memory_space<vmem>>
      %dma_start3A_254 = tpu.memref_squeeze %dma_start3A_253 : memref<1x64x128xf32, #tpu.memory_space<vmem>> -> memref<64x128xf32, #tpu.memory_space<vmem>>
      %dma_start3A_255 = arith.constant 0 : i32
      %dma_start3A_256 = tpu.memref_slice %arg7[%rem3A_207, %sub3A_205, %dma_start3A_255] : memref<2x16x64xi32, #tpu.memory_space<vmem>> -> memref<1x1x64xi32, #tpu.memory_space<vmem>>
      %dma_start3A_257 = tpu.memref_squeeze %dma_start3A_256 : memref<1x1x64xi32, #tpu.memory_space<vmem>> -> memref<64xi32, #tpu.memory_space<vmem>>
      %dma_start3A_258 = arith.constant 0 : i32
      %dma_start3A_259 = arith.constant 0 : i32
      %dma_start3A_260 = tpu.memref_slice %arg9[%dma_start3A_258, %dma_start3A_259] : memref<10240x128xf32, #tpu.memory_space<vmem_shared>> -> memref<10240x128xf32, #tpu.memory_space<vmem_shared>>
      %dma_start3A_261 = tpu.memref_slice %arg11[%rem3A_183] : memref<4x!tpu.dma_semaphore, #tpu.memory_space<semaphore_mem>> -> memref<1x!tpu.dma_semaphore, #tpu.memory_space<semaphore_mem>>
      %dma_start3A_262 = tpu.memref_squeeze %dma_start3A_261 : memref<1x!tpu.dma_semaphore, #tpu.memory_space<semaphore_mem>> -> memref<!tpu.dma_semaphore, #tpu.memory_space<semaphore_mem>>
      tpu.enqueue_indirect_dma source(%dma_start3A_254 : memref<64x128xf32, #tpu.memory_space<vmem>>) target(%dma_start3A_260 : memref<10240x128xf32, #tpu.memory_space<vmem_shared>>) offsets(%dma_start3A_257 : memref<64xi32, #tpu.memory_space<vmem>>) semaphore(%dma_start3A_262 : memref<!tpu.dma_semaphore, #tpu.memory_space<semaphore_mem>>) {add = true}
      %lt3A = arith.cmpi slt, %add3A_209, %select_n3A : i32
      %convert_element_type3A = arith.extui %lt3A : i1 to i32
      %cond3A = arith.constant 0 : i32
      %cond3A_263 = arith.cmpi ne, %convert_element_type3A, %cond3A : i32
      scf.if %cond3A_263 {
        %eq3A_265 = arith.constant 0 : i32
        %eq3A_266 = arith.cmpi eq, %sub3A_236, %eq3A_265 : i32
        %convert_element_type3A_267 = arith.extui %eq3A_266 : i1 to i32
        %cond3A_268 = arith.constant 0 : i32
        %cond3A_269 = arith.cmpi ne, %convert_element_type3A_267, %cond3A_268 : i32
        scf.if %cond3A_269 {
          %dma_wait3A_299 = arith.constant 0 : i32
          %dma_wait3A_300 = arith.constant 0 : i32
          %dma_wait3A_301 = tpu.memref_slice %arg6[%rem3A_238, %dma_wait3A_299, %dma_wait3A_300] : memref<2x16x64xi32, #tpu.memory_space<vmem>> -> memref<1x16x64xi32, #tpu.memory_space<vmem>>
          %dma_wait3A_302 = tpu.memref_squeeze %dma_wait3A_301 : memref<1x16x64xi32, #tpu.memory_space<vmem>> -> memref<16x64xi32, #tpu.memory_space<vmem>>
          %dma_wait3A_303 = arith.constant 0 : i32
          %dma_wait3A_304 = tpu.memref_slice %arg2[%add3A, %dma_wait3A_303] : memref<5120x64xi32, #tpu.memory_space<hbm>> -> memref<16x64xi32, #tpu.memory_space<hbm>>
          %dma_wait3A_305 = arith.constant 0 : i32
          %dma_wait3A_306 = arith.constant 0 : i32
          %dma_wait3A_307 = tpu.memref_slice %arg6[%rem3A_238, %dma_wait3A_305, %dma_wait3A_306] : memref<2x16x64xi32, #tpu.memory_space<vmem>> -> memref<1x16x64xi32, #tpu.memory_space<vmem>>
          %dma_wait3A_308 = tpu.memref_squeeze %dma_wait3A_307 : memref<1x16x64xi32, #tpu.memory_space<vmem>> -> memref<16x64xi32, #tpu.memory_space<vmem>>
          %dma_wait3A_309 = arith.constant 0 : i32
          %dma_wait3A_310 = tpu.memref_slice %arg2[%add3A, %dma_wait3A_309] : memref<5120x64xi32, #tpu.memory_space<hbm>> -> memref<16x64xi32, #tpu.memory_space<hbm>>
          tpu.wait_dma2 semaphore(%arg12 : memref<!tpu.dma_semaphore, #tpu.memory_space<semaphore_mem>>) src(%dma_wait3A_310 : memref<16x64xi32, #tpu.memory_space<hbm>>) dst(%dma_wait3A_308 : memref<16x64xi32, #tpu.memory_space<vmem>>)
          %dma_wait3A_311 = arith.constant 0 : i32
          %dma_wait3A_312 = arith.constant 0 : i32
          %dma_wait3A_313 = tpu.memref_slice %arg7[%rem3A_238, %dma_wait3A_311, %dma_wait3A_312] : memref<2x16x64xi32, #tpu.memory_space<vmem>> -> memref<1x16x64xi32, #tpu.memory_space<vmem>>
          %dma_wait3A_314 = tpu.memref_squeeze %dma_wait3A_313 : memref<1x16x64xi32, #tpu.memory_space<vmem>> -> memref<16x64xi32, #tpu.memory_space<vmem>>
          %dma_wait3A_315 = arith.constant 0 : i32
          %dma_wait3A_316 = tpu.memref_slice %arg3[%add3A, %dma_wait3A_315] : memref<5120x64xi32, #tpu.memory_space<hbm>> -> memref<16x64xi32, #tpu.memory_space<hbm>>
          %dma_wait3A_317 = arith.constant 0 : i32
          %dma_wait3A_318 = arith.constant 0 : i32
          %dma_wait3A_319 = tpu.memref_slice %arg7[%rem3A_238, %dma_wait3A_317, %dma_wait3A_318] : memref<2x16x64xi32, #tpu.memory_space<vmem>> -> memref<1x16x64xi32, #tpu.memory_space<vmem>>
          %dma_wait3A_320 = tpu.memref_squeeze %dma_wait3A_319 : memref<1x16x64xi32, #tpu.memory_space<vmem>> -> memref<16x64xi32, #tpu.memory_space<vmem>>
          %dma_wait3A_321 = arith.constant 0 : i32
          %dma_wait3A_322 = tpu.memref_slice %arg3[%add3A, %dma_wait3A_321] : memref<5120x64xi32, #tpu.memory_space<hbm>> -> memref<16x64xi32, #tpu.memory_space<hbm>>
          tpu.wait_dma2 semaphore(%arg12 : memref<!tpu.dma_semaphore, #tpu.memory_space<semaphore_mem>>) src(%dma_wait3A_322 : memref<16x64xi32, #tpu.memory_space<hbm>>) dst(%dma_wait3A_320 : memref<16x64xi32, #tpu.memory_space<vmem>>)
        } else {
        }
        %eq3A_270 = arith.constant 4 : i32
        %eq3A_271 = arith.cmpi eq, %sub3A_236, %eq3A_270 : i32
        %add3A_272 = arith.constant 1 : i32
        %add3A_273 = arith.addi %select_n3A_233, %add3A_272 : i32
        %mul3A_274 = arith.constant 16 : i32
        %mul3A_275 = arith.muli %add3A_273, %mul3A_274 : i32
        %lt3A_276 = arith.cmpi slt, %mul3A_275, %select_n3A : i32
        %and3A_277 = arith.andi %eq3A_271, %lt3A_276 : i1
        %convert_element_type3A_278 = arith.extui %and3A_277 : i1 to i32
        %cond3A_279 = arith.constant 0 : i32
        %cond3A_280 = arith.cmpi ne, %convert_element_type3A_278, %cond3A_279 : i32
        scf.if %cond3A_280 {
          %add3A_299 = arith.constant 1 : i32
          %add3A_300 = arith.addi %select_n3A_233, %add3A_299 : i32
          %rem3A_301 = arith.constant 2 : i32
          %rem3A_302 = arith.remsi %add3A_300, %rem3A_301 : i32
          %add3A_303 = arith.constant 1 : i32
          %add3A_304 = arith.addi %select_n3A_233, %add3A_303 : i32
          %mul3A_305 = arith.constant 16 : i32
          %mul3A_306 = arith.muli %add3A_304, %mul3A_305 : i32
          %add3A_307 = arith.addi %add3A, %mul3A_306 : i32
          %dma_start3A_308 = arith.constant 0 : i32
          %dma_start3A_309 = arith.constant 0 : i32
          %dma_start3A_310 = tpu.memref_slice %arg6[%rem3A_302, %dma_start3A_308, %dma_start3A_309] : memref<2x16x64xi32, #tpu.memory_space<vmem>> -> memref<1x16x64xi32, #tpu.memory_space<vmem>>
          %dma_start3A_311 = tpu.memref_squeeze %dma_start3A_310 : memref<1x16x64xi32, #tpu.memory_space<vmem>> -> memref<16x64xi32, #tpu.memory_space<vmem>>
          %dma_start3A_312 = arith.constant 0 : i32
          %dma_start3A_313 = tpu.memref_slice %arg2[%add3A_307, %dma_start3A_312] : memref<5120x64xi32, #tpu.memory_space<hbm>> -> memref<16x64xi32, #tpu.memory_space<hbm>>
          %dma_start3A_314 = arith.constant 0 : i32
          %dma_start3A_315 = arith.constant 0 : i32
          %dma_start3A_316 = tpu.memref_slice %arg6[%rem3A_302, %dma_start3A_314, %dma_start3A_315] : memref<2x16x64xi32, #tpu.memory_space<vmem>> -> memref<1x16x64xi32, #tpu.memory_space<vmem>>
          %dma_start3A_317 = tpu.memref_squeeze %dma_start3A_316 : memref<1x16x64xi32, #tpu.memory_space<vmem>> -> memref<16x64xi32, #tpu.memory_space<vmem>>
          %dma_start3A_318 = arith.constant 0 : i32
          %dma_start3A_319 = tpu.memref_slice %arg2[%add3A_307, %dma_start3A_318] : memref<5120x64xi32, #tpu.memory_space<hbm>> -> memref<16x64xi32, #tpu.memory_space<hbm>>
          tpu.enqueue_dma source(%dma_start3A_319 : memref<16x64xi32, #tpu.memory_space<hbm>>) target(%dma_start3A_317 : memref<16x64xi32, #tpu.memory_space<vmem>>) target_semaphore(%arg12 : memref<!tpu.dma_semaphore, #tpu.memory_space<semaphore_mem>>)
          %add3A_320 = arith.constant 1 : i32
          %add3A_321 = arith.addi %select_n3A_233, %add3A_320 : i32
          %mul3A_322 = arith.constant 16 : i32
          %mul3A_323 = arith.muli %add3A_321, %mul3A_322 : i32
          %add3A_324 = arith.addi %add3A, %mul3A_323 : i32
          %dma_start3A_325 = arith.constant 0 : i32
          %dma_start3A_326 = arith.constant 0 : i32
          %dma_start3A_327 = tpu.memref_slice %arg7[%rem3A_302, %dma_start3A_325, %dma_start3A_326] : memref<2x16x64xi32, #tpu.memory_space<vmem>> -> memref<1x16x64xi32, #tpu.memory_space<vmem>>
          %dma_start3A_328 = tpu.memref_squeeze %dma_start3A_327 : memref<1x16x64xi32, #tpu.memory_space<vmem>> -> memref<16x64xi32, #tpu.memory_space<vmem>>
          %dma_start3A_329 = arith.constant 0 : i32
          %dma_start3A_330 = tpu.memref_slice %arg3[%add3A_324, %dma_start3A_329] : memref<5120x64xi32, #tpu.memory_space<hbm>> -> memref<16x64xi32, #tpu.memory_space<hbm>>
          %dma_start3A_331 = arith.constant 0 : i32
          %dma_start3A_332 = arith.constant 0 : i32
          %dma_start3A_333 = tpu.memref_slice %arg7[%rem3A_302, %dma_start3A_331, %dma_start3A_332] : memref<2x16x64xi32, #tpu.memory_space<vmem>> -> memref<1x16x64xi32, #tpu.memory_space<vmem>>
          %dma_start3A_334 = tpu.memref_squeeze %dma_start3A_333 : memref<1x16x64xi32, #tpu.memory_space<vmem>> -> memref<16x64xi32, #tpu.memory_space<vmem>>
          %dma_start3A_335 = arith.constant 0 : i32
          %dma_start3A_336 = tpu.memref_slice %arg3[%add3A_324, %dma_start3A_335] : memref<5120x64xi32, #tpu.memory_space<hbm>> -> memref<16x64xi32, #tpu.memory_space<hbm>>
          tpu.enqueue_dma source(%dma_start3A_336 : memref<16x64xi32, #tpu.memory_space<hbm>>) target(%dma_start3A_334 : memref<16x64xi32, #tpu.memory_space<vmem>>) target_semaphore(%arg12 : memref<!tpu.dma_semaphore, #tpu.memory_space<semaphore_mem>>)
        } else {
        }
        %rem3A_281 = arith.constant 4 : i32
        %rem3A_282 = arith.remsi %add3A_209, %rem3A_281 : i32
        %ge3A = arith.constant 2 : i32
        %ge3A_283 = arith.cmpi sge, %while3A_181, %ge3A : i32
        %convert_element_type3A_284 = arith.extui %ge3A_283 : i1 to i32
        %cond3A_285 = arith.constant 0 : i32
        %cond3A_286 = arith.cmpi ne, %convert_element_type3A_284, %cond3A_285 : i32
        scf.if %cond3A_286 {
          %dma_wait3A_299 = arith.constant 0 : i32
          %dma_wait3A_300 = arith.constant 0 : i32
          %dma_wait3A_301 = tpu.memref_slice %arg8[%rem3A_282, %dma_wait3A_299, %dma_wait3A_300] : memref<4x64x128xf32, #tpu.memory_space<vmem>> -> memref<1x64x128xf32, #tpu.memory_space<vmem>>
          %dma_wait3A_302 = tpu.memref_squeeze %dma_wait3A_301 : memref<1x64x128xf32, #tpu.memory_space<vmem>> -> memref<64x128xf32, #tpu.memory_space<vmem>>
          %dma_wait3A_303 = arith.constant 0 : i32
          %dma_wait3A_304 = tpu.memref_slice %arg7[%rem3A_207, %sub3A_205, %dma_wait3A_303] : memref<2x16x64xi32, #tpu.memory_space<vmem>> -> memref<1x1x64xi32, #tpu.memory_space<vmem>>
          %dma_wait3A_305 = tpu.memref_squeeze %dma_wait3A_304 : memref<1x1x64xi32, #tpu.memory_space<vmem>> -> memref<64xi32, #tpu.memory_space<vmem>>
          %dma_wait3A_306 = arith.constant 0 : i32
          %dma_wait3A_307 = arith.constant 0 : i32
          %dma_wait3A_308 = tpu.memref_slice %arg9[%dma_wait3A_306, %dma_wait3A_307] : memref<10240x128xf32, #tpu.memory_space<vmem_shared>> -> memref<10240x128xf32, #tpu.memory_space<vmem_shared>>
          %dma_wait3A_309 = tpu.memref_slice %arg11[%rem3A_282] : memref<4x!tpu.dma_semaphore, #tpu.memory_space<semaphore_mem>> -> memref<1x!tpu.dma_semaphore, #tpu.memory_space<semaphore_mem>>
          %dma_wait3A_310 = tpu.memref_squeeze %dma_wait3A_309 : memref<1x!tpu.dma_semaphore, #tpu.memory_space<semaphore_mem>> -> memref<!tpu.dma_semaphore, #tpu.memory_space<semaphore_mem>>
          tpu.wait_indirect_dma semaphore(%dma_wait3A_310 : memref<!tpu.dma_semaphore, #tpu.memory_space<semaphore_mem>>) src(%dma_wait3A_302 : memref<64x128xf32, #tpu.memory_space<vmem>>) dst(%dma_wait3A_308 : memref<10240x128xf32, #tpu.memory_space<vmem_shared>>)
        } else {
        }
        %dma_start3A_287 = arith.constant 0 : i32
        %dma_start3A_288 = arith.constant 0 : i32
        %dma_start3A_289 = tpu.memref_slice %arg8[%rem3A_282, %dma_start3A_287, %dma_start3A_288] : memref<4x64x128xf32, #tpu.memory_space<vmem>> -> memref<1x64x128xf32, #tpu.memory_space<vmem>>
        %dma_start3A_290 = tpu.memref_squeeze %dma_start3A_289 : memref<1x64x128xf32, #tpu.memory_space<vmem>> -> memref<64x128xf32, #tpu.memory_space<vmem>>
        %dma_start3A_291 = arith.constant 0 : i32
        %dma_start3A_292 = tpu.memref_slice %arg6[%rem3A_238, %sub3A_236, %dma_start3A_291] : memref<2x16x64xi32, #tpu.memory_space<vmem>> -> memref<1x1x64xi32, #tpu.memory_space<vmem>>
        %dma_start3A_293 = tpu.memref_squeeze %dma_start3A_292 : memref<1x1x64xi32, #tpu.memory_space<vmem>> -> memref<64xi32, #tpu.memory_space<vmem>>
        %dma_start3A_294 = arith.constant 0 : i32
        %dma_start3A_295 = arith.constant 0 : i32
        %dma_start3A_296 = tpu.memref_slice %arg4[%dma_start3A_294, %dma_start3A_295] : memref<10000x128xf32, #tpu.memory_space<hbm>> -> memref<10000x128xf32, #tpu.memory_space<hbm>>
        %dma_start3A_297 = tpu.memref_slice %arg10[%rem3A_282] : memref<4x!tpu.dma_semaphore, #tpu.memory_space<semaphore_mem>> -> memref<1x!tpu.dma_semaphore, #tpu.memory_space<semaphore_mem>>
        %dma_start3A_298 = tpu.memref_squeeze %dma_start3A_297 : memref<1x!tpu.dma_semaphore, #tpu.memory_space<semaphore_mem>> -> memref<!tpu.dma_semaphore, #tpu.memory_space<semaphore_mem>>
        tpu.enqueue_indirect_dma source(%dma_start3A_296 : memref<10000x128xf32, #tpu.memory_space<hbm>>) target(%dma_start3A_290 : memref<64x128xf32, #tpu.memory_space<vmem>>) offsets(%dma_start3A_293 : memref<64xi32, #tpu.memory_space<vmem>>) semaphore(%dma_start3A_298 : memref<!tpu.dma_semaphore, #tpu.memory_space<semaphore_mem>>)
      } else {
      }
      %while3A_264 = arith.constant 0 : i32
      scf.yield %while3A_264 : i32
    }
    %while3A_115 = arith.constant 1 : i32
    %while3A_116 = scf.for %while3A_181 = %while3A_112 to %while3A_108 step %while3A_115 iter_args(%while3A_182 = %while3A_114) -> (i32)  : i32 {
      %rem3A = arith.constant 4 : i32
      %rem3A_183 = arith.remsi %while3A_181, %rem3A : i32
      %jit3A_184 = arith.constant 16 : i32
      %div3A = arith.divsi %while3A_181, %jit3A_184 : i32
      %sign3A = arith.constant 0 : i32
      %sign3A_185 = arith.cmpi sgt, %while3A_181, %sign3A : i32
      %sign3A_186 = arith.extui %sign3A_185 : i1 to i32
      %sign3A_187 = arith.constant 0 : i32
      %sign3A_188 = arith.cmpi slt, %while3A_181, %sign3A_187 : i32
      %sign3A_189 = arith.extui %sign3A_188 : i1 to i32
      %sign3A_190 = arith.subi %sign3A_186, %sign3A_189 : i32
      %sign3A_191 = arith.constant 0 : i32
      %sign3A_192 = arith.cmpi sgt, %jit3A_184, %sign3A_191 : i32
      %sign3A_193 = arith.extui %sign3A_192 : i1 to i32
      %sign3A_194 = arith.constant 0 : i32
      %sign3A_195 = arith.cmpi slt, %jit3A_184, %sign3A_194 : i32
      %sign3A_196 = arith.extui %sign3A_195 : i1 to i32
      %sign3A_197 = arith.subi %sign3A_193, %sign3A_196 : i32
      %ne3A = arith.cmpi ne, %sign3A_190, %sign3A_197 : i32
      %rem3A_198 = arith.remsi %while3A_181, %jit3A_184 : i32
      %ne3A_199 = arith.constant 0 : i32
      %ne3A_200 = arith.cmpi ne, %rem3A_198, %ne3A_199 : i32
      %and3A = arith.andi %ne3A, %ne3A_200 : i1
      %sub3A = arith.constant 1 : i32
      %sub3A_201 = arith.subi %div3A, %sub3A : i32
      %select_n3A_202 = arith.select %and3A, %sub3A_201, %div3A : i32
      %mul3A_203 = arith.constant 16 : i32
      %mul3A_204 = arith.muli %select_n3A_202, %mul3A_203 : i32
      %sub3A_205 = arith.subi %while3A_181, %mul3A_204 : i32
      %rem3A_206 = arith.constant 2 : i32
      %rem3A_207 = arith.remsi %select_n3A_202, %rem3A_206 : i32
      %add3A_208 = arith.constant 2 : i32
      %add3A_209 = arith.addi %while3A_181, %add3A_208 : i32
      %jit3A_210 = arith.constant 16 : i32
      %div3A_211 = arith.divsi %add3A_209, %jit3A_210 : i32
      %sign3A_212 = arith.constant 0 : i32
      %sign3A_213 = arith.cmpi sgt, %add3A_209, %sign3A_212 : i32
      %sign3A_214 = arith.extui %sign3A_213 : i1 to i32
      %sign3A_215 = arith.constant 0 : i32
      %sign3A_216 = arith.cmpi slt, %add3A_209, %sign3A_215 : i32
      %sign3A_217 = arith.extui %sign3A_216 : i1 to i32
      %sign3A_218 = arith.subi %sign3A_214, %sign3A_217 : i32
      %sign3A_219 = arith.constant 0 : i32
      %sign3A_220 = arith.cmpi sgt, %jit3A_210, %sign3A_219 : i32
      %sign3A_221 = arith.extui %sign3A_220 : i1 to i32
      %sign3A_222 = arith.constant 0 : i32
      %sign3A_223 = arith.cmpi slt, %jit3A_210, %sign3A_222 : i32
      %sign3A_224 = arith.extui %sign3A_223 : i1 to i32
      %sign3A_225 = arith.subi %sign3A_221, %sign3A_224 : i32
      %ne3A_226 = arith.cmpi ne, %sign3A_218, %sign3A_225 : i32
      %rem3A_227 = arith.remsi %add3A_209, %jit3A_210 : i32
      %ne3A_228 = arith.constant 0 : i32
      %ne3A_229 = arith.cmpi ne, %rem3A_227, %ne3A_228 : i32
      %and3A_230 = arith.andi %ne3A_226, %ne3A_229 : i1
      %sub3A_231 = arith.constant 1 : i32
      %sub3A_232 = arith.subi %div3A_211, %sub3A_231 : i32
      %select_n3A_233 = arith.select %and3A_230, %sub3A_232, %div3A_211 : i32
      %mul3A_234 = arith.constant 16 : i32
      %mul3A_235 = arith.muli %select_n3A_233, %mul3A_234 : i32
      %sub3A_236 = arith.subi %add3A_209, %mul3A_235 : i32
      %rem3A_237 = arith.constant 2 : i32
      %rem3A_238 = arith.remsi %select_n3A_233, %rem3A_237 : i32
      %dma_wait3A_239 = arith.constant 0 : i32
      %dma_wait3A_240 = arith.constant 0 : i32
      %dma_wait3A_241 = tpu.memref_slice %arg8[%rem3A_183, %dma_wait3A_239, %dma_wait3A_240] : memref<4x64x128xf32, #tpu.memory_space<vmem>> -> memref<1x64x128xf32, #tpu.memory_space<vmem>>
      %dma_wait3A_242 = tpu.memref_squeeze %dma_wait3A_241 : memref<1x64x128xf32, #tpu.memory_space<vmem>> -> memref<64x128xf32, #tpu.memory_space<vmem>>
      %dma_wait3A_243 = arith.constant 0 : i32
      %dma_wait3A_244 = tpu.memref_slice %arg6[%rem3A_207, %sub3A_205, %dma_wait3A_243] : memref<2x16x64xi32, #tpu.memory_space<vmem>> -> memref<1x1x64xi32, #tpu.memory_space<vmem>>
      %dma_wait3A_245 = tpu.memref_squeeze %dma_wait3A_244 : memref<1x1x64xi32, #tpu.memory_space<vmem>> -> memref<64xi32, #tpu.memory_space<vmem>>
      %dma_wait3A_246 = arith.constant 0 : i32
      %dma_wait3A_247 = arith.constant 0 : i32
      %dma_wait3A_248 = tpu.memref_slice %arg4[%dma_wait3A_246, %dma_wait3A_247] : memref<10000x128xf32, #tpu.memory_space<hbm>> -> memref<10000x128xf32, #tpu.memory_space<hbm>>
      %dma_wait3A_249 = tpu.memref_slice %arg10[%rem3A_183] : memref<4x!tpu.dma_semaphore, #tpu.memory_space<semaphore_mem>> -> memref<1x!tpu.dma_semaphore, #tpu.memory_space<semaphore_mem>>
      %dma_wait3A_250 = tpu.memref_squeeze %dma_wait3A_249 : memref<1x!tpu.dma_semaphore, #tpu.memory_space<semaphore_mem>> -> memref<!tpu.dma_semaphore, #tpu.memory_space<semaphore_mem>>
      tpu.wait_indirect_dma semaphore(%dma_wait3A_250 : memref<!tpu.dma_semaphore, #tpu.memory_space<semaphore_mem>>) src(%dma_wait3A_248 : memref<10000x128xf32, #tpu.memory_space<hbm>>) dst(%dma_wait3A_242 : memref<64x128xf32, #tpu.memory_space<vmem>>)
      %dma_start3A_251 = arith.constant 0 : i32
      %dma_start3A_252 = arith.constant 0 : i32
      %dma_start3A_253 = tpu.memref_slice %arg8[%rem3A_183, %dma_start3A_251, %dma_start3A_252] : memref<4x64x128xf32, #tpu.memory_space<vmem>> -> memref<1x64x128xf32, #tpu.memory_space<vmem>>
      %dma_start3A_254 = tpu.memref_squeeze %dma_start3A_253 : memref<1x64x128xf32, #tpu.memory_space<vmem>> -> memref<64x128xf32, #tpu.memory_space<vmem>>
      %dma_start3A_255 = arith.constant 0 : i32
      %dma_start3A_256 = tpu.memref_slice %arg7[%rem3A_207, %sub3A_205, %dma_start3A_255] : memref<2x16x64xi32, #tpu.memory_space<vmem>> -> memref<1x1x64xi32, #tpu.memory_space<vmem>>
      %dma_start3A_257 = tpu.memref_squeeze %dma_start3A_256 : memref<1x1x64xi32, #tpu.memory_space<vmem>> -> memref<64xi32, #tpu.memory_space<vmem>>
      %dma_start3A_258 = arith.constant 0 : i32
      %dma_start3A_259 = arith.constant 0 : i32
      %dma_start3A_260 = tpu.memref_slice %arg9[%dma_start3A_258, %dma_start3A_259] : memref<10240x128xf32, #tpu.memory_space<vmem_shared>> -> memref<10240x128xf32, #tpu.memory_space<vmem_shared>>
      %dma_start3A_261 = tpu.memref_slice %arg11[%rem3A_183] : memref<4x!tpu.dma_semaphore, #tpu.memory_space<semaphore_mem>> -> memref<1x!tpu.dma_semaphore, #tpu.memory_space<semaphore_mem>>
      %dma_start3A_262 = tpu.memref_squeeze %dma_start3A_261 : memref<1x!tpu.dma_semaphore, #tpu.memory_space<semaphore_mem>> -> memref<!tpu.dma_semaphore, #tpu.memory_space<semaphore_mem>>
      tpu.enqueue_indirect_dma source(%dma_start3A_254 : memref<64x128xf32, #tpu.memory_space<vmem>>) target(%dma_start3A_260 : memref<10240x128xf32, #tpu.memory_space<vmem_shared>>) offsets(%dma_start3A_257 : memref<64xi32, #tpu.memory_space<vmem>>) semaphore(%dma_start3A_262 : memref<!tpu.dma_semaphore, #tpu.memory_space<semaphore_mem>>) {add = true}
      %lt3A = arith.cmpi slt, %add3A_209, %select_n3A : i32
      %convert_element_type3A = arith.extui %lt3A : i1 to i32
      %cond3A = arith.constant 0 : i32
      %cond3A_263 = arith.cmpi ne, %convert_element_type3A, %cond3A : i32
      scf.if %cond3A_263 {
        %eq3A_265 = arith.constant 0 : i32
        %eq3A_266 = arith.cmpi eq, %sub3A_236, %eq3A_265 : i32
        %convert_element_type3A_267 = arith.extui %eq3A_266 : i1 to i32
        %cond3A_268 = arith.constant 0 : i32
        %cond3A_269 = arith.cmpi ne, %convert_element_type3A_267, %cond3A_268 : i32
        scf.if %cond3A_269 {
          %dma_wait3A_299 = arith.constant 0 : i32
          %dma_wait3A_300 = arith.constant 0 : i32
          %dma_wait3A_301 = tpu.memref_slice %arg6[%rem3A_238, %dma_wait3A_299, %dma_wait3A_300] : memref<2x16x64xi32, #tpu.memory_space<vmem>> -> memref<1x16x64xi32, #tpu.memory_space<vmem>>
          %dma_wait3A_302 = tpu.memref_squeeze %dma_wait3A_301 : memref<1x16x64xi32, #tpu.memory_space<vmem>> -> memref<16x64xi32, #tpu.memory_space<vmem>>
          %dma_wait3A_303 = arith.constant 0 : i32
          %dma_wait3A_304 = tpu.memref_slice %arg2[%add3A, %dma_wait3A_303] : memref<5120x64xi32, #tpu.memory_space<hbm>> -> memref<16x64xi32, #tpu.memory_space<hbm>>
          %dma_wait3A_305 = arith.constant 0 : i32
          %dma_wait3A_306 = arith.constant 0 : i32
          %dma_wait3A_307 = tpu.memref_slice %arg6[%rem3A_238, %dma_wait3A_305, %dma_wait3A_306] : memref<2x16x64xi32, #tpu.memory_space<vmem>> -> memref<1x16x64xi32, #tpu.memory_space<vmem>>
          %dma_wait3A_308 = tpu.memref_squeeze %dma_wait3A_307 : memref<1x16x64xi32, #tpu.memory_space<vmem>> -> memref<16x64xi32, #tpu.memory_space<vmem>>
          %dma_wait3A_309 = arith.constant 0 : i32
          %dma_wait3A_310 = tpu.memref_slice %arg2[%add3A, %dma_wait3A_309] : memref<5120x64xi32, #tpu.memory_space<hbm>> -> memref<16x64xi32, #tpu.memory_space<hbm>>
          tpu.wait_dma2 semaphore(%arg12 : memref<!tpu.dma_semaphore, #tpu.memory_space<semaphore_mem>>) src(%dma_wait3A_310 : memref<16x64xi32, #tpu.memory_space<hbm>>) dst(%dma_wait3A_308 : memref<16x64xi32, #tpu.memory_space<vmem>>)
          %dma_wait3A_311 = arith.constant 0 : i32
          %dma_wait3A_312 = arith.constant 0 : i32
          %dma_wait3A_313 = tpu.memref_slice %arg7[%rem3A_238, %dma_wait3A_311, %dma_wait3A_312] : memref<2x16x64xi32, #tpu.memory_space<vmem>> -> memref<1x16x64xi32, #tpu.memory_space<vmem>>
          %dma_wait3A_314 = tpu.memref_squeeze %dma_wait3A_313 : memref<1x16x64xi32, #tpu.memory_space<vmem>> -> memref<16x64xi32, #tpu.memory_space<vmem>>
          %dma_wait3A_315 = arith.constant 0 : i32
          %dma_wait3A_316 = tpu.memref_slice %arg3[%add3A, %dma_wait3A_315] : memref<5120x64xi32, #tpu.memory_space<hbm>> -> memref<16x64xi32, #tpu.memory_space<hbm>>
          %dma_wait3A_317 = arith.constant 0 : i32
          %dma_wait3A_318 = arith.constant 0 : i32
          %dma_wait3A_319 = tpu.memref_slice %arg7[%rem3A_238, %dma_wait3A_317, %dma_wait3A_318] : memref<2x16x64xi32, #tpu.memory_space<vmem>> -> memref<1x16x64xi32, #tpu.memory_space<vmem>>
          %dma_wait3A_320 = tpu.memref_squeeze %dma_wait3A_319 : memref<1x16x64xi32, #tpu.memory_space<vmem>> -> memref<16x64xi32, #tpu.memory_space<vmem>>
          %dma_wait3A_321 = arith.constant 0 : i32
          %dma_wait3A_322 = tpu.memref_slice %arg3[%add3A, %dma_wait3A_321] : memref<5120x64xi32, #tpu.memory_space<hbm>> -> memref<16x64xi32, #tpu.memory_space<hbm>>
          tpu.wait_dma2 semaphore(%arg12 : memref<!tpu.dma_semaphore, #tpu.memory_space<semaphore_mem>>) src(%dma_wait3A_322 : memref<16x64xi32, #tpu.memory_space<hbm>>) dst(%dma_wait3A_320 : memref<16x64xi32, #tpu.memory_space<vmem>>)
        } else {
        }
        %eq3A_270 = arith.constant 4 : i32
        %eq3A_271 = arith.cmpi eq, %sub3A_236, %eq3A_270 : i32
        %add3A_272 = arith.constant 1 : i32
        %add3A_273 = arith.addi %select_n3A_233, %add3A_272 : i32
        %mul3A_274 = arith.constant 16 : i32
        %mul3A_275 = arith.muli %add3A_273, %mul3A_274 : i32
        %lt3A_276 = arith.cmpi slt, %mul3A_275, %select_n3A : i32
        %and3A_277 = arith.andi %eq3A_271, %lt3A_276 : i1
        %convert_element_type3A_278 = arith.extui %and3A_277 : i1 to i32
        %cond3A_279 = arith.constant 0 : i32
        %cond3A_280 = arith.cmpi ne, %convert_element_type3A_278, %cond3A_279 : i32
        scf.if %cond3A_280 {
          %add3A_299 = arith.constant 1 : i32
          %add3A_300 = arith.addi %select_n3A_233, %add3A_299 : i32
          %rem3A_301 = arith.constant 2 : i32
          %rem3A_302 = arith.remsi %add3A_300, %rem3A_301 : i32
          %add3A_303 = arith.constant 1 : i32
          %add3A_304 = arith.addi %select_n3A_233, %add3A_303 : i32
          %mul3A_305 = arith.constant 16 : i32
          %mul3A_306 = arith.muli %add3A_304, %mul3A_305 : i32
          %add3A_307 = arith.addi %add3A, %mul3A_306 : i32
          %dma_start3A_308 = arith.constant 0 : i32
          %dma_start3A_309 = arith.constant 0 : i32
          %dma_start3A_310 = tpu.memref_slice %arg6[%rem3A_302, %dma_start3A_308, %dma_start3A_309] : memref<2x16x64xi32, #tpu.memory_space<vmem>> -> memref<1x16x64xi32, #tpu.memory_space<vmem>>
          %dma_start3A_311 = tpu.memref_squeeze %dma_start3A_310 : memref<1x16x64xi32, #tpu.memory_space<vmem>> -> memref<16x64xi32, #tpu.memory_space<vmem>>
          %dma_start3A_312 = arith.constant 0 : i32
          %dma_start3A_313 = tpu.memref_slice %arg2[%add3A_307, %dma_start3A_312] : memref<5120x64xi32, #tpu.memory_space<hbm>> -> memref<16x64xi32, #tpu.memory_space<hbm>>
          %dma_start3A_314 = arith.constant 0 : i32
          %dma_start3A_315 = arith.constant 0 : i32
          %dma_start3A_316 = tpu.memref_slice %arg6[%rem3A_302, %dma_start3A_314, %dma_start3A_315] : memref<2x16x64xi32, #tpu.memory_space<vmem>> -> memref<1x16x64xi32, #tpu.memory_space<vmem>>
          %dma_start3A_317 = tpu.memref_squeeze %dma_start3A_316 : memref<1x16x64xi32, #tpu.memory_space<vmem>> -> memref<16x64xi32, #tpu.memory_space<vmem>>
          %dma_start3A_318 = arith.constant 0 : i32
          %dma_start3A_319 = tpu.memref_slice %arg2[%add3A_307, %dma_start3A_318] : memref<5120x64xi32, #tpu.memory_space<hbm>> -> memref<16x64xi32, #tpu.memory_space<hbm>>
          tpu.enqueue_dma source(%dma_start3A_319 : memref<16x64xi32, #tpu.memory_space<hbm>>) target(%dma_start3A_317 : memref<16x64xi32, #tpu.memory_space<vmem>>) target_semaphore(%arg12 : memref<!tpu.dma_semaphore, #tpu.memory_space<semaphore_mem>>)
          %add3A_320 = arith.constant 1 : i32
          %add3A_321 = arith.addi %select_n3A_233, %add3A_320 : i32
          %mul3A_322 = arith.constant 16 : i32
          %mul3A_323 = arith.muli %add3A_321, %mul3A_322 : i32
          %add3A_324 = arith.addi %add3A, %mul3A_323 : i32
          %dma_start3A_325 = arith.constant 0 : i32
          %dma_start3A_326 = arith.constant 0 : i32
          %dma_start3A_327 = tpu.memref_slice %arg7[%rem3A_302, %dma_start3A_325, %dma_start3A_326] : memref<2x16x64xi32, #tpu.memory_space<vmem>> -> memref<1x16x64xi32, #tpu.memory_space<vmem>>
          %dma_start3A_328 = tpu.memref_squeeze %dma_start3A_327 : memref<1x16x64xi32, #tpu.memory_space<vmem>> -> memref<16x64xi32, #tpu.memory_space<vmem>>
          %dma_start3A_329 = arith.constant 0 : i32
          %dma_start3A_330 = tpu.memref_slice %arg3[%add3A_324, %dma_start3A_329] : memref<5120x64xi32, #tpu.memory_space<hbm>> -> memref<16x64xi32, #tpu.memory_space<hbm>>
          %dma_start3A_331 = arith.constant 0 : i32
          %dma_start3A_332 = arith.constant 0 : i32
          %dma_start3A_333 = tpu.memref_slice %arg7[%rem3A_302, %dma_start3A_331, %dma_start3A_332] : memref<2x16x64xi32, #tpu.memory_space<vmem>> -> memref<1x16x64xi32, #tpu.memory_space<vmem>>
          %dma_start3A_334 = tpu.memref_squeeze %dma_start3A_333 : memref<1x16x64xi32, #tpu.memory_space<vmem>> -> memref<16x64xi32, #tpu.memory_space<vmem>>
          %dma_start3A_335 = arith.constant 0 : i32
          %dma_start3A_336 = tpu.memref_slice %arg3[%add3A_324, %dma_start3A_335] : memref<5120x64xi32, #tpu.memory_space<hbm>> -> memref<16x64xi32, #tpu.memory_space<hbm>>
          tpu.enqueue_dma source(%dma_start3A_336 : memref<16x64xi32, #tpu.memory_space<hbm>>) target(%dma_start3A_334 : memref<16x64xi32, #tpu.memory_space<vmem>>) target_semaphore(%arg12 : memref<!tpu.dma_semaphore, #tpu.memory_space<semaphore_mem>>)
        } else {
        }
        %rem3A_281 = arith.constant 4 : i32
        %rem3A_282 = arith.remsi %add3A_209, %rem3A_281 : i32
        %ge3A = arith.constant 2 : i32
        %ge3A_283 = arith.cmpi sge, %while3A_181, %ge3A : i32
        %convert_element_type3A_284 = arith.extui %ge3A_283 : i1 to i32
        %cond3A_285 = arith.constant 0 : i32
        %cond3A_286 = arith.cmpi ne, %convert_element_type3A_284, %cond3A_285 : i32
        scf.if %cond3A_286 {
          %dma_wait3A_299 = arith.constant 0 : i32
          %dma_wait3A_300 = arith.constant 0 : i32
          %dma_wait3A_301 = tpu.memref_slice %arg8[%rem3A_282, %dma_wait3A_299, %dma_wait3A_300] : memref<4x64x128xf32, #tpu.memory_space<vmem>> -> memref<1x64x128xf32, #tpu.memory_space<vmem>>
          %dma_wait3A_302 = tpu.memref_squeeze %dma_wait3A_301 : memref<1x64x128xf32, #tpu.memory_space<vmem>> -> memref<64x128xf32, #tpu.memory_space<vmem>>
          %dma_wait3A_303 = arith.constant 0 : i32
          %dma_wait3A_304 = tpu.memref_slice %arg7[%rem3A_207, %sub3A_205, %dma_wait3A_303] : memref<2x16x64xi32, #tpu.memory_space<vmem>> -> memref<1x1x64xi32, #tpu.memory_space<vmem>>
          %dma_wait3A_305 = tpu.memref_squeeze %dma_wait3A_304 : memref<1x1x64xi32, #tpu.memory_space<vmem>> -> memref<64xi32, #tpu.memory_space<vmem>>
          %dma_wait3A_306 = arith.constant 0 : i32
          %dma_wait3A_307 = arith.constant 0 : i32
          %dma_wait3A_308 = tpu.memref_slice %arg9[%dma_wait3A_306, %dma_wait3A_307] : memref<10240x128xf32, #tpu.memory_space<vmem_shared>> -> memref<10240x128xf32, #tpu.memory_space<vmem_shared>>
          %dma_wait3A_309 = tpu.memref_slice %arg11[%rem3A_282] : memref<4x!tpu.dma_semaphore, #tpu.memory_space<semaphore_mem>> -> memref<1x!tpu.dma_semaphore, #tpu.memory_space<semaphore_mem>>
          %dma_wait3A_310 = tpu.memref_squeeze %dma_wait3A_309 : memref<1x!tpu.dma_semaphore, #tpu.memory_space<semaphore_mem>> -> memref<!tpu.dma_semaphore, #tpu.memory_space<semaphore_mem>>
          tpu.wait_indirect_dma semaphore(%dma_wait3A_310 : memref<!tpu.dma_semaphore, #tpu.memory_space<semaphore_mem>>) src(%dma_wait3A_302 : memref<64x128xf32, #tpu.memory_space<vmem>>) dst(%dma_wait3A_308 : memref<10240x128xf32, #tpu.memory_space<vmem_shared>>)
        } else {
        }
        %dma_start3A_287 = arith.constant 0 : i32
        %dma_start3A_288 = arith.constant 0 : i32
        %dma_start3A_289 = tpu.memref_slice %arg8[%rem3A_282, %dma_start3A_287, %dma_start3A_288] : memref<4x64x128xf32, #tpu.memory_space<vmem>> -> memref<1x64x128xf32, #tpu.memory_space<vmem>>
        %dma_start3A_290 = tpu.memref_squeeze %dma_start3A_289 : memref<1x64x128xf32, #tpu.memory_space<vmem>> -> memref<64x128xf32, #tpu.memory_space<vmem>>
        %dma_start3A_291 = arith.constant 0 : i32
        %dma_start3A_292 = tpu.memref_slice %arg6[%rem3A_238, %sub3A_236, %dma_start3A_291] : memref<2x16x64xi32, #tpu.memory_space<vmem>> -> memref<1x1x64xi32, #tpu.memory_space<vmem>>
        %dma_start3A_293 = tpu.memref_squeeze %dma_start3A_292 : memref<1x1x64xi32, #tpu.memory_space<vmem>> -> memref<64xi32, #tpu.memory_space<vmem>>
        %dma_start3A_294 = arith.constant 0 : i32
        %dma_start3A_295 = arith.constant 0 : i32
        %dma_start3A_296 = tpu.memref_slice %arg4[%dma_start3A_294, %dma_start3A_295] : memref<10000x128xf32, #tpu.memory_space<hbm>> -> memref<10000x128xf32, #tpu.memory_space<hbm>>
        %dma_start3A_297 = tpu.memref_slice %arg10[%rem3A_282] : memref<4x!tpu.dma_semaphore, #tpu.memory_space<semaphore_mem>> -> memref<1x!tpu.dma_semaphore, #tpu.memory_space<semaphore_mem>>
        %dma_start3A_298 = tpu.memref_squeeze %dma_start3A_297 : memref<1x!tpu.dma_semaphore, #tpu.memory_space<semaphore_mem>> -> memref<!tpu.dma_semaphore, #tpu.memory_space<semaphore_mem>>
        tpu.enqueue_indirect_dma source(%dma_start3A_296 : memref<10000x128xf32, #tpu.memory_space<hbm>>) target(%dma_start3A_290 : memref<64x128xf32, #tpu.memory_space<vmem>>) offsets(%dma_start3A_293 : memref<64xi32, #tpu.memory_space<vmem>>) semaphore(%dma_start3A_298 : memref<!tpu.dma_semaphore, #tpu.memory_space<semaphore_mem>>)
      } else {
      }
      %while3A_264 = arith.constant 0 : i32
      scf.yield %while3A_264 : i32
    }
    %dma_wait3A = arith.constant 0 : i32
    %dma_wait3A_117 = arith.constant 0 : i32
    %dma_wait3A_118 = arith.constant 0 : i32
    %dma_wait3A_119 = arith.constant 0 : i32
    %dma_wait3A_120 = arith.constant 0 : i32
    %dma_wait3A_121 = arith.constant 0 : i32
    %dma_wait3A_122 = tpu.memref_slice %arg8[%dma_wait3A, %dma_wait3A_120, %dma_wait3A_121] : memref<4x64x128xf32, #tpu.memory_space<vmem>> -> memref<1x64x128xf32, #tpu.memory_space<vmem>>
    %dma_wait3A_123 = tpu.memref_squeeze %dma_wait3A_122 : memref<1x64x128xf32, #tpu.memory_space<vmem>> -> memref<64x128xf32, #tpu.memory_space<vmem>>
    %dma_wait3A_124 = arith.constant 0 : i32
    %dma_wait3A_125 = tpu.memref_slice %arg7[%dma_wait3A_117, %dma_wait3A_118, %dma_wait3A_124] : memref<2x16x64xi32, #tpu.memory_space<vmem>> -> memref<1x1x64xi32, #tpu.memory_space<vmem>>
    %dma_wait3A_126 = tpu.memref_squeeze %dma_wait3A_125 : memref<1x1x64xi32, #tpu.memory_space<vmem>> -> memref<64xi32, #tpu.memory_space<vmem>>
    %dma_wait3A_127 = arith.constant 0 : i32
    %dma_wait3A_128 = arith.constant 0 : i32
    %dma_wait3A_129 = tpu.memref_slice %arg9[%dma_wait3A_127, %dma_wait3A_128] : memref<10240x128xf32, #tpu.memory_space<vmem_shared>> -> memref<10240x128xf32, #tpu.memory_space<vmem_shared>>
    %dma_wait3A_130 = tpu.memref_slice %arg11[%dma_wait3A_119] : memref<4x!tpu.dma_semaphore, #tpu.memory_space<semaphore_mem>> -> memref<1x!tpu.dma_semaphore, #tpu.memory_space<semaphore_mem>>
    %dma_wait3A_131 = tpu.memref_squeeze %dma_wait3A_130 : memref<1x!tpu.dma_semaphore, #tpu.memory_space<semaphore_mem>> -> memref<!tpu.dma_semaphore, #tpu.memory_space<semaphore_mem>>
    tpu.wait_indirect_dma semaphore(%dma_wait3A_131 : memref<!tpu.dma_semaphore, #tpu.memory_space<semaphore_mem>>) src(%dma_wait3A_123 : memref<64x128xf32, #tpu.memory_space<vmem>>) dst(%dma_wait3A_129 : memref<10240x128xf32, #tpu.memory_space<vmem_shared>>)
    %dma_wait3A_132 = arith.constant 1 : i32
    %dma_wait3A_133 = arith.constant 0 : i32
    %dma_wait3A_134 = arith.constant 0 : i32
    %dma_wait3A_135 = arith.constant 1 : i32
    %dma_wait3A_136 = arith.constant 0 : i32
    %dma_wait3A_137 = arith.constant 0 : i32
    %dma_wait3A_138 = tpu.memref_slice %arg8[%dma_wait3A_132, %dma_wait3A_136, %dma_wait3A_137] : memref<4x64x128xf32, #tpu.memory_space<vmem>> -> memref<1x64x128xf32, #tpu.memory_space<vmem>>
    %dma_wait3A_139 = tpu.memref_squeeze %dma_wait3A_138 : memref<1x64x128xf32, #tpu.memory_space<vmem>> -> memref<64x128xf32, #tpu.memory_space<vmem>>
    %dma_wait3A_140 = arith.constant 0 : i32
    %dma_wait3A_141 = tpu.memref_slice %arg7[%dma_wait3A_133, %dma_wait3A_134, %dma_wait3A_140] : memref<2x16x64xi32, #tpu.memory_space<vmem>> -> memref<1x1x64xi32, #tpu.memory_space<vmem>>
    %dma_wait3A_142 = tpu.memref_squeeze %dma_wait3A_141 : memref<1x1x64xi32, #tpu.memory_space<vmem>> -> memref<64xi32, #tpu.memory_space<vmem>>
    %dma_wait3A_143 = arith.constant 0 : i32
    %dma_wait3A_144 = arith.constant 0 : i32
    %dma_wait3A_145 = tpu.memref_slice %arg9[%dma_wait3A_143, %dma_wait3A_144] : memref<10240x128xf32, #tpu.memory_space<vmem_shared>> -> memref<10240x128xf32, #tpu.memory_space<vmem_shared>>
    %dma_wait3A_146 = tpu.memref_slice %arg11[%dma_wait3A_135] : memref<4x!tpu.dma_semaphore, #tpu.memory_space<semaphore_mem>> -> memref<1x!tpu.dma_semaphore, #tpu.memory_space<semaphore_mem>>
    %dma_wait3A_147 = tpu.memref_squeeze %dma_wait3A_146 : memref<1x!tpu.dma_semaphore, #tpu.memory_space<semaphore_mem>> -> memref<!tpu.dma_semaphore, #tpu.memory_space<semaphore_mem>>
    tpu.wait_indirect_dma semaphore(%dma_wait3A_147 : memref<!tpu.dma_semaphore, #tpu.memory_space<semaphore_mem>>) src(%dma_wait3A_139 : memref<64x128xf32, #tpu.memory_space<vmem>>) dst(%dma_wait3A_145 : memref<10240x128xf32, #tpu.memory_space<vmem_shared>>)
    %dma_wait3A_148 = arith.constant 2 : i32
    %dma_wait3A_149 = arith.constant 0 : i32
    %dma_wait3A_150 = arith.constant 0 : i32
    %dma_wait3A_151 = arith.constant 2 : i32
    %dma_wait3A_152 = arith.constant 0 : i32
    %dma_wait3A_153 = arith.constant 0 : i32
    %dma_wait3A_154 = tpu.memref_slice %arg8[%dma_wait3A_148, %dma_wait3A_152, %dma_wait3A_153] : memref<4x64x128xf32, #tpu.memory_space<vmem>> -> memref<1x64x128xf32, #tpu.memory_space<vmem>>
    %dma_wait3A_155 = tpu.memref_squeeze %dma_wait3A_154 : memref<1x64x128xf32, #tpu.memory_space<vmem>> -> memref<64x128xf32, #tpu.memory_space<vmem>>
    %dma_wait3A_156 = arith.constant 0 : i32
    %dma_wait3A_157 = tpu.memref_slice %arg7[%dma_wait3A_149, %dma_wait3A_150, %dma_wait3A_156] : memref<2x16x64xi32, #tpu.memory_space<vmem>> -> memref<1x1x64xi32, #tpu.memory_space<vmem>>
    %dma_wait3A_158 = tpu.memref_squeeze %dma_wait3A_157 : memref<1x1x64xi32, #tpu.memory_space<vmem>> -> memref<64xi32, #tpu.memory_space<vmem>>
    %dma_wait3A_159 = arith.constant 0 : i32
    %dma_wait3A_160 = arith.constant 0 : i32
    %dma_wait3A_161 = tpu.memref_slice %arg9[%dma_wait3A_159, %dma_wait3A_160] : memref<10240x128xf32, #tpu.memory_space<vmem_shared>> -> memref<10240x128xf32, #tpu.memory_space<vmem_shared>>
    %dma_wait3A_162 = tpu.memref_slice %arg11[%dma_wait3A_151] : memref<4x!tpu.dma_semaphore, #tpu.memory_space<semaphore_mem>> -> memref<1x!tpu.dma_semaphore, #tpu.memory_space<semaphore_mem>>
    %dma_wait3A_163 = tpu.memref_squeeze %dma_wait3A_162 : memref<1x!tpu.dma_semaphore, #tpu.memory_space<semaphore_mem>> -> memref<!tpu.dma_semaphore, #tpu.memory_space<semaphore_mem>>
    tpu.wait_indirect_dma semaphore(%dma_wait3A_163 : memref<!tpu.dma_semaphore, #tpu.memory_space<semaphore_mem>>) src(%dma_wait3A_155 : memref<64x128xf32, #tpu.memory_space<vmem>>) dst(%dma_wait3A_161 : memref<10240x128xf32, #tpu.memory_space<vmem_shared>>)
    %dma_wait3A_164 = arith.constant 3 : i32
    %dma_wait3A_165 = arith.constant 0 : i32
    %dma_wait3A_166 = arith.constant 0 : i32
    %dma_wait3A_167 = arith.constant 3 : i32
    %dma_wait3A_168 = arith.constant 0 : i32
    %dma_wait3A_169 = arith.constant 0 : i32
    %dma_wait3A_170 = tpu.memref_slice %arg8[%dma_wait3A_164, %dma_wait3A_168, %dma_wait3A_169] : memref<4x64x128xf32, #tpu.memory_space<vmem>> -> memref<1x64x128xf32, #tpu.memory_space<vmem>>
    %dma_wait3A_171 = tpu.memref_squeeze %dma_wait3A_170 : memref<1x64x128xf32, #tpu.memory_space<vmem>> -> memref<64x128xf32, #tpu.memory_space<vmem>>
    %dma_wait3A_172 = arith.constant 0 : i32
    %dma_wait3A_173 = tpu.memref_slice %arg7[%dma_wait3A_165, %dma_wait3A_166, %dma_wait3A_172] : memref<2x16x64xi32, #tpu.memory_space<vmem>> -> memref<1x1x64xi32, #tpu.memory_space<vmem>>
    %dma_wait3A_174 = tpu.memref_squeeze %dma_wait3A_173 : memref<1x1x64xi32, #tpu.memory_space<vmem>> -> memref<64xi32, #tpu.memory_space<vmem>>
    %dma_wait3A_175 = arith.constant 0 : i32
    %dma_wait3A_176 = arith.constant 0 : i32
    %dma_wait3A_177 = tpu.memref_slice %arg9[%dma_wait3A_175, %dma_wait3A_176] : memref<10240x128xf32, #tpu.memory_space<vmem_shared>> -> memref<10240x128xf32, #tpu.memory_space<vmem_shared>>
    %dma_wait3A_178 = tpu.memref_slice %arg11[%dma_wait3A_167] : memref<4x!tpu.dma_semaphore, #tpu.memory_space<semaphore_mem>> -> memref<1x!tpu.dma_semaphore, #tpu.memory_space<semaphore_mem>>
    %dma_wait3A_179 = tpu.memref_squeeze %dma_wait3A_178 : memref<1x!tpu.dma_semaphore, #tpu.memory_space<semaphore_mem>> -> memref<!tpu.dma_semaphore, #tpu.memory_space<semaphore_mem>>
    tpu.wait_indirect_dma semaphore(%dma_wait3A_179 : memref<!tpu.dma_semaphore, #tpu.memory_space<semaphore_mem>>) src(%dma_wait3A_171 : memref<64x128xf32, #tpu.memory_space<vmem>>) dst(%dma_wait3A_177 : memref<10240x128xf32, #tpu.memory_space<vmem_shared>>)
    %barrier3A_180 = arith.constant 0 : index
    tpu.barrier barrier_id(%barrier3A_180)
    "tpu.region"() ({
      %run_scoped3A_181 = tpu.sem_alloc : memref<!tpu.dma_semaphore, #tpu.memory_space<semaphore_mem>>
      %dma_start3A_182 = arith.constant 0 : i32
      %dma_start3A_183 = tpu.memref_slice %arg5[%arg0, %mul3A_0, %dma_start3A_182] : memref<2x10240x128xf32, #tpu.memory_space<hbm>> -> memref<1x640x128xf32, #tpu.memory_space<hbm>>
      %dma_start3A_184 = tpu.memref_squeeze %dma_start3A_183 : memref<1x640x128xf32, #tpu.memory_space<hbm>> -> memref<640x128xf32, #tpu.memory_space<hbm>>
      %dma_start3A_185 = arith.constant 0 : i32
      %dma_start3A_186 = tpu.memref_slice %arg9[%mul3A_0, %dma_start3A_185] : memref<10240x128xf32, #tpu.memory_space<vmem_shared>> -> memref<640x128xf32, #tpu.memory_space<vmem_shared>>
      tpu.enqueue_dma source(%dma_start3A_186 : memref<640x128xf32, #tpu.memory_space<vmem_shared>>) target(%dma_start3A_184 : memref<640x128xf32, #tpu.memory_space<hbm>>) target_semaphore(%run_scoped3A_181 : memref<!tpu.dma_semaphore, #tpu.memory_space<semaphore_mem>>)
      %dma_wait3A_187 = arith.constant 0 : i32
      %dma_wait3A_188 = tpu.memref_slice %arg5[%arg0, %mul3A_0, %dma_wait3A_187] : memref<2x10240x128xf32, #tpu.memory_space<hbm>> -> memref<1x640x128xf32, #tpu.memory_space<hbm>>
      %dma_wait3A_189 = tpu.memref_squeeze %dma_wait3A_188 : memref<1x640x128xf32, #tpu.memory_space<hbm>> -> memref<640x128xf32, #tpu.memory_space<hbm>>
      %dma_wait3A_190 = arith.constant 0 : i32
      %dma_wait3A_191 = tpu.memref_slice %arg9[%mul3A_0, %dma_wait3A_190] : memref<10240x128xf32, #tpu.memory_space<vmem_shared>> -> memref<640x128xf32, #tpu.memory_space<vmem_shared>>
      tpu.wait_dma2 semaphore(%run_scoped3A_181 : memref<!tpu.dma_semaphore, #tpu.memory_space<semaphore_mem>>) src(%dma_wait3A_191 : memref<640x128xf32, #tpu.memory_space<vmem_shared>>) dst(%dma_wait3A_189 : memref<640x128xf32, #tpu.memory_space<hbm>>)
      tpu.yield
    }) : () -> ()
    return
  }
}

module attributes {stable_mosaic.version = 14 : i64} {
  func.func @_prep_body(%arg0: i32, %arg1: memref<2000x128xf32, #tpu.memory_space<vmem>>, %arg2: memref<2000x1xf32, #tpu.memory_space<vmem>>, %arg3: memref<2000x128xf32, #tpu.memory_space<vmem>>) attributes {dimension_semantics = [#tpu.dimension_semantics<arbitrary>], iteration_bounds = array<i64: 5>, scalar_prefetch = 0 : i64, scratch_operands = 0 : i64, tpu.core_type = #tpu.core_type<tc>, window_params = [{transform_indices = @transform_0, window_bounds = array<i64: 2000, 128>}, {transform_indices = @transform_1, window_bounds = array<i64: 2000, 1>}, {transform_indices = @transform_2, window_bounds = array<i64: 2000, 128>}]} {
    %get3A = arith.constant 0 : index
    %get3A_0 = arith.constant 0 : index
    %get3A_1 = vector.load %arg2[%get3A, %get3A_0] : memref<2000x1xf32, #tpu.memory_space<vmem>>, vector<2000x1xf32>
    %add3A = arith.constant 1.000000e+00 : f32
    %add3A_2 = vector.broadcast %add3A : f32 to vector<2000x1xf32>
    %add3A_3 = arith.addf %get3A_1, %add3A_2 : vector<2000x1xf32>
    %rsqrt3A = math.rsqrt %add3A_3 : vector<2000x1xf32>
    %get3A_4 = arith.constant 0 : index
    %get3A_5 = arith.constant 0 : index
    %get3A_6 = vector.load %arg1[%get3A_4, %get3A_5] : memref<2000x128xf32, #tpu.memory_space<vmem>>, vector<2000x128xf32>
    %mul3A = vector.broadcast %rsqrt3A : vector<2000x1xf32> to vector<2000x128xf32>
    %mul3A_7 = arith.mulf %mul3A, %get3A_6 : vector<2000x128xf32>
    %swap3A = arith.constant 0 : index
    %swap3A_8 = arith.constant 0 : index
    %swap3A_9 = vector.load %arg3[%swap3A, %swap3A_8] : memref<2000x128xf32, #tpu.memory_space<vmem>>, vector<2000x128xf32>
    tpu.vector_store %arg3[%swap3A, %swap3A_8], %mul3A_7 {strides = array<i32>} : memref<2000x128xf32, #tpu.memory_space<vmem>>, vector<2000x128xf32>,
    return
  }
  func.func @transform_0(%arg0: i32) -> (i32, i32) {
    %c0_i32 = arith.constant 0 : i32
    %c0_i32_0 = arith.constant 0 : i32
    return %arg0, %c0_i32 : i32, i32
  }
  func.func @transform_1(%arg0: i32) -> (i32, i32) {
    %c0_i32 = arith.constant 0 : i32
    %c0_i32_0 = arith.constant 0 : i32
    return %arg0, %c0_i32 : i32, i32
  }
  func.func @transform_2(%arg0: i32) -> (i32, i32) {
    %c0_i32 = arith.constant 0 : i32
    %c0_i32_0 = arith.constant 0 : i32
    return %arg0, %c0_i32 : i32, i32
  }
}

module attributes {stable_mosaic.version = 14 : i64} {
  func.func @_layer_body(%arg0: i32, %arg1: memref<2000x128xf32, #tpu.memory_space<vmem>>, %arg2: memref<2x2000x128xf32, #tpu.memory_space<vmem>>, %arg3: memref<2000x1xf32, #tpu.memory_space<vmem>>, %arg4: memref<2000x1xf32, #tpu.memory_space<vmem>>, %arg5: memref<1x128xf32, #tpu.memory_space<vmem>>, %arg6: memref<1xf32, #tpu.memory_space<smem>>, %arg7: memref<128x128xf32, #tpu.memory_space<vmem>>, %arg8: memref<1x128xf32, #tpu.memory_space<vmem>>, %arg9: memref<2000x128xf32, #tpu.memory_space<vmem>>, %arg10: memref<2000x128xf32, #tpu.memory_space<vmem>>) attributes {dimension_semantics = [#tpu.dimension_semantics<arbitrary>], iteration_bounds = array<i64: 5>, scalar_prefetch = 0 : i64, scratch_operands = 0 : i64, tpu.core_type = #tpu.core_type<tc>, window_params = [{transform_indices = @transform_0, window_bounds = array<i64: 2000, 128>}, {transform_indices = @transform_1, window_bounds = array<i64: 2, 2000, 128>}, {transform_indices = @transform_2, window_bounds = array<i64: 2000, 1>}, {transform_indices = @transform_3, window_bounds = array<i64: 2000, 1>}, {pipeline_mode = #tpu.pipeline_mode<synchronous>, transform_indices = @transform_4, window_bounds = array<i64: 1, 128>}, {transform_indices = @transform_5, window_bounds = array<i64: 1>}, {pipeline_mode = #tpu.pipeline_mode<synchronous>, transform_indices = @transform_6, window_bounds = array<i64: 128, 128>}, {pipeline_mode = #tpu.pipeline_mode<synchronous>, transform_indices = @transform_7, window_bounds = array<i64: 1, 128>}, {transform_indices = @transform_8, window_bounds = array<i64: 2000, 128>}, {transform_indices = @transform_9, window_bounds = array<i64: 2000, 128>}]} {
    %get3A = arith.constant 0 : index
    %get3A_0 = arith.constant 0 : index
    %get3A_1 = vector.load %arg1[%get3A, %get3A_0] : memref<2000x128xf32, #tpu.memory_space<vmem>>, vector<2000x128xf32>
    %get3A_2 = arith.constant 0 : index
    %get3A_3 = arith.constant 0 : index
    %get3A_4 = arith.constant 0 : index
    %get3A_5 = vector.load %arg2[%get3A_2, %get3A_3, %get3A_4] : memref<2x2000x128xf32, #tpu.memory_space<vmem>>, vector<2x2000x128xf32>
    %slice3A = vector.extract_strided_slice %get3A_5 {offsets = [0, 0, 0], sizes = [1, 2000, 128], strides = [1, 1, 1]} : vector<2x2000x128xf32> to vector<1x2000x128xf32>
    %squeeze3A = vector.shape_cast %slice3A : vector<1x2000x128xf32> to vector<2000x128xf32>
    %slice3A_6 = vector.extract_strided_slice %get3A_5 {offsets = [1, 0, 0], sizes = [1, 2000, 128], strides = [1, 1, 1]} : vector<2x2000x128xf32> to vector<1x2000x128xf32>
    %squeeze3A_7 = vector.shape_cast %slice3A_6 : vector<1x2000x128xf32> to vector<2000x128xf32>
    %add3A = arith.addf %squeeze3A, %squeeze3A_7 : vector<2000x128xf32>
    %get3A_8 = arith.constant 0 : index
    %get3A_9 = arith.constant 0 : index
    %get3A_10 = vector.load %arg3[%get3A_8, %get3A_9] : memref<2000x1xf32, #tpu.memory_space<vmem>>, vector<2000x1xf32>
    %add3A_11 = arith.constant 1.000000e+00 : f32
    %add3A_12 = vector.broadcast %add3A_11 : f32 to vector<2000x1xf32>
    %add3A_13 = arith.addf %get3A_10, %add3A_12 : vector<2000x1xf32>
    %div3A = arith.constant 1.000000e+00 : f32
    %div3A_14 = vector.broadcast %div3A : f32 to vector<2000x1xf32>
    %div3A_15 = arith.divf %div3A_14, %add3A_13 : vector<2000x1xf32>
    %rsqrt3A = math.rsqrt %add3A_13 : vector<2000x1xf32>
    %get3A_16 = arith.constant 0 : index
    %get3A_17 = arith.constant 0 : index
    %get3A_18 = vector.load %arg4[%get3A_16, %get3A_17] : memref<2000x1xf32, #tpu.memory_space<vmem>>, vector<2000x1xf32>
    %add3A_19 = arith.constant 1.000000e+00 : f32
    %add3A_20 = vector.broadcast %add3A_19 : f32 to vector<2000x1xf32>
    %add3A_21 = arith.addf %get3A_18, %add3A_20 : vector<2000x1xf32>
    %get3A_22 = arith.constant 0 : index
    %get3A_23 = arith.constant 0 : index
    %get3A_24 = vector.load %arg5[%get3A_22, %get3A_23] : memref<1x128xf32, #tpu.memory_space<vmem>>, vector<1x128xf32>
    %mul3A = vector.broadcast %get3A_24 : vector<1x128xf32> to vector<2000x128xf32>
    %mul3A_25 = arith.mulf %get3A_1, %mul3A : vector<2000x128xf32>
    %reduce_sum3A = arith.constant dense<0.000000e+00> : vector<2000xf32>
    %reduce_sum3A_26 = vector.multi_reduction <add>, %mul3A_25, %reduce_sum3A [1] : vector<2000x128xf32> to vector<2000xf32>
    %broadcast_in_dim3A = vector.shape_cast %reduce_sum3A_26 : vector<2000xf32> to vector<2000x1xf32>
    %get3A_27 = arith.constant 0 : index
    %get3A_28 = memref.load %arg6[%get3A_27] : memref<1xf32, #tpu.memory_space<smem>>
    %add3A_29 = vector.broadcast %get3A_28 : f32 to vector<2000x1xf32>
    %add3A_30 = arith.addf %broadcast_in_dim3A, %add3A_29 : vector<2000x1xf32>
    %logistic3A = arith.negf %add3A_30 : vector<2000x1xf32>
    %logistic3A_31 = math.exp %logistic3A : vector<2000x1xf32>
    %logistic3A_32 = arith.constant 1.000000e+00 : f32
    %logistic3A_33 = vector.broadcast %logistic3A_32 : f32 to vector<2000x1xf32>
    %logistic3A_34 = arith.addf %logistic3A_33, %logistic3A_31 : vector<2000x1xf32>
    %logistic3A_35 = arith.divf %logistic3A_33, %logistic3A_34 : vector<2000x1xf32>
    %mul3A_36 = vector.broadcast %rsqrt3A : vector<2000x1xf32> to vector<2000x128xf32>
    %mul3A_37 = arith.mulf %mul3A_36, %add3A : vector<2000x128xf32>
    %mul3A_38 = vector.broadcast %div3A_15 : vector<2000x1xf32> to vector<2000x128xf32>
    %mul3A_39 = arith.mulf %mul3A_38, %get3A_1 : vector<2000x128xf32>
    %add3A_40 = arith.addf %mul3A_37, %mul3A_39 : vector<2000x128xf32>
    %mul3A_41 = arith.constant 2.000000e+00 : f32
    %mul3A_42 = vector.broadcast %mul3A_41 : f32 to vector<2000x1xf32>
    %mul3A_43 = arith.mulf %mul3A_42, %logistic3A_35 : vector<2000x1xf32>
    %sub3A = arith.constant 1.000000e+00 : f32
    %sub3A_44 = vector.broadcast %sub3A : f32 to vector<2000x1xf32>
    %sub3A_45 = arith.subf %mul3A_43, %sub3A_44 : vector<2000x1xf32>
    %mul3A_46 = vector.broadcast %sub3A_45 : vector<2000x1xf32> to vector<2000x128xf32>
    %mul3A_47 = arith.mulf %mul3A_46, %add3A_40 : vector<2000x128xf32>
    %sub3A_48 = arith.constant 1.000000e+00 : f32
    %sub3A_49 = vector.broadcast %sub3A_48 : f32 to vector<2000x1xf32>
    %sub3A_50 = arith.subf %sub3A_49, %logistic3A_35 : vector<2000x1xf32>
    %mul3A_51 = vector.broadcast %add3A_21 : vector<2000x1xf32> to vector<2000x128xf32>
    %mul3A_52 = arith.mulf %mul3A_51, %get3A_1 : vector<2000x128xf32>
    %mul3A_53 = vector.broadcast %sub3A_50 : vector<2000x1xf32> to vector<2000x128xf32>
    %mul3A_54 = arith.mulf %mul3A_53, %mul3A_52 : vector<2000x128xf32>
    %add3A_55 = arith.addf %mul3A_47, %mul3A_54 : vector<2000x128xf32>
    %get3A_56 = arith.constant 0 : index
    %get3A_57 = arith.constant 0 : index
    %get3A_58 = vector.load %arg7[%get3A_56, %get3A_57] : memref<128x128xf32, #tpu.memory_space<vmem>>, vector<128x128xf32>
    %dot_general3A = arith.constant dense<0.000000e+00> : vector<2000x128xf32>
    %dot_general3A_59 = tpu.matmul %add3A_55, %get3A_58, %dot_general3A {dimension_numbers = #tpu.dot_dimension_numbers<[1], [1], [0], [0], [0, 0, 1, 0], [], []>, transpose_lhs_hint = false} : vector<2000x128xf32>, vector<128x128xf32>, vector<2000x128xf32> -> vector<2000x128xf32>
    %get3A_60 = arith.constant 0 : index
    %get3A_61 = arith.constant 0 : index
    %get3A_62 = vector.load %arg8[%get3A_60, %get3A_61] : memref<1x128xf32, #tpu.memory_space<vmem>>, vector<1x128xf32>
    %add3A_63 = vector.broadcast %get3A_62 : vector<1x128xf32> to vector<2000x128xf32>
    %add3A_64 = arith.addf %dot_general3A_59, %add3A_63 : vector<2000x128xf32>
    %max3A = arith.constant 0.000000e+00 : f32
    %max3A_65 = vector.broadcast %max3A : f32 to vector<2000x128xf32>
    %max3A_66 = arith.maximumf %add3A_64, %max3A_65 : vector<2000x128xf32>
    %swap3A = arith.constant 0 : index
    %swap3A_67 = arith.constant 0 : index
    %swap3A_68 = vector.load %arg9[%swap3A, %swap3A_67] : memref<2000x128xf32, #tpu.memory_space<vmem>>, vector<2000x128xf32>
    tpu.vector_store %arg9[%swap3A, %swap3A_67], %max3A_66 {strides = array<i32>} : memref<2000x128xf32, #tpu.memory_space<vmem>>, vector<2000x128xf32>,
    %mul3A_69 = vector.broadcast %rsqrt3A : vector<2000x1xf32> to vector<2000x128xf32>
    %mul3A_70 = arith.mulf %mul3A_69, %max3A_66 : vector<2000x128xf32>
    %swap3A_71 = arith.constant 0 : index
    %swap3A_72 = arith.constant 0 : index
    %swap3A_73 = vector.load %arg10[%swap3A_71, %swap3A_72] : memref<2000x128xf32, #tpu.memory_space<vmem>>, vector<2000x128xf32>
    tpu.vector_store %arg10[%swap3A_71, %swap3A_72], %mul3A_70 {strides = array<i32>} : memref<2000x128xf32, #tpu.memory_space<vmem>>, vector<2000x128xf32>,
    return
  }
  func.func @transform_0(%arg0: i32) -> (i32, i32) {
    %c0_i32 = arith.constant 0 : i32
    %c0_i32_0 = arith.constant 0 : i32
    return %arg0, %c0_i32 : i32, i32
  }
  func.func @transform_1(%arg0: i32) -> (i32, i32, i32) {
    %c0_i32 = arith.constant 0 : i32
    %c0_i32_0 = arith.constant 0 : i32
    %c0_i32_1 = arith.constant 0 : i32
    return %c0_i32, %arg0, %c0_i32_0 : i32, i32, i32
  }
  func.func @transform_2(%arg0: i32) -> (i32, i32) {
    %c0_i32 = arith.constant 0 : i32
    %c0_i32_0 = arith.constant 0 : i32
    return %arg0, %c0_i32 : i32, i32
  }
  func.func @transform_3(%arg0: i32) -> (i32, i32) {
    %c0_i32 = arith.constant 0 : i32
    %c0_i32_0 = arith.constant 0 : i32
    return %arg0, %c0_i32 : i32, i32
  }
  func.func @transform_4(%arg0: i32) -> (i32, i32) {
    %c0_i32 = arith.constant 0 : i32
    %c0_i32_0 = arith.constant 0 : i32
    %c0_i32_1 = arith.constant 0 : i32
    return %c0_i32, %c0_i32_0 : i32, i32
  }
  func.func @transform_5(%arg0: i32) -> i32 {
    %c0_i32 = arith.constant 0 : i32
    %c0_i32_0 = arith.constant 0 : i32
    return %c0_i32 : i32
  }
  func.func @transform_6(%arg0: i32) -> (i32, i32) {
    %c0_i32 = arith.constant 0 : i32
    %c0_i32_0 = arith.constant 0 : i32
    %c0_i32_1 = arith.constant 0 : i32
    return %c0_i32, %c0_i32_0 : i32, i32
  }
  func.func @transform_7(%arg0: i32) -> (i32, i32) {
    %c0_i32 = arith.constant 0 : i32
    %c0_i32_0 = arith.constant 0 : i32
    %c0_i32_1 = arith.constant 0 : i32
    return %c0_i32, %c0_i32_0 : i32, i32
  }
  func.func @transform_8(%arg0: i32) -> (i32, i32) {
    %c0_i32 = arith.constant 0 : i32
    %c0_i32_0 = arith.constant 0 : i32
    return %arg0, %c0_i32 : i32, i32
  }
  func.func @transform_9(%arg0: i32) -> (i32, i32) {
    %c0_i32 = arith.constant 0 : i32
    %c0_i32_0 = arith.constant 0 : i32
    return %arg0, %c0_i32 : i32, i32
  }
}

module attributes {stable_mosaic.version = 14 : i64} {
  func.func @_layer_body(%arg0: i32, %arg1: memref<2000x128xf32, #tpu.memory_space<vmem>>, %arg2: memref<2x2000x128xf32, #tpu.memory_space<vmem>>, %arg3: memref<2000x1xf32, #tpu.memory_space<vmem>>, %arg4: memref<2000x1xf32, #tpu.memory_space<vmem>>, %arg5: memref<1x128xf32, #tpu.memory_space<vmem>>, %arg6: memref<1xf32, #tpu.memory_space<smem>>, %arg7: memref<64x128xf32, #tpu.memory_space<vmem>>, %arg8: memref<1x64xf32, #tpu.memory_space<vmem>>, %arg9: memref<2000x64xf32, #tpu.memory_space<vmem>>, %arg10: memref<2000x64xf32, #tpu.memory_space<vmem>>) attributes {dimension_semantics = [#tpu.dimension_semantics<arbitrary>], iteration_bounds = array<i64: 5>, scalar_prefetch = 0 : i64, scratch_operands = 0 : i64, tpu.core_type = #tpu.core_type<tc>, window_params = [{transform_indices = @transform_0, window_bounds = array<i64: 2000, 128>}, {transform_indices = @transform_1, window_bounds = array<i64: 2, 2000, 128>}, {transform_indices = @transform_2, window_bounds = array<i64: 2000, 1>}, {transform_indices = @transform_3, window_bounds = array<i64: 2000, 1>}, {pipeline_mode = #tpu.pipeline_mode<synchronous>, transform_indices = @transform_4, window_bounds = array<i64: 1, 128>}, {transform_indices = @transform_5, window_bounds = array<i64: 1>}, {pipeline_mode = #tpu.pipeline_mode<synchronous>, transform_indices = @transform_6, window_bounds = array<i64: 64, 128>}, {pipeline_mode = #tpu.pipeline_mode<synchronous>, transform_indices = @transform_7, window_bounds = array<i64: 1, 64>}, {transform_indices = @transform_8, window_bounds = array<i64: 2000, 64>}, {transform_indices = @transform_9, window_bounds = array<i64: 2000, 64>}]} {
    %get3A = arith.constant 0 : index
    %get3A_0 = arith.constant 0 : index
    %get3A_1 = vector.load %arg1[%get3A, %get3A_0] : memref<2000x128xf32, #tpu.memory_space<vmem>>, vector<2000x128xf32>
    %get3A_2 = arith.constant 0 : index
    %get3A_3 = arith.constant 0 : index
    %get3A_4 = arith.constant 0 : index
    %get3A_5 = vector.load %arg2[%get3A_2, %get3A_3, %get3A_4] : memref<2x2000x128xf32, #tpu.memory_space<vmem>>, vector<2x2000x128xf32>
    %slice3A = vector.extract_strided_slice %get3A_5 {offsets = [0, 0, 0], sizes = [1, 2000, 128], strides = [1, 1, 1]} : vector<2x2000x128xf32> to vector<1x2000x128xf32>
    %squeeze3A = vector.shape_cast %slice3A : vector<1x2000x128xf32> to vector<2000x128xf32>
    %slice3A_6 = vector.extract_strided_slice %get3A_5 {offsets = [1, 0, 0], sizes = [1, 2000, 128], strides = [1, 1, 1]} : vector<2x2000x128xf32> to vector<1x2000x128xf32>
    %squeeze3A_7 = vector.shape_cast %slice3A_6 : vector<1x2000x128xf32> to vector<2000x128xf32>
    %add3A = arith.addf %squeeze3A, %squeeze3A_7 : vector<2000x128xf32>
    %get3A_8 = arith.constant 0 : index
    %get3A_9 = arith.constant 0 : index
    %get3A_10 = vector.load %arg3[%get3A_8, %get3A_9] : memref<2000x1xf32, #tpu.memory_space<vmem>>, vector<2000x1xf32>
    %add3A_11 = arith.constant 1.000000e+00 : f32
    %add3A_12 = vector.broadcast %add3A_11 : f32 to vector<2000x1xf32>
    %add3A_13 = arith.addf %get3A_10, %add3A_12 : vector<2000x1xf32>
    %div3A = arith.constant 1.000000e+00 : f32
    %div3A_14 = vector.broadcast %div3A : f32 to vector<2000x1xf32>
    %div3A_15 = arith.divf %div3A_14, %add3A_13 : vector<2000x1xf32>
    %rsqrt3A = math.rsqrt %add3A_13 : vector<2000x1xf32>
    %get3A_16 = arith.constant 0 : index
    %get3A_17 = arith.constant 0 : index
    %get3A_18 = vector.load %arg4[%get3A_16, %get3A_17] : memref<2000x1xf32, #tpu.memory_space<vmem>>, vector<2000x1xf32>
    %add3A_19 = arith.constant 1.000000e+00 : f32
    %add3A_20 = vector.broadcast %add3A_19 : f32 to vector<2000x1xf32>
    %add3A_21 = arith.addf %get3A_18, %add3A_20 : vector<2000x1xf32>
    %get3A_22 = arith.constant 0 : index
    %get3A_23 = arith.constant 0 : index
    %get3A_24 = vector.load %arg5[%get3A_22, %get3A_23] : memref<1x128xf32, #tpu.memory_space<vmem>>, vector<1x128xf32>
    %mul3A = vector.broadcast %get3A_24 : vector<1x128xf32> to vector<2000x128xf32>
    %mul3A_25 = arith.mulf %get3A_1, %mul3A : vector<2000x128xf32>
    %reduce_sum3A = arith.constant dense<0.000000e+00> : vector<2000xf32>
    %reduce_sum3A_26 = vector.multi_reduction <add>, %mul3A_25, %reduce_sum3A [1] : vector<2000x128xf32> to vector<2000xf32>
    %broadcast_in_dim3A = vector.shape_cast %reduce_sum3A_26 : vector<2000xf32> to vector<2000x1xf32>
    %get3A_27 = arith.constant 0 : index
    %get3A_28 = memref.load %arg6[%get3A_27] : memref<1xf32, #tpu.memory_space<smem>>
    %add3A_29 = vector.broadcast %get3A_28 : f32 to vector<2000x1xf32>
    %add3A_30 = arith.addf %broadcast_in_dim3A, %add3A_29 : vector<2000x1xf32>
    %logistic3A = arith.negf %add3A_30 : vector<2000x1xf32>
    %logistic3A_31 = math.exp %logistic3A : vector<2000x1xf32>
    %logistic3A_32 = arith.constant 1.000000e+00 : f32
    %logistic3A_33 = vector.broadcast %logistic3A_32 : f32 to vector<2000x1xf32>
    %logistic3A_34 = arith.addf %logistic3A_33, %logistic3A_31 : vector<2000x1xf32>
    %logistic3A_35 = arith.divf %logistic3A_33, %logistic3A_34 : vector<2000x1xf32>
    %mul3A_36 = vector.broadcast %rsqrt3A : vector<2000x1xf32> to vector<2000x128xf32>
    %mul3A_37 = arith.mulf %mul3A_36, %add3A : vector<2000x128xf32>
    %mul3A_38 = vector.broadcast %div3A_15 : vector<2000x1xf32> to vector<2000x128xf32>
    %mul3A_39 = arith.mulf %mul3A_38, %get3A_1 : vector<2000x128xf32>
    %add3A_40 = arith.addf %mul3A_37, %mul3A_39 : vector<2000x128xf32>
    %mul3A_41 = arith.constant 2.000000e+00 : f32
    %mul3A_42 = vector.broadcast %mul3A_41 : f32 to vector<2000x1xf32>
    %mul3A_43 = arith.mulf %mul3A_42, %logistic3A_35 : vector<2000x1xf32>
    %sub3A = arith.constant 1.000000e+00 : f32
    %sub3A_44 = vector.broadcast %sub3A : f32 to vector<2000x1xf32>
    %sub3A_45 = arith.subf %mul3A_43, %sub3A_44 : vector<2000x1xf32>
    %mul3A_46 = vector.broadcast %sub3A_45 : vector<2000x1xf32> to vector<2000x128xf32>
    %mul3A_47 = arith.mulf %mul3A_46, %add3A_40 : vector<2000x128xf32>
    %sub3A_48 = arith.constant 1.000000e+00 : f32
    %sub3A_49 = vector.broadcast %sub3A_48 : f32 to vector<2000x1xf32>
    %sub3A_50 = arith.subf %sub3A_49, %logistic3A_35 : vector<2000x1xf32>
    %mul3A_51 = vector.broadcast %add3A_21 : vector<2000x1xf32> to vector<2000x128xf32>
    %mul3A_52 = arith.mulf %mul3A_51, %get3A_1 : vector<2000x128xf32>
    %mul3A_53 = vector.broadcast %sub3A_50 : vector<2000x1xf32> to vector<2000x128xf32>
    %mul3A_54 = arith.mulf %mul3A_53, %mul3A_52 : vector<2000x128xf32>
    %add3A_55 = arith.addf %mul3A_47, %mul3A_54 : vector<2000x128xf32>
    %get3A_56 = arith.constant 0 : index
    %get3A_57 = arith.constant 0 : index
    %get3A_58 = vector.load %arg7[%get3A_56, %get3A_57] : memref<64x128xf32, #tpu.memory_space<vmem>>, vector<64x128xf32>
    %dot_general3A = arith.constant dense<0.000000e+00> : vector<2000x64xf32>
    %dot_general3A_59 = tpu.matmul %add3A_55, %get3A_58, %dot_general3A {dimension_numbers = #tpu.dot_dimension_numbers<[1], [1], [0], [0], [0, 0, 1, 0], [], []>, transpose_lhs_hint = false} : vector<2000x128xf32>, vector<64x128xf32>, vector<2000x64xf32> -> vector<2000x64xf32>
    %get3A_60 = arith.constant 0 : index
    %get3A_61 = arith.constant 0 : index
    %get3A_62 = vector.load %arg8[%get3A_60, %get3A_61] : memref<1x64xf32, #tpu.memory_space<vmem>>, vector<1x64xf32>
    %add3A_63 = vector.broadcast %get3A_62 : vector<1x64xf32> to vector<2000x64xf32>
    %add3A_64 = arith.addf %dot_general3A_59, %add3A_63 : vector<2000x64xf32>
    %swap3A = arith.constant 0 : index
    %swap3A_65 = arith.constant 0 : index
    %swap3A_66 = vector.load %arg9[%swap3A, %swap3A_65] : memref<2000x64xf32, #tpu.memory_space<vmem>>, vector<2000x64xf32>
    tpu.vector_store %arg9[%swap3A, %swap3A_65], %add3A_64 {strides = array<i32>} : memref<2000x64xf32, #tpu.memory_space<vmem>>, vector<2000x64xf32>,
    %mul3A_67 = vector.broadcast %rsqrt3A : vector<2000x1xf32> to vector<2000x64xf32>
    %mul3A_68 = arith.mulf %mul3A_67, %add3A_64 : vector<2000x64xf32>
    %swap3A_69 = arith.constant 0 : index
    %swap3A_70 = arith.constant 0 : index
    %swap3A_71 = vector.load %arg10[%swap3A_69, %swap3A_70] : memref<2000x64xf32, #tpu.memory_space<vmem>>, vector<2000x64xf32>
    tpu.vector_store %arg10[%swap3A_69, %swap3A_70], %mul3A_68 {strides = array<i32>} : memref<2000x64xf32, #tpu.memory_space<vmem>>, vector<2000x64xf32>,
    return
  }
  func.func @transform_0(%arg0: i32) -> (i32, i32) {
    %c0_i32 = arith.constant 0 : i32
    %c0_i32_0 = arith.constant 0 : i32
    return %arg0, %c0_i32 : i32, i32
  }
  func.func @transform_1(%arg0: i32) -> (i32, i32, i32) {
    %c0_i32 = arith.constant 0 : i32
    %c0_i32_0 = arith.constant 0 : i32
    %c0_i32_1 = arith.constant 0 : i32
    return %c0_i32, %arg0, %c0_i32_0 : i32, i32, i32
  }
  func.func @transform_2(%arg0: i32) -> (i32, i32) {
    %c0_i32 = arith.constant 0 : i32
    %c0_i32_0 = arith.constant 0 : i32
    return %arg0, %c0_i32 : i32, i32
  }
  func.func @transform_3(%arg0: i32) -> (i32, i32) {
    %c0_i32 = arith.constant 0 : i32
    %c0_i32_0 = arith.constant 0 : i32
    return %arg0, %c0_i32 : i32, i32
  }
  func.func @transform_4(%arg0: i32) -> (i32, i32) {
    %c0_i32 = arith.constant 0 : i32
    %c0_i32_0 = arith.constant 0 : i32
    %c0_i32_1 = arith.constant 0 : i32
    return %c0_i32, %c0_i32_0 : i32, i32
  }
  func.func @transform_5(%arg0: i32) -> i32 {
    %c0_i32 = arith.constant 0 : i32
    %c0_i32_0 = arith.constant 0 : i32
    return %c0_i32 : i32
  }
  func.func @transform_6(%arg0: i32) -> (i32, i32) {
    %c0_i32 = arith.constant 0 : i32
    %c0_i32_0 = arith.constant 0 : i32
    %c0_i32_1 = arith.constant 0 : i32
    return %c0_i32, %c0_i32_0 : i32, i32
  }
  func.func @transform_7(%arg0: i32) -> (i32, i32) {
    %c0_i32 = arith.constant 0 : i32
    %c0_i32_0 = arith.constant 0 : i32
    %c0_i32_1 = arith.constant 0 : i32
    return %c0_i32, %c0_i32_0 : i32, i32
  }
  func.func @transform_8(%arg0: i32) -> (i32, i32) {
    %c0_i32 = arith.constant 0 : i32
    %c0_i32_0 = arith.constant 0 : i32
    return %arg0, %c0_i32 : i32, i32
  }
  func.func @transform_9(%arg0: i32) -> (i32, i32) {
    %c0_i32 = arith.constant 0 : i32
    %c0_i32_0 = arith.constant 0 : i32
    return %arg0, %c0_i32 : i32, i32
  }
}

</mosaic_0001>

<sc_bundles>
// kernel: kernel.11.cloned.1.call-start
scs
__scs_entry_jumppad:
0x0: {  	(pc) =	sbr.rel $0x88, $3  }
0x1: {  	(tag) =	ssettag $0x0;
	lr =	simm.s32 $0x1  }
0x2: {  	[smem:$0x3F97] =	sst lr;
	_ =	strace $0xD0000000  }
0x3: {  	_ = 	snop  }
0x4: {  	_ = 	snop  }
0x5: {  	_ = 	snop  }
0x6: {  	_ = 	snop  }
0x7: {  	_ = 	snop  }
__scs_overlays_trampoline_lowered:
0x8: {  	[smem:$0x3FA6] =	sst s0  }
0x9: {  	[smem:$0x3FA7] =	sst s1  }
0xa: {  	[smem:$0x3FA8] =	sst s2  }
0xb: {  	[smem:$0x3FA9] =	sst s3  }
0xc: {  	[smem:$0x3FAA] =	sst s4  }
0xd: {  	[smem:$0x3FAB] =	sst s5  }
0xe: {  	[smem:$0x3FAC] =	sst s6  }
0xf: {  	[smem:$0x3FAD] =	sst s7  }
0x10: {  	[smem:$0x3FAE] =	sst s8  }
0x11: {  	[smem:$0x3FAF] =	sst s9;
	s0 =	simm.s32 @!p0 $0x0  }
0x12: {  	s1 =	sld [smem:$0x3F95];
	s0 =	simm.s32 @p0 $0x1  }
0x13: {  	[smem:$0x3FB0] =	sst s0;
	s0 =	simm.s32 @!p1 $0x0  }
0x14: {  	s2 =	sld [smem:$0x3F94];
	s0 =	simm.s32 @p1 $0x1  }
0x15: {  	[smem:$0x3FB1] =	sst s0;
	s0 =	simm.s32 @!p2 $0x0  }
0x16: {  	s3 =	sld [smem:$0x3FDB];
	s0 =	simm.s32 @p2 $0x1  }
0x17: {  	s4 =	simm.s32 $0x1BF5;
	[smem:$0x3FB3] =	sst s0  }
0x18: {  	s0 =	sld [smem:$0x3F96];
	_ =	swait.ge [sflag:s4], $0x0  }
0x19: {  	s7 =	sld [smem:$0x3F97]  }
0x1a: {  	s8 =	sadd.s32 $0xFFFFE003, lr  }
0x1b: {  	s9 =	sadd.s32 $0xFFFFFEF7, lr;
	s5 =	simm.s32 $0xFFFFFFFF;
	p2 =	slt.u32 s8, $0xFFFFF086  }
0x1c: {  	p1 =	slt.u32 s9, $0xF7A;
	s5 =	simm.s32 @!p2 $0x0  }
0x1d: {  	s5 =	simm.s32 @p1 $0x1;
	p0 =	seq.s32 s7, s2  }
0x1e: {  	s7 =	smul.u32 @!p0 $0xF7A, s2;
	p2 =	seq.s32 @!p0 s5, $0x0  }
0x1f: {  	s9 =	smul.u32 $0xF7A, s1;
	s8 =	simm.s32 @!p0 $0x1BF5;
	p2 =	por !p2, p0  }
0x20: {  	[sflag:s8] =	ssyncset.s32 @!p0 $0xFFFFF086;
	s6 =	sadd.s32 @!p0 s3, s7;
	s7 =	simm.s32 @!p0 $0x108  }
0x21: {  	s3 =	sadd.s32 s3, s9;
	s6 =	sadd.s32 @!p0 $0x88, s6;
	s7 =	simm.s32 @p2 $0x1082  }
0x22: {  	[simem:s7], [sflag:s8] =	dma.local @!p0 [hbm:s6], $0xF7A  }
0x23: {  	s9 =	sor.u32 $0xD0000000, s2;
	s6 =	simm.s32 $0x108;
	_ =	swait.ge @!p0 [sflag:s8], $0x0  }
0x24: {  	s3 =	sadd.s32 $0x88, s3;
	s6 =	simm.s32 @!p1 $0x1082;
	[sflag:s4] =	ssyncset.s32 $0xFFFFF086  }
0x25: {  	[simem:s6], [sflag:s4] =	dma.local [hbm:s3], $0xF7A  }
0x26: {  	[smem:$0x3F97] =	sst s1;
	(tag) =	ssettag s2;
	_ =	strace s9  }
0x27: {  	s1 =	sld [smem:$0x3FA7]  }
0x28: {  	s2 =	sld [smem:$0x3FA8]  }
0x29: {  	s4 =	sld [smem:$0x3FAA]  }
0x2a: {  	p0 =	seq.s32 s5, $0x0;
	s5 =	sld [smem:$0x3FAB]  }
0x2b: {  	s6 =	sld [smem:$0x3FAC]  }
0x2c: {  	s7 =	sld [smem:$0x3FAD]  }
0x2d: {  	s3 =	simm.s32 $0x108;
	s8 =	sld [smem:$0x3FAE]  }
0x2e: {  	s3 =	simm.s32 @!p0 $0x1082;
	s9 =	sld [smem:$0x3FAF]  }
0x2f: {  	lr =	sadd.s32 s0, s3;
	s0 =	sld [smem:$0x3FA6]  }
0x30: {  	s3 =	sld [smem:$0x3FA9]  }
0x31: {  	[smem:$0x3FB2] =	sst s10  }
0x32: {  	s10 =	sld [smem:$0x3FB0];
	_ =	sdelay $0x3  }
0x33: {  	p0 =	seq.s32 s10, $0x1;
	s10 =	sld [smem:$0x3FB2];
	_ =	sdelay $0x3  }
0x34: {  	[smem:$0x3FB2] =	sst s10  }
0x35: {  	s10 =	sld [smem:$0x3FB1];
	_ =	sdelay $0x3  }
0x36: {  	p1 =	seq.s32 s10, $0x1;
	s10 =	sld [smem:$0x3FB2];
	_ =	sdelay $0x3  }
0x37: {  	[smem:$0x3FB2] =	sst s10  }
0x38: {  	s10 =	sld [smem:$0x3FB3]  }
0x39: {  	_ = 	snop;
	(pc) =	sbr.ind lr, $3  }
0x3a: {  	_ = 	snop  }
0x3b: {  	_ = 	snop  }
0x3c: {  	p2 =	seq.s32 s10, $0x1;
	s10 =	sld [smem:$0x3FB2]  }
0x3d: {  	_ =	shalt  }
0x3e: {  	_ =	shalt  }
0x3f: {  	_ =	shalt  }
0x40: {  	_ =	shalt  }
0x41: {  	_ =	shalt  }
0x42: {  	_ =	shalt  }
0x43: {  	_ =	shalt  }
0x44: {  	_ =	shalt  }
0x45: {  	_ =	shalt  }
0x46: {  	_ =	shalt  }
0x47: {  	_ =	shalt  }
0x48: {  	_ =	shalt  }
0x49: {  	_ =	shalt  }
0x4a: {  	_ =	shalt  }
0x4b: {  	_ =	shalt  }
0x4c: {  	_ =	shalt  }
0x4d: {  	_ =	shalt  }
0x4e: {  	_ =	shalt  }
0x4f: {  	_ =	shalt  }
0x50: {  	_ =	shalt  }
0x51: {  	_ =	shalt  }
0x52: {  	_ =	shalt  }
0x53: {  	_ =	shalt  }
0x54: {  	_ =	shalt  }
0x55: {  	_ =	shalt  }
0x56: {  	_ =	shalt  }
0x57: {  	_ =	shalt  }
0x58: {  	_ =	shalt  }
0x59: {  	_ =	shalt  }
0x5a: {  	_ =	shalt  }
0x5b: {  	_ =	shalt  }
0x5c: {  	_ =	shalt  }
0x5d: {  	_ =	shalt  }
0x5e: {  	_ =	shalt  }
0x5f: {  	_ =	shalt  }
0x60: {  	_ =	shalt  }
0x61: {  	_ =	shalt  }
0x62: {  	_ =	shalt  }
0x63: {  	_ =	shalt  }
0x64: {  	_ =	shalt  }
0x65: {  	_ =	shalt  }
0x66: {  	_ =	shalt  }
0x67: {  	_ =	shalt  }
0x68: {  	_ =	shalt  }
0x69: {  	_ =	shalt  }
0x6a: {  	_ =	shalt  }
0x6b: {  	_ =	shalt  }
0x6c: {  	_ =	shalt  }
0x6d: {  	_ =	shalt  }
0x6e: {  	_ =	shalt  }
0x6f: {  	_ =	shalt  }
0x70: {  	_ =	shalt  }
0x71: {  	_ =	shalt  }
0x72: {  	_ =	shalt  }
0x73: {  	_ =	shalt  }
0x74: {  	_ =	shalt  }
0x75: {  	_ =	shalt  }
0x76: {  	_ =	shalt  }
0x77: {  	_ =	shalt  }
0x78: {  	_ =	shalt  }
0x79: {  	_ =	shalt  }
0x7a: {  	_ =	shalt  }
0x7b: {  	_ =	shalt  }
0x7c: {  	_ =	shalt  }
0x7d: {  	_ =	shalt  }
0x7e: {  	_ =	shalt  }
0x7f: {  	_ =	shalt  }
0x80: {  	_ =	shalt  }
0x81: {  	_ =	shalt  }
0x82: {  	_ =	shalt  }
0x83: {  	_ =	shalt  }
0x84: {  	_ =	shalt  }
0x85: {  	_ =	shalt  }
0x86: {  	_ =	shalt  }
0x87: {  	_ =	shalt  }
.Lfunc_end0:
.L_simem_size_0:
called_computation.1_lowered:
.L_overlay_start_0:
0x88: {  	s2 =	sld [smem:$0x3FD9]  }
0x89: {  	s3 =	sld [smem:$0x3FFE];
	_ =	sdelay $0x1  }
0x8a: {  	s1 =	srdreg.scid  }
0x8b: {  	s0 =	sand.u32 $0x1, s1  }
0x8c: {  	s16 =	sshll.u32 s0, $0xA;
	s2 =	sadd.s32 s3, s2  }
0x8d: {  	s2 =	sadd.s32 s2, s16  }
0x8e: {  	[smem:$0x3FBE] =	sst s2  }
0x8f: {  	_ = 	snop  }
0x90: {  	(tm) =	ssettm $0x1  }
0x91: {  	s17 =	sld [smem:$0x3FFB];
	_ =	sdelay $0x3  }
0x92: {  	_ =	strace s17  }
0x93: {  	s2 =	sld [smem:$0x3FFC];
	_ =	sdelay $0x3  }
0x94: {  	_ =	strace s2  }
0x95: {  	s2 =	sld [smem:$0x3FFD];
	_ =	sdelay $0x3  }
0x96: {  	_ =	strace s2  }
0x97: {  	_ =	strace $0x8FFFFFFF  }
0x98: {  	s18 =	sld [smem:$0x3FDB];
	_ =	sdelay $0x1  }
0x99: {  	s19 =	simm.s32 $_scs_section_size  }
0x9a: {  	s4 =	simm.s32 $_size__tile_overlayer_lowered;
	s5 =	simm.s32 $_tile_overlayer_lowered  }
0x9b: {  	s22 =	simm.s32 $0x1BFF;
	s21 =	sshll.u32 s5, $0x1;
	s2 =	sadd.s32 s19, s18  }
0x9c: {  	s6 =	simm.s32 $0x0;
	s20 =	sshll.u32 s4, $0x1;
	s4 =	sadd.s32 s21, s2  }
0x9d: {  	[timem:s6], [sflag:s22] =	dma.local [hbm:s4], s20  }
0x9e: {  	_ =	swait.ge [sflag:s22], s20  }
0x9f: {  	s3 =	ssub.s32 $0x0, s20;
	[sflag:s22] =	ssyncset.done $0x0  }
0xa0: {  	[sflag:s22] =	ssyncadd.s32 s3;
	_ =	sdelay $0x1  }
0xa1: {  	s23 =	simm.s32 $0x1B8B  }
0xa2: {  	_ =	swait.ge [sflag:s23], $0x1  }
0xa3: {  	[sflag:s23] =	ssyncset.done $0x0  }
0xa4: {  	s25 =	simm.s32 $0x1B8E;
	s24 =	sld [smem:$0x3FFE];
	[sflag:s23] =	ssyncadd.s32 $0xFFFFFFFF  }
0xa5: {  	s26 =	simm.s32 $execute0_lowered;
	[smem:$0x3FD2] =	sst s25  }
0xa6: {  	s4 =	sshll.u32 s26, $0x1;
	_ =	strace $0x80000049;
	[dreg:$0x1] =	wrdreg $0xFFFFFFFF  }
0xa7: {  	s28 =	simm.s32 $_size_execute0_lowered;
	s2 =	sadd.s32 s2, s4;
	[dreg:$0x0] =	wrdreg $0x0  }
0xa8: {  	s4 =	sshll.u32 s28, $0x1;
	[dreg:$0x2] =	wrdreg s2  }
0xa9: {  	[dreg:$0x3] =	wrdreg s4  }
0xaa: {  	[dreg:$0x4] =	wrdreg $0xC0  }
0xab: {  	_ =	task [dreg:s6], $0x5FFFF  }
0xac: {  	[dreg:$0x1] =	wrdreg $0xFFFFFFFF  }
0xad: {  	[dreg:$0x0] =	wrdreg $0x60  }
0xae: {  	[dreg:$0x2] =	wrdreg s24  }
0xaf: {  	[dreg:$0x3] =	wrdreg $0xA0000  }
0xb0: {  	[dreg:$0x4] =	wrdreg $0x9  }
0xb1: {  	_ =	task.clear_ibuf [dreg:s6], $0x5FFFF;
	_ =	strace $0x90000049  }
0xb2: {  	s29 =	simm.s32 $0x9;
	_ =	strace $0x8000004B  }
0xb3: {  	_ =	swait.ge [sflag:s29], $0x1  }
0xb4: {  	[sflag:s29] =	ssyncadd.s32 $0xFFFFFFFF  }
0xb5: {  	_ =	strace $0x9000004B  }
0xb6: {  	_ =	sfence  }
0xb7: {  	s30 =	sld [smem:$0x0];
	_ =	sdelay $0x2  }
0xb8: {  	s31 =	sshll.u32 s1, $0xD;
	s1 =	sshrl.u32 s1, $0x2  }
0xb9: {  	s3 =	sand.u32 $0x4000, s31;
	s1 =	sadd.s32 s1, s30  }
0xba: {  	s0 =	sor.u32 s3, s0;
	s1 =	sshll.u32 s1, $0x11  }
0xbb: {  	s0 =	sor.u32 s1, s0  }
0xbc: {  	s0 =	sadd.s32 $0x8F2B, s0  }
0xbd: {  	[sflag:s0] =	ssyncadd.remote.s32 $0x1  }
0xbe: {  	_ =	sfence.sel $0xFFFF  }
0xbf: {  	[dreg:$0x0] =	wrdreg $0xFFFFFFFF;
	(pc) =	sbr.abs _section_cstart, $3  }
0xc0: {  	[dreg:$0x1] =	wrdreg $0xFFFFFFFF  }
0xc1: {  	_ =	task.clear_ibuf [dreg:s6], $0x2FFFF;
	_ =	strace $0x9FFFFFFF  }
0xc2: {  	(tm) =	ssettm $0x7FFFFFFF  }
0xc3: {  	_ =	shalt  }
tec
execute0_lowered:
.L_overlay_start_1:
0x0: {  	(tag) =	ssettag $0x1  }
0x1: {  	s0 =	rddreg [dreg:$0x0];
	s12 =	stileid.u32  }
0x2: {  	s1 =	rddreg [dreg:$0x1];
	s7 =	smul.u32 $0x14000, s12  }
0x3: {  	s2 =	srdreg.scid;
	s3 =	simm.s32 $0x0;
	s10 =	smul.u32 $0x50000, s12  }
0x4: {  	s2 =	sand.u32 $0x1, s2;
	[smem:$0x7FF] =	sst s3;
	s12 =	smul.u32 $0x140, s12  }
0x5: {  	s4 =	sadd.s32 $0x3600, s0;
	s5 =	sadd.s32 $0x17600, s0;
	s6 =	smul.u32 $0x140000, s2  }
0x6: {  	_ =	strace $0x8000004A;
	s11 =	ssub.s32 $0x2, s2;
	s13 =	sshll.u32 s2, $0x8  }
0x7: {  	s9 =	sshrl.u32 s11, $0x1;
	s14 =	sshrl.u32 s10, $0x2;
	s6 =	sadd.s32 s7, s6  }
0x8: {  	s11 =	ssub.s32 s11, s9;
	s9 =	sadd.s32 s13, s12;
	s8 =	sshrl.u32 s6, $0x3  }
0x9: {  	s6 =	sadd.s32 $0x2B600, s0;
	s24 =	sshll.u32 s9, $0x4;
	s29 =	smax.u32 s11, $0x1  }
0xa: {  	s0 =	sadd.s32 s8, s0;
	s25 =	sadd.s32 s4, s24;
	[dreg:$0x11] =	wrdreg s29  }
0xb: {  	s8 =	sadd.s32 s14, s1;
	s26 =	sadd.s32 s5, s24;
	[dreg:$0xc] =	wrdreg s25  }
0xc: {  	s15 =	sadd.s32 $0x2000, s8;
	[dreg:$0xd] =	wrdreg s26  }
0xd: {  	s16 =	sadd.s32 $0x4000, s8;
	[dreg:$0x3] =	wrdreg s15  }
0xe: {  	s17 =	sadd.s32 $0x6000, s8;
	[dreg:$0x4] =	wrdreg s16  }
0xf: {  	s18 =	sadd.s32 $0x8000, s8;
	[dreg:$0x5] =	wrdreg s17  }
0x10: {  	s19 =	sadd.s32 $0xA000, s8;
	[dreg:$0x6] =	wrdreg s18  }
0x11: {  	s20 =	sadd.s32 $0xC000, s8;
	[dreg:$0x7] =	wrdreg s19  }
0x12: {  	s30 =	simm.s32 $0x40;
	s21 =	sadd.s32 $0xE000, s8;
	[dreg:$0x8] =	wrdreg s20  }
0x13: {  	p0 =	seq.s32 s2, $0x0;
	s22 =	sadd.s32 $0x10000, s8;
	[dreg:$0x9] =	wrdreg s21  }
0x14: {  	s2 =	sor.u32 $0x100, s24;
	s23 =	sadd.s32 $0x12000, s8;
	[dreg:$0xa] =	wrdreg s22  }
0x15: {  	s31 =	simm.s32 $0x8;
	s28 =	sadd.s32 s4, s2;
	[dreg:$0xb] =	wrdreg s23  }
0x16: {  	s7 =	simm.s32 $0x100;
	s2 =	sadd.s32 s5, s2;
	[dreg:$0xe] =	wrdreg s28  }
0x17: {  	s7 =	simm.s32 @!p0 $0x40;
	s0 =	sadd.s32 $0x52800, s0;
	[dreg:$0xf] =	wrdreg s2  }
0x18: {  	v0 =	vimm.f32 $0.0e+00;
	s25 =	simm.s32 $0x2000;
	s26 =	simm.s32 $0xA;
	[dreg:$0x10] =	wrdreg s0  }
.LBB2_1:
0x19: {  	s0 =	simm.s32 $0x0;
	s2 =	simm.s32 $0x200  }
.LBB2_2:
0x1a: {  	p0 =	sne.s32 s2, $0x7E00;
	[tilespmem:s0+$0x2070] =	vst v0  }
0x1b: {  	[tilespmem:s0+$0x2000] =	vst v0  }
0x1c: {  	[tilespmem:s0+$0x2010] =	vst v0  }
.Ltmp0:
0x1d: {  	[tilespmem:s0+$0x2020] =	vst v0;
	(pc) =	sbr.rel @p0 .LBB2_2-.Ltmp0, $4  }
0x1e: {  	[tilespmem:s0+$0x2030] =	vst v0  }
0x1f: {  	[tilespmem:s0+$0x2040] =	vst v0  }
0x20: {  	[tilespmem:s0+$0x2050] =	vst v0  }
0x21: {  	[tilespmem:s0+$0x2060] =	vst v0;
	s0 =	sshra.s32 s2, $0x2;
	s2 =	sadd.s32 $0x200, s2  }
0x22: {  	[tilespmem:s0+$0x2070] =	vst v0  }
0x23: {  	[tilespmem:s0+$0x2000] =	vst v0  }
0x24: {  	[tilespmem:s0+$0x2010] =	vst v0  }
0x25: {  	[tilespmem:s0+$0x2020] =	vst v0  }
0x26: {  	[tilespmem:s0+$0x2030] =	vst v0  }
0x27: {  	[tilespmem:s0+$0x2040] =	vst v0  }
0x28: {  	[tilespmem:s0+$0x2050] =	vst v0  }
0x29: {  	[tilespmem:s0+$0x2060] =	vst v0  }
0x2a: {  	[spmem:s8] =	stream.linear.scatter [tilespmem:s25], [sflag:$0xA], $0x2000, $0x38;
	[tilespmem:$0x1E000] =	vst v63  }
0x2b: {  	_ =	swait.ge [sflag:s26], $0x2000  }
0x2c: {  	[sflag:s26] =	ssyncset.done $0x0  }
0x2d: {  	s10 =	rddreg [dreg:$0x3];
	[sflag:s26] =	ssyncadd.s32 $0xFFFFE000  }
0x2e: {  	[spmem:s10] =	stream.linear.scatter [tilespmem:s25], [sflag:$0xA], $0x2000, $0x38;
	[tilespmem:$0x1E000] =	vst v63  }
0x2f: {  	_ =	swait.ge [sflag:s26], $0x2000  }
0x30: {  	[sflag:s26] =	ssyncset.done $0x0  }
0x31: {  	s11 =	rddreg [dreg:$0x4];
	[sflag:s26] =	ssyncadd.s32 $0xFFFFE000  }
0x32: {  	[spmem:s11] =	stream.linear.scatter [tilespmem:s25], [sflag:$0xA], $0x2000, $0x38;
	[tilespmem:$0x1E000] =	vst v63  }
0x33: {  	_ =	swait.ge [sflag:s26], $0x2000  }
0x34: {  	[sflag:s26] =	ssyncset.done $0x0  }
0x35: {  	s12 =	rddreg [dreg:$0x5];
	[sflag:s26] =	ssyncadd.s32 $0xFFFFE000  }
0x36: {  	[spmem:s12] =	stream.linear.scatter [tilespmem:s25], [sflag:$0xA], $0x2000, $0x38;
	[tilespmem:$0x1E000] =	vst v63  }
0x37: {  	_ =	swait.ge [sflag:s26], $0x2000  }
0x38: {  	[sflag:s26] =	ssyncset.done $0x0  }
0x39: {  	s13 =	rddreg [dreg:$0x6];
	[sflag:s26] =	ssyncadd.s32 $0xFFFFE000  }
0x3a: {  	[spmem:s13] =	stream.linear.scatter [tilespmem:s25], [sflag:$0xA], $0x2000, $0x38;
	[tilespmem:$0x1E000] =	vst v63  }
0x3b: {  	_ =	swait.ge [sflag:s26], $0x2000  }
0x3c: {  	[sflag:s26] =	ssyncset.done $0x0  }
0x3d: {  	s14 =	rddreg [dreg:$0x7];
	[sflag:s26] =	ssyncadd.s32 $0xFFFFE000  }
0x3e: {  	[spmem:s14] =	stream.linear.scatter [tilespmem:s25], [sflag:$0xA], $0x2000, $0x38;
	[tilespmem:$0x1E000] =	vst v63  }
0x3f: {  	_ =	swait.ge [sflag:s26], $0x2000  }
0x40: {  	[sflag:s26] =	ssyncset.done $0x0  }
0x41: {  	s15 =	rddreg [dreg:$0x8];
	[sflag:s26] =	ssyncadd.s32 $0xFFFFE000  }
0x42: {  	[spmem:s15] =	stream.linear.scatter [tilespmem:s25], [sflag:$0xA], $0x2000, $0x38;
	[tilespmem:$0x1E000] =	vst v63  }
0x43: {  	_ =	swait.ge [sflag:s26], $0x2000  }
0x44: {  	[sflag:s26] =	ssyncset.done $0x0  }
0x45: {  	s16 =	rddreg [dreg:$0x9];
	[sflag:s26] =	ssyncadd.s32 $0xFFFFE000  }
0x46: {  	[spmem:s16] =	stream.linear.scatter [tilespmem:s25], [sflag:$0xA], $0x2000, $0x38;
	[tilespmem:$0x1E000] =	vst v63  }
0x47: {  	_ =	swait.ge [sflag:s26], $0x2000  }
0x48: {  	[sflag:s26] =	ssyncset.done $0x0  }
0x49: {  	s17 =	rddreg [dreg:$0xa];
	[sflag:s26] =	ssyncadd.s32 $0xFFFFE000  }
0x4a: {  	[spmem:s17] =	stream.linear.scatter [tilespmem:s25], [sflag:$0xA], $0x2000, $0x38;
	[tilespmem:$0x1E000] =	vst v63  }
0x4b: {  	_ =	swait.ge [sflag:s26], $0x2000  }
0x4c: {  	s19 =	simm.s32 $0x0;
	[sflag:s26] =	ssyncset.done $0x0  }
0x4d: {  	s23 =	simm.s32 $0x1800;
	s18 =	rddreg [dreg:$0xb];
	[sflag:s26] =	ssyncadd.s32 $0xFFFFE000  }
0x4e: {  	[spmem:s18] =	stream.linear.scatter [tilespmem:s25], [sflag:$0xA], $0x2000, $0x38;
	[tilespmem:$0x1E000] =	vst v63  }
0x4f: {  	s24 =	simm.s32 $0x80;
	p1 =	sle.u32 s7, $0x2;
	_ =	swait.ge [sflag:s26], $0x2000  }
0x50: {  	s28 =	simm.s32 $0x4000;
	s0 =	simm.s32 @!p1 $0x0;
	[sflag:s26] =	ssyncset.done $0x0  }
0x51: {  	p2 =	sne.s32 s7, $0x1;
	s0 =	sand.u32 @!p1 $0x800, s0;
	[sflag:s26] =	ssyncadd.s32 $0xFFFFE000  }
0x52: {  	s10 =	simm.s32 $0x800;
	s16 =	simm.s32 $0x0;
	[bflag:$0x0] =	sbarrier.arrive $0xFFFF  }
0x53: {  	s29 =	sand.u32 $0xFFFFE000, s16;
	s17 =	sand.u32 $0x3, s19;
	s2 =	rddreg [dreg:$0xc]  }
0x54: {  	[tilespmem:s19], [sflag:$0xA] =	stream.linear.gather [hbm4b:s2+s19], $0x800, $0x38;
	[tilespmem:$0x1E000] =	vst v63  }
0x55: {  	s15 =	sadd.s32 $0x1, s17;
	s18 =	simm.s32 $0x1000;
	s2 =	simm.s32 $0x2  }
0x56: {  	_ =	swait.ge [sflag:s26], $0x800;
	s11 =	sand.u32 $0xF, s2;
	s13 =	sand.u32 @!p1 $0x3, s2  }
0x57: {  	[sflag:s26] =	ssyncset.done $0x0;
	s20 =	rddreg [dreg:$0xd];
	p0 =	sne.s32 @!p1 s11, $0x0  }
0x58: {  	s12 =	sshll.u32 @!p1 s11, $0x7;
	[sflag:s26] =	ssyncadd.s32 $0xFFFFF800;
	p3 =	por !p0, p1  }
0x59: {  	[tilespmem:s18], [sflag:$0xA] =	stream.linear.gather [hbm4b:s20+s19], $0x800, $0x38;
	[tilespmem:$0x1E000] =	vst v63  }
0x5a: {  	s0 =	sor.u32 @!p1 s12, s0;
	s12 =	sshll.u32 @!p1 s13, $0xD;
	p4 =	sne.s32 @!p3 s11, $0x4  }
0x5b: {  	s11 =	simm.s32 @!p3 $0x1;
	s20 =	sshll.u32 s17, $0xD;
	_ =	swait.ge [sflag:s26], $0x800  }
0x5c: {  	s14 =	simm.s32 @!p3 $0x10;
	p5 =	por @!p1 p4, !p0;
	[sflag:s26] =	ssyncset.done $0x0  }
0x5d: {  	s21 =	rddreg [dreg:$0xe];
	p5 =	por p5, p1;
	[sflag:s26] =	ssyncadd.s32 $0xFFFFF800  }
0x5e: {  	[tilespmem:s10], [sflag:$0x9] =	stream.linear.gather [hbm4b:s21+s19], $0x800, $0x38;
	[tilespmem:$0x1E000] =	vst v63  }
0x5f: {  	s22 =	rddreg [dreg:$0xf];
	p5 =	sle.u32 @!p5 s7, $0x10;
	s10 =	simm.s32 $0x1  }
0x60: {  	[tilespmem:s23], [sflag:$0x9] =	stream.linear.gather [hbm4b:s22+s19], $0x800, $0x38;
	[tilespmem:$0x1E000] =	vst v63  }
0x61: {  	p3 =	por @!p3 p5, p4;
	p4 =	por p0, p0;
	s21 =	sadd.s32 @!p1 $0x2000, s12  }
0x62: {  	[tilespmem:s25], [sflag:$0x1] =	stream.indirect.gather [hbm4b:s6+s30], $0x80, s19, s30, $0xb8;
	[tilespmem:$0x1E000] =	vst v63  }
.Ltmp1:
0x63: {  	s12 =	simm.s32 $0x1000;
	s19 =	sand.u32 $0x2000, s16;
	(pc) =	sbr.rel @!p2 .LBB2_5-.Ltmp1, $4  }
0x64: {  	p6 =	por @!p1 p3, !p0;
	p0 =	por @!p1 $0x1, $0x1;
	s2 =	ssub.s32 s19, s29  }
0x65: {  	[tilespmem:s28], [sflag:$0x2] =	stream.indirect.gather [hbm4b:s6+s30], $0x80, s24, s30, $0xb8;
	[tilespmem:$0x1E000] =	vst v63  }
0x66: {  	s23 =	sadd.s32 @!p1 $0x1, s13;
	p5 =	por p0, p1;
	s22 =	sshra.s32 s2, $0x2  }
0x67: {  	s24 =	sadd.s32 $0x5, s17;
	s2 =	sadd.s32 $0x2000, s20;
	_ =	swait.ge [sflag:s15], $0x2000  }
.LBB2_4:
0x68: {  	s16 =	simm.s32 @!p5 $0x0;
	s28 =	smov.u32 s10;
	s10 =	sadd.s32 $0x1, s10  }
0x69: {  	s17 =	smov.u32 s23;
	p2 =	por p1, p1;
	[sflag:s15] =	ssyncset.done $0x0  }
0x6a: {  	s20 =	sadd.s32 @!p5 $0x5, s13;
	s16 =	simm.s32 @p5 $0x1;
	p0 =	sne.s32 s7, s10  }
0x6b: {  	[sflag:s15] =	ssyncadd.s32 $0xFFFFE000;
	s15 =	simm.s32 @!p2 $0x0;
	p5 =	por p6, p2  }
0x6c: {  	[smem:$0x7FA] =	sst s16;
	s16 =	smov.u32 s21;
	s19 =	simm.s32 @!p0 $0x0  }
0x6d: {  	s21 =	sadd.s32 $0x2, s28;
	s15 =	simm.s32 @p2 $0x1;
	s19 =	simm.s32 @p0 $0x1  }
0x6e: {  	p1 =	sge.u32 s21, s7;
	s23 =	sand.u32 $0xF, s21;
	[smem:$0x7FB] =	sst s15  }
0x6f: {  	s15 =	sadd.s32 s22, s18;
	s18 =	sshll.u32 @!p5 s11, $0xB;
	s11 =	sadd.s32 @!p5 s9, s14  }
0x70: {  	s22 =	simm.s32 @!p5 $0x0;
	[smem:$0x7FD] =	sst s19;
	p0 =	slt.u32 @!p1 s28, $0x2  }
0x71: {  	[spmem:s1] =	stream.indirect.scatter.add.f32 [tilespmem:s2], [sflag:s24], $0x80, s15, s30, $0xb8;
	[tilespmem:$0x1E000] =	vst v63  }
0x72: {  	s29 =	sshll.u32 @!p1 s23, $0x7;
	s14 =	sshll.u32 @!p5 s11, $0x4;
	s2 =	sand.u32 @!p5 $0x800, s18  }
0x73: {  	s19 =	simm.s32 @!p0 $0x0;
	s15 =	sadd.s32 @!p5 s4, s14;
	s18 =	sor.u32 @!p5 $0x1000, s2  }
0x74: {  	s19 =	simm.s32 @p0 $0x1;
	p0 =	por p4, p2;
	p4 =	sne.s32 @!p1 s23, $0x0  }
0x75: {  	[tilespmem:s2], [sflag:$0x9] =	stream.linear.gather @!p5 [hbm4b:s15+s22], $0x800, $0x38;
	[tilespmem:$0x1E000] =	vst v63  }
0x76: {  	s14 =	sadd.s32 @!p5 s5, s14;
	[smem:$0x7FC] =	sst s19;
	p6 =	por !p4, p1  }
0x77: {  	s19 =	simm.s32 @!p2 $0x40;
	p2 =	sne.s32 @!p6 s23, $0x4;
	s23 =	simm.s32 @!p0 $0x9  }
0x78: {  	[tilespmem:s18], [sflag:$0x9] =	stream.linear.gather @!p5 [hbm4b:s14+s22], $0x800, $0x38;
	[tilespmem:$0x1E000] =	vst v63  }
0x79: {  	_ =	swait.ge @!p0 [sflag:s23], $0x800  }
0x7a: {  	[sflag:s23] =	ssyncset.done @!p0 $0x0  }
0x7b: {  	[sflag:s23] =	ssyncadd.s32 @!p0 $0xFFFFF800  }
0x7c: {  	_ =	swait.ge @!p0 [sflag:s23], $0x800  }
0x7d: {  	[sflag:s23] =	ssyncset.done @!p0 $0x0  }
0x7e: {  	[sflag:s23] =	ssyncadd.s32 @!p0 $0xFFFFF800;
	s23 =	sld [smem:$0x7FA];
	_ =	sdelay $0x2  }
0x7f: {  	s13 =	sshrl.u32 s21, $0x4;
	s2 =	sshll.u32 s28, $0x9;
	p0 =	seq.s32 s23, $0x1  }
0x80: {  	s18 =	sand.u32 $0x2000, s2;
	s2 =	sand.u32 $0xFFFFE000, s2;
	_ =	swait.ge @!p0 [sflag:s20], $0x2000  }
0x81: {  	s24 =	sand.u32 $0x3, s28;
	s2 =	ssub.s32 s18, s2;
	s18 =	sld [smem:$0x7FB]  }
0x82: {  	s15 =	sadd.s32 $0x1, s24;
	s11 =	sadd.s32 @!p6 $0x1, s13  }
0x83: {  	s22 =	sshll.u32 @!p1 s13, $0xB;
	s13 =	sand.u32 @!p1 $0x3, s21;
	[sflag:s20] =	ssyncset.done @!p0 $0x0  }
0x84: {  	s21 =	sand.u32 @!p1 $0x800, s22;
	[sflag:s20] =	ssyncadd.s32 @!p0 $0xFFFFE000;
	p0 =	seq.s32 s18, $0x1  }
0x85: {  	[tilespmem:s16], [sflag:s17] =	stream.indirect.gather @!p0 [hbm4b:s6+s19], $0x80, s0, s19, $0xb8;
	[tilespmem:$0x1E000] =	vst v63  }
0x86: {  	s29 =	sor.u32 @!p1 s29, s21;
	s20 =	sld [smem:$0x7FC];
	_ =	swait.ge [sflag:s15], $0x2000  }
0x87: {  	s0 =	smov.u32 s29;
	s29 =	sld [smem:$0x7FD];
	_ =	sdelay $0x1  }
0x88: {  	s12 =	sadd.s32 $0x80, s12  }
0x89: {  	s28 =	sshll.u32 s24, $0xD;
	p3 =	por @!p1 p2, !p4;
	p0 =	seq.s32 s29, $0x1  }
.Ltmp2:
0x8a: {  	s14 =	sshll.u32 @!p6 s11, $0x4;
	p3 =	por p3, p1;
	(pc) =	sbr.rel @p0 .LBB2_4-.Ltmp2, $4  }
0x8b: {  	s22 =	sshra.s32 s2, $0x2;
	s2 =	sshll.u32 @!p1 s13, $0xD;
	p3 =	sge.u32 @!p3 s14, s7  }
0x8c: {  	s24 =	sadd.s32 $0x5, s24;
	s21 =	sadd.s32 @!p1 $0x2000, s2;
	p3 =	por @!p6 p3, p2  }
0x8d: {  	s2 =	sadd.s32 $0x2000, s28;
	p6 =	por @!p1 p3, !p4;
	p5 =	seq.s32 s20, $0x1  }
0x8e: {  	s23 =	sadd.s32 @!p1 $0x1, s13;
	s18 =	smov.u32 s12;
	p5 =	por p5, p1  }
.LBB2_5:
0x8f: {  	[sflag:s15] =	ssyncset.done $0x0;
	p0 =	por p1, p1  }
0x90: {  	s10 =	sadd.s32 s22, s18;
	[sflag:s15] =	ssyncadd.s32 $0xFFFFE000;
	p1 =	por p6, p0  }
0x91: {  	[spmem:s1] =	stream.indirect.scatter.add.f32 [tilespmem:s2], [sflag:s24], $0x80, s10, s30, $0xb8;
	[tilespmem:$0x1E000] =	vst v63  }
0x92: {  	s2 =	sadd.s32 @!p1 s9, s14  }
0x93: {  	s10 =	sshll.u32 @!p1 s11, $0xB;
	s2 =	sshll.u32 @!p1 s2, $0x4  }
0x94: {  	s11 =	simm.s32 @!p1 $0x0;
	s10 =	sand.u32 @!p1 $0x800, s10;
	s12 =	sadd.s32 @!p1 s4, s2  }
0x95: {  	[tilespmem:s10], [sflag:$0x9] =	stream.linear.gather @!p1 [hbm4b:s12+s11], $0x800, $0x38;
	[tilespmem:$0x1E000] =	vst v63  }
0x96: {  	s2 =	sadd.s32 @!p1 s5, s2;
	s10 =	sor.u32 @!p1 $0x1000, s10  }
0x97: {  	[tilespmem:s10], [sflag:$0x9] =	stream.linear.gather @!p1 [hbm4b:s2+s11], $0x800, $0x38;
	[tilespmem:$0x1E000] =	vst v63  }
0x98: {  	p1 =	por p4, p0  }
0x99: {  	s2 =	simm.s32 @!p1 $0x9  }
0x9a: {  	_ =	swait.ge @!p1 [sflag:s2], $0x800  }
0x9b: {  	[sflag:s2] =	ssyncset.done @!p1 $0x0  }
0x9c: {  	[sflag:s2] =	ssyncadd.s32 @!p1 $0xFFFFF800  }
0x9d: {  	_ =	swait.ge @!p1 [sflag:s2], $0x800  }
0x9e: {  	[sflag:s2] =	ssyncset.done @!p1 $0x0  }
0x9f: {  	[sflag:s2] =	ssyncadd.s32 @!p1 $0xFFFFF800;
	s2 =	sadd.s32 @!p5 $0x5, s13  }
0xa0: {  	_ =	swait.ge @!p5 [sflag:s2], $0x2000  }
0xa1: {  	[sflag:s2] =	ssyncset.done @!p5 $0x0  }
0xa2: {  	s20 =	simm.s32 $0x5;
	[sflag:s2] =	ssyncadd.s32 @!p5 $0xFFFFE000;
	s2 =	simm.s32 @!p0 $0x40  }
0xa3: {  	[tilespmem:s21], [sflag:s23] =	stream.indirect.gather @!p0 [hbm4b:s6+s2], $0x80, s0, s2, $0xb8;
	[tilespmem:$0x1E000] =	vst v63  }
0xa4: {  	_ =	swait.ge [sflag:s20], $0x2000  }
0xa5: {  	[sflag:s20] =	ssyncset.done $0x0  }
0xa6: {  	s21 =	simm.s32 $0x6;
	[sflag:s20] =	ssyncadd.s32 $0xFFFFE000  }
0xa7: {  	_ =	swait.ge [sflag:s21], $0x2000  }
0xa8: {  	[sflag:s21] =	ssyncset.done $0x0  }
0xa9: {  	s22 =	simm.s32 $0x7;
	[sflag:s21] =	ssyncadd.s32 $0xFFFFE000  }
0xaa: {  	_ =	swait.ge [sflag:s22], $0x2000  }
0xab: {  	[sflag:s22] =	ssyncset.done $0x0  }
0xac: {  	[sflag:s22] =	ssyncadd.s32 $0xFFFFE000  }
0xad: {  	_ =	swait.ge [sflag:s31], $0x2000  }
0xae: {  	[sflag:s31] =	ssyncset.done $0x0  }
0xaf: {  	s23 =	stileid.u32;
	[sflag:s31] =	ssyncadd.s32 $0xFFFFE000  }
0xb0: {  	s0 =	sshll.u32 s23, $0x6;
	[bflag:$0x0] =	sbarrier.arrive $0xFFFF  }
0xb1: {  	s24 =	sshrl.u32 s8, $0x3;
	s0 =	sor.u32 $0x1C0A, s0;
	s28 =	rddreg [dreg:$0x10]  }
0xb2: {  	[hbm:s28], [sflag:s0] =	dma.local [spmem:s24], $0x2800  }
0xb3: {  	_ =	swait.ge [sflag:s26], $0x2800  }
0xb4: {  	s3 =	sadd.s32 $0x1, s3;
	s29 =	rddreg [dreg:$0x11]  }
0xb5: {  	p0 =	sne.s32 s3, s29  }
.Ltmp3:
0xb6: {  	_ = 	snop;
	(pc) =	sbr.rel @p0 .LBB2_1-.Ltmp3, $3  }
0xb7: {  	_ =	sdelay $0x1  }
0xb8: {  	[sflag:s26] =	ssyncset.done $0x0  }
0xb9: {  	[sflag:s26] =	ssyncadd.s32 $0xFFFFD800  }
0xba: {  	_ =	sfence.sel $0x180000  }
0xbb: {  	[bflag:$0x0] =	sbarrier.arrive $0xFFFF  }
0xbc: {  	_ =	strace $0x9000004A  }
0xbd: {  	s0 =	stileid.u32;
	[bflag:$0x2] =	sbarrier.arrive $0xFFFF  }
0xbe: {  	p0 =	sne.s32 s0, $0x0;
	s0 =	rddreg [dreg:$0x2]  }
0xbf: {  	s0 =	sadd.s32 @!p0 $0x100000, s0  }
0xc0: {  	[sflag:s0] =	ssyncadd.tile.s32 @!p0 $0x1;
	_ =	shalt  }
.Lfunc_end2:
_tile_overlayer_lowered:
.L_overlay_start_2:
0xc1: {  	(tag) =	ssettag $0x2  }
0xc2: {  	s0 =	rddreg [dreg:$0x0];
	s2 =	stileid.u32  }
0xc3: {  	s1 =	rddreg [dreg:$0x1];
	p0 =	sne.s32 s2, $0x0  }
0xc4: {  	s3 =	rddreg [dreg:$0x2];
	[bflag:$0x3] =	sbarrier.arrive $0xFFFF;
	s2 =	simm.s32 @!p0 $0x1C0A  }
0xc5: {  	[timem:s3], [sflag:s2] =	dma.local @!p0 [hbm:s0], s1  }
0xc6: {  	s0 =	simm.s32 @!p0 $0xA  }
0xc7: {  	_ =	swait.ge @!p0 [sflag:s0], s1  }
0xc8: {  	s1 =	ssub.s32 @!p0 $0x0, s1;
	[sflag:s0] =	ssyncset.done @!p0 $0x0  }
0xc9: {  	[sflag:s0] =	ssyncadd.s32 @!p0 s1  }
0xca: {  	[bflag:$0x3] =	sbarrier.arrive $0xFFFF  }
0xcb: {  	_ =	shalt  }

// kernel: kernel.14.cloned.1.call-start
scs
__scs_entry_jumppad:
0x0: {  	(pc) =	sbr.rel $0x88, $3  }
0x1: {  	(tag) =	ssettag $0x0;
	lr =	simm.s32 $0x1  }
0x2: {  	[smem:$0x3F97] =	sst lr;
	_ =	strace $0xD0000000  }
0x3: {  	_ = 	snop  }
0x4: {  	_ = 	snop  }
0x5: {  	_ = 	snop  }
0x6: {  	_ = 	snop  }
0x7: {  	_ = 	snop  }
__scs_overlays_trampoline_lowered:
0x8: {  	[smem:$0x3FA6] =	sst s0  }
0x9: {  	[smem:$0x3FA7] =	sst s1  }
0xa: {  	[smem:$0x3FA8] =	sst s2  }
0xb: {  	[smem:$0x3FA9] =	sst s3  }
0xc: {  	[smem:$0x3FAA] =	sst s4  }
0xd: {  	[smem:$0x3FAB] =	sst s5  }
0xe: {  	[smem:$0x3FAC] =	sst s6  }
0xf: {  	[smem:$0x3FAD] =	sst s7  }
0x10: {  	[smem:$0x3FAE] =	sst s8  }
0x11: {  	[smem:$0x3FAF] =	sst s9;
	s0 =	simm.s32 @!p0 $0x0  }
0x12: {  	s1 =	sld [smem:$0x3F95];
	s0 =	simm.s32 @p0 $0x1  }
0x13: {  	[smem:$0x3FB0] =	sst s0;
	s0 =	simm.s32 @!p1 $0x0  }
0x14: {  	s2 =	sld [smem:$0x3F94];
	s0 =	simm.s32 @p1 $0x1  }
0x15: {  	[smem:$0x3FB1] =	sst s0;
	s0 =	simm.s32 @!p2 $0x0  }
0x16: {  	s3 =	sld [smem:$0x3FDB];
	s0 =	simm.s32 @p2 $0x1  }
0x17: {  	s4 =	simm.s32 $0x1BF5;
	[smem:$0x3FB3] =	sst s0  }
0x18: {  	s0 =	sld [smem:$0x3F96];
	_ =	swait.ge [sflag:s4], $0x0  }
0x19: {  	s7 =	sld [smem:$0x3F97]  }
0x1a: {  	s8 =	sadd.s32 $0xFFFFE003, lr  }
0x1b: {  	s9 =	sadd.s32 $0xFFFFFEF7, lr;
	s5 =	simm.s32 $0xFFFFFFFF;
	p2 =	slt.u32 s8, $0xFFFFF086  }
0x1c: {  	p1 =	slt.u32 s9, $0xF7A;
	s5 =	simm.s32 @!p2 $0x0  }
0x1d: {  	s5 =	simm.s32 @p1 $0x1;
	p0 =	seq.s32 s7, s2  }
0x1e: {  	s7 =	smul.u32 @!p0 $0xF7A, s2;
	p2 =	seq.s32 @!p0 s5, $0x0  }
0x1f: {  	s9 =	smul.u32 $0xF7A, s1;
	s8 =	simm.s32 @!p0 $0x1BF5;
	p2 =	por !p2, p0  }
0x20: {  	[sflag:s8] =	ssyncset.s32 @!p0 $0xFFFFF086;
	s6 =	sadd.s32 @!p0 s3, s7;
	s7 =	simm.s32 @!p0 $0x108  }
0x21: {  	s3 =	sadd.s32 s3, s9;
	s6 =	sadd.s32 @!p0 $0x88, s6;
	s7 =	simm.s32 @p2 $0x1082  }
0x22: {  	[simem:s7], [sflag:s8] =	dma.local @!p0 [hbm:s6], $0xF7A  }
0x23: {  	s9 =	sor.u32 $0xD0000000, s2;
	s6 =	simm.s32 $0x108;
	_ =	swait.ge @!p0 [sflag:s8], $0x0  }
0x24: {  	s3 =	sadd.s32 $0x88, s3;
	s6 =	simm.s32 @!p1 $0x1082;
	[sflag:s4] =	ssyncset.s32 $0xFFFFF086  }
0x25: {  	[simem:s6], [sflag:s4] =	dma.local [hbm:s3], $0xF7A  }
0x26: {  	[smem:$0x3F97] =	sst s1;
	(tag) =	ssettag s2;
	_ =	strace s9  }
0x27: {  	s1 =	sld [smem:$0x3FA7]  }
0x28: {  	s2 =	sld [smem:$0x3FA8]  }
0x29: {  	s4 =	sld [smem:$0x3FAA]  }
0x2a: {  	p0 =	seq.s32 s5, $0x0;
	s5 =	sld [smem:$0x3FAB]  }
0x2b: {  	s6 =	sld [smem:$0x3FAC]  }
0x2c: {  	s7 =	sld [smem:$0x3FAD]  }
0x2d: {  	s3 =	simm.s32 $0x108;
	s8 =	sld [smem:$0x3FAE]  }
0x2e: {  	s3 =	simm.s32 @!p0 $0x1082;
	s9 =	sld [smem:$0x3FAF]  }
0x2f: {  	lr =	sadd.s32 s0, s3;
	s0 =	sld [smem:$0x3FA6]  }
0x30: {  	s3 =	sld [smem:$0x3FA9]  }
0x31: {  	[smem:$0x3FB2] =	sst s10  }
0x32: {  	s10 =	sld [smem:$0x3FB0];
	_ =	sdelay $0x3  }
0x33: {  	p0 =	seq.s32 s10, $0x1;
	s10 =	sld [smem:$0x3FB2];
	_ =	sdelay $0x3  }
0x34: {  	[smem:$0x3FB2] =	sst s10  }
0x35: {  	s10 =	sld [smem:$0x3FB1];
	_ =	sdelay $0x3  }
0x36: {  	p1 =	seq.s32 s10, $0x1;
	s10 =	sld [smem:$0x3FB2];
	_ =	sdelay $0x3  }
0x37: {  	[smem:$0x3FB2] =	sst s10  }
0x38: {  	s10 =	sld [smem:$0x3FB3]  }
0x39: {  	_ = 	snop;
	(pc) =	sbr.ind lr, $3  }
0x3a: {  	_ = 	snop  }
0x3b: {  	_ = 	snop  }
0x3c: {  	p2 =	seq.s32 s10, $0x1;
	s10 =	sld [smem:$0x3FB2]  }
0x3d: {  	_ =	shalt  }
0x3e: {  	_ =	shalt  }
0x3f: {  	_ =	shalt  }
0x40: {  	_ =	shalt  }
0x41: {  	_ =	shalt  }
0x42: {  	_ =	shalt  }
0x43: {  	_ =	shalt  }
0x44: {  	_ =	shalt  }
0x45: {  	_ =	shalt  }
0x46: {  	_ =	shalt  }
0x47: {  	_ =	shalt  }
0x48: {  	_ =	shalt  }
0x49: {  	_ =	shalt  }
0x4a: {  	_ =	shalt  }
0x4b: {  	_ =	shalt  }
0x4c: {  	_ =	shalt  }
0x4d: {  	_ =	shalt  }
0x4e: {  	_ =	shalt  }
0x4f: {  	_ =	shalt  }
0x50: {  	_ =	shalt  }
0x51: {  	_ =	shalt  }
0x52: {  	_ =	shalt  }
0x53: {  	_ =	shalt  }
0x54: {  	_ =	shalt  }
0x55: {  	_ =	shalt  }
0x56: {  	_ =	shalt  }
0x57: {  	_ =	shalt  }
0x58: {  	_ =	shalt  }
0x59: {  	_ =	shalt  }
0x5a: {  	_ =	shalt  }
0x5b: {  	_ =	shalt  }
0x5c: {  	_ =	shalt  }
0x5d: {  	_ =	shalt  }
0x5e: {  	_ =	shalt  }
0x5f: {  	_ =	shalt  }
0x60: {  	_ =	shalt  }
0x61: {  	_ =	shalt  }
0x62: {  	_ =	shalt  }
0x63: {  	_ =	shalt  }
0x64: {  	_ =	shalt  }
0x65: {  	_ =	shalt  }
0x66: {  	_ =	shalt  }
0x67: {  	_ =	shalt  }
0x68: {  	_ =	shalt  }
0x69: {  	_ =	shalt  }
0x6a: {  	_ =	shalt  }
0x6b: {  	_ =	shalt  }
0x6c: {  	_ =	shalt  }
0x6d: {  	_ =	shalt  }
0x6e: {  	_ =	shalt  }
0x6f: {  	_ =	shalt  }
0x70: {  	_ =	shalt  }
0x71: {  	_ =	shalt  }
0x72: {  	_ =	shalt  }
0x73: {  	_ =	shalt  }
0x74: {  	_ =	shalt  }
0x75: {  	_ =	shalt  }
0x76: {  	_ =	shalt  }
0x77: {  	_ =	shalt  }
0x78: {  	_ =	shalt  }
0x79: {  	_ =	shalt  }
0x7a: {  	_ =	shalt  }
0x7b: {  	_ =	shalt  }
0x7c: {  	_ =	shalt  }
0x7d: {  	_ =	shalt  }
0x7e: {  	_ =	shalt  }
0x7f: {  	_ =	shalt  }
0x80: {  	_ =	shalt  }
0x81: {  	_ =	shalt  }
0x82: {  	_ =	shalt  }
0x83: {  	_ =	shalt  }
0x84: {  	_ =	shalt  }
0x85: {  	_ =	shalt  }
0x86: {  	_ =	shalt  }
0x87: {  	_ =	shalt  }
.Lfunc_end0:
.L_simem_size_0:
called_computation.2_lowered:
.L_overlay_start_0:
0x88: {  	s2 =	sld [smem:$0x3FD9]  }
0x89: {  	s3 =	sld [smem:$0x3FFE];
	_ =	sdelay $0x1  }
0x8a: {  	s1 =	srdreg.scid  }
0x8b: {  	s0 =	sand.u32 $0x1, s1  }
0x8c: {  	s16 =	sshll.u32 s0, $0xA;
	s2 =	sadd.s32 s3, s2  }
0x8d: {  	s2 =	sadd.s32 s2, s16  }
0x8e: {  	[smem:$0x3FBE] =	sst s2  }
0x8f: {  	_ = 	snop  }
0x90: {  	(tm) =	ssettm $0x1  }
0x91: {  	s17 =	sld [smem:$0x3FFB];
	_ =	sdelay $0x3  }
0x92: {  	_ =	strace s17  }
0x93: {  	s2 =	sld [smem:$0x3FFC];
	_ =	sdelay $0x3  }
0x94: {  	_ =	strace s2  }
0x95: {  	s2 =	sld [smem:$0x3FFD];
	_ =	sdelay $0x3  }
0x96: {  	_ =	strace s2  }
0x97: {  	_ =	strace $0x8FFFFFFF  }
0x98: {  	s18 =	sld [smem:$0x3FDB];
	_ =	sdelay $0x1  }
0x99: {  	s19 =	simm.s32 $_scs_section_size  }
0x9a: {  	s4 =	simm.s32 $_size__tile_overlayer_lowered;
	s5 =	simm.s32 $_tile_overlayer_lowered  }
0x9b: {  	s22 =	simm.s32 $0x1BFF;
	s21 =	sshll.u32 s5, $0x1;
	s2 =	sadd.s32 s19, s18  }
0x9c: {  	s6 =	simm.s32 $0x0;
	s20 =	sshll.u32 s4, $0x1;
	s4 =	sadd.s32 s21, s2  }
0x9d: {  	[timem:s6], [sflag:s22] =	dma.local [hbm:s4], s20  }
0x9e: {  	_ =	swait.ge [sflag:s22], s20  }
0x9f: {  	s3 =	ssub.s32 $0x0, s20;
	[sflag:s22] =	ssyncset.done $0x0  }
0xa0: {  	[sflag:s22] =	ssyncadd.s32 s3;
	_ =	sdelay $0x1  }
0xa1: {  	s23 =	simm.s32 $0x1B8B  }
0xa2: {  	_ =	swait.ge [sflag:s23], $0x1  }
0xa3: {  	[sflag:s23] =	ssyncset.done $0x0  }
0xa4: {  	s25 =	simm.s32 $0x1B8E;
	s24 =	sld [smem:$0x3FFE];
	[sflag:s23] =	ssyncadd.s32 $0xFFFFFFFF  }
0xa5: {  	s26 =	simm.s32 $execute0_lowered;
	[smem:$0x3FD2] =	sst s25  }
0xa6: {  	s4 =	sshll.u32 s26, $0x1;
	_ =	strace $0x8000004C;
	[dreg:$0x1] =	wrdreg $0xFFFFFFFF  }
0xa7: {  	s28 =	simm.s32 $_size_execute0_lowered;
	s2 =	sadd.s32 s2, s4;
	[dreg:$0x0] =	wrdreg $0x0  }
0xa8: {  	s4 =	sshll.u32 s28, $0x1;
	[dreg:$0x2] =	wrdreg s2  }
0xa9: {  	[dreg:$0x3] =	wrdreg s4  }
0xaa: {  	[dreg:$0x4] =	wrdreg $0xC0  }
0xab: {  	_ =	task [dreg:s6], $0x5FFFF  }
0xac: {  	[dreg:$0x1] =	wrdreg $0xFFFFFFFF  }
0xad: {  	[dreg:$0x0] =	wrdreg $0x60  }
0xae: {  	[dreg:$0x2] =	wrdreg s24  }
0xaf: {  	[dreg:$0x3] =	wrdreg $0xA0000  }
0xb0: {  	[dreg:$0x4] =	wrdreg $0x9  }
0xb1: {  	_ =	task.clear_ibuf [dreg:s6], $0x5FFFF;
	_ =	strace $0x9000004C  }
0xb2: {  	s29 =	simm.s32 $0x9;
	_ =	strace $0x8000004E  }
0xb3: {  	_ =	swait.ge [sflag:s29], $0x1  }
0xb4: {  	[sflag:s29] =	ssyncadd.s32 $0xFFFFFFFF  }
0xb5: {  	_ =	strace $0x9000004E  }
0xb6: {  	_ =	sfence  }
0xb7: {  	s30 =	sld [smem:$0x0];
	_ =	sdelay $0x2  }
0xb8: {  	s31 =	sshll.u32 s1, $0xD;
	s1 =	sshrl.u32 s1, $0x2  }
0xb9: {  	s3 =	sand.u32 $0x4000, s31;
	s1 =	sadd.s32 s1, s30  }
0xba: {  	s0 =	sor.u32 s3, s0;
	s1 =	sshll.u32 s1, $0x11  }
0xbb: {  	s0 =	sor.u32 s1, s0  }
0xbc: {  	s0 =	sadd.s32 $0x8F2B, s0  }
0xbd: {  	[sflag:s0] =	ssyncadd.remote.s32 $0x1  }
0xbe: {  	_ =	sfence.sel $0xFFFF  }
0xbf: {  	[dreg:$0x0] =	wrdreg $0xFFFFFFFF;
	(pc) =	sbr.abs _section_cstart, $3  }
0xc0: {  	[dreg:$0x1] =	wrdreg $0xFFFFFFFF  }
0xc1: {  	_ =	task.clear_ibuf [dreg:s6], $0x2FFFF;
	_ =	strace $0x9FFFFFFF  }
0xc2: {  	(tm) =	ssettm $0x7FFFFFFF  }
0xc3: {  	_ =	shalt  }
tec
execute0_lowered:
.L_overlay_start_1:
0x0: {  	(tag) =	ssettag $0x1  }
0x1: {  	s0 =	rddreg [dreg:$0x0];
	s12 =	stileid.u32  }
0x2: {  	s1 =	rddreg [dreg:$0x1];
	s7 =	smul.u32 $0x14000, s12  }
0x3: {  	s2 =	srdreg.scid;
	s3 =	simm.s32 $0x0;
	s10 =	smul.u32 $0x50000, s12  }
0x4: {  	s2 =	sand.u32 $0x1, s2;
	[smem:$0x7FF] =	sst s3;
	s12 =	smul.u32 $0x140, s12  }
0x5: {  	s4 =	sadd.s32 $0x3600, s0;
	s5 =	sadd.s32 $0x17600, s0;
	s6 =	smul.u32 $0x140000, s2  }
0x6: {  	_ =	strace $0x8000004D;
	s11 =	ssub.s32 $0x2, s2;
	s13 =	sshll.u32 s2, $0x8  }
0x7: {  	s9 =	sshrl.u32 s11, $0x1;
	s14 =	sshrl.u32 s10, $0x2;
	s6 =	sadd.s32 s7, s6  }
0x8: {  	s11 =	ssub.s32 s11, s9;
	s9 =	sadd.s32 s13, s12;
	s8 =	sshrl.u32 s6, $0x3  }
0x9: {  	s6 =	sadd.s32 $0x2B600, s0;
	s24 =	sshll.u32 s9, $0x4;
	s29 =	smax.u32 s11, $0x1  }
0xa: {  	s0 =	sadd.s32 s8, s0;
	s25 =	sadd.s32 s4, s24;
	[dreg:$0x11] =	wrdreg s29  }
0xb: {  	s8 =	sadd.s32 s14, s1;
	s26 =	sadd.s32 s5, s24;
	[dreg:$0xc] =	wrdreg s25  }
0xc: {  	s15 =	sadd.s32 $0x2000, s8;
	[dreg:$0xd] =	wrdreg s26  }
0xd: {  	s16 =	sadd.s32 $0x4000, s8;
	[dreg:$0x3] =	wrdreg s15  }
0xe: {  	s17 =	sadd.s32 $0x6000, s8;
	[dreg:$0x4] =	wrdreg s16  }
0xf: {  	s18 =	sadd.s32 $0x8000, s8;
	[dreg:$0x5] =	wrdreg s17  }
0x10: {  	s19 =	sadd.s32 $0xA000, s8;
	[dreg:$0x6] =	wrdreg s18  }
0x11: {  	s20 =	sadd.s32 $0xC000, s8;
	[dreg:$0x7] =	wrdreg s19  }
0x12: {  	s30 =	simm.s32 $0x40;
	s21 =	sadd.s32 $0xE000, s8;
	[dreg:$0x8] =	wrdreg s20  }
0x13: {  	p0 =	seq.s32 s2, $0x0;
	s22 =	sadd.s32 $0x10000, s8;
	[dreg:$0x9] =	wrdreg s21  }
0x14: {  	s2 =	sor.u32 $0x100, s24;
	s23 =	sadd.s32 $0x12000, s8;
	[dreg:$0xa] =	wrdreg s22  }
0x15: {  	s31 =	simm.s32 $0x8;
	s28 =	sadd.s32 s4, s2;
	[dreg:$0xb] =	wrdreg s23  }
0x16: {  	s7 =	simm.s32 $0x100;
	s2 =	sadd.s32 s5, s2;
	[dreg:$0xe] =	wrdreg s28  }
0x17: {  	s7 =	simm.s32 @!p0 $0x40;
	s0 =	sadd.s32 $0x52800, s0;
	[dreg:$0xf] =	wrdreg s2  }
0x18: {  	v0 =	vimm.f32 $0.0e+00;
	s25 =	simm.s32 $0x2000;
	s26 =	simm.s32 $0xA;
	[dreg:$0x10] =	wrdreg s0  }
.LBB2_1:
0x19: {  	s0 =	simm.s32 $0x0;
	s2 =	simm.s32 $0x200  }
.LBB2_2:
0x1a: {  	p0 =	sne.s32 s2, $0x7E00;
	[tilespmem:s0+$0x2070] =	vst v0  }
0x1b: {  	[tilespmem:s0+$0x2000] =	vst v0  }
0x1c: {  	[tilespmem:s0+$0x2010] =	vst v0  }
.Ltmp0:
0x1d: {  	[tilespmem:s0+$0x2020] =	vst v0;
	(pc) =	sbr.rel @p0 .LBB2_2-.Ltmp0, $4  }
0x1e: {  	[tilespmem:s0+$0x2030] =	vst v0  }
0x1f: {  	[tilespmem:s0+$0x2040] =	vst v0  }
0x20: {  	[tilespmem:s0+$0x2050] =	vst v0  }
0x21: {  	[tilespmem:s0+$0x2060] =	vst v0;
	s0 =	sshra.s32 s2, $0x2;
	s2 =	sadd.s32 $0x200, s2  }
0x22: {  	[tilespmem:s0+$0x2070] =	vst v0  }
0x23: {  	[tilespmem:s0+$0x2000] =	vst v0  }
0x24: {  	[tilespmem:s0+$0x2010] =	vst v0  }
0x25: {  	[tilespmem:s0+$0x2020] =	vst v0  }
0x26: {  	[tilespmem:s0+$0x2030] =	vst v0  }
0x27: {  	[tilespmem:s0+$0x2040] =	vst v0  }
0x28: {  	[tilespmem:s0+$0x2050] =	vst v0  }
0x29: {  	[tilespmem:s0+$0x2060] =	vst v0  }
0x2a: {  	[spmem:s8] =	stream.linear.scatter [tilespmem:s25], [sflag:$0xA], $0x2000, $0x38;
	[tilespmem:$0x1E000] =	vst v63  }
0x2b: {  	_ =	swait.ge [sflag:s26], $0x2000  }
0x2c: {  	[sflag:s26] =	ssyncset.done $0x0  }
0x2d: {  	s10 =	rddreg [dreg:$0x3];
	[sflag:s26] =	ssyncadd.s32 $0xFFFFE000  }
0x2e: {  	[spmem:s10] =	stream.linear.scatter [tilespmem:s25], [sflag:$0xA], $0x2000, $0x38;
	[tilespmem:$0x1E000] =	vst v63  }
0x2f: {  	_ =	swait.ge [sflag:s26], $0x2000  }
0x30: {  	[sflag:s26] =	ssyncset.done $0x0  }
0x31: {  	s11 =	rddreg [dreg:$0x4];
	[sflag:s26] =	ssyncadd.s32 $0xFFFFE000  }
0x32: {  	[spmem:s11] =	stream.linear.scatter [tilespmem:s25], [sflag:$0xA], $0x2000, $0x38;
	[tilespmem:$0x1E000] =	vst v63  }
0x33: {  	_ =	swait.ge [sflag:s26], $0x2000  }
0x34: {  	[sflag:s26] =	ssyncset.done $0x0  }
0x35: {  	s12 =	rddreg [dreg:$0x5];
	[sflag:s26] =	ssyncadd.s32 $0xFFFFE000  }
0x36: {  	[spmem:s12] =	stream.linear.scatter [tilespmem:s25], [sflag:$0xA], $0x2000, $0x38;
	[tilespmem:$0x1E000] =	vst v63  }
0x37: {  	_ =	swait.ge [sflag:s26], $0x2000  }
0x38: {  	[sflag:s26] =	ssyncset.done $0x0  }
0x39: {  	s13 =	rddreg [dreg:$0x6];
	[sflag:s26] =	ssyncadd.s32 $0xFFFFE000  }
0x3a: {  	[spmem:s13] =	stream.linear.scatter [tilespmem:s25], [sflag:$0xA], $0x2000, $0x38;
	[tilespmem:$0x1E000] =	vst v63  }
0x3b: {  	_ =	swait.ge [sflag:s26], $0x2000  }
0x3c: {  	[sflag:s26] =	ssyncset.done $0x0  }
0x3d: {  	s14 =	rddreg [dreg:$0x7];
	[sflag:s26] =	ssyncadd.s32 $0xFFFFE000  }
0x3e: {  	[spmem:s14] =	stream.linear.scatter [tilespmem:s25], [sflag:$0xA], $0x2000, $0x38;
	[tilespmem:$0x1E000] =	vst v63  }
0x3f: {  	_ =	swait.ge [sflag:s26], $0x2000  }
0x40: {  	[sflag:s26] =	ssyncset.done $0x0  }
0x41: {  	s15 =	rddreg [dreg:$0x8];
	[sflag:s26] =	ssyncadd.s32 $0xFFFFE000  }
0x42: {  	[spmem:s15] =	stream.linear.scatter [tilespmem:s25], [sflag:$0xA], $0x2000, $0x38;
	[tilespmem:$0x1E000] =	vst v63  }
0x43: {  	_ =	swait.ge [sflag:s26], $0x2000  }
0x44: {  	[sflag:s26] =	ssyncset.done $0x0  }
0x45: {  	s16 =	rddreg [dreg:$0x9];
	[sflag:s26] =	ssyncadd.s32 $0xFFFFE000  }
0x46: {  	[spmem:s16] =	stream.linear.scatter [tilespmem:s25], [sflag:$0xA], $0x2000, $0x38;
	[tilespmem:$0x1E000] =	vst v63  }
0x47: {  	_ =	swait.ge [sflag:s26], $0x2000  }
0x48: {  	[sflag:s26] =	ssyncset.done $0x0  }
0x49: {  	s17 =	rddreg [dreg:$0xa];
	[sflag:s26] =	ssyncadd.s32 $0xFFFFE000  }
0x4a: {  	[spmem:s17] =	stream.linear.scatter [tilespmem:s25], [sflag:$0xA], $0x2000, $0x38;
	[tilespmem:$0x1E000] =	vst v63  }
0x4b: {  	_ =	swait.ge [sflag:s26], $0x2000  }
0x4c: {  	s19 =	simm.s32 $0x0;
	[sflag:s26] =	ssyncset.done $0x0  }
0x4d: {  	s23 =	simm.s32 $0x1800;
	s18 =	rddreg [dreg:$0xb];
	[sflag:s26] =	ssyncadd.s32 $0xFFFFE000  }
0x4e: {  	[spmem:s18] =	stream.linear.scatter [tilespmem:s25], [sflag:$0xA], $0x2000, $0x38;
	[tilespmem:$0x1E000] =	vst v63  }
0x4f: {  	s24 =	simm.s32 $0x80;
	p1 =	sle.u32 s7, $0x2;
	_ =	swait.ge [sflag:s26], $0x2000  }
0x50: {  	s28 =	simm.s32 $0x4000;
	s0 =	simm.s32 @!p1 $0x0;
	[sflag:s26] =	ssyncset.done $0x0  }
0x51: {  	p2 =	sne.s32 s7, $0x1;
	s0 =	sand.u32 @!p1 $0x800, s0;
	[sflag:s26] =	ssyncadd.s32 $0xFFFFE000  }
0x52: {  	s10 =	simm.s32 $0x800;
	s16 =	simm.s32 $0x0;
	[bflag:$0x0] =	sbarrier.arrive $0xFFFF  }
0x53: {  	s29 =	sand.u32 $0xFFFFE000, s16;
	s17 =	sand.u32 $0x3, s19;
	s2 =	rddreg [dreg:$0xc]  }
0x54: {  	[tilespmem:s19], [sflag:$0xA] =	stream.linear.gather [hbm4b:s2+s19], $0x800, $0x38;
	[tilespmem:$0x1E000] =	vst v63  }
0x55: {  	s15 =	sadd.s32 $0x1, s17;
	s18 =	simm.s32 $0x1000;
	s2 =	simm.s32 $0x2  }
0x56: {  	_ =	swait.ge [sflag:s26], $0x800;
	s11 =	sand.u32 $0xF, s2;
	s13 =	sand.u32 @!p1 $0x3, s2  }
0x57: {  	[sflag:s26] =	ssyncset.done $0x0;
	s20 =	rddreg [dreg:$0xd];
	p0 =	sne.s32 @!p1 s11, $0x0  }
0x58: {  	s12 =	sshll.u32 @!p1 s11, $0x7;
	[sflag:s26] =	ssyncadd.s32 $0xFFFFF800;
	p3 =	por !p0, p1  }
0x59: {  	[tilespmem:s18], [sflag:$0xA] =	stream.linear.gather [hbm4b:s20+s19], $0x800, $0x38;
	[tilespmem:$0x1E000] =	vst v63  }
0x5a: {  	s0 =	sor.u32 @!p1 s12, s0;
	s12 =	sshll.u32 @!p1 s13, $0xD;
	p4 =	sne.s32 @!p3 s11, $0x4  }
0x5b: {  	s11 =	simm.s32 @!p3 $0x1;
	s20 =	sshll.u32 s17, $0xD;
	_ =	swait.ge [sflag:s26], $0x800  }
0x5c: {  	s14 =	simm.s32 @!p3 $0x10;
	p5 =	por @!p1 p4, !p0;
	[sflag:s26] =	ssyncset.done $0x0  }
0x5d: {  	s21 =	rddreg [dreg:$0xe];
	p5 =	por p5, p1;
	[sflag:s26] =	ssyncadd.s32 $0xFFFFF800  }
0x5e: {  	[tilespmem:s10], [sflag:$0x9] =	stream.linear.gather [hbm4b:s21+s19], $0x800, $0x38;
	[tilespmem:$0x1E000] =	vst v63  }
0x5f: {  	s22 =	rddreg [dreg:$0xf];
	p5 =	sle.u32 @!p5 s7, $0x10;
	s10 =	simm.s32 $0x1  }
0x60: {  	[tilespmem:s23], [sflag:$0x9] =	stream.linear.gather [hbm4b:s22+s19], $0x800, $0x38;
	[tilespmem:$0x1E000] =	vst v63  }
0x61: {  	p3 =	por @!p3 p5, p4;
	p4 =	por p0, p0;
	s21 =	sadd.s32 @!p1 $0x2000, s12  }
0x62: {  	[tilespmem:s25], [sflag:$0x1] =	stream.indirect.gather [hbm4b:s6+s30], $0x80, s19, s30, $0xb8;
	[tilespmem:$0x1E000] =	vst v63  }
.Ltmp1:
0x63: {  	s12 =	simm.s32 $0x1000;
	s19 =	sand.u32 $0x2000, s16;
	(pc) =	sbr.rel @!p2 .LBB2_5-.Ltmp1, $4  }
0x64: {  	p6 =	por @!p1 p3, !p0;
	p0 =	por @!p1 $0x1, $0x1;
	s2 =	ssub.s32 s19, s29  }
0x65: {  	[tilespmem:s28], [sflag:$0x2] =	stream.indirect.gather [hbm4b:s6+s30], $0x80, s24, s30, $0xb8;
	[tilespmem:$0x1E000] =	vst v63  }
0x66: {  	s23 =	sadd.s32 @!p1 $0x1, s13;
	p5 =	por p0, p1;
	s22 =	sshra.s32 s2, $0x2  }
0x67: {  	s24 =	sadd.s32 $0x5, s17;
	s2 =	sadd.s32 $0x2000, s20;
	_ =	swait.ge [sflag:s15], $0x2000  }
.LBB2_4:
0x68: {  	s16 =	simm.s32 @!p5 $0x0;
	s28 =	smov.u32 s10;
	s10 =	sadd.s32 $0x1, s10  }
0x69: {  	s17 =	smov.u32 s23;
	p2 =	por p1, p1;
	[sflag:s15] =	ssyncset.done $0x0  }
0x6a: {  	s20 =	sadd.s32 @!p5 $0x5, s13;
	s16 =	simm.s32 @p5 $0x1;
	p0 =	sne.s32 s7, s10  }
0x6b: {  	[sflag:s15] =	ssyncadd.s32 $0xFFFFE000;
	s15 =	simm.s32 @!p2 $0x0;
	p5 =	por p6, p2  }
0x6c: {  	[smem:$0x7FA] =	sst s16;
	s16 =	smov.u32 s21;
	s19 =	simm.s32 @!p0 $0x0  }
0x6d: {  	s21 =	sadd.s32 $0x2, s28;
	s15 =	simm.s32 @p2 $0x1;
	s19 =	simm.s32 @p0 $0x1  }
0x6e: {  	p1 =	sge.u32 s21, s7;
	s23 =	sand.u32 $0xF, s21;
	[smem:$0x7FB] =	sst s15  }
0x6f: {  	s15 =	sadd.s32 s22, s18;
	s18 =	sshll.u32 @!p5 s11, $0xB;
	s11 =	sadd.s32 @!p5 s9, s14  }
0x70: {  	s22 =	simm.s32 @!p5 $0x0;
	[smem:$0x7FD] =	sst s19;
	p0 =	slt.u32 @!p1 s28, $0x2  }
0x71: {  	[spmem:s1] =	stream.indirect.scatter.add.f32 [tilespmem:s2], [sflag:s24], $0x80, s15, s30, $0xb8;
	[tilespmem:$0x1E000] =	vst v63  }
0x72: {  	s29 =	sshll.u32 @!p1 s23, $0x7;
	s14 =	sshll.u32 @!p5 s11, $0x4;
	s2 =	sand.u32 @!p5 $0x800, s18  }
0x73: {  	s19 =	simm.s32 @!p0 $0x0;
	s15 =	sadd.s32 @!p5 s4, s14;
	s18 =	sor.u32 @!p5 $0x1000, s2  }
0x74: {  	s19 =	simm.s32 @p0 $0x1;
	p0 =	por p4, p2;
	p4 =	sne.s32 @!p1 s23, $0x0  }
0x75: {  	[tilespmem:s2], [sflag:$0x9] =	stream.linear.gather @!p5 [hbm4b:s15+s22], $0x800, $0x38;
	[tilespmem:$0x1E000] =	vst v63  }
0x76: {  	s14 =	sadd.s32 @!p5 s5, s14;
	[smem:$0x7FC] =	sst s19;
	p6 =	por !p4, p1  }
0x77: {  	s19 =	simm.s32 @!p2 $0x40;
	p2 =	sne.s32 @!p6 s23, $0x4;
	s23 =	simm.s32 @!p0 $0x9  }
0x78: {  	[tilespmem:s18], [sflag:$0x9] =	stream.linear.gather @!p5 [hbm4b:s14+s22], $0x800, $0x38;
	[tilespmem:$0x1E000] =	vst v63  }
0x79: {  	_ =	swait.ge @!p0 [sflag:s23], $0x800  }
0x7a: {  	[sflag:s23] =	ssyncset.done @!p0 $0x0  }
0x7b: {  	[sflag:s23] =	ssyncadd.s32 @!p0 $0xFFFFF800  }
0x7c: {  	_ =	swait.ge @!p0 [sflag:s23], $0x800  }
0x7d: {  	[sflag:s23] =	ssyncset.done @!p0 $0x0  }
0x7e: {  	[sflag:s23] =	ssyncadd.s32 @!p0 $0xFFFFF800;
	s23 =	sld [smem:$0x7FA];
	_ =	sdelay $0x2  }
0x7f: {  	s13 =	sshrl.u32 s21, $0x4;
	s2 =	sshll.u32 s28, $0x9;
	p0 =	seq.s32 s23, $0x1  }
0x80: {  	s18 =	sand.u32 $0x2000, s2;
	s2 =	sand.u32 $0xFFFFE000, s2;
	_ =	swait.ge @!p0 [sflag:s20], $0x2000  }
0x81: {  	s24 =	sand.u32 $0x3, s28;
	s2 =	ssub.s32 s18, s2;
	s18 =	sld [smem:$0x7FB]  }
0x82: {  	s15 =	sadd.s32 $0x1, s24;
	s11 =	sadd.s32 @!p6 $0x1, s13  }
0x83: {  	s22 =	sshll.u32 @!p1 s13, $0xB;
	s13 =	sand.u32 @!p1 $0x3, s21;
	[sflag:s20] =	ssyncset.done @!p0 $0x0  }
0x84: {  	s21 =	sand.u32 @!p1 $0x800, s22;
	[sflag:s20] =	ssyncadd.s32 @!p0 $0xFFFFE000;
	p0 =	seq.s32 s18, $0x1  }
0x85: {  	[tilespmem:s16], [sflag:s17] =	stream.indirect.gather @!p0 [hbm4b:s6+s19], $0x80, s0, s19, $0xb8;
	[tilespmem:$0x1E000] =	vst v63  }
0x86: {  	s29 =	sor.u32 @!p1 s29, s21;
	s20 =	sld [smem:$0x7FC];
	_ =	swait.ge [sflag:s15], $0x2000  }
0x87: {  	s0 =	smov.u32 s29;
	s29 =	sld [smem:$0x7FD];
	_ =	sdelay $0x1  }
0x88: {  	s12 =	sadd.s32 $0x80, s12  }
0x89: {  	s28 =	sshll.u32 s24, $0xD;
	p3 =	por @!p1 p2, !p4;
	p0 =	seq.s32 s29, $0x1  }
.Ltmp2:
0x8a: {  	s14 =	sshll.u32 @!p6 s11, $0x4;
	p3 =	por p3, p1;
	(pc) =	sbr.rel @p0 .LBB2_4-.Ltmp2, $4  }
0x8b: {  	s22 =	sshra.s32 s2, $0x2;
	s2 =	sshll.u32 @!p1 s13, $0xD;
	p3 =	sge.u32 @!p3 s14, s7  }
0x8c: {  	s24 =	sadd.s32 $0x5, s24;
	s21 =	sadd.s32 @!p1 $0x2000, s2;
	p3 =	por @!p6 p3, p2  }
0x8d: {  	s2 =	sadd.s32 $0x2000, s28;
	p6 =	por @!p1 p3, !p4;
	p5 =	seq.s32 s20, $0x1  }
0x8e: {  	s23 =	sadd.s32 @!p1 $0x1, s13;
	s18 =	smov.u32 s12;
	p5 =	por p5, p1  }
.LBB2_5:
0x8f: {  	[sflag:s15] =	ssyncset.done $0x0;
	p0 =	por p1, p1  }
0x90: {  	s10 =	sadd.s32 s22, s18;
	[sflag:s15] =	ssyncadd.s32 $0xFFFFE000;
	p1 =	por p6, p0  }
0x91: {  	[spmem:s1] =	stream.indirect.scatter.add.f32 [tilespmem:s2], [sflag:s24], $0x80, s10, s30, $0xb8;
	[tilespmem:$0x1E000] =	vst v63  }
0x92: {  	s2 =	sadd.s32 @!p1 s9, s14  }
0x93: {  	s10 =	sshll.u32 @!p1 s11, $0xB;
	s2 =	sshll.u32 @!p1 s2, $0x4  }
0x94: {  	s11 =	simm.s32 @!p1 $0x0;
	s10 =	sand.u32 @!p1 $0x800, s10;
	s12 =	sadd.s32 @!p1 s4, s2  }
0x95: {  	[tilespmem:s10], [sflag:$0x9] =	stream.linear.gather @!p1 [hbm4b:s12+s11], $0x800, $0x38;
	[tilespmem:$0x1E000] =	vst v63  }
0x96: {  	s2 =	sadd.s32 @!p1 s5, s2;
	s10 =	sor.u32 @!p1 $0x1000, s10  }
0x97: {  	[tilespmem:s10], [sflag:$0x9] =	stream.linear.gather @!p1 [hbm4b:s2+s11], $0x800, $0x38;
	[tilespmem:$0x1E000] =	vst v63  }
0x98: {  	p1 =	por p4, p0  }
0x99: {  	s2 =	simm.s32 @!p1 $0x9  }
0x9a: {  	_ =	swait.ge @!p1 [sflag:s2], $0x800  }
0x9b: {  	[sflag:s2] =	ssyncset.done @!p1 $0x0  }
0x9c: {  	[sflag:s2] =	ssyncadd.s32 @!p1 $0xFFFFF800  }
0x9d: {  	_ =	swait.ge @!p1 [sflag:s2], $0x800  }
0x9e: {  	[sflag:s2] =	ssyncset.done @!p1 $0x0  }
0x9f: {  	[sflag:s2] =	ssyncadd.s32 @!p1 $0xFFFFF800;
	s2 =	sadd.s32 @!p5 $0x5, s13  }
0xa0: {  	_ =	swait.ge @!p5 [sflag:s2], $0x2000  }
0xa1: {  	[sflag:s2] =	ssyncset.done @!p5 $0x0  }
0xa2: {  	s20 =	simm.s32 $0x5;
	[sflag:s2] =	ssyncadd.s32 @!p5 $0xFFFFE000;
	s2 =	simm.s32 @!p0 $0x40  }
0xa3: {  	[tilespmem:s21], [sflag:s23] =	stream.indirect.gather @!p0 [hbm4b:s6+s2], $0x80, s0, s2, $0xb8;
	[tilespmem:$0x1E000] =	vst v63  }
0xa4: {  	_ =	swait.ge [sflag:s20], $0x2000  }
0xa5: {  	[sflag:s20] =	ssyncset.done $0x0  }
0xa6: {  	s21 =	simm.s32 $0x6;
	[sflag:s20] =	ssyncadd.s32 $0xFFFFE000  }
0xa7: {  	_ =	swait.ge [sflag:s21], $0x2000  }
0xa8: {  	[sflag:s21] =	ssyncset.done $0x0  }
0xa9: {  	s22 =	simm.s32 $0x7;
	[sflag:s21] =	ssyncadd.s32 $0xFFFFE000  }
0xaa: {  	_ =	swait.ge [sflag:s22], $0x2000  }
0xab: {  	[sflag:s22] =	ssyncset.done $0x0  }
0xac: {  	[sflag:s22] =	ssyncadd.s32 $0xFFFFE000  }
0xad: {  	_ =	swait.ge [sflag:s31], $0x2000  }
0xae: {  	[sflag:s31] =	ssyncset.done $0x0  }
0xaf: {  	s23 =	stileid.u32;
	[sflag:s31] =	ssyncadd.s32 $0xFFFFE000  }
0xb0: {  	s0 =	sshll.u32 s23, $0x6;
	[bflag:$0x0] =	sbarrier.arrive $0xFFFF  }
0xb1: {  	s24 =	sshrl.u32 s8, $0x3;
	s0 =	sor.u32 $0x1C0A, s0;
	s28 =	rddreg [dreg:$0x10]  }
0xb2: {  	[hbm:s28], [sflag:s0] =	dma.local [spmem:s24], $0x2800  }
0xb3: {  	_ =	swait.ge [sflag:s26], $0x2800  }
0xb4: {  	s3 =	sadd.s32 $0x1, s3;
	s29 =	rddreg [dreg:$0x11]  }
0xb5: {  	p0 =	sne.s32 s3, s29  }
.Ltmp3:
0xb6: {  	_ = 	snop;
	(pc) =	sbr.rel @p0 .LBB2_1-.Ltmp3, $3  }
0xb7: {  	_ =	sdelay $0x1  }
0xb8: {  	[sflag:s26] =	ssyncset.done $0x0  }
0xb9: {  	[sflag:s26] =	ssyncadd.s32 $0xFFFFD800  }
0xba: {  	_ =	sfence.sel $0x180000  }
0xbb: {  	[bflag:$0x0] =	sbarrier.arrive $0xFFFF  }
0xbc: {  	_ =	strace $0x9000004D  }
0xbd: {  	s0 =	stileid.u32;
	[bflag:$0x2] =	sbarrier.arrive $0xFFFF  }
0xbe: {  	p0 =	sne.s32 s0, $0x0;
	s0 =	rddreg [dreg:$0x2]  }
0xbf: {  	s0 =	sadd.s32 @!p0 $0x100000, s0  }
0xc0: {  	[sflag:s0] =	ssyncadd.tile.s32 @!p0 $0x1;
	_ =	shalt  }
.Lfunc_end2:
_tile_overlayer_lowered:
.L_overlay_start_2:
0xc1: {  	(tag) =	ssettag $0x2  }
0xc2: {  	s0 =	rddreg [dreg:$0x0];
	s2 =	stileid.u32  }
0xc3: {  	s1 =	rddreg [dreg:$0x1];
	p0 =	sne.s32 s2, $0x0  }
0xc4: {  	s3 =	rddreg [dreg:$0x2];
	[bflag:$0x3] =	sbarrier.arrive $0xFFFF;
	s2 =	simm.s32 @!p0 $0x1C0A  }
0xc5: {  	[timem:s3], [sflag:s2] =	dma.local @!p0 [hbm:s0], s1  }
0xc6: {  	s0 =	simm.s32 @!p0 $0xA  }
0xc7: {  	_ =	swait.ge @!p0 [sflag:s0], s1  }
0xc8: {  	s1 =	ssub.s32 @!p0 $0x0, s1;
	[sflag:s0] =	ssyncset.done @!p0 $0x0  }
0xc9: {  	[sflag:s0] =	ssyncadd.s32 @!p0 s1  }
0xca: {  	[bflag:$0x3] =	sbarrier.arrive $0xFFFF  }
0xcb: {  	_ =	shalt  }

// kernel: kernel.8.cloned.1.call-start
scs
__scs_entry_jumppad:
0x0: {  	(pc) =	sbr.rel $0x88, $3  }
0x1: {  	(tag) =	ssettag $0x0;
	lr =	simm.s32 $0x1  }
0x2: {  	[smem:$0x3F97] =	sst lr;
	_ =	strace $0xD0000000  }
0x3: {  	_ = 	snop  }
0x4: {  	_ = 	snop  }
0x5: {  	_ = 	snop  }
0x6: {  	_ = 	snop  }
0x7: {  	_ = 	snop  }
__scs_overlays_trampoline_lowered:
0x8: {  	[smem:$0x3FA6] =	sst s0  }
0x9: {  	[smem:$0x3FA7] =	sst s1  }
0xa: {  	[smem:$0x3FA8] =	sst s2  }
0xb: {  	[smem:$0x3FA9] =	sst s3  }
0xc: {  	[smem:$0x3FAA] =	sst s4  }
0xd: {  	[smem:$0x3FAB] =	sst s5  }
0xe: {  	[smem:$0x3FAC] =	sst s6  }
0xf: {  	[smem:$0x3FAD] =	sst s7  }
0x10: {  	[smem:$0x3FAE] =	sst s8  }
0x11: {  	[smem:$0x3FAF] =	sst s9;
	s0 =	simm.s32 @!p0 $0x0  }
0x12: {  	s1 =	sld [smem:$0x3F95];
	s0 =	simm.s32 @p0 $0x1  }
0x13: {  	[smem:$0x3FB0] =	sst s0;
	s0 =	simm.s32 @!p1 $0x0  }
0x14: {  	s2 =	sld [smem:$0x3F94];
	s0 =	simm.s32 @p1 $0x1  }
0x15: {  	[smem:$0x3FB1] =	sst s0;
	s0 =	simm.s32 @!p2 $0x0  }
0x16: {  	s3 =	sld [smem:$0x3FDB];
	s0 =	simm.s32 @p2 $0x1  }
0x17: {  	s4 =	simm.s32 $0x1BF5;
	[smem:$0x3FB3] =	sst s0  }
0x18: {  	s0 =	sld [smem:$0x3F96];
	_ =	swait.ge [sflag:s4], $0x0  }
0x19: {  	s7 =	sld [smem:$0x3F97]  }
0x1a: {  	s8 =	sadd.s32 $0xFFFFE003, lr  }
0x1b: {  	s9 =	sadd.s32 $0xFFFFFEF7, lr;
	s5 =	simm.s32 $0xFFFFFFFF;
	p2 =	slt.u32 s8, $0xFFFFF086  }
0x1c: {  	p1 =	slt.u32 s9, $0xF7A;
	s5 =	simm.s32 @!p2 $0x0  }
0x1d: {  	s5 =	simm.s32 @p1 $0x1;
	p0 =	seq.s32 s7, s2  }
0x1e: {  	s7 =	smul.u32 @!p0 $0xF7A, s2;
	p2 =	seq.s32 @!p0 s5, $0x0  }
0x1f: {  	s9 =	smul.u32 $0xF7A, s1;
	s8 =	simm.s32 @!p0 $0x1BF5;
	p2 =	por !p2, p0  }
0x20: {  	[sflag:s8] =	ssyncset.s32 @!p0 $0xFFFFF086;
	s6 =	sadd.s32 @!p0 s3, s7;
	s7 =	simm.s32 @!p0 $0x108  }
0x21: {  	s3 =	sadd.s32 s3, s9;
	s6 =	sadd.s32 @!p0 $0x88, s6;
	s7 =	simm.s32 @p2 $0x1082  }
0x22: {  	[simem:s7], [sflag:s8] =	dma.local @!p0 [hbm:s6], $0xF7A  }
0x23: {  	s9 =	sor.u32 $0xD0000000, s2;
	s6 =	simm.s32 $0x108;
	_ =	swait.ge @!p0 [sflag:s8], $0x0  }
0x24: {  	s3 =	sadd.s32 $0x88, s3;
	s6 =	simm.s32 @!p1 $0x1082;
	[sflag:s4] =	ssyncset.s32 $0xFFFFF086  }
0x25: {  	[simem:s6], [sflag:s4] =	dma.local [hbm:s3], $0xF7A  }
0x26: {  	[smem:$0x3F97] =	sst s1;
	(tag) =	ssettag s2;
	_ =	strace s9  }
0x27: {  	s1 =	sld [smem:$0x3FA7]  }
0x28: {  	s2 =	sld [smem:$0x3FA8]  }
0x29: {  	s4 =	sld [smem:$0x3FAA]  }
0x2a: {  	p0 =	seq.s32 s5, $0x0;
	s5 =	sld [smem:$0x3FAB]  }
0x2b: {  	s6 =	sld [smem:$0x3FAC]  }
0x2c: {  	s7 =	sld [smem:$0x3FAD]  }
0x2d: {  	s3 =	simm.s32 $0x108;
	s8 =	sld [smem:$0x3FAE]  }
0x2e: {  	s3 =	simm.s32 @!p0 $0x1082;
	s9 =	sld [smem:$0x3FAF]  }
0x2f: {  	lr =	sadd.s32 s0, s3;
	s0 =	sld [smem:$0x3FA6]  }
0x30: {  	s3 =	sld [smem:$0x3FA9]  }
0x31: {  	[smem:$0x3FB2] =	sst s10  }
0x32: {  	s10 =	sld [smem:$0x3FB0];
	_ =	sdelay $0x3  }
0x33: {  	p0 =	seq.s32 s10, $0x1;
	s10 =	sld [smem:$0x3FB2];
	_ =	sdelay $0x3  }
0x34: {  	[smem:$0x3FB2] =	sst s10  }
0x35: {  	s10 =	sld [smem:$0x3FB1];
	_ =	sdelay $0x3  }
0x36: {  	p1 =	seq.s32 s10, $0x1;
	s10 =	sld [smem:$0x3FB2];
	_ =	sdelay $0x3  }
0x37: {  	[smem:$0x3FB2] =	sst s10  }
0x38: {  	s10 =	sld [smem:$0x3FB3]  }
0x39: {  	_ = 	snop;
	(pc) =	sbr.ind lr, $3  }
0x3a: {  	_ = 	snop  }
0x3b: {  	_ = 	snop  }
0x3c: {  	p2 =	seq.s32 s10, $0x1;
	s10 =	sld [smem:$0x3FB2]  }
0x3d: {  	_ =	shalt  }
0x3e: {  	_ =	shalt  }
0x3f: {  	_ =	shalt  }
0x40: {  	_ =	shalt  }
0x41: {  	_ =	shalt  }
0x42: {  	_ =	shalt  }
0x43: {  	_ =	shalt  }
0x44: {  	_ =	shalt  }
0x45: {  	_ =	shalt  }
0x46: {  	_ =	shalt  }
0x47: {  	_ =	shalt  }
0x48: {  	_ =	shalt  }
0x49: {  	_ =	shalt  }
0x4a: {  	_ =	shalt  }
0x4b: {  	_ =	shalt  }
0x4c: {  	_ =	shalt  }
0x4d: {  	_ =	shalt  }
0x4e: {  	_ =	shalt  }
0x4f: {  	_ =	shalt  }
0x50: {  	_ =	shalt  }
0x51: {  	_ =	shalt  }
0x52: {  	_ =	shalt  }
0x53: {  	_ =	shalt  }
0x54: {  	_ =	shalt  }
0x55: {  	_ =	shalt  }
0x56: {  	_ =	shalt  }
0x57: {  	_ =	shalt  }
0x58: {  	_ =	shalt  }
0x59: {  	_ =	shalt  }
0x5a: {  	_ =	shalt  }
0x5b: {  	_ =	shalt  }
0x5c: {  	_ =	shalt  }
0x5d: {  	_ =	shalt  }
0x5e: {  	_ =	shalt  }
0x5f: {  	_ =	shalt  }
0x60: {  	_ =	shalt  }
0x61: {  	_ =	shalt  }
0x62: {  	_ =	shalt  }
0x63: {  	_ =	shalt  }
0x64: {  	_ =	shalt  }
0x65: {  	_ =	shalt  }
0x66: {  	_ =	shalt  }
0x67: {  	_ =	shalt  }
0x68: {  	_ =	shalt  }
0x69: {  	_ =	shalt  }
0x6a: {  	_ =	shalt  }
0x6b: {  	_ =	shalt  }
0x6c: {  	_ =	shalt  }
0x6d: {  	_ =	shalt  }
0x6e: {  	_ =	shalt  }
0x6f: {  	_ =	shalt  }
0x70: {  	_ =	shalt  }
0x71: {  	_ =	shalt  }
0x72: {  	_ =	shalt  }
0x73: {  	_ =	shalt  }
0x74: {  	_ =	shalt  }
0x75: {  	_ =	shalt  }
0x76: {  	_ =	shalt  }
0x77: {  	_ =	shalt  }
0x78: {  	_ =	shalt  }
0x79: {  	_ =	shalt  }
0x7a: {  	_ =	shalt  }
0x7b: {  	_ =	shalt  }
0x7c: {  	_ =	shalt  }
0x7d: {  	_ =	shalt  }
0x7e: {  	_ =	shalt  }
0x7f: {  	_ =	shalt  }
0x80: {  	_ =	shalt  }
0x81: {  	_ =	shalt  }
0x82: {  	_ =	shalt  }
0x83: {  	_ =	shalt  }
0x84: {  	_ =	shalt  }
0x85: {  	_ =	shalt  }
0x86: {  	_ =	shalt  }
0x87: {  	_ =	shalt  }
.Lfunc_end0:
.L_simem_size_0:
called_computation_lowered:
.L_overlay_start_0:
0x88: {  	s2 =	sld [smem:$0x3FD9]  }
0x89: {  	s3 =	sld [smem:$0x3FFE];
	_ =	sdelay $0x1  }
0x8a: {  	s1 =	srdreg.scid  }
0x8b: {  	s0 =	sand.u32 $0x1, s1  }
0x8c: {  	s17 =	sshll.u32 s0, $0xA;
	s2 =	sadd.s32 s3, s2  }
0x8d: {  	s2 =	sadd.s32 s2, s17  }
0x8e: {  	[smem:$0x3FBE] =	sst s2  }
0x8f: {  	_ = 	snop  }
0x90: {  	s2 =	sld [smem:$0x3FD0];
	(tm) =	ssettm $0x1  }
0x91: {  	s18 =	sld [smem:$0x3FFB];
	_ =	sdelay $0x3  }
0x92: {  	_ =	strace s18  }
0x93: {  	s3 =	sld [smem:$0x3FFC];
	_ =	sdelay $0x3  }
0x94: {  	_ =	strace s3  }
0x95: {  	s3 =	sld [smem:$0x3FFD];
	_ =	sdelay $0x3  }
0x96: {  	_ =	strace s3  }
0x97: {  	_ =	strace $0x8FFFFFFF  }
0x98: {  	s19 =	sld [smem:$0x3FDB];
	_ =	sdelay $0x1  }
0x99: {  	s4 =	simm.s32 $_scs_section_size  }
0x9a: {  	s5 =	simm.s32 $_size__tile_overlayer_lowered;
	s6 =	simm.s32 $_tile_overlayer_lowered  }
0x9b: {  	s22 =	simm.s32 $0x1BFF;
	s21 =	sshll.u32 s6, $0x1;
	s3 =	sadd.s32 s4, s19  }
0x9c: {  	s7 =	simm.s32 $0x0;
	s20 =	sshll.u32 s5, $0x1;
	s5 =	sadd.s32 s21, s3  }
0x9d: {  	[timem:s7], [sflag:s22] =	dma.local [hbm:s5], s20  }
0x9e: {  	_ =	swait.ge [sflag:s22], s20  }
0x9f: {  	s4 =	ssub.s32 $0x0, s20;
	[sflag:s22] =	ssyncset.done $0x0  }
0xa0: {  	[sflag:s22] =	ssyncadd.s32 s4;
	_ =	sdelay $0x1  }
0xa1: {  	s23 =	simm.s32 $0x1B8B  }
0xa2: {  	_ =	swait.ge [sflag:s23], $0x1  }
0xa3: {  	[sflag:s23] =	ssyncset.done $0x0  }
0xa4: {  	s25 =	simm.s32 $0x1B8E;
	s24 =	sld [smem:$0x3FFE];
	[sflag:s23] =	ssyncadd.s32 $0xFFFFFFFF  }
0xa5: {  	s26 =	simm.s32 $execute0_lowered;
	[smem:$0x3FD2] =	sst s25  }
0xa6: {  	s5 =	sshll.u32 s26, $0x1;
	_ =	strace $0x80000046;
	[dreg:$0x1] =	wrdreg $0xFFFFFFFF  }
0xa7: {  	s28 =	simm.s32 $_size_execute0_lowered;
	s3 =	sadd.s32 s3, s5;
	[dreg:$0x0] =	wrdreg $0x0  }
0xa8: {  	s5 =	sshll.u32 s28, $0x1;
	[dreg:$0x2] =	wrdreg s3  }
0xa9: {  	[dreg:$0x3] =	wrdreg s5  }
0xaa: {  	[dreg:$0x4] =	wrdreg $0xC0  }
0xab: {  	_ =	task [dreg:s7], $0x5FFFF  }
0xac: {  	[dreg:$0x1] =	wrdreg $0xFFFFFFFF  }
0xad: {  	[dreg:$0x0] =	wrdreg $0x60  }
0xae: {  	[dreg:$0x2] =	wrdreg s2  }
0xaf: {  	[dreg:$0x3] =	wrdreg s24  }
0xb0: {  	[dreg:$0x4] =	wrdreg $0x2D800  }
0xb1: {  	[dreg:$0x5] =	wrdreg $0x9  }
0xb2: {  	_ =	task.clear_ibuf [dreg:s7], $0x6FFFF;
	_ =	strace $0x90000046  }
0xb3: {  	s29 =	simm.s32 $0x9;
	_ =	strace $0x80000048  }
0xb4: {  	_ =	swait.ge [sflag:s29], $0x1  }
0xb5: {  	[sflag:s29] =	ssyncadd.s32 $0xFFFFFFFF  }
0xb6: {  	_ =	strace $0x90000048  }
0xb7: {  	_ =	sfence  }
0xb8: {  	s30 =	sld [smem:$0x0];
	_ =	sdelay $0x2  }
0xb9: {  	s31 =	sshll.u32 s1, $0xD;
	s1 =	sshrl.u32 s1, $0x2  }
0xba: {  	s3 =	sand.u32 $0x4000, s31;
	s1 =	sadd.s32 s1, s30  }
0xbb: {  	s0 =	sor.u32 s3, s0;
	s1 =	sshll.u32 s1, $0x11  }
0xbc: {  	s0 =	sor.u32 s1, s0  }
0xbd: {  	s0 =	sadd.s32 $0x8F2B, s0  }
0xbe: {  	[sflag:s0] =	ssyncadd.remote.s32 $0x1  }
0xbf: {  	_ =	sfence.sel $0xFFFF  }
0xc0: {  	[dreg:$0x0] =	wrdreg $0xFFFFFFFF;
	(pc) =	sbr.abs _section_cstart, $3  }
0xc1: {  	[dreg:$0x1] =	wrdreg $0xFFFFFFFF  }
0xc2: {  	_ =	task.clear_ibuf [dreg:s7], $0x2FFFF;
	_ =	strace $0x9FFFFFFF  }
0xc3: {  	(tm) =	ssettm $0x7FFFFFFF  }
tec
execute0_lowered:
.L_overlay_start_1:
0x0: {  	(tag) =	ssettag $0x1  }
0x1: {  	s5 =	rddreg [dreg:$0x0]  }
0x2: {  	s4 =	rddreg [dreg:$0x1];
	s1 =	srdreg.scid  }
0x3: {  	s0 =	stileid.u32;
	s2 =	rddreg [dreg:$0x2];
	s3 =	simm.s32 $0x0  }
0x4: {  	s11 =	simm.s32 $0x2800;
	s12 =	simm.s32 $0x100;
	s13 =	simm.s32 $0x180  }
0x5: {  	s14 =	simm.s32 $0x1;
	s6 =	sand.u32 $0x1, s1;
	s1 =	rddreg [dreg:$0x3]  }
0x6: {  	s17 =	simm.s32 $0x0;
	s7 =	smul.u32 $0x500, s0;
	[smem:$0x7FF] =	sst s3  }
0x7: {  	s15 =	sshll.u32 s0, $0x6;
	s8 =	smul.u32 $0x5000, s6;
	s9 =	sshll.u32 s6, $0x4  }
0x8: {  	s6 =	ssub.s32 $0x2, s6;
	_ =	strace $0x80000047;
	s9 =	sor.u32 s0, s9  }
0x9: {  	s10 =	sshrl.u32 s6, $0x1;
	s8 =	sadd.s32 s7, s8;
	s9 =	smul.u32 $0x500, s9  }
0xa: {  	s15 =	sor.u32 $0x1C02, s15;
	s10 =	ssub.s32 s6, s10;
	s8 =	sshrl.u32 s8, $0x3  }
0xb: {  	s8 =	sadd.s32 s8, s4;
	s4 =	sadd.s32 s7, s2;
	s5 =	sadd.s32 s5, s9  }
0xc: {  	s7 =	smax.u32 s10, $0x1;
	s9 =	simm.s32 $0x2;
	s10 =	simm.s32 $0x80  }
0xd: {  	v0 =	vimm.f32 $0.0e+00;
	v1 =	vimm.f32 $1.000000000e+00;
	s6 =	sadd.s32 $0x2200, s8;
	s8 =	simm.s32 $0x2880;
	s16 =	sshrl.u32 s4, $0x3  }
.LBB2_1:
0xe: {  	s18 =	simm.s32 $0x40;
	s19 =	simm.s32 $0x0  }
.LBB2_2:
0xf: {  	p0 =	sne.s32 s18, $0x13C0;
	[tilespmem:s19+$0x2880] =	vst v0;
	s19 =	smov.u32 s18;
	s18 =	sadd.s32 $0x40, s18  }
.Ltmp0:
0x10: {  	(pc) =	sbr.rel @p0 .LBB2_2-.Ltmp0, $2  }
0x11: {  	_ =	sdelay $0x2  }
0x12: {  	s19 =	sshra.s32 s19, $0x2  }
0x13: {  	[tilespmem:s19+$0x2880] =	vst v0  }
0x14: {  	[spmem:s4] =	stream.linear.scatter [tilespmem:s8], [sflag:$0x2], $0x500, $0x38;
	[tilespmem:$0x3280] =	vst v63  }
0x15: {  	_ =	swait.ge [sflag:s9], $0x500  }
0x16: {  	[sflag:s9] =	ssyncset.done $0x0  }
0x17: {  	[sflag:s9] =	ssyncadd.s32 $0xFFFFFB00  }
0x18: {  	[tilespmem:$0x2800] =	vst v1  }
0x19: {  	[tilespmem:$0x2810] =	vst v1  }
0x1a: {  	[tilespmem:$0x2820] =	vst v1  }
0x1b: {  	[tilespmem:$0x2830] =	vst v1  }
0x1c: {  	[tilespmem:$0x2840] =	vst v1  }
0x1d: {  	[tilespmem:$0x2850] =	vst v1  }
0x1e: {  	[tilespmem:$0x2860] =	vst v1  }
0x1f: {  	[tilespmem:$0x2870] =	vst v1  }
0x20: {  	[tilespmem:s3], [sflag:$0x2] =	stream.linear.gather [hbm4b:s5+s3], $0x2800, $0x38;
	[tilespmem:$0x3280] =	vst v63  }
0x21: {  	_ =	swait.ge [sflag:s9], $0x2800  }
0x22: {  	[sflag:s9] =	ssyncset.done $0x0  }
0x23: {  	[sflag:s9] =	ssyncadd.s32 $0xFFFFD800  }
0x24: {  	[bflag:$0x0] =	sbarrier.arrive $0xFFFF  }
0x25: {  	[spmem:s2] =	stream.indirect.scatter.add.f32 [tilespmem:s11], [sflag:$0x1], $0x1, s3, s10, $0xb8;
	[tilespmem:$0x3280] =	vst v63  }
0x26: {  	_ = 	snop  }
0x27: {  	[spmem:s2] =	stream.indirect.scatter.add.f32 [tilespmem:s11], [sflag:$0x1], $0x1, s10, s10, $0xb8;
	[tilespmem:$0x3280] =	vst v63  }
0x28: {  	_ = 	snop  }
0x29: {  	[spmem:s2] =	stream.indirect.scatter.add.f32 [tilespmem:s11], [sflag:$0x1], $0x1, s12, s10, $0xb8;
	[tilespmem:$0x3280] =	vst v63  }
0x2a: {  	_ = 	snop  }
0x2b: {  	[spmem:s2] =	stream.indirect.scatter.add.f32 [tilespmem:s11], [sflag:$0x1], $0x1, s13, s10, $0xb8;
	[tilespmem:$0x3280] =	vst v63  }
0x2c: {  	s18 =	simm.s32 $0x200  }
0x2d: {  	[spmem:s2] =	stream.indirect.scatter.add.f32 [tilespmem:s11], [sflag:$0x1], $0x1, s18, s10, $0xb8;
	[tilespmem:$0x3280] =	vst v63  }
0x2e: {  	_ =	swait.ge [sflag:s14], $0x80  }
0x2f: {  	s18 =	simm.s32 $0xA00;
	[sflag:s14] =	ssyncset.done $0x0  }
.LBB2_4:
0x30: {  	s19 =	sshra.s32 s18, $0x2;
	[sflag:s14] =	ssyncadd.s32 $0xFFFFFF80;
	p0 =	sne.s32 s18, $0x9E00  }
0x31: {  	[spmem:s2] =	stream.indirect.scatter.add.f32 [tilespmem:s11], [sflag:$0x1], $0x1, s19, s10, $0xb8;
	[tilespmem:$0x3280] =	vst v63  }
.Ltmp1:
0x32: {  	_ = 	snop;
	(pc) =	sbr.rel @p0 .LBB2_4-.Ltmp1, $4  }
0x33: {  	_ = 	snop  }
0x34: {  	s18 =	sadd.s32 $0x200, s18  }
0x35: {  	_ =	swait.ge [sflag:s14], $0x80  }
0x36: {  	[sflag:s14] =	ssyncset.done $0x0  }
0x37: {  	[sflag:s14] =	ssyncadd.s32 $0xFFFFFF80  }
0x38: {  	_ =	swait.ge [sflag:s14], $0x80  }
0x39: {  	[sflag:s14] =	ssyncset.done $0x0  }
0x3a: {  	[sflag:s14] =	ssyncadd.s32 $0xFFFFFF80  }
0x3b: {  	_ =	swait.ge [sflag:s14], $0x80  }
0x3c: {  	[sflag:s14] =	ssyncset.done $0x0  }
0x3d: {  	[sflag:s14] =	ssyncadd.s32 $0xFFFFFF80  }
0x3e: {  	_ =	swait.ge [sflag:s14], $0x80  }
0x3f: {  	[sflag:s14] =	ssyncset.done $0x0  }
0x40: {  	[sflag:s14] =	ssyncadd.s32 $0xFFFFFF80  }
0x41: {  	_ =	swait.ge [sflag:s14], $0x80  }
0x42: {  	s17 =	sadd.s32 $0x1, s17;
	[sflag:s14] =	ssyncset.done $0x0  }
0x43: {  	p0 =	sne.s32 s17, s7;
	[sflag:s14] =	ssyncadd.s32 $0xFFFFFF80  }
.Ltmp2:
0x44: {  	[bflag:$0x0] =	sbarrier.arrive $0xFFFF;
	(pc) =	sbr.rel @p0 .LBB2_1-.Ltmp2, $4  }
0x45: {  	[hbm:s6], [sflag:s15] =	dma.local [spmem:s16], $0xA0  }
0x46: {  	_ =	swait.ge [sflag:s9], $0xA0  }
0x47: {  	[sflag:s9] =	ssyncset.done $0x0  }
0x48: {  	[sflag:s9] =	ssyncadd.s32 $0xFFFFFF60  }
0x49: {  	_ =	sfence.sel $0x180000  }
0x4a: {  	[bflag:$0x0] =	sbarrier.arrive $0xFFFF  }
0x4b: {  	p0 =	sne.s32 s0, $0x0;
	_ =	strace $0x90000047  }
0x4c: {  	s0 =	sadd.s32 @!p0 $0x100000, s1;
	[bflag:$0x2] =	sbarrier.arrive $0xFFFF  }
0x4d: {  	[sflag:s0] =	ssyncadd.tile.s32 @!p0 $0x1;
	_ =	shalt  }
.Lfunc_end2:
_tile_overlayer_lowered:
.L_overlay_start_2:
0x4e: {  	(tag) =	ssettag $0x2  }
0x4f: {  	s0 =	rddreg [dreg:$0x0];
	s2 =	stileid.u32  }
0x50: {  	s1 =	rddreg [dreg:$0x1];
	p0 =	sne.s32 s2, $0x0  }
0x51: {  	s3 =	rddreg [dreg:$0x2];
	[bflag:$0x3] =	sbarrier.arrive $0xFFFF;
	s2 =	simm.s32 @!p0 $0x1C02  }
0x52: {  	[timem:s3], [sflag:s2] =	dma.local @!p0 [hbm:s0], s1  }
0x53: {  	s0 =	simm.s32 @!p0 $0x2  }
0x54: {  	_ =	swait.ge @!p0 [sflag:s0], s1  }
0x55: {  	s1 =	ssub.s32 @!p0 $0x0, s1;
	[sflag:s0] =	ssyncset.done @!p0 $0x0  }
0x56: {  	[sflag:s0] =	ssyncadd.s32 @!p0 s1  }
0x57: {  	[bflag:$0x3] =	sbarrier.arrive $0xFFFF  }
0x58: {  	_ =	shalt  }

</sc_bundles>
